<compile_context>
chip_gen: v7x
topology: tpu7x:2x2x1
jax: 0.10.2.dev20260603
libtpu: 0.0.44.dev20260713+nightly
codegen_flags: <defaults>
</compile_context>

<pallas_src>
import functools

import jax
import jax.numpy as jnp
from jax import lax
from jax.experimental import pallas as pl
from jax.experimental.pallas import tpu as pltpu
from jax.experimental.pallas import tpu_sc as plsc

B = 16384
NU = 1000000
NCAT = 1000
UD = 16
CD = 8
ND = 8
H1 = 64
H2 = 32

_NC = 2
_NS = 16
_NW = _NC * _NS
_BPW = B // _NW
_CHUNK = 128
_NCH = _BPW // _CHUNK

_PACK = 128 // UD
_NROWS = NU // _PACK


_AC = 1536
_NCHUNKS = 651
_TAIL = 64
_NPW_HI = -(-_NCHUNKS // _NW)
_HI_CUT = _NCHUNKS - (_NPW_HI - 1) * _NW
_NCPAD = 1024


def _make_pack():
    mesh = plsc.VectorSubcoreMesh(core_axis_name="c", subcore_axis_name="s")

    @functools.partial(
        pl.kernel,
        mesh=mesh,
        out_type=[jax.ShapeDtypeStruct((_NROWS, 128), jnp.float32),
                  jax.ShapeDtypeStruct((_NCPAD // _PACK, 128), jnp.float32)],
        scratch_types=[
            pltpu.VMEM((UD, _AC), jnp.float32),
            pltpu.VMEM((UD, _AC), jnp.float32),
            pltpu.VMEM((_AC // _PACK, 128), jnp.float32),
            pltpu.VMEM((_AC // _PACK, 128), jnp.float32),
            pltpu.VMEM((UD, _TAIL), jnp.float32),
            pltpu.VMEM((_TAIL // _PACK, 128), jnp.float32),
            pltpu.SemaphoreType.DMA,
            pltpu.SemaphoreType.DMA,
            pltpu.SemaphoreType.DMA,
            pltpu.SemaphoreType.DMA,
        ],
        compiler_params=pltpu.CompilerParams(needs_layout_passes=False),
    )
    def pack_k(ut_hbm, tail_hbm, cpad_hbm, ut2_out, ct2_out,
               in0, in1, out0, out1, tin_v, tout_v, si0, si1, so0, so1):
        wid = lax.axis_index("s") * _NC + lax.axis_index("c")
        lane = lax.iota(jnp.int32, 16)
        rowbase = lax.shift_right_logical(lane, 3)
        cols = [(lane & 7) * UD + a for a in range(UD)]
        nmine = jnp.where(wid < _HI_CUT, _NPW_HI, _NPW_HI - 1)

        def transpose(src, dst, ngroups):
            def grp(g, carry):
                row = rowbase + 2 * g
                for a in range(UD):
                    vals = src[a, pl.ds(g * 16, 16)]
                    plsc.store_scatter(dst, [row, cols[a]], vals)
                return carry

            lax.fori_loop(0, ngroups, grp, 0)

        def ubase(k):
            return pl.multiple_of((wid + k * _NW) * _AC, 128)

        def fire_in(k, buf, sem):
            pltpu.async_copy(ut_hbm.at[:, pl.ds(ubase(k), _AC)], buf, sem)

        def wait_in(buf, sem):
            pltpu.make_async_copy(ut_hbm.at[:, pl.ds(0, _AC)], buf, sem).wait()

        def fire_out(k, buf, sem):
            pltpu.async_copy(
                buf, ut2_out.at[pl.ds(pl.multiple_of(ubase(k) // _PACK, 8),
                                      _AC // _PACK), :], sem)

        def drain_out(buf, sem):
            pltpu.make_async_copy(buf, ut2_out.at[pl.ds(0, _AC // _PACK), :],
                                  sem).wait()

        fire_in(0, in0, si0)

        def pair(k2, carry):
            k0 = 2 * k2
            k1 = k0 + 1

            @pl.when(k1 < nmine)
            def _():
                fire_in(k1, in1, si1)

            @pl.when(k0 < nmine)
            def _():
                wait_in(in0, si0)

                @pl.when(k0 >= 2)
                def _():
                    drain_out(out0, so0)

                transpose(in0, out0, _AC // 16)
                fire_out(k0, out0, so0)

            @pl.when(k0 + 2 < nmine)
            def _():
                fire_in(k0 + 2, in0, si0)

            @pl.when(k1 < nmine)
            def _():
                wait_in(in1, si1)

                @pl.when(k1 >= 3)
                def _():
                    drain_out(out1, so1)

                transpose(in1, out1, _AC // 16)
                fire_out(k1, out1, so1)

            return carry

        lax.fori_loop(0, (nmine + 1) // 2, pair, 0)
        drain_out(out0, so0)
        drain_out(out1, so1)

        @pl.when(wid == 0)
        def _():
            pltpu.sync_copy(tail_hbm, tin_v)
            transpose(tin_v, tout_v, _TAIL // 16)
            pltpu.sync_copy(tout_v,
                            ut2_out.at[pl.ds(_NROWS - _TAIL // _PACK,
                                             _TAIL // _PACK), :])

        @pl.when(wid == _NW - 1)
        def _():
            pltpu.sync_copy(cpad_hbm, in0.at[:, pl.ds(0, _NCPAD)])
            transpose(in0, out0, _NCPAD // 16)
            pltpu.sync_copy(out0.at[pl.ds(0, _NCPAD // _PACK)], ct2_out)

    return pack_k


def _pack_table(ut_t, ut_tail, cpad):
    return _get("pack", _make_pack)(ut_t, ut_tail, cpad)


def _make_user_gather():
    mesh = plsc.VectorSubcoreMesh(core_axis_name="c", subcore_axis_name="s")

    @functools.partial(
        pl.kernel,
        mesh=mesh,
        out_type=[jax.ShapeDtypeStruct((UD, B), jnp.float32),
                  jax.ShapeDtypeStruct((UD, B), jnp.float32)],
        scratch_types=[
            pltpu.VMEM((_NCH, _CHUNK), jnp.int32),
            pltpu.VMEM((_NCH, _CHUNK), jnp.int32),
            pltpu.VMEM((_BPW, 128), jnp.float32),
            pltpu.VMEM((UD, _BPW), jnp.float32),
            pltpu.SemaphoreType.DMA,
        ],
        compiler_params=pltpu.CompilerParams(needs_layout_passes=False),
    )
    def user_k(uid_hbm, cid_hbm, ut2_hbm, ct2_hbm, u_out, c_out,
               idx_v, ridx_v, rows_v, out_v, sem):
        wid = lax.axis_index("s") * _NC + lax.axis_index("c")
        base = wid * _BPW
        lane = lax.iota(jnp.int32, 16)

        def gather_one(ids_hbm, tab_hbm, dst_out):
            for j in range(_NCH):
                pltpu.sync_copy(ids_hbm.at[pl.ds(base + j * _CHUNK, _CHUNK)],
                                idx_v.at[j])
            for j in range(_NCH):
                for t in range(_CHUNK // 16):
                    v = idx_v[j, pl.ds(t * 16, 16)]
                    ridx_v[j, pl.ds(t * 16, 16)] = lax.shift_right_logical(v, 3)
            copies = []
            for j in range(_NCH):
                copies.append(pltpu.async_copy(
                    tab_hbm.at[ridx_v.at[j]],
                    rows_v.at[pl.ds(j * _CHUNK, _CHUNK)], sem))
            for cp in copies:
                cp.wait()

            def extract(g, carry):
                j = g // (_CHUNK // 16)
                t = g % (_CHUNK // 16)
                ids = idx_v[j, pl.ds(t * 16, 16)]
                col0 = (ids & 7) * 16
                rows = g * 16 + lane
                for f in range(UD):
                    vals = plsc.load_gather(rows_v, [rows, col0 + f])
                    out_v[f, pl.ds(g * 16, 16)] = vals
                return carry

            lax.fori_loop(0, _BPW // 16, extract, 0, unroll=False)
            pltpu.sync_copy(out_v, dst_out.at[:, pl.ds(base, _BPW)])

        gather_one(uid_hbm, ut2_hbm, u_out)
        gather_one(cid_hbm, ct2_hbm, c_out)

    return user_k


_kernel_cache = {}


def _get(name, maker):
    if name not in _kernel_cache:
        _kernel_cache[name] = maker()
    return _kernel_cache[name]


def _mlp_body(u_ref, c_ref, n_ref, w1u_ref, w1c_ref, w1n_ref, b1_ref,
              w2_ref, b2_ref, w3_ref, b3_ref, out_ref):
    h = (jnp.dot(w1u_ref[...], u_ref[...], preferred_element_type=jnp.float32)
         + jnp.dot(w1c_ref[...], c_ref[...], preferred_element_type=jnp.float32)
         + jnp.dot(w1n_ref[...], n_ref[...], preferred_element_type=jnp.float32)
         + b1_ref[...])
    h = jnp.maximum(h, 0.0)
    h = jnp.maximum(
        jnp.dot(w2_ref[...], h, preferred_element_type=jnp.float32) + b2_ref[...],
        0.0)
    out_ref[...] = (jnp.dot(w3_ref[...], h, preferred_element_type=jnp.float32)
                    + b3_ref[...])


def kernel(user_id, cat_id, numeric, user_table, cat_table, W1, b1, W2, b2, W3, b3):
    ut_t = user_table.T
    cpad = jnp.pad(cat_table.T, ((0, UD - CD), (0, _NCPAD - NCAT)))
    ut2, ct2 = _pack_table(ut_t, lax.slice(ut_t, (0, NU - _TAIL), (UD, NU)),
                           cpad)
    u_t, c_t = _get("user", _make_user_gather)(
        user_id.astype(jnp.int32), cat_id.astype(jnp.int32), ut2, ct2)
    w1c = jnp.pad(W1[:, UD:UD + CD], ((0, 0), (0, UD - CD)))
    out = pl.pallas_call(
        _mlp_body,
        out_shape=jax.ShapeDtypeStruct((1, B), jnp.float32),
    )(u_t, c_t, numeric.T, W1[:, :UD], w1c, W1[:, UD + CD:],
      b1.reshape(H1, 1), W2, b2.reshape(H2, 1), W3, b3.reshape(1, 1))
    return out.reshape(B)

# --- scband reference (transcript-rebuilt; emitter-appended) ---
"""Pipeline reference for scband-stall-ranking-model-42159398977667 (READ-ONLY COPY).

The authoritative reference and input builder live on the scoring server;
editing this copy changes nothing except your own understanding.
"""

import jax, jax.numpy as jnp
import numpy as np

B = 16384
NUM_USERS = 1000000
NUM_CATS = 1000
USER_DIM = 16
CAT_DIM = 8
NUM_DIM = 8


def setup_inputs(seed: int = 0):
    key = jax.random.key(seed)
    ks = jax.random.split(key, 10)
    user_id = jax.random.randint(ks[0], (B,), 0, NUM_USERS)
    cat_id = jax.random.randint(ks[1], (B,), 0, NUM_CATS)
    numeric = jax.random.normal(ks[2], (B, NUM_DIM), dtype=jnp.float32)
    user_table = jax.random.normal(ks[3], (NUM_USERS, USER_DIM), dtype=jnp.float32) * 0.02
    cat_table = jax.random.normal(ks[4], (NUM_CATS, CAT_DIM), dtype=jnp.float32) * 0.02
    in_dim = USER_DIM + CAT_DIM + NUM_DIM
    W1 = jax.random.normal(ks[5], (64, in_dim), dtype=jnp.float32) * (1.0 / np.sqrt(in_dim))
    b1 = jnp.zeros((64,), dtype=jnp.float32)
    W2 = jax.random.normal(ks[6], (32, 64), dtype=jnp.float32) * (1.0 / np.sqrt(64))
    b2 = jnp.zeros((32,), dtype=jnp.float32)
    W3 = jax.random.normal(ks[7], (1, 32), dtype=jnp.float32) * (1.0 / np.sqrt(32))
    b3 = jnp.zeros((1,), dtype=jnp.float32)
    return {"user_id": user_id, "cat_id": cat_id, "numeric": numeric,
            "user_table": user_table, "cat_table": cat_table,
            "W1": W1, "b1": b1, "W2": W2, "b2": b2, "W3": W3, "b3": b3}


def reference(user_id, cat_id, numeric, user_table, cat_table, W1, b1, W2, b2, W3, b3):
    u = jnp.take(user_table, user_id, axis=0)
    c = jnp.take(cat_table, cat_id, axis=0)
    x = jnp.concatenate([u, c, numeric], axis=1)
    h = jax.nn.relu(x @ W1.T + b1)
    h = jax.nn.relu(h @ W2.T + b2)
    out = h @ W3.T + b3
    return jnp.squeeze(out, axis=-1)

if __name__ == "__main__":
    import jax
    _d = setup_inputs()
    print(jax.jit(kernel)(*tuple(_d.values())))

</pallas_src>

<mosaic_0001>
#map = affine_map<(d0, d1) -> (0, 0)>
module attributes {stable_mosaic.version = 14 : i64} {
  func.func @pack_k(%arg0: i32, %arg1: i32, %arg2: memref<16x1000000xf32, #tpu.memory_space<hbm>>, %arg3: memref<16x64xf32, #tpu.memory_space<hbm>>, %arg4: memref<16x1024xf32, #tpu.memory_space<hbm>>, %arg5: memref<125000x128xf32, #tpu.memory_space<hbm>>, %arg6: memref<128x128xf32, #tpu.memory_space<hbm>>, %arg7: memref<16x1536xf32, #tpu.memory_space<vmem>>, %arg8: memref<16x1536xf32, #tpu.memory_space<vmem>>, %arg9: memref<192x128xf32, #tpu.memory_space<vmem>>, %arg10: memref<192x128xf32, #tpu.memory_space<vmem>>, %arg11: memref<16x64xf32, #tpu.memory_space<vmem>>, %arg12: memref<8x128xf32, #tpu.memory_space<vmem>>, %arg13: memref<!tpu.dma_semaphore, #tpu.memory_space<semaphore_mem>>, %arg14: memref<!tpu.dma_semaphore, #tpu.memory_space<semaphore_mem>>, %arg15: memref<!tpu.dma_semaphore, #tpu.memory_space<semaphore_mem>>, %arg16: memref<!tpu.dma_semaphore, #tpu.memory_space<semaphore_mem>>) attributes {dimension_semantics = [#tpu.dimension_semantics<core_parallel>, #tpu.dimension_semantics<subcore_parallel>], iteration_bounds = array<i64: 2, 16>, scalar_prefetch = 0 : i64, scratch_operands = 10 : i64, tpu.core_type = #tpu.core_type<sc_vector_subcore>, window_params = [{transform_indices = #map}, {transform_indices = #map}, {transform_indices = #map}, {transform_indices = #map}, {transform_indices = #map}]} {
    %mul3A = arith.constant 2 : i32
    %mul3A_0 = arith.muli %arg1, %mul3A : i32
    %add3A = arith.addi %mul3A_0, %arg0 : i32
    %iota3A = tpu.iota {dimensions = array<i32: 0>} : vector<16xi32>
    %shift_right_logical3A = arith.constant 3 : i32
    %shift_right_logical3A_1 = vector.broadcast %shift_right_logical3A : i32 to vector<16xi32>
    %shift_right_logical3A_2 = arith.shrui %iota3A, %shift_right_logical3A_1 : vector<16xi32>
    %and3A = arith.constant 7 : i32
    %and3A_3 = vector.broadcast %and3A : i32 to vector<16xi32>
    %and3A_4 = arith.andi %iota3A, %and3A_3 : vector<16xi32>
    %mul3A_5 = arith.constant 16 : i32
    %mul3A_6 = vector.broadcast %mul3A_5 : i32 to vector<16xi32>
    %mul3A_7 = arith.muli %and3A_4, %mul3A_6 : vector<16xi32>
    %add3A_8 = arith.constant 0 : i32
    %add3A_9 = vector.broadcast %add3A_8 : i32 to vector<16xi32>
    %add3A_10 = arith.addi %mul3A_7, %add3A_9 : vector<16xi32>
    %and3A_11 = arith.constant 7 : i32
    %and3A_12 = vector.broadcast %and3A_11 : i32 to vector<16xi32>
    %and3A_13 = arith.andi %iota3A, %and3A_12 : vector<16xi32>
    %mul3A_14 = arith.constant 16 : i32
    %mul3A_15 = vector.broadcast %mul3A_14 : i32 to vector<16xi32>
    %mul3A_16 = arith.muli %and3A_13, %mul3A_15 : vector<16xi32>
    %add3A_17 = arith.constant 1 : i32
    %add3A_18 = vector.broadcast %add3A_17 : i32 to vector<16xi32>
    %add3A_19 = arith.addi %mul3A_16, %add3A_18 : vector<16xi32>
    %and3A_20 = arith.constant 7 : i32
    %and3A_21 = vector.broadcast %and3A_20 : i32 to vector<16xi32>
    %and3A_22 = arith.andi %iota3A, %and3A_21 : vector<16xi32>
    %mul3A_23 = arith.constant 16 : i32
    %mul3A_24 = vector.broadcast %mul3A_23 : i32 to vector<16xi32>
    %mul3A_25 = arith.muli %and3A_22, %mul3A_24 : vector<16xi32>
    %add3A_26 = arith.constant 2 : i32
    %add3A_27 = vector.broadcast %add3A_26 : i32 to vector<16xi32>
    %add3A_28 = arith.addi %mul3A_25, %add3A_27 : vector<16xi32>
    %and3A_29 = arith.constant 7 : i32
    %and3A_30 = vector.broadcast %and3A_29 : i32 to vector<16xi32>
    %and3A_31 = arith.andi %iota3A, %and3A_30 : vector<16xi32>
    %mul3A_32 = arith.constant 16 : i32
    %mul3A_33 = vector.broadcast %mul3A_32 : i32 to vector<16xi32>
    %mul3A_34 = arith.muli %and3A_31, %mul3A_33 : vector<16xi32>
    %add3A_35 = arith.constant 3 : i32
    %add3A_36 = vector.broadcast %add3A_35 : i32 to vector<16xi32>
    %add3A_37 = arith.addi %mul3A_34, %add3A_36 : vector<16xi32>
    %and3A_38 = arith.constant 7 : i32
    %and3A_39 = vector.broadcast %and3A_38 : i32 to vector<16xi32>
    %and3A_40 = arith.andi %iota3A, %and3A_39 : vector<16xi32>
    %mul3A_41 = arith.constant 16 : i32
    %mul3A_42 = vector.broadcast %mul3A_41 : i32 to vector<16xi32>
    %mul3A_43 = arith.muli %and3A_40, %mul3A_42 : vector<16xi32>
    %add3A_44 = arith.constant 4 : i32
    %add3A_45 = vector.broadcast %add3A_44 : i32 to vector<16xi32>
    %add3A_46 = arith.addi %mul3A_43, %add3A_45 : vector<16xi32>
    %and3A_47 = arith.constant 7 : i32
    %and3A_48 = vector.broadcast %and3A_47 : i32 to vector<16xi32>
    %and3A_49 = arith.andi %iota3A, %and3A_48 : vector<16xi32>
    %mul3A_50 = arith.constant 16 : i32
    %mul3A_51 = vector.broadcast %mul3A_50 : i32 to vector<16xi32>
    %mul3A_52 = arith.muli %and3A_49, %mul3A_51 : vector<16xi32>
    %add3A_53 = arith.constant 5 : i32
    %add3A_54 = vector.broadcast %add3A_53 : i32 to vector<16xi32>
    %add3A_55 = arith.addi %mul3A_52, %add3A_54 : vector<16xi32>
    %and3A_56 = arith.constant 7 : i32
    %and3A_57 = vector.broadcast %and3A_56 : i32 to vector<16xi32>
    %and3A_58 = arith.andi %iota3A, %and3A_57 : vector<16xi32>
    %mul3A_59 = arith.constant 16 : i32
    %mul3A_60 = vector.broadcast %mul3A_59 : i32 to vector<16xi32>
    %mul3A_61 = arith.muli %and3A_58, %mul3A_60 : vector<16xi32>
    %add3A_62 = arith.constant 6 : i32
    %add3A_63 = vector.broadcast %add3A_62 : i32 to vector<16xi32>
    %add3A_64 = arith.addi %mul3A_61, %add3A_63 : vector<16xi32>
    %and3A_65 = arith.constant 7 : i32
    %and3A_66 = vector.broadcast %and3A_65 : i32 to vector<16xi32>
    %and3A_67 = arith.andi %iota3A, %and3A_66 : vector<16xi32>
    %mul3A_68 = arith.constant 16 : i32
    %mul3A_69 = vector.broadcast %mul3A_68 : i32 to vector<16xi32>
    %mul3A_70 = arith.muli %and3A_67, %mul3A_69 : vector<16xi32>
    %add3A_71 = arith.constant 7 : i32
    %add3A_72 = vector.broadcast %add3A_71 : i32 to vector<16xi32>
    %add3A_73 = arith.addi %mul3A_70, %add3A_72 : vector<16xi32>
    %and3A_74 = arith.constant 7 : i32
    %and3A_75 = vector.broadcast %and3A_74 : i32 to vector<16xi32>
    %and3A_76 = arith.andi %iota3A, %and3A_75 : vector<16xi32>
    %mul3A_77 = arith.constant 16 : i32
    %mul3A_78 = vector.broadcast %mul3A_77 : i32 to vector<16xi32>
    %mul3A_79 = arith.muli %and3A_76, %mul3A_78 : vector<16xi32>
    %add3A_80 = arith.constant 8 : i32
    %add3A_81 = vector.broadcast %add3A_80 : i32 to vector<16xi32>
    %add3A_82 = arith.addi %mul3A_79, %add3A_81 : vector<16xi32>
    %and3A_83 = arith.constant 7 : i32
    %and3A_84 = vector.broadcast %and3A_83 : i32 to vector<16xi32>
    %and3A_85 = arith.andi %iota3A, %and3A_84 : vector<16xi32>
    %mul3A_86 = arith.constant 16 : i32
    %mul3A_87 = vector.broadcast %mul3A_86 : i32 to vector<16xi32>
    %mul3A_88 = arith.muli %and3A_85, %mul3A_87 : vector<16xi32>
    %add3A_89 = arith.constant 9 : i32
    %add3A_90 = vector.broadcast %add3A_89 : i32 to vector<16xi32>
    %add3A_91 = arith.addi %mul3A_88, %add3A_90 : vector<16xi32>
    %and3A_92 = arith.constant 7 : i32
    %and3A_93 = vector.broadcast %and3A_92 : i32 to vector<16xi32>
    %and3A_94 = arith.andi %iota3A, %and3A_93 : vector<16xi32>
    %mul3A_95 = arith.constant 16 : i32
    %mul3A_96 = vector.broadcast %mul3A_95 : i32 to vector<16xi32>
    %mul3A_97 = arith.muli %and3A_94, %mul3A_96 : vector<16xi32>
    %add3A_98 = arith.constant 10 : i32
    %add3A_99 = vector.broadcast %add3A_98 : i32 to vector<16xi32>
    %add3A_100 = arith.addi %mul3A_97, %add3A_99 : vector<16xi32>
    %and3A_101 = arith.constant 7 : i32
    %and3A_102 = vector.broadcast %and3A_101 : i32 to vector<16xi32>
    %and3A_103 = arith.andi %iota3A, %and3A_102 : vector<16xi32>
    %mul3A_104 = arith.constant 16 : i32
    %mul3A_105 = vector.broadcast %mul3A_104 : i32 to vector<16xi32>
    %mul3A_106 = arith.muli %and3A_103, %mul3A_105 : vector<16xi32>
    %add3A_107 = arith.constant 11 : i32
    %add3A_108 = vector.broadcast %add3A_107 : i32 to vector<16xi32>
    %add3A_109 = arith.addi %mul3A_106, %add3A_108 : vector<16xi32>
    %and3A_110 = arith.constant 7 : i32
    %and3A_111 = vector.broadcast %and3A_110 : i32 to vector<16xi32>
    %and3A_112 = arith.andi %iota3A, %and3A_111 : vector<16xi32>
    %mul3A_113 = arith.constant 16 : i32
    %mul3A_114 = vector.broadcast %mul3A_113 : i32 to vector<16xi32>
    %mul3A_115 = arith.muli %and3A_112, %mul3A_114 : vector<16xi32>
    %add3A_116 = arith.constant 12 : i32
    %add3A_117 = vector.broadcast %add3A_116 : i32 to vector<16xi32>
    %add3A_118 = arith.addi %mul3A_115, %add3A_117 : vector<16xi32>
    %and3A_119 = arith.constant 7 : i32
    %and3A_120 = vector.broadcast %and3A_119 : i32 to vector<16xi32>
    %and3A_121 = arith.andi %iota3A, %and3A_120 : vector<16xi32>
    %mul3A_122 = arith.constant 16 : i32
    %mul3A_123 = vector.broadcast %mul3A_122 : i32 to vector<16xi32>
    %mul3A_124 = arith.muli %and3A_121, %mul3A_123 : vector<16xi32>
    %add3A_125 = arith.constant 13 : i32
    %add3A_126 = vector.broadcast %add3A_125 : i32 to vector<16xi32>
    %add3A_127 = arith.addi %mul3A_124, %add3A_126 : vector<16xi32>
    %and3A_128 = arith.constant 7 : i32
    %and3A_129 = vector.broadcast %and3A_128 : i32 to vector<16xi32>
    %and3A_130 = arith.andi %iota3A, %and3A_129 : vector<16xi32>
    %mul3A_131 = arith.constant 16 : i32
    %mul3A_132 = vector.broadcast %mul3A_131 : i32 to vector<16xi32>
    %mul3A_133 = arith.muli %and3A_130, %mul3A_132 : vector<16xi32>
    %add3A_134 = arith.constant 14 : i32
    %add3A_135 = vector.broadcast %add3A_134 : i32 to vector<16xi32>
    %add3A_136 = arith.addi %mul3A_133, %add3A_135 : vector<16xi32>
    %and3A_137 = arith.constant 7 : i32
    %and3A_138 = vector.broadcast %and3A_137 : i32 to vector<16xi32>
    %and3A_139 = arith.andi %iota3A, %and3A_138 : vector<16xi32>
    %mul3A_140 = arith.constant 16 : i32
    %mul3A_141 = vector.broadcast %mul3A_140 : i32 to vector<16xi32>
    %mul3A_142 = arith.muli %and3A_139, %mul3A_141 : vector<16xi32>
    %add3A_143 = arith.constant 15 : i32
    %add3A_144 = vector.broadcast %add3A_143 : i32 to vector<16xi32>
    %add3A_145 = arith.addi %mul3A_142, %add3A_144 : vector<16xi32>
    %lt3A = arith.constant 11 : i32
    %lt3A_146 = arith.cmpi slt, %add3A, %lt3A : i32
    %jit3A = arith.constant 21 : i32
    %jit3A_147 = arith.constant 20 : i32
    %select_n3A = arith.select %lt3A_146, %jit3A, %jit3A_147 : i32
    %add3A_148 = arith.constant 0 : i32
    %add3A_149 = arith.addi %add3A, %add3A_148 : i32
    %mul3A_150 = arith.constant 1536 : i32
    %mul3A_151 = arith.muli %add3A_149, %mul3A_150 : i32
    %multiple_of3A = tpu.assume_multiple %mul3A_151, 128 : i32
    %dma_start3A = arith.constant 0 : i32
    %dma_start3A_152 = tpu.memref_slice %arg2[%dma_start3A, %multiple_of3A] : memref<16x1000000xf32, #tpu.memory_space<hbm>> -> memref<16x1536xf32, #tpu.memory_space<hbm>>
    %dma_start3A_153 = arith.constant 0 : i32
    %dma_start3A_154 = tpu.memref_slice %arg2[%dma_start3A_153, %multiple_of3A] : memref<16x1000000xf32, #tpu.memory_space<hbm>> -> memref<16x1536xf32, #tpu.memory_space<hbm>>
    tpu.enqueue_dma source(%dma_start3A_154 : memref<16x1536xf32, #tpu.memory_space<hbm>>) target(%arg7 : memref<16x1536xf32, #tpu.memory_space<vmem>>) target_semaphore(%arg13 : memref<!tpu.dma_semaphore, #tpu.memory_space<semaphore_mem>>)
    %add3A_155 = arith.constant 1 : i32
    %add3A_156 = arith.addi %select_n3A, %add3A_155 : i32
    %jit3A_157 = arith.constant 2 : i32
    %div3A = arith.divsi %add3A_156, %jit3A_157 : i32
    %sign3A = arith.constant 0 : i32
    %sign3A_158 = arith.cmpi sgt, %add3A_156, %sign3A : i32
    %sign3A_159 = arith.extui %sign3A_158 : i1 to i32
    %sign3A_160 = arith.constant 0 : i32
    %sign3A_161 = arith.cmpi slt, %add3A_156, %sign3A_160 : i32
    %sign3A_162 = arith.extui %sign3A_161 : i1 to i32
    %sign3A_163 = arith.subi %sign3A_159, %sign3A_162 : i32
    %sign3A_164 = arith.constant 0 : i32
    %sign3A_165 = arith.cmpi sgt, %jit3A_157, %sign3A_164 : i32
    %sign3A_166 = arith.extui %sign3A_165 : i1 to i32
    %sign3A_167 = arith.constant 0 : i32
    %sign3A_168 = arith.cmpi slt, %jit3A_157, %sign3A_167 : i32
    %sign3A_169 = arith.extui %sign3A_168 : i1 to i32
    %sign3A_170 = arith.subi %sign3A_166, %sign3A_169 : i32
    %ne3A = arith.cmpi ne, %sign3A_163, %sign3A_170 : i32
    %rem3A = arith.remsi %add3A_156, %jit3A_157 : i32
    %ne3A_171 = arith.constant 0 : i32
    %ne3A_172 = arith.cmpi ne, %rem3A, %ne3A_171 : i32
    %and3A_173 = arith.andi %ne3A, %ne3A_172 : i1
    %sub3A = arith.constant 1 : i32
    %sub3A_174 = arith.subi %div3A, %sub3A : i32
    %select_n3A_175 = arith.select %and3A_173, %sub3A_174, %div3A : i32
    %while3A = arith.constant 0 : i32
    %while3A_176 = arith.constant 0 : i32
    %while3A_177 = arith.subi %select_n3A_175, %while3A_176 : i32
    %while3A_178 = arith.addi %while3A_176, %while3A_177 : i32
    %while3A_179 = arith.constant 1 : i32
    %while3A_180 = arith.divsi %while3A_177, %while3A_179 : i32
    %while3A_181 = arith.muli %while3A_180, %while3A_179 : i32
    %while3A_182 = arith.addi %while3A_176, %while3A_181 : i32
    %while3A_183 = arith.constant 1 : i32
    scf.for %while3A_203 = %while3A_176 to %while3A_182 step %while3A_183  : i32 {
      %mul3A_204 = arith.constant 2 : i32
      %mul3A_205 = arith.muli %mul3A_204, %while3A_203 : i32
      %add3A_206 = arith.constant 1 : i32
      %add3A_207 = arith.addi %mul3A_205, %add3A_206 : i32
      %lt3A_208 = arith.cmpi slt, %add3A_207, %select_n3A : i32
      %convert_element_type3A_209 = arith.extui %lt3A_208 : i1 to i32
      %cond3A_210 = arith.constant 0 : i32
      %cond3A_211 = arith.cmpi ne, %convert_element_type3A_209, %cond3A_210 : i32
      scf.if %cond3A_211 {
        %mul3A_226 = arith.constant 32 : i32
        %mul3A_227 = arith.muli %add3A_207, %mul3A_226 : i32
        %add3A_228 = arith.addi %add3A, %mul3A_227 : i32
        %mul3A_229 = arith.constant 1536 : i32
        %mul3A_230 = arith.muli %add3A_228, %mul3A_229 : i32
        %multiple_of3A_231 = tpu.assume_multiple %mul3A_230, 128 : i32
        %dma_start3A_232 = arith.constant 0 : i32
        %dma_start3A_233 = tpu.memref_slice %arg2[%dma_start3A_232, %multiple_of3A_231] : memref<16x1000000xf32, #tpu.memory_space<hbm>> -> memref<16x1536xf32, #tpu.memory_space<hbm>>
        %dma_start3A_234 = arith.constant 0 : i32
        %dma_start3A_235 = tpu.memref_slice %arg2[%dma_start3A_234, %multiple_of3A_231] : memref<16x1000000xf32, #tpu.memory_space<hbm>> -> memref<16x1536xf32, #tpu.memory_space<hbm>>
        tpu.enqueue_dma source(%dma_start3A_235 : memref<16x1536xf32, #tpu.memory_space<hbm>>) target(%arg8 : memref<16x1536xf32, #tpu.memory_space<vmem>>) target_semaphore(%arg14 : memref<!tpu.dma_semaphore, #tpu.memory_space<semaphore_mem>>)
      } else {
      }
      %lt3A_212 = arith.cmpi slt, %mul3A_205, %select_n3A : i32
      %convert_element_type3A_213 = arith.extui %lt3A_212 : i1 to i32
      %cond3A_214 = arith.constant 0 : i32
      %cond3A_215 = arith.cmpi ne, %convert_element_type3A_213, %cond3A_214 : i32
      scf.if %cond3A_215 {
        %dma_wait3A_226 = arith.constant 0 : i32
        %dma_wait3A_227 = arith.constant 0 : i32
        %dma_wait3A_228 = tpu.memref_slice %arg2[%dma_wait3A_226, %dma_wait3A_227] : memref<16x1000000xf32, #tpu.memory_space<hbm>> -> memref<16x1536xf32, #tpu.memory_space<hbm>>
        %dma_wait3A_229 = arith.constant 0 : i32
        %dma_wait3A_230 = arith.constant 0 : i32
        %dma_wait3A_231 = tpu.memref_slice %arg2[%dma_wait3A_229, %dma_wait3A_230] : memref<16x1000000xf32, #tpu.memory_space<hbm>> -> memref<16x1536xf32, #tpu.memory_space<hbm>>
        tpu.wait_dma2 semaphore(%arg13 : memref<!tpu.dma_semaphore, #tpu.memory_space<semaphore_mem>>) src(%dma_wait3A_231 : memref<16x1536xf32, #tpu.memory_space<hbm>>) dst(%arg7 : memref<16x1536xf32, #tpu.memory_space<vmem>>)
        %ge3A = arith.constant 2 : i32
        %ge3A_232 = arith.cmpi sge, %mul3A_205, %ge3A : i32
        %convert_element_type3A_233 = arith.extui %ge3A_232 : i1 to i32
        %cond3A_234 = arith.constant 0 : i32
        %cond3A_235 = arith.cmpi ne, %convert_element_type3A_233, %cond3A_234 : i32
        scf.if %cond3A_235 {
          %dma_wait3A_276 = arith.constant 0 : i32
          %dma_wait3A_277 = arith.constant 0 : i32
          %dma_wait3A_278 = tpu.memref_slice %arg5[%dma_wait3A_276, %dma_wait3A_277] : memref<125000x128xf32, #tpu.memory_space<hbm>> -> memref<192x128xf32, #tpu.memory_space<hbm>>
          %dma_wait3A_279 = arith.constant 0 : i32
          %dma_wait3A_280 = arith.constant 0 : i32
          %dma_wait3A_281 = tpu.memref_slice %arg5[%dma_wait3A_279, %dma_wait3A_280] : memref<125000x128xf32, #tpu.memory_space<hbm>> -> memref<192x128xf32, #tpu.memory_space<hbm>>
          tpu.wait_dma2 semaphore(%arg15 : memref<!tpu.dma_semaphore, #tpu.memory_space<semaphore_mem>>) src(%arg9 : memref<192x128xf32, #tpu.memory_space<vmem>>) dst(%dma_wait3A_281 : memref<192x128xf32, #tpu.memory_space<hbm>>)
        } else {
        }
        %scan3A = arith.constant 0 : i32
        %scan3A_236 = arith.constant 0 : i32
        %scan3A_237 = arith.constant 96 : i32
        %scan3A_238 = arith.addi %scan3A_236, %scan3A_237 : i32
        %scan3A_239 = arith.constant 1 : i32
        scf.for %scan3A_276 = %scan3A_236 to %scan3A_238 step %scan3A_239  : i32 {
          %mul3A_277 = arith.constant 2 : i32
          %mul3A_278 = arith.muli %mul3A_277, %scan3A_276 : i32
          %add3A_279 = vector.broadcast %mul3A_278 : i32 to vector<16xi32>
          %add3A_280 = arith.addi %shift_right_logical3A_2, %add3A_279 : vector<16xi32>
          %mul3A_281 = arith.constant 16 : i32
          %mul3A_282 = arith.muli %scan3A_276, %mul3A_281 : i32
          %get3A = arith.constant 0 : i32
          %get3A_283 = arith.index_cast %get3A : i32 to index
          %get3A_284 = arith.index_cast %mul3A_282 : i32 to index
          %get3A_285 = tpu.vector_load %arg7[%get3A_283, %get3A_284] {strides = array<i32>} : memref<16x1536xf32, #tpu.memory_space<vmem>>, vector<16xf32>,
          tpu.vector_store_idx %arg9[%add3A_280, %add3A_10], %get3A_285 : memref<192x128xf32, #tpu.memory_space<vmem>>[vector<16xi32>, vector<16xi32>], vector<16xf32>,
          %mul3A_286 = arith.constant 16 : i32
          %mul3A_287 = arith.muli %scan3A_276, %mul3A_286 : i32
          %get3A_288 = arith.constant 1 : i32
          %get3A_289 = arith.index_cast %get3A_288 : i32 to index
          %get3A_290 = arith.index_cast %mul3A_287 : i32 to index
          %get3A_291 = tpu.vector_load %arg7[%get3A_289, %get3A_290] {strides = array<i32>} : memref<16x1536xf32, #tpu.memory_space<vmem>>, vector<16xf32>,
          tpu.vector_store_idx %arg9[%add3A_280, %add3A_19], %get3A_291 : memref<192x128xf32, #tpu.memory_space<vmem>>[vector<16xi32>, vector<16xi32>], vector<16xf32>,
          %mul3A_292 = arith.constant 16 : i32
          %mul3A_293 = arith.muli %scan3A_276, %mul3A_292 : i32
          %get3A_294 = arith.constant 2 : i32
          %get3A_295 = arith.index_cast %get3A_294 : i32 to index
          %get3A_296 = arith.index_cast %mul3A_293 : i32 to index
          %get3A_297 = tpu.vector_load %arg7[%get3A_295, %get3A_296] {strides = array<i32>} : memref<16x1536xf32, #tpu.memory_space<vmem>>, vector<16xf32>,
          tpu.vector_store_idx %arg9[%add3A_280, %add3A_28], %get3A_297 : memref<192x128xf32, #tpu.memory_space<vmem>>[vector<16xi32>, vector<16xi32>], vector<16xf32>,
          %mul3A_298 = arith.constant 16 : i32
          %mul3A_299 = arith.muli %scan3A_276, %mul3A_298 : i32
          %get3A_300 = arith.constant 3 : i32
          %get3A_301 = arith.index_cast %get3A_300 : i32 to index
          %get3A_302 = arith.index_cast %mul3A_299 : i32 to index
          %get3A_303 = tpu.vector_load %arg7[%get3A_301, %get3A_302] {strides = array<i32>} : memref<16x1536xf32, #tpu.memory_space<vmem>>, vector<16xf32>,
          tpu.vector_store_idx %arg9[%add3A_280, %add3A_37], %get3A_303 : memref<192x128xf32, #tpu.memory_space<vmem>>[vector<16xi32>, vector<16xi32>], vector<16xf32>,
          %mul3A_304 = arith.constant 16 : i32
          %mul3A_305 = arith.muli %scan3A_276, %mul3A_304 : i32
          %get3A_306 = arith.constant 4 : i32
          %get3A_307 = arith.index_cast %get3A_306 : i32 to index
          %get3A_308 = arith.index_cast %mul3A_305 : i32 to index
          %get3A_309 = tpu.vector_load %arg7[%get3A_307, %get3A_308] {strides = array<i32>} : memref<16x1536xf32, #tpu.memory_space<vmem>>, vector<16xf32>,
          tpu.vector_store_idx %arg9[%add3A_280, %add3A_46], %get3A_309 : memref<192x128xf32, #tpu.memory_space<vmem>>[vector<16xi32>, vector<16xi32>], vector<16xf32>,
          %mul3A_310 = arith.constant 16 : i32
          %mul3A_311 = arith.muli %scan3A_276, %mul3A_310 : i32
          %get3A_312 = arith.constant 5 : i32
          %get3A_313 = arith.index_cast %get3A_312 : i32 to index
          %get3A_314 = arith.index_cast %mul3A_311 : i32 to index
          %get3A_315 = tpu.vector_load %arg7[%get3A_313, %get3A_314] {strides = array<i32>} : memref<16x1536xf32, #tpu.memory_space<vmem>>, vector<16xf32>,
          tpu.vector_store_idx %arg9[%add3A_280, %add3A_55], %get3A_315 : memref<192x128xf32, #tpu.memory_space<vmem>>[vector<16xi32>, vector<16xi32>], vector<16xf32>,
          %mul3A_316 = arith.constant 16 : i32
          %mul3A_317 = arith.muli %scan3A_276, %mul3A_316 : i32
          %get3A_318 = arith.constant 6 : i32
          %get3A_319 = arith.index_cast %get3A_318 : i32 to index
          %get3A_320 = arith.index_cast %mul3A_317 : i32 to index
          %get3A_321 = tpu.vector_load %arg7[%get3A_319, %get3A_320] {strides = array<i32>} : memref<16x1536xf32, #tpu.memory_space<vmem>>, vector<16xf32>,
          tpu.vector_store_idx %arg9[%add3A_280, %add3A_64], %get3A_321 : memref<192x128xf32, #tpu.memory_space<vmem>>[vector<16xi32>, vector<16xi32>], vector<16xf32>,
          %mul3A_322 = arith.constant 16 : i32
          %mul3A_323 = arith.muli %scan3A_276, %mul3A_322 : i32
          %get3A_324 = arith.constant 7 : i32
          %get3A_325 = arith.index_cast %get3A_324 : i32 to index
          %get3A_326 = arith.index_cast %mul3A_323 : i32 to index
          %get3A_327 = tpu.vector_load %arg7[%get3A_325, %get3A_326] {strides = array<i32>} : memref<16x1536xf32, #tpu.memory_space<vmem>>, vector<16xf32>,
          tpu.vector_store_idx %arg9[%add3A_280, %add3A_73], %get3A_327 : memref<192x128xf32, #tpu.memory_space<vmem>>[vector<16xi32>, vector<16xi32>], vector<16xf32>,
          %mul3A_328 = arith.constant 16 : i32
          %mul3A_329 = arith.muli %scan3A_276, %mul3A_328 : i32
          %get3A_330 = arith.constant 8 : i32
          %get3A_331 = arith.index_cast %get3A_330 : i32 to index
          %get3A_332 = arith.index_cast %mul3A_329 : i32 to index
          %get3A_333 = tpu.vector_load %arg7[%get3A_331, %get3A_332] {strides = array<i32>} : memref<16x1536xf32, #tpu.memory_space<vmem>>, vector<16xf32>,
          tpu.vector_store_idx %arg9[%add3A_280, %add3A_82], %get3A_333 : memref<192x128xf32, #tpu.memory_space<vmem>>[vector<16xi32>, vector<16xi32>], vector<16xf32>,
          %mul3A_334 = arith.constant 16 : i32
          %mul3A_335 = arith.muli %scan3A_276, %mul3A_334 : i32
          %get3A_336 = arith.constant 9 : i32
          %get3A_337 = arith.index_cast %get3A_336 : i32 to index
          %get3A_338 = arith.index_cast %mul3A_335 : i32 to index
          %get3A_339 = tpu.vector_load %arg7[%get3A_337, %get3A_338] {strides = array<i32>} : memref<16x1536xf32, #tpu.memory_space<vmem>>, vector<16xf32>,
          tpu.vector_store_idx %arg9[%add3A_280, %add3A_91], %get3A_339 : memref<192x128xf32, #tpu.memory_space<vmem>>[vector<16xi32>, vector<16xi32>], vector<16xf32>,
          %mul3A_340 = arith.constant 16 : i32
          %mul3A_341 = arith.muli %scan3A_276, %mul3A_340 : i32
          %get3A_342 = arith.constant 10 : i32
          %get3A_343 = arith.index_cast %get3A_342 : i32 to index
          %get3A_344 = arith.index_cast %mul3A_341 : i32 to index
          %get3A_345 = tpu.vector_load %arg7[%get3A_343, %get3A_344] {strides = array<i32>} : memref<16x1536xf32, #tpu.memory_space<vmem>>, vector<16xf32>,
          tpu.vector_store_idx %arg9[%add3A_280, %add3A_100], %get3A_345 : memref<192x128xf32, #tpu.memory_space<vmem>>[vector<16xi32>, vector<16xi32>], vector<16xf32>,
          %mul3A_346 = arith.constant 16 : i32
          %mul3A_347 = arith.muli %scan3A_276, %mul3A_346 : i32
          %get3A_348 = arith.constant 11 : i32
          %get3A_349 = arith.index_cast %get3A_348 : i32 to index
          %get3A_350 = arith.index_cast %mul3A_347 : i32 to index
          %get3A_351 = tpu.vector_load %arg7[%get3A_349, %get3A_350] {strides = array<i32>} : memref<16x1536xf32, #tpu.memory_space<vmem>>, vector<16xf32>,
          tpu.vector_store_idx %arg9[%add3A_280, %add3A_109], %get3A_351 : memref<192x128xf32, #tpu.memory_space<vmem>>[vector<16xi32>, vector<16xi32>], vector<16xf32>,
          %mul3A_352 = arith.constant 16 : i32
          %mul3A_353 = arith.muli %scan3A_276, %mul3A_352 : i32
          %get3A_354 = arith.constant 12 : i32
          %get3A_355 = arith.index_cast %get3A_354 : i32 to index
          %get3A_356 = arith.index_cast %mul3A_353 : i32 to index
          %get3A_357 = tpu.vector_load %arg7[%get3A_355, %get3A_356] {strides = array<i32>} : memref<16x1536xf32, #tpu.memory_space<vmem>>, vector<16xf32>,
          tpu.vector_store_idx %arg9[%add3A_280, %add3A_118], %get3A_357 : memref<192x128xf32, #tpu.memory_space<vmem>>[vector<16xi32>, vector<16xi32>], vector<16xf32>,
          %mul3A_358 = arith.constant 16 : i32
          %mul3A_359 = arith.muli %scan3A_276, %mul3A_358 : i32
          %get3A_360 = arith.constant 13 : i32
          %get3A_361 = arith.index_cast %get3A_360 : i32 to index
          %get3A_362 = arith.index_cast %mul3A_359 : i32 to index
          %get3A_363 = tpu.vector_load %arg7[%get3A_361, %get3A_362] {strides = array<i32>} : memref<16x1536xf32, #tpu.memory_space<vmem>>, vector<16xf32>,
          tpu.vector_store_idx %arg9[%add3A_280, %add3A_127], %get3A_363 : memref<192x128xf32, #tpu.memory_space<vmem>>[vector<16xi32>, vector<16xi32>], vector<16xf32>,
          %mul3A_364 = arith.constant 16 : i32
          %mul3A_365 = arith.muli %scan3A_276, %mul3A_364 : i32
          %get3A_366 = arith.constant 14 : i32
          %get3A_367 = arith.index_cast %get3A_366 : i32 to index
          %get3A_368 = arith.index_cast %mul3A_365 : i32 to index
          %get3A_369 = tpu.vector_load %arg7[%get3A_367, %get3A_368] {strides = array<i32>} : memref<16x1536xf32, #tpu.memory_space<vmem>>, vector<16xf32>,
          tpu.vector_store_idx %arg9[%add3A_280, %add3A_136], %get3A_369 : memref<192x128xf32, #tpu.memory_space<vmem>>[vector<16xi32>, vector<16xi32>], vector<16xf32>,
          %mul3A_370 = arith.constant 16 : i32
          %mul3A_371 = arith.muli %scan3A_276, %mul3A_370 : i32
          %get3A_372 = arith.constant 15 : i32
          %get3A_373 = arith.index_cast %get3A_372 : i32 to index
          %get3A_374 = arith.index_cast %mul3A_371 : i32 to index
          %get3A_375 = tpu.vector_load %arg7[%get3A_373, %get3A_374] {strides = array<i32>} : memref<16x1536xf32, #tpu.memory_space<vmem>>, vector<16xf32>,
          tpu.vector_store_idx %arg9[%add3A_280, %add3A_145], %get3A_375 : memref<192x128xf32, #tpu.memory_space<vmem>>[vector<16xi32>, vector<16xi32>], vector<16xf32>,
        }
        %scan3A_240 = arith.constant 96 : i32
        %mul3A_241 = arith.constant 32 : i32
        %mul3A_242 = arith.muli %mul3A_205, %mul3A_241 : i32
        %add3A_243 = arith.addi %add3A, %mul3A_242 : i32
        %mul3A_244 = arith.constant 1536 : i32
        %mul3A_245 = arith.muli %add3A_243, %mul3A_244 : i32
        %multiple_of3A_246 = tpu.assume_multiple %mul3A_245, 128 : i32
        %jit3A_247 = arith.constant 8 : i32
        %div3A_248 = arith.divsi %multiple_of3A_246, %jit3A_247 : i32
        %sign3A_249 = arith.constant 0 : i32
        %sign3A_250 = arith.cmpi sgt, %multiple_of3A_246, %sign3A_249 : i32
        %sign3A_251 = arith.extui %sign3A_250 : i1 to i32
        %sign3A_252 = arith.constant 0 : i32
        %sign3A_253 = arith.cmpi slt, %multiple_of3A_246, %sign3A_252 : i32
        %sign3A_254 = arith.extui %sign3A_253 : i1 to i32
        %sign3A_255 = arith.subi %sign3A_251, %sign3A_254 : i32
        %sign3A_256 = arith.constant 0 : i32
        %sign3A_257 = arith.cmpi sgt, %jit3A_247, %sign3A_256 : i32
        %sign3A_258 = arith.extui %sign3A_257 : i1 to i32
        %sign3A_259 = arith.constant 0 : i32
        %sign3A_260 = arith.cmpi slt, %jit3A_247, %sign3A_259 : i32
        %sign3A_261 = arith.extui %sign3A_260 : i1 to i32
        %sign3A_262 = arith.subi %sign3A_258, %sign3A_261 : i32
        %ne3A_263 = arith.cmpi ne, %sign3A_255, %sign3A_262 : i32
        %rem3A_264 = arith.remsi %multiple_of3A_246, %jit3A_247 : i32
        %ne3A_265 = arith.constant 0 : i32
        %ne3A_266 = arith.cmpi ne, %rem3A_264, %ne3A_265 : i32
        %and3A_267 = arith.andi %ne3A_263, %ne3A_266 : i1
        %sub3A_268 = arith.constant 1 : i32
        %sub3A_269 = arith.subi %div3A_248, %sub3A_268 : i32
        %select_n3A_270 = arith.select %and3A_267, %sub3A_269, %div3A_248 : i32
        %multiple_of3A_271 = tpu.assume_multiple %select_n3A_270, 8 : i32
        %dma_start3A_272 = arith.constant 0 : i32
        %dma_start3A_273 = tpu.memref_slice %arg5[%multiple_of3A_271, %dma_start3A_272] : memref<125000x128xf32, #tpu.memory_space<hbm>> -> memref<192x128xf32, #tpu.memory_space<hbm>>
        %dma_start3A_274 = arith.constant 0 : i32
        %dma_start3A_275 = tpu.memref_slice %arg5[%multiple_of3A_271, %dma_start3A_274] : memref<125000x128xf32, #tpu.memory_space<hbm>> -> memref<192x128xf32, #tpu.memory_space<hbm>>
        tpu.enqueue_dma source(%arg9 : memref<192x128xf32, #tpu.memory_space<vmem>>) target(%dma_start3A_275 : memref<192x128xf32, #tpu.memory_space<hbm>>) target_semaphore(%arg15 : memref<!tpu.dma_semaphore, #tpu.memory_space<semaphore_mem>>)
      } else {
      }
      %add3A_216 = arith.constant 2 : i32
      %add3A_217 = arith.addi %mul3A_205, %add3A_216 : i32
      %lt3A_218 = arith.cmpi slt, %add3A_217, %select_n3A : i32
      %convert_element_type3A_219 = arith.extui %lt3A_218 : i1 to i32
      %cond3A_220 = arith.constant 0 : i32
      %cond3A_221 = arith.cmpi ne, %convert_element_type3A_219, %cond3A_220 : i32
      scf.if %cond3A_221 {
        %add3A_226 = arith.constant 2 : i32
        %add3A_227 = arith.addi %mul3A_205, %add3A_226 : i32
        %mul3A_228 = arith.constant 32 : i32
        %mul3A_229 = arith.muli %add3A_227, %mul3A_228 : i32
        %add3A_230 = arith.addi %add3A, %mul3A_229 : i32
        %mul3A_231 = arith.constant 1536 : i32
        %mul3A_232 = arith.muli %add3A_230, %mul3A_231 : i32
        %multiple_of3A_233 = tpu.assume_multiple %mul3A_232, 128 : i32
        %dma_start3A_234 = arith.constant 0 : i32
        %dma_start3A_235 = tpu.memref_slice %arg2[%dma_start3A_234, %multiple_of3A_233] : memref<16x1000000xf32, #tpu.memory_space<hbm>> -> memref<16x1536xf32, #tpu.memory_space<hbm>>
        %dma_start3A_236 = arith.constant 0 : i32
        %dma_start3A_237 = tpu.memref_slice %arg2[%dma_start3A_236, %multiple_of3A_233] : memref<16x1000000xf32, #tpu.memory_space<hbm>> -> memref<16x1536xf32, #tpu.memory_space<hbm>>
        tpu.enqueue_dma source(%dma_start3A_237 : memref<16x1536xf32, #tpu.memory_space<hbm>>) target(%arg7 : memref<16x1536xf32, #tpu.memory_space<vmem>>) target_semaphore(%arg13 : memref<!tpu.dma_semaphore, #tpu.memory_space<semaphore_mem>>)
      } else {
      }
      %lt3A_222 = arith.cmpi slt, %add3A_207, %select_n3A : i32
      %convert_element_type3A_223 = arith.extui %lt3A_222 : i1 to i32
      %cond3A_224 = arith.constant 0 : i32
      %cond3A_225 = arith.cmpi ne, %convert_element_type3A_223, %cond3A_224 : i32
      scf.if %cond3A_225 {
        %dma_wait3A_226 = arith.constant 0 : i32
        %dma_wait3A_227 = arith.constant 0 : i32
        %dma_wait3A_228 = tpu.memref_slice %arg2[%dma_wait3A_226, %dma_wait3A_227] : memref<16x1000000xf32, #tpu.memory_space<hbm>> -> memref<16x1536xf32, #tpu.memory_space<hbm>>
        %dma_wait3A_229 = arith.constant 0 : i32
        %dma_wait3A_230 = arith.constant 0 : i32
        %dma_wait3A_231 = tpu.memref_slice %arg2[%dma_wait3A_229, %dma_wait3A_230] : memref<16x1000000xf32, #tpu.memory_space<hbm>> -> memref<16x1536xf32, #tpu.memory_space<hbm>>
        tpu.wait_dma2 semaphore(%arg14 : memref<!tpu.dma_semaphore, #tpu.memory_space<semaphore_mem>>) src(%dma_wait3A_231 : memref<16x1536xf32, #tpu.memory_space<hbm>>) dst(%arg8 : memref<16x1536xf32, #tpu.memory_space<vmem>>)
        %ge3A = arith.constant 3 : i32
        %ge3A_232 = arith.cmpi sge, %add3A_207, %ge3A : i32
        %convert_element_type3A_233 = arith.extui %ge3A_232 : i1 to i32
        %cond3A_234 = arith.constant 0 : i32
        %cond3A_235 = arith.cmpi ne, %convert_element_type3A_233, %cond3A_234 : i32
        scf.if %cond3A_235 {
          %dma_wait3A_276 = arith.constant 0 : i32
          %dma_wait3A_277 = arith.constant 0 : i32
          %dma_wait3A_278 = tpu.memref_slice %arg5[%dma_wait3A_276, %dma_wait3A_277] : memref<125000x128xf32, #tpu.memory_space<hbm>> -> memref<192x128xf32, #tpu.memory_space<hbm>>
          %dma_wait3A_279 = arith.constant 0 : i32
          %dma_wait3A_280 = arith.constant 0 : i32
          %dma_wait3A_281 = tpu.memref_slice %arg5[%dma_wait3A_279, %dma_wait3A_280] : memref<125000x128xf32, #tpu.memory_space<hbm>> -> memref<192x128xf32, #tpu.memory_space<hbm>>
          tpu.wait_dma2 semaphore(%arg16 : memref<!tpu.dma_semaphore, #tpu.memory_space<semaphore_mem>>) src(%arg10 : memref<192x128xf32, #tpu.memory_space<vmem>>) dst(%dma_wait3A_281 : memref<192x128xf32, #tpu.memory_space<hbm>>)
        } else {
        }
        %scan3A = arith.constant 0 : i32
        %scan3A_236 = arith.constant 0 : i32
        %scan3A_237 = arith.constant 96 : i32
        %scan3A_238 = arith.addi %scan3A_236, %scan3A_237 : i32
        %scan3A_239 = arith.constant 1 : i32
        scf.for %scan3A_276 = %scan3A_236 to %scan3A_238 step %scan3A_239  : i32 {
          %mul3A_277 = arith.constant 2 : i32
          %mul3A_278 = arith.muli %mul3A_277, %scan3A_276 : i32
          %add3A_279 = vector.broadcast %mul3A_278 : i32 to vector<16xi32>
          %add3A_280 = arith.addi %shift_right_logical3A_2, %add3A_279 : vector<16xi32>
          %mul3A_281 = arith.constant 16 : i32
          %mul3A_282 = arith.muli %scan3A_276, %mul3A_281 : i32
          %get3A = arith.constant 0 : i32
          %get3A_283 = arith.index_cast %get3A : i32 to index
          %get3A_284 = arith.index_cast %mul3A_282 : i32 to index
          %get3A_285 = tpu.vector_load %arg8[%get3A_283, %get3A_284] {strides = array<i32>} : memref<16x1536xf32, #tpu.memory_space<vmem>>, vector<16xf32>,
          tpu.vector_store_idx %arg10[%add3A_280, %add3A_10], %get3A_285 : memref<192x128xf32, #tpu.memory_space<vmem>>[vector<16xi32>, vector<16xi32>], vector<16xf32>,
          %mul3A_286 = arith.constant 16 : i32
          %mul3A_287 = arith.muli %scan3A_276, %mul3A_286 : i32
          %get3A_288 = arith.constant 1 : i32
          %get3A_289 = arith.index_cast %get3A_288 : i32 to index
          %get3A_290 = arith.index_cast %mul3A_287 : i32 to index
          %get3A_291 = tpu.vector_load %arg8[%get3A_289, %get3A_290] {strides = array<i32>} : memref<16x1536xf32, #tpu.memory_space<vmem>>, vector<16xf32>,
          tpu.vector_store_idx %arg10[%add3A_280, %add3A_19], %get3A_291 : memref<192x128xf32, #tpu.memory_space<vmem>>[vector<16xi32>, vector<16xi32>], vector<16xf32>,
          %mul3A_292 = arith.constant 16 : i32
          %mul3A_293 = arith.muli %scan3A_276, %mul3A_292 : i32
          %get3A_294 = arith.constant 2 : i32
          %get3A_295 = arith.index_cast %get3A_294 : i32 to index
          %get3A_296 = arith.index_cast %mul3A_293 : i32 to index
          %get3A_297 = tpu.vector_load %arg8[%get3A_295, %get3A_296] {strides = array<i32>} : memref<16x1536xf32, #tpu.memory_space<vmem>>, vector<16xf32>,
          tpu.vector_store_idx %arg10[%add3A_280, %add3A_28], %get3A_297 : memref<192x128xf32, #tpu.memory_space<vmem>>[vector<16xi32>, vector<16xi32>], vector<16xf32>,
          %mul3A_298 = arith.constant 16 : i32
          %mul3A_299 = arith.muli %scan3A_276, %mul3A_298 : i32
          %get3A_300 = arith.constant 3 : i32
          %get3A_301 = arith.index_cast %get3A_300 : i32 to index
          %get3A_302 = arith.index_cast %mul3A_299 : i32 to index
          %get3A_303 = tpu.vector_load %arg8[%get3A_301, %get3A_302] {strides = array<i32>} : memref<16x1536xf32, #tpu.memory_space<vmem>>, vector<16xf32>,
          tpu.vector_store_idx %arg10[%add3A_280, %add3A_37], %get3A_303 : memref<192x128xf32, #tpu.memory_space<vmem>>[vector<16xi32>, vector<16xi32>], vector<16xf32>,
          %mul3A_304 = arith.constant 16 : i32
          %mul3A_305 = arith.muli %scan3A_276, %mul3A_304 : i32
          %get3A_306 = arith.constant 4 : i32
          %get3A_307 = arith.index_cast %get3A_306 : i32 to index
          %get3A_308 = arith.index_cast %mul3A_305 : i32 to index
          %get3A_309 = tpu.vector_load %arg8[%get3A_307, %get3A_308] {strides = array<i32>} : memref<16x1536xf32, #tpu.memory_space<vmem>>, vector<16xf32>,
          tpu.vector_store_idx %arg10[%add3A_280, %add3A_46], %get3A_309 : memref<192x128xf32, #tpu.memory_space<vmem>>[vector<16xi32>, vector<16xi32>], vector<16xf32>,
          %mul3A_310 = arith.constant 16 : i32
          %mul3A_311 = arith.muli %scan3A_276, %mul3A_310 : i32
          %get3A_312 = arith.constant 5 : i32
          %get3A_313 = arith.index_cast %get3A_312 : i32 to index
          %get3A_314 = arith.index_cast %mul3A_311 : i32 to index
          %get3A_315 = tpu.vector_load %arg8[%get3A_313, %get3A_314] {strides = array<i32>} : memref<16x1536xf32, #tpu.memory_space<vmem>>, vector<16xf32>,
          tpu.vector_store_idx %arg10[%add3A_280, %add3A_55], %get3A_315 : memref<192x128xf32, #tpu.memory_space<vmem>>[vector<16xi32>, vector<16xi32>], vector<16xf32>,
          %mul3A_316 = arith.constant 16 : i32
          %mul3A_317 = arith.muli %scan3A_276, %mul3A_316 : i32
          %get3A_318 = arith.constant 6 : i32
          %get3A_319 = arith.index_cast %get3A_318 : i32 to index
          %get3A_320 = arith.index_cast %mul3A_317 : i32 to index
          %get3A_321 = tpu.vector_load %arg8[%get3A_319, %get3A_320] {strides = array<i32>} : memref<16x1536xf32, #tpu.memory_space<vmem>>, vector<16xf32>,
          tpu.vector_store_idx %arg10[%add3A_280, %add3A_64], %get3A_321 : memref<192x128xf32, #tpu.memory_space<vmem>>[vector<16xi32>, vector<16xi32>], vector<16xf32>,
          %mul3A_322 = arith.constant 16 : i32
          %mul3A_323 = arith.muli %scan3A_276, %mul3A_322 : i32
          %get3A_324 = arith.constant 7 : i32
          %get3A_325 = arith.index_cast %get3A_324 : i32 to index
          %get3A_326 = arith.index_cast %mul3A_323 : i32 to index
          %get3A_327 = tpu.vector_load %arg8[%get3A_325, %get3A_326] {strides = array<i32>} : memref<16x1536xf32, #tpu.memory_space<vmem>>, vector<16xf32>,
          tpu.vector_store_idx %arg10[%add3A_280, %add3A_73], %get3A_327 : memref<192x128xf32, #tpu.memory_space<vmem>>[vector<16xi32>, vector<16xi32>], vector<16xf32>,
          %mul3A_328 = arith.constant 16 : i32
          %mul3A_329 = arith.muli %scan3A_276, %mul3A_328 : i32
          %get3A_330 = arith.constant 8 : i32
          %get3A_331 = arith.index_cast %get3A_330 : i32 to index
          %get3A_332 = arith.index_cast %mul3A_329 : i32 to index
          %get3A_333 = tpu.vector_load %arg8[%get3A_331, %get3A_332] {strides = array<i32>} : memref<16x1536xf32, #tpu.memory_space<vmem>>, vector<16xf32>,
          tpu.vector_store_idx %arg10[%add3A_280, %add3A_82], %get3A_333 : memref<192x128xf32, #tpu.memory_space<vmem>>[vector<16xi32>, vector<16xi32>], vector<16xf32>,
          %mul3A_334 = arith.constant 16 : i32
          %mul3A_335 = arith.muli %scan3A_276, %mul3A_334 : i32
          %get3A_336 = arith.constant 9 : i32
          %get3A_337 = arith.index_cast %get3A_336 : i32 to index
          %get3A_338 = arith.index_cast %mul3A_335 : i32 to index
          %get3A_339 = tpu.vector_load %arg8[%get3A_337, %get3A_338] {strides = array<i32>} : memref<16x1536xf32, #tpu.memory_space<vmem>>, vector<16xf32>,
          tpu.vector_store_idx %arg10[%add3A_280, %add3A_91], %get3A_339 : memref<192x128xf32, #tpu.memory_space<vmem>>[vector<16xi32>, vector<16xi32>], vector<16xf32>,
          %mul3A_340 = arith.constant 16 : i32
          %mul3A_341 = arith.muli %scan3A_276, %mul3A_340 : i32
          %get3A_342 = arith.constant 10 : i32
          %get3A_343 = arith.index_cast %get3A_342 : i32 to index
          %get3A_344 = arith.index_cast %mul3A_341 : i32 to index
          %get3A_345 = tpu.vector_load %arg8[%get3A_343, %get3A_344] {strides = array<i32>} : memref<16x1536xf32, #tpu.memory_space<vmem>>, vector<16xf32>,
          tpu.vector_store_idx %arg10[%add3A_280, %add3A_100], %get3A_345 : memref<192x128xf32, #tpu.memory_space<vmem>>[vector<16xi32>, vector<16xi32>], vector<16xf32>,
          %mul3A_346 = arith.constant 16 : i32
          %mul3A_347 = arith.muli %scan3A_276, %mul3A_346 : i32
          %get3A_348 = arith.constant 11 : i32
          %get3A_349 = arith.index_cast %get3A_348 : i32 to index
          %get3A_350 = arith.index_cast %mul3A_347 : i32 to index
          %get3A_351 = tpu.vector_load %arg8[%get3A_349, %get3A_350] {strides = array<i32>} : memref<16x1536xf32, #tpu.memory_space<vmem>>, vector<16xf32>,
          tpu.vector_store_idx %arg10[%add3A_280, %add3A_109], %get3A_351 : memref<192x128xf32, #tpu.memory_space<vmem>>[vector<16xi32>, vector<16xi32>], vector<16xf32>,
          %mul3A_352 = arith.constant 16 : i32
          %mul3A_353 = arith.muli %scan3A_276, %mul3A_352 : i32
          %get3A_354 = arith.constant 12 : i32
          %get3A_355 = arith.index_cast %get3A_354 : i32 to index
          %get3A_356 = arith.index_cast %mul3A_353 : i32 to index
          %get3A_357 = tpu.vector_load %arg8[%get3A_355, %get3A_356] {strides = array<i32>} : memref<16x1536xf32, #tpu.memory_space<vmem>>, vector<16xf32>,
          tpu.vector_store_idx %arg10[%add3A_280, %add3A_118], %get3A_357 : memref<192x128xf32, #tpu.memory_space<vmem>>[vector<16xi32>, vector<16xi32>], vector<16xf32>,
          %mul3A_358 = arith.constant 16 : i32
          %mul3A_359 = arith.muli %scan3A_276, %mul3A_358 : i32
          %get3A_360 = arith.constant 13 : i32
          %get3A_361 = arith.index_cast %get3A_360 : i32 to index
          %get3A_362 = arith.index_cast %mul3A_359 : i32 to index
          %get3A_363 = tpu.vector_load %arg8[%get3A_361, %get3A_362] {strides = array<i32>} : memref<16x1536xf32, #tpu.memory_space<vmem>>, vector<16xf32>,
          tpu.vector_store_idx %arg10[%add3A_280, %add3A_127], %get3A_363 : memref<192x128xf32, #tpu.memory_space<vmem>>[vector<16xi32>, vector<16xi32>], vector<16xf32>,
          %mul3A_364 = arith.constant 16 : i32
          %mul3A_365 = arith.muli %scan3A_276, %mul3A_364 : i32
          %get3A_366 = arith.constant 14 : i32
          %get3A_367 = arith.index_cast %get3A_366 : i32 to index
          %get3A_368 = arith.index_cast %mul3A_365 : i32 to index
          %get3A_369 = tpu.vector_load %arg8[%get3A_367, %get3A_368] {strides = array<i32>} : memref<16x1536xf32, #tpu.memory_space<vmem>>, vector<16xf32>,
          tpu.vector_store_idx %arg10[%add3A_280, %add3A_136], %get3A_369 : memref<192x128xf32, #tpu.memory_space<vmem>>[vector<16xi32>, vector<16xi32>], vector<16xf32>,
          %mul3A_370 = arith.constant 16 : i32
          %mul3A_371 = arith.muli %scan3A_276, %mul3A_370 : i32
          %get3A_372 = arith.constant 15 : i32
          %get3A_373 = arith.index_cast %get3A_372 : i32 to index
          %get3A_374 = arith.index_cast %mul3A_371 : i32 to index
          %get3A_375 = tpu.vector_load %arg8[%get3A_373, %get3A_374] {strides = array<i32>} : memref<16x1536xf32, #tpu.memory_space<vmem>>, vector<16xf32>,
          tpu.vector_store_idx %arg10[%add3A_280, %add3A_145], %get3A_375 : memref<192x128xf32, #tpu.memory_space<vmem>>[vector<16xi32>, vector<16xi32>], vector<16xf32>,
        }
        %scan3A_240 = arith.constant 96 : i32
        %mul3A_241 = arith.constant 32 : i32
        %mul3A_242 = arith.muli %add3A_207, %mul3A_241 : i32
        %add3A_243 = arith.addi %add3A, %mul3A_242 : i32
        %mul3A_244 = arith.constant 1536 : i32
        %mul3A_245 = arith.muli %add3A_243, %mul3A_244 : i32
        %multiple_of3A_246 = tpu.assume_multiple %mul3A_245, 128 : i32
        %jit3A_247 = arith.constant 8 : i32
        %div3A_248 = arith.divsi %multiple_of3A_246, %jit3A_247 : i32
        %sign3A_249 = arith.constant 0 : i32
        %sign3A_250 = arith.cmpi sgt, %multiple_of3A_246, %sign3A_249 : i32
        %sign3A_251 = arith.extui %sign3A_250 : i1 to i32
        %sign3A_252 = arith.constant 0 : i32
        %sign3A_253 = arith.cmpi slt, %multiple_of3A_246, %sign3A_252 : i32
        %sign3A_254 = arith.extui %sign3A_253 : i1 to i32
        %sign3A_255 = arith.subi %sign3A_251, %sign3A_254 : i32
        %sign3A_256 = arith.constant 0 : i32
        %sign3A_257 = arith.cmpi sgt, %jit3A_247, %sign3A_256 : i32
        %sign3A_258 = arith.extui %sign3A_257 : i1 to i32
        %sign3A_259 = arith.constant 0 : i32
        %sign3A_260 = arith.cmpi slt, %jit3A_247, %sign3A_259 : i32
        %sign3A_261 = arith.extui %sign3A_260 : i1 to i32
        %sign3A_262 = arith.subi %sign3A_258, %sign3A_261 : i32
        %ne3A_263 = arith.cmpi ne, %sign3A_255, %sign3A_262 : i32
        %rem3A_264 = arith.remsi %multiple_of3A_246, %jit3A_247 : i32
        %ne3A_265 = arith.constant 0 : i32
        %ne3A_266 = arith.cmpi ne, %rem3A_264, %ne3A_265 : i32
        %and3A_267 = arith.andi %ne3A_263, %ne3A_266 : i1
        %sub3A_268 = arith.constant 1 : i32
        %sub3A_269 = arith.subi %div3A_248, %sub3A_268 : i32
        %select_n3A_270 = arith.select %and3A_267, %sub3A_269, %div3A_248 : i32
        %multiple_of3A_271 = tpu.assume_multiple %select_n3A_270, 8 : i32
        %dma_start3A_272 = arith.constant 0 : i32
        %dma_start3A_273 = tpu.memref_slice %arg5[%multiple_of3A_271, %dma_start3A_272] : memref<125000x128xf32, #tpu.memory_space<hbm>> -> memref<192x128xf32, #tpu.memory_space<hbm>>
        %dma_start3A_274 = arith.constant 0 : i32
        %dma_start3A_275 = tpu.memref_slice %arg5[%multiple_of3A_271, %dma_start3A_274] : memref<125000x128xf32, #tpu.memory_space<hbm>> -> memref<192x128xf32, #tpu.memory_space<hbm>>
        tpu.enqueue_dma source(%arg10 : memref<192x128xf32, #tpu.memory_space<vmem>>) target(%dma_start3A_275 : memref<192x128xf32, #tpu.memory_space<hbm>>) target_semaphore(%arg16 : memref<!tpu.dma_semaphore, #tpu.memory_space<semaphore_mem>>)
      } else {
      }
    }
    %while3A_184 = arith.constant 1 : i32
    scf.for %while3A_203 = %while3A_182 to %while3A_178 step %while3A_184  : i32 {
      %mul3A_204 = arith.constant 2 : i32
      %mul3A_205 = arith.muli %mul3A_204, %while3A_203 : i32
      %add3A_206 = arith.constant 1 : i32
      %add3A_207 = arith.addi %mul3A_205, %add3A_206 : i32
      %lt3A_208 = arith.cmpi slt, %add3A_207, %select_n3A : i32
      %convert_element_type3A_209 = arith.extui %lt3A_208 : i1 to i32
      %cond3A_210 = arith.constant 0 : i32
      %cond3A_211 = arith.cmpi ne, %convert_element_type3A_209, %cond3A_210 : i32
      scf.if %cond3A_211 {
        %mul3A_226 = arith.constant 32 : i32
        %mul3A_227 = arith.muli %add3A_207, %mul3A_226 : i32
        %add3A_228 = arith.addi %add3A, %mul3A_227 : i32
        %mul3A_229 = arith.constant 1536 : i32
        %mul3A_230 = arith.muli %add3A_228, %mul3A_229 : i32
        %multiple_of3A_231 = tpu.assume_multiple %mul3A_230, 128 : i32
        %dma_start3A_232 = arith.constant 0 : i32
        %dma_start3A_233 = tpu.memref_slice %arg2[%dma_start3A_232, %multiple_of3A_231] : memref<16x1000000xf32, #tpu.memory_space<hbm>> -> memref<16x1536xf32, #tpu.memory_space<hbm>>
        %dma_start3A_234 = arith.constant 0 : i32
        %dma_start3A_235 = tpu.memref_slice %arg2[%dma_start3A_234, %multiple_of3A_231] : memref<16x1000000xf32, #tpu.memory_space<hbm>> -> memref<16x1536xf32, #tpu.memory_space<hbm>>
        tpu.enqueue_dma source(%dma_start3A_235 : memref<16x1536xf32, #tpu.memory_space<hbm>>) target(%arg8 : memref<16x1536xf32, #tpu.memory_space<vmem>>) target_semaphore(%arg14 : memref<!tpu.dma_semaphore, #tpu.memory_space<semaphore_mem>>)
      } else {
      }
      %lt3A_212 = arith.cmpi slt, %mul3A_205, %select_n3A : i32
      %convert_element_type3A_213 = arith.extui %lt3A_212 : i1 to i32
      %cond3A_214 = arith.constant 0 : i32
      %cond3A_215 = arith.cmpi ne, %convert_element_type3A_213, %cond3A_214 : i32
      scf.if %cond3A_215 {
        %dma_wait3A_226 = arith.constant 0 : i32
        %dma_wait3A_227 = arith.constant 0 : i32
        %dma_wait3A_228 = tpu.memref_slice %arg2[%dma_wait3A_226, %dma_wait3A_227] : memref<16x1000000xf32, #tpu.memory_space<hbm>> -> memref<16x1536xf32, #tpu.memory_space<hbm>>
        %dma_wait3A_229 = arith.constant 0 : i32
        %dma_wait3A_230 = arith.constant 0 : i32
        %dma_wait3A_231 = tpu.memref_slice %arg2[%dma_wait3A_229, %dma_wait3A_230] : memref<16x1000000xf32, #tpu.memory_space<hbm>> -> memref<16x1536xf32, #tpu.memory_space<hbm>>
        tpu.wait_dma2 semaphore(%arg13 : memref<!tpu.dma_semaphore, #tpu.memory_space<semaphore_mem>>) src(%dma_wait3A_231 : memref<16x1536xf32, #tpu.memory_space<hbm>>) dst(%arg7 : memref<16x1536xf32, #tpu.memory_space<vmem>>)
        %ge3A = arith.constant 2 : i32
        %ge3A_232 = arith.cmpi sge, %mul3A_205, %ge3A : i32
        %convert_element_type3A_233 = arith.extui %ge3A_232 : i1 to i32
        %cond3A_234 = arith.constant 0 : i32
        %cond3A_235 = arith.cmpi ne, %convert_element_type3A_233, %cond3A_234 : i32
        scf.if %cond3A_235 {
          %dma_wait3A_276 = arith.constant 0 : i32
          %dma_wait3A_277 = arith.constant 0 : i32
          %dma_wait3A_278 = tpu.memref_slice %arg5[%dma_wait3A_276, %dma_wait3A_277] : memref<125000x128xf32, #tpu.memory_space<hbm>> -> memref<192x128xf32, #tpu.memory_space<hbm>>
          %dma_wait3A_279 = arith.constant 0 : i32
          %dma_wait3A_280 = arith.constant 0 : i32
          %dma_wait3A_281 = tpu.memref_slice %arg5[%dma_wait3A_279, %dma_wait3A_280] : memref<125000x128xf32, #tpu.memory_space<hbm>> -> memref<192x128xf32, #tpu.memory_space<hbm>>
          tpu.wait_dma2 semaphore(%arg15 : memref<!tpu.dma_semaphore, #tpu.memory_space<semaphore_mem>>) src(%arg9 : memref<192x128xf32, #tpu.memory_space<vmem>>) dst(%dma_wait3A_281 : memref<192x128xf32, #tpu.memory_space<hbm>>)
        } else {
        }
        %scan3A = arith.constant 0 : i32
        %scan3A_236 = arith.constant 0 : i32
        %scan3A_237 = arith.constant 96 : i32
        %scan3A_238 = arith.addi %scan3A_236, %scan3A_237 : i32
        %scan3A_239 = arith.constant 1 : i32
        scf.for %scan3A_276 = %scan3A_236 to %scan3A_238 step %scan3A_239  : i32 {
          %mul3A_277 = arith.constant 2 : i32
          %mul3A_278 = arith.muli %mul3A_277, %scan3A_276 : i32
          %add3A_279 = vector.broadcast %mul3A_278 : i32 to vector<16xi32>
          %add3A_280 = arith.addi %shift_right_logical3A_2, %add3A_279 : vector<16xi32>
          %mul3A_281 = arith.constant 16 : i32
          %mul3A_282 = arith.muli %scan3A_276, %mul3A_281 : i32
          %get3A = arith.constant 0 : i32
          %get3A_283 = arith.index_cast %get3A : i32 to index
          %get3A_284 = arith.index_cast %mul3A_282 : i32 to index
          %get3A_285 = tpu.vector_load %arg7[%get3A_283, %get3A_284] {strides = array<i32>} : memref<16x1536xf32, #tpu.memory_space<vmem>>, vector<16xf32>,
          tpu.vector_store_idx %arg9[%add3A_280, %add3A_10], %get3A_285 : memref<192x128xf32, #tpu.memory_space<vmem>>[vector<16xi32>, vector<16xi32>], vector<16xf32>,
          %mul3A_286 = arith.constant 16 : i32
          %mul3A_287 = arith.muli %scan3A_276, %mul3A_286 : i32
          %get3A_288 = arith.constant 1 : i32
          %get3A_289 = arith.index_cast %get3A_288 : i32 to index
          %get3A_290 = arith.index_cast %mul3A_287 : i32 to index
          %get3A_291 = tpu.vector_load %arg7[%get3A_289, %get3A_290] {strides = array<i32>} : memref<16x1536xf32, #tpu.memory_space<vmem>>, vector<16xf32>,
          tpu.vector_store_idx %arg9[%add3A_280, %add3A_19], %get3A_291 : memref<192x128xf32, #tpu.memory_space<vmem>>[vector<16xi32>, vector<16xi32>], vector<16xf32>,
          %mul3A_292 = arith.constant 16 : i32
          %mul3A_293 = arith.muli %scan3A_276, %mul3A_292 : i32
          %get3A_294 = arith.constant 2 : i32
          %get3A_295 = arith.index_cast %get3A_294 : i32 to index
          %get3A_296 = arith.index_cast %mul3A_293 : i32 to index
          %get3A_297 = tpu.vector_load %arg7[%get3A_295, %get3A_296] {strides = array<i32>} : memref<16x1536xf32, #tpu.memory_space<vmem>>, vector<16xf32>,
          tpu.vector_store_idx %arg9[%add3A_280, %add3A_28], %get3A_297 : memref<192x128xf32, #tpu.memory_space<vmem>>[vector<16xi32>, vector<16xi32>], vector<16xf32>,
          %mul3A_298 = arith.constant 16 : i32
          %mul3A_299 = arith.muli %scan3A_276, %mul3A_298 : i32
          %get3A_300 = arith.constant 3 : i32
          %get3A_301 = arith.index_cast %get3A_300 : i32 to index
          %get3A_302 = arith.index_cast %mul3A_299 : i32 to index
          %get3A_303 = tpu.vector_load %arg7[%get3A_301, %get3A_302] {strides = array<i32>} : memref<16x1536xf32, #tpu.memory_space<vmem>>, vector<16xf32>,
          tpu.vector_store_idx %arg9[%add3A_280, %add3A_37], %get3A_303 : memref<192x128xf32, #tpu.memory_space<vmem>>[vector<16xi32>, vector<16xi32>], vector<16xf32>,
          %mul3A_304 = arith.constant 16 : i32
          %mul3A_305 = arith.muli %scan3A_276, %mul3A_304 : i32
          %get3A_306 = arith.constant 4 : i32
          %get3A_307 = arith.index_cast %get3A_306 : i32 to index
          %get3A_308 = arith.index_cast %mul3A_305 : i32 to index
          %get3A_309 = tpu.vector_load %arg7[%get3A_307, %get3A_308] {strides = array<i32>} : memref<16x1536xf32, #tpu.memory_space<vmem>>, vector<16xf32>,
          tpu.vector_store_idx %arg9[%add3A_280, %add3A_46], %get3A_309 : memref<192x128xf32, #tpu.memory_space<vmem>>[vector<16xi32>, vector<16xi32>], vector<16xf32>,
          %mul3A_310 = arith.constant 16 : i32
          %mul3A_311 = arith.muli %scan3A_276, %mul3A_310 : i32
          %get3A_312 = arith.constant 5 : i32
          %get3A_313 = arith.index_cast %get3A_312 : i32 to index
          %get3A_314 = arith.index_cast %mul3A_311 : i32 to index
          %get3A_315 = tpu.vector_load %arg7[%get3A_313, %get3A_314] {strides = array<i32>} : memref<16x1536xf32, #tpu.memory_space<vmem>>, vector<16xf32>,
          tpu.vector_store_idx %arg9[%add3A_280, %add3A_55], %get3A_315 : memref<192x128xf32, #tpu.memory_space<vmem>>[vector<16xi32>, vector<16xi32>], vector<16xf32>,
          %mul3A_316 = arith.constant 16 : i32
          %mul3A_317 = arith.muli %scan3A_276, %mul3A_316 : i32
          %get3A_318 = arith.constant 6 : i32
          %get3A_319 = arith.index_cast %get3A_318 : i32 to index
          %get3A_320 = arith.index_cast %mul3A_317 : i32 to index
          %get3A_321 = tpu.vector_load %arg7[%get3A_319, %get3A_320] {strides = array<i32>} : memref<16x1536xf32, #tpu.memory_space<vmem>>, vector<16xf32>,
          tpu.vector_store_idx %arg9[%add3A_280, %add3A_64], %get3A_321 : memref<192x128xf32, #tpu.memory_space<vmem>>[vector<16xi32>, vector<16xi32>], vector<16xf32>,
          %mul3A_322 = arith.constant 16 : i32
          %mul3A_323 = arith.muli %scan3A_276, %mul3A_322 : i32
          %get3A_324 = arith.constant 7 : i32
          %get3A_325 = arith.index_cast %get3A_324 : i32 to index
          %get3A_326 = arith.index_cast %mul3A_323 : i32 to index
          %get3A_327 = tpu.vector_load %arg7[%get3A_325, %get3A_326] {strides = array<i32>} : memref<16x1536xf32, #tpu.memory_space<vmem>>, vector<16xf32>,
          tpu.vector_store_idx %arg9[%add3A_280, %add3A_73], %get3A_327 : memref<192x128xf32, #tpu.memory_space<vmem>>[vector<16xi32>, vector<16xi32>], vector<16xf32>,
          %mul3A_328 = arith.constant 16 : i32
          %mul3A_329 = arith.muli %scan3A_276, %mul3A_328 : i32
          %get3A_330 = arith.constant 8 : i32
          %get3A_331 = arith.index_cast %get3A_330 : i32 to index
          %get3A_332 = arith.index_cast %mul3A_329 : i32 to index
          %get3A_333 = tpu.vector_load %arg7[%get3A_331, %get3A_332] {strides = array<i32>} : memref<16x1536xf32, #tpu.memory_space<vmem>>, vector<16xf32>,
          tpu.vector_store_idx %arg9[%add3A_280, %add3A_82], %get3A_333 : memref<192x128xf32, #tpu.memory_space<vmem>>[vector<16xi32>, vector<16xi32>], vector<16xf32>,
          %mul3A_334 = arith.constant 16 : i32
          %mul3A_335 = arith.muli %scan3A_276, %mul3A_334 : i32
          %get3A_336 = arith.constant 9 : i32
          %get3A_337 = arith.index_cast %get3A_336 : i32 to index
          %get3A_338 = arith.index_cast %mul3A_335 : i32 to index
          %get3A_339 = tpu.vector_load %arg7[%get3A_337, %get3A_338] {strides = array<i32>} : memref<16x1536xf32, #tpu.memory_space<vmem>>, vector<16xf32>,
          tpu.vector_store_idx %arg9[%add3A_280, %add3A_91], %get3A_339 : memref<192x128xf32, #tpu.memory_space<vmem>>[vector<16xi32>, vector<16xi32>], vector<16xf32>,
          %mul3A_340 = arith.constant 16 : i32
          %mul3A_341 = arith.muli %scan3A_276, %mul3A_340 : i32
          %get3A_342 = arith.constant 10 : i32
          %get3A_343 = arith.index_cast %get3A_342 : i32 to index
          %get3A_344 = arith.index_cast %mul3A_341 : i32 to index
          %get3A_345 = tpu.vector_load %arg7[%get3A_343, %get3A_344] {strides = array<i32>} : memref<16x1536xf32, #tpu.memory_space<vmem>>, vector<16xf32>,
          tpu.vector_store_idx %arg9[%add3A_280, %add3A_100], %get3A_345 : memref<192x128xf32, #tpu.memory_space<vmem>>[vector<16xi32>, vector<16xi32>], vector<16xf32>,
          %mul3A_346 = arith.constant 16 : i32
          %mul3A_347 = arith.muli %scan3A_276, %mul3A_346 : i32
          %get3A_348 = arith.constant 11 : i32
          %get3A_349 = arith.index_cast %get3A_348 : i32 to index
          %get3A_350 = arith.index_cast %mul3A_347 : i32 to index
          %get3A_351 = tpu.vector_load %arg7[%get3A_349, %get3A_350] {strides = array<i32>} : memref<16x1536xf32, #tpu.memory_space<vmem>>, vector<16xf32>,
          tpu.vector_store_idx %arg9[%add3A_280, %add3A_109], %get3A_351 : memref<192x128xf32, #tpu.memory_space<vmem>>[vector<16xi32>, vector<16xi32>], vector<16xf32>,
          %mul3A_352 = arith.constant 16 : i32
          %mul3A_353 = arith.muli %scan3A_276, %mul3A_352 : i32
          %get3A_354 = arith.constant 12 : i32
          %get3A_355 = arith.index_cast %get3A_354 : i32 to index
          %get3A_356 = arith.index_cast %mul3A_353 : i32 to index
          %get3A_357 = tpu.vector_load %arg7[%get3A_355, %get3A_356] {strides = array<i32>} : memref<16x1536xf32, #tpu.memory_space<vmem>>, vector<16xf32>,
          tpu.vector_store_idx %arg9[%add3A_280, %add3A_118], %get3A_357 : memref<192x128xf32, #tpu.memory_space<vmem>>[vector<16xi32>, vector<16xi32>], vector<16xf32>,
          %mul3A_358 = arith.constant 16 : i32
          %mul3A_359 = arith.muli %scan3A_276, %mul3A_358 : i32
          %get3A_360 = arith.constant 13 : i32
          %get3A_361 = arith.index_cast %get3A_360 : i32 to index
          %get3A_362 = arith.index_cast %mul3A_359 : i32 to index
          %get3A_363 = tpu.vector_load %arg7[%get3A_361, %get3A_362] {strides = array<i32>} : memref<16x1536xf32, #tpu.memory_space<vmem>>, vector<16xf32>,
          tpu.vector_store_idx %arg9[%add3A_280, %add3A_127], %get3A_363 : memref<192x128xf32, #tpu.memory_space<vmem>>[vector<16xi32>, vector<16xi32>], vector<16xf32>,
          %mul3A_364 = arith.constant 16 : i32
          %mul3A_365 = arith.muli %scan3A_276, %mul3A_364 : i32
          %get3A_366 = arith.constant 14 : i32
          %get3A_367 = arith.index_cast %get3A_366 : i32 to index
          %get3A_368 = arith.index_cast %mul3A_365 : i32 to index
          %get3A_369 = tpu.vector_load %arg7[%get3A_367, %get3A_368] {strides = array<i32>} : memref<16x1536xf32, #tpu.memory_space<vmem>>, vector<16xf32>,
          tpu.vector_store_idx %arg9[%add3A_280, %add3A_136], %get3A_369 : memref<192x128xf32, #tpu.memory_space<vmem>>[vector<16xi32>, vector<16xi32>], vector<16xf32>,
          %mul3A_370 = arith.constant 16 : i32
          %mul3A_371 = arith.muli %scan3A_276, %mul3A_370 : i32
          %get3A_372 = arith.constant 15 : i32
          %get3A_373 = arith.index_cast %get3A_372 : i32 to index
          %get3A_374 = arith.index_cast %mul3A_371 : i32 to index
          %get3A_375 = tpu.vector_load %arg7[%get3A_373, %get3A_374] {strides = array<i32>} : memref<16x1536xf32, #tpu.memory_space<vmem>>, vector<16xf32>,
          tpu.vector_store_idx %arg9[%add3A_280, %add3A_145], %get3A_375 : memref<192x128xf32, #tpu.memory_space<vmem>>[vector<16xi32>, vector<16xi32>], vector<16xf32>,
        }
        %scan3A_240 = arith.constant 96 : i32
        %mul3A_241 = arith.constant 32 : i32
        %mul3A_242 = arith.muli %mul3A_205, %mul3A_241 : i32
        %add3A_243 = arith.addi %add3A, %mul3A_242 : i32
        %mul3A_244 = arith.constant 1536 : i32
        %mul3A_245 = arith.muli %add3A_243, %mul3A_244 : i32
        %multiple_of3A_246 = tpu.assume_multiple %mul3A_245, 128 : i32
        %jit3A_247 = arith.constant 8 : i32
        %div3A_248 = arith.divsi %multiple_of3A_246, %jit3A_247 : i32
        %sign3A_249 = arith.constant 0 : i32
        %sign3A_250 = arith.cmpi sgt, %multiple_of3A_246, %sign3A_249 : i32
        %sign3A_251 = arith.extui %sign3A_250 : i1 to i32
        %sign3A_252 = arith.constant 0 : i32
        %sign3A_253 = arith.cmpi slt, %multiple_of3A_246, %sign3A_252 : i32
        %sign3A_254 = arith.extui %sign3A_253 : i1 to i32
        %sign3A_255 = arith.subi %sign3A_251, %sign3A_254 : i32
        %sign3A_256 = arith.constant 0 : i32
        %sign3A_257 = arith.cmpi sgt, %jit3A_247, %sign3A_256 : i32
        %sign3A_258 = arith.extui %sign3A_257 : i1 to i32
        %sign3A_259 = arith.constant 0 : i32
        %sign3A_260 = arith.cmpi slt, %jit3A_247, %sign3A_259 : i32
        %sign3A_261 = arith.extui %sign3A_260 : i1 to i32
        %sign3A_262 = arith.subi %sign3A_258, %sign3A_261 : i32
        %ne3A_263 = arith.cmpi ne, %sign3A_255, %sign3A_262 : i32
        %rem3A_264 = arith.remsi %multiple_of3A_246, %jit3A_247 : i32
        %ne3A_265 = arith.constant 0 : i32
        %ne3A_266 = arith.cmpi ne, %rem3A_264, %ne3A_265 : i32
        %and3A_267 = arith.andi %ne3A_263, %ne3A_266 : i1
        %sub3A_268 = arith.constant 1 : i32
        %sub3A_269 = arith.subi %div3A_248, %sub3A_268 : i32
        %select_n3A_270 = arith.select %and3A_267, %sub3A_269, %div3A_248 : i32
        %multiple_of3A_271 = tpu.assume_multiple %select_n3A_270, 8 : i32
        %dma_start3A_272 = arith.constant 0 : i32
        %dma_start3A_273 = tpu.memref_slice %arg5[%multiple_of3A_271, %dma_start3A_272] : memref<125000x128xf32, #tpu.memory_space<hbm>> -> memref<192x128xf32, #tpu.memory_space<hbm>>
        %dma_start3A_274 = arith.constant 0 : i32
        %dma_start3A_275 = tpu.memref_slice %arg5[%multiple_of3A_271, %dma_start3A_274] : memref<125000x128xf32, #tpu.memory_space<hbm>> -> memref<192x128xf32, #tpu.memory_space<hbm>>
        tpu.enqueue_dma source(%arg9 : memref<192x128xf32, #tpu.memory_space<vmem>>) target(%dma_start3A_275 : memref<192x128xf32, #tpu.memory_space<hbm>>) target_semaphore(%arg15 : memref<!tpu.dma_semaphore, #tpu.memory_space<semaphore_mem>>)
      } else {
      }
      %add3A_216 = arith.constant 2 : i32
      %add3A_217 = arith.addi %mul3A_205, %add3A_216 : i32
      %lt3A_218 = arith.cmpi slt, %add3A_217, %select_n3A : i32
      %convert_element_type3A_219 = arith.extui %lt3A_218 : i1 to i32
      %cond3A_220 = arith.constant 0 : i32
      %cond3A_221 = arith.cmpi ne, %convert_element_type3A_219, %cond3A_220 : i32
      scf.if %cond3A_221 {
        %add3A_226 = arith.constant 2 : i32
        %add3A_227 = arith.addi %mul3A_205, %add3A_226 : i32
        %mul3A_228 = arith.constant 32 : i32
        %mul3A_229 = arith.muli %add3A_227, %mul3A_228 : i32
        %add3A_230 = arith.addi %add3A, %mul3A_229 : i32
        %mul3A_231 = arith.constant 1536 : i32
        %mul3A_232 = arith.muli %add3A_230, %mul3A_231 : i32
        %multiple_of3A_233 = tpu.assume_multiple %mul3A_232, 128 : i32
        %dma_start3A_234 = arith.constant 0 : i32
        %dma_start3A_235 = tpu.memref_slice %arg2[%dma_start3A_234, %multiple_of3A_233] : memref<16x1000000xf32, #tpu.memory_space<hbm>> -> memref<16x1536xf32, #tpu.memory_space<hbm>>
        %dma_start3A_236 = arith.constant 0 : i32
        %dma_start3A_237 = tpu.memref_slice %arg2[%dma_start3A_236, %multiple_of3A_233] : memref<16x1000000xf32, #tpu.memory_space<hbm>> -> memref<16x1536xf32, #tpu.memory_space<hbm>>
        tpu.enqueue_dma source(%dma_start3A_237 : memref<16x1536xf32, #tpu.memory_space<hbm>>) target(%arg7 : memref<16x1536xf32, #tpu.memory_space<vmem>>) target_semaphore(%arg13 : memref<!tpu.dma_semaphore, #tpu.memory_space<semaphore_mem>>)
      } else {
      }
      %lt3A_222 = arith.cmpi slt, %add3A_207, %select_n3A : i32
      %convert_element_type3A_223 = arith.extui %lt3A_222 : i1 to i32
      %cond3A_224 = arith.constant 0 : i32
      %cond3A_225 = arith.cmpi ne, %convert_element_type3A_223, %cond3A_224 : i32
      scf.if %cond3A_225 {
        %dma_wait3A_226 = arith.constant 0 : i32
        %dma_wait3A_227 = arith.constant 0 : i32
        %dma_wait3A_228 = tpu.memref_slice %arg2[%dma_wait3A_226, %dma_wait3A_227] : memref<16x1000000xf32, #tpu.memory_space<hbm>> -> memref<16x1536xf32, #tpu.memory_space<hbm>>
        %dma_wait3A_229 = arith.constant 0 : i32
        %dma_wait3A_230 = arith.constant 0 : i32
        %dma_wait3A_231 = tpu.memref_slice %arg2[%dma_wait3A_229, %dma_wait3A_230] : memref<16x1000000xf32, #tpu.memory_space<hbm>> -> memref<16x1536xf32, #tpu.memory_space<hbm>>
        tpu.wait_dma2 semaphore(%arg14 : memref<!tpu.dma_semaphore, #tpu.memory_space<semaphore_mem>>) src(%dma_wait3A_231 : memref<16x1536xf32, #tpu.memory_space<hbm>>) dst(%arg8 : memref<16x1536xf32, #tpu.memory_space<vmem>>)
        %ge3A = arith.constant 3 : i32
        %ge3A_232 = arith.cmpi sge, %add3A_207, %ge3A : i32
        %convert_element_type3A_233 = arith.extui %ge3A_232 : i1 to i32
        %cond3A_234 = arith.constant 0 : i32
        %cond3A_235 = arith.cmpi ne, %convert_element_type3A_233, %cond3A_234 : i32
        scf.if %cond3A_235 {
          %dma_wait3A_276 = arith.constant 0 : i32
          %dma_wait3A_277 = arith.constant 0 : i32
          %dma_wait3A_278 = tpu.memref_slice %arg5[%dma_wait3A_276, %dma_wait3A_277] : memref<125000x128xf32, #tpu.memory_space<hbm>> -> memref<192x128xf32, #tpu.memory_space<hbm>>
          %dma_wait3A_279 = arith.constant 0 : i32
          %dma_wait3A_280 = arith.constant 0 : i32
          %dma_wait3A_281 = tpu.memref_slice %arg5[%dma_wait3A_279, %dma_wait3A_280] : memref<125000x128xf32, #tpu.memory_space<hbm>> -> memref<192x128xf32, #tpu.memory_space<hbm>>
          tpu.wait_dma2 semaphore(%arg16 : memref<!tpu.dma_semaphore, #tpu.memory_space<semaphore_mem>>) src(%arg10 : memref<192x128xf32, #tpu.memory_space<vmem>>) dst(%dma_wait3A_281 : memref<192x128xf32, #tpu.memory_space<hbm>>)
        } else {
        }
        %scan3A = arith.constant 0 : i32
        %scan3A_236 = arith.constant 0 : i32
        %scan3A_237 = arith.constant 96 : i32
        %scan3A_238 = arith.addi %scan3A_236, %scan3A_237 : i32
        %scan3A_239 = arith.constant 1 : i32
        scf.for %scan3A_276 = %scan3A_236 to %scan3A_238 step %scan3A_239  : i32 {
          %mul3A_277 = arith.constant 2 : i32
          %mul3A_278 = arith.muli %mul3A_277, %scan3A_276 : i32
          %add3A_279 = vector.broadcast %mul3A_278 : i32 to vector<16xi32>
          %add3A_280 = arith.addi %shift_right_logical3A_2, %add3A_279 : vector<16xi32>
          %mul3A_281 = arith.constant 16 : i32
          %mul3A_282 = arith.muli %scan3A_276, %mul3A_281 : i32
          %get3A = arith.constant 0 : i32
          %get3A_283 = arith.index_cast %get3A : i32 to index
          %get3A_284 = arith.index_cast %mul3A_282 : i32 to index
          %get3A_285 = tpu.vector_load %arg8[%get3A_283, %get3A_284] {strides = array<i32>} : memref<16x1536xf32, #tpu.memory_space<vmem>>, vector<16xf32>,
          tpu.vector_store_idx %arg10[%add3A_280, %add3A_10], %get3A_285 : memref<192x128xf32, #tpu.memory_space<vmem>>[vector<16xi32>, vector<16xi32>], vector<16xf32>,
          %mul3A_286 = arith.constant 16 : i32
          %mul3A_287 = arith.muli %scan3A_276, %mul3A_286 : i32
          %get3A_288 = arith.constant 1 : i32
          %get3A_289 = arith.index_cast %get3A_288 : i32 to index
          %get3A_290 = arith.index_cast %mul3A_287 : i32 to index
          %get3A_291 = tpu.vector_load %arg8[%get3A_289, %get3A_290] {strides = array<i32>} : memref<16x1536xf32, #tpu.memory_space<vmem>>, vector<16xf32>,
          tpu.vector_store_idx %arg10[%add3A_280, %add3A_19], %get3A_291 : memref<192x128xf32, #tpu.memory_space<vmem>>[vector<16xi32>, vector<16xi32>], vector<16xf32>,
          %mul3A_292 = arith.constant 16 : i32
          %mul3A_293 = arith.muli %scan3A_276, %mul3A_292 : i32
          %get3A_294 = arith.constant 2 : i32
          %get3A_295 = arith.index_cast %get3A_294 : i32 to index
          %get3A_296 = arith.index_cast %mul3A_293 : i32 to index
          %get3A_297 = tpu.vector_load %arg8[%get3A_295, %get3A_296] {strides = array<i32>} : memref<16x1536xf32, #tpu.memory_space<vmem>>, vector<16xf32>,
          tpu.vector_store_idx %arg10[%add3A_280, %add3A_28], %get3A_297 : memref<192x128xf32, #tpu.memory_space<vmem>>[vector<16xi32>, vector<16xi32>], vector<16xf32>,
          %mul3A_298 = arith.constant 16 : i32
          %mul3A_299 = arith.muli %scan3A_276, %mul3A_298 : i32
          %get3A_300 = arith.constant 3 : i32
          %get3A_301 = arith.index_cast %get3A_300 : i32 to index
          %get3A_302 = arith.index_cast %mul3A_299 : i32 to index
          %get3A_303 = tpu.vector_load %arg8[%get3A_301, %get3A_302] {strides = array<i32>} : memref<16x1536xf32, #tpu.memory_space<vmem>>, vector<16xf32>,
          tpu.vector_store_idx %arg10[%add3A_280, %add3A_37], %get3A_303 : memref<192x128xf32, #tpu.memory_space<vmem>>[vector<16xi32>, vector<16xi32>], vector<16xf32>,
          %mul3A_304 = arith.constant 16 : i32
          %mul3A_305 = arith.muli %scan3A_276, %mul3A_304 : i32
          %get3A_306 = arith.constant 4 : i32
          %get3A_307 = arith.index_cast %get3A_306 : i32 to index
          %get3A_308 = arith.index_cast %mul3A_305 : i32 to index
          %get3A_309 = tpu.vector_load %arg8[%get3A_307, %get3A_308] {strides = array<i32>} : memref<16x1536xf32, #tpu.memory_space<vmem>>, vector<16xf32>,
          tpu.vector_store_idx %arg10[%add3A_280, %add3A_46], %get3A_309 : memref<192x128xf32, #tpu.memory_space<vmem>>[vector<16xi32>, vector<16xi32>], vector<16xf32>,
          %mul3A_310 = arith.constant 16 : i32
          %mul3A_311 = arith.muli %scan3A_276, %mul3A_310 : i32
          %get3A_312 = arith.constant 5 : i32
          %get3A_313 = arith.index_cast %get3A_312 : i32 to index
          %get3A_314 = arith.index_cast %mul3A_311 : i32 to index
          %get3A_315 = tpu.vector_load %arg8[%get3A_313, %get3A_314] {strides = array<i32>} : memref<16x1536xf32, #tpu.memory_space<vmem>>, vector<16xf32>,
          tpu.vector_store_idx %arg10[%add3A_280, %add3A_55], %get3A_315 : memref<192x128xf32, #tpu.memory_space<vmem>>[vector<16xi32>, vector<16xi32>], vector<16xf32>,
          %mul3A_316 = arith.constant 16 : i32
          %mul3A_317 = arith.muli %scan3A_276, %mul3A_316 : i32
          %get3A_318 = arith.constant 6 : i32
          %get3A_319 = arith.index_cast %get3A_318 : i32 to index
          %get3A_320 = arith.index_cast %mul3A_317 : i32 to index
          %get3A_321 = tpu.vector_load %arg8[%get3A_319, %get3A_320] {strides = array<i32>} : memref<16x1536xf32, #tpu.memory_space<vmem>>, vector<16xf32>,
          tpu.vector_store_idx %arg10[%add3A_280, %add3A_64], %get3A_321 : memref<192x128xf32, #tpu.memory_space<vmem>>[vector<16xi32>, vector<16xi32>], vector<16xf32>,
          %mul3A_322 = arith.constant 16 : i32
          %mul3A_323 = arith.muli %scan3A_276, %mul3A_322 : i32
          %get3A_324 = arith.constant 7 : i32
          %get3A_325 = arith.index_cast %get3A_324 : i32 to index
          %get3A_326 = arith.index_cast %mul3A_323 : i32 to index
          %get3A_327 = tpu.vector_load %arg8[%get3A_325, %get3A_326] {strides = array<i32>} : memref<16x1536xf32, #tpu.memory_space<vmem>>, vector<16xf32>,
          tpu.vector_store_idx %arg10[%add3A_280, %add3A_73], %get3A_327 : memref<192x128xf32, #tpu.memory_space<vmem>>[vector<16xi32>, vector<16xi32>], vector<16xf32>,
          %mul3A_328 = arith.constant 16 : i32
          %mul3A_329 = arith.muli %scan3A_276, %mul3A_328 : i32
          %get3A_330 = arith.constant 8 : i32
          %get3A_331 = arith.index_cast %get3A_330 : i32 to index
          %get3A_332 = arith.index_cast %mul3A_329 : i32 to index
          %get3A_333 = tpu.vector_load %arg8[%get3A_331, %get3A_332] {strides = array<i32>} : memref<16x1536xf32, #tpu.memory_space<vmem>>, vector<16xf32>,
          tpu.vector_store_idx %arg10[%add3A_280, %add3A_82], %get3A_333 : memref<192x128xf32, #tpu.memory_space<vmem>>[vector<16xi32>, vector<16xi32>], vector<16xf32>,
          %mul3A_334 = arith.constant 16 : i32
          %mul3A_335 = arith.muli %scan3A_276, %mul3A_334 : i32
          %get3A_336 = arith.constant 9 : i32
          %get3A_337 = arith.index_cast %get3A_336 : i32 to index
          %get3A_338 = arith.index_cast %mul3A_335 : i32 to index
          %get3A_339 = tpu.vector_load %arg8[%get3A_337, %get3A_338] {strides = array<i32>} : memref<16x1536xf32, #tpu.memory_space<vmem>>, vector<16xf32>,
          tpu.vector_store_idx %arg10[%add3A_280, %add3A_91], %get3A_339 : memref<192x128xf32, #tpu.memory_space<vmem>>[vector<16xi32>, vector<16xi32>], vector<16xf32>,
          %mul3A_340 = arith.constant 16 : i32
          %mul3A_341 = arith.muli %scan3A_276, %mul3A_340 : i32
          %get3A_342 = arith.constant 10 : i32
          %get3A_343 = arith.index_cast %get3A_342 : i32 to index
          %get3A_344 = arith.index_cast %mul3A_341 : i32 to index
          %get3A_345 = tpu.vector_load %arg8[%get3A_343, %get3A_344] {strides = array<i32>} : memref<16x1536xf32, #tpu.memory_space<vmem>>, vector<16xf32>,
          tpu.vector_store_idx %arg10[%add3A_280, %add3A_100], %get3A_345 : memref<192x128xf32, #tpu.memory_space<vmem>>[vector<16xi32>, vector<16xi32>], vector<16xf32>,
          %mul3A_346 = arith.constant 16 : i32
          %mul3A_347 = arith.muli %scan3A_276, %mul3A_346 : i32
          %get3A_348 = arith.constant 11 : i32
          %get3A_349 = arith.index_cast %get3A_348 : i32 to index
          %get3A_350 = arith.index_cast %mul3A_347 : i32 to index
          %get3A_351 = tpu.vector_load %arg8[%get3A_349, %get3A_350] {strides = array<i32>} : memref<16x1536xf32, #tpu.memory_space<vmem>>, vector<16xf32>,
          tpu.vector_store_idx %arg10[%add3A_280, %add3A_109], %get3A_351 : memref<192x128xf32, #tpu.memory_space<vmem>>[vector<16xi32>, vector<16xi32>], vector<16xf32>,
          %mul3A_352 = arith.constant 16 : i32
          %mul3A_353 = arith.muli %scan3A_276, %mul3A_352 : i32
          %get3A_354 = arith.constant 12 : i32
          %get3A_355 = arith.index_cast %get3A_354 : i32 to index
          %get3A_356 = arith.index_cast %mul3A_353 : i32 to index
          %get3A_357 = tpu.vector_load %arg8[%get3A_355, %get3A_356] {strides = array<i32>} : memref<16x1536xf32, #tpu.memory_space<vmem>>, vector<16xf32>,
          tpu.vector_store_idx %arg10[%add3A_280, %add3A_118], %get3A_357 : memref<192x128xf32, #tpu.memory_space<vmem>>[vector<16xi32>, vector<16xi32>], vector<16xf32>,
          %mul3A_358 = arith.constant 16 : i32
          %mul3A_359 = arith.muli %scan3A_276, %mul3A_358 : i32
          %get3A_360 = arith.constant 13 : i32
          %get3A_361 = arith.index_cast %get3A_360 : i32 to index
          %get3A_362 = arith.index_cast %mul3A_359 : i32 to index
          %get3A_363 = tpu.vector_load %arg8[%get3A_361, %get3A_362] {strides = array<i32>} : memref<16x1536xf32, #tpu.memory_space<vmem>>, vector<16xf32>,
          tpu.vector_store_idx %arg10[%add3A_280, %add3A_127], %get3A_363 : memref<192x128xf32, #tpu.memory_space<vmem>>[vector<16xi32>, vector<16xi32>], vector<16xf32>,
          %mul3A_364 = arith.constant 16 : i32
          %mul3A_365 = arith.muli %scan3A_276, %mul3A_364 : i32
          %get3A_366 = arith.constant 14 : i32
          %get3A_367 = arith.index_cast %get3A_366 : i32 to index
          %get3A_368 = arith.index_cast %mul3A_365 : i32 to index
          %get3A_369 = tpu.vector_load %arg8[%get3A_367, %get3A_368] {strides = array<i32>} : memref<16x1536xf32, #tpu.memory_space<vmem>>, vector<16xf32>,
          tpu.vector_store_idx %arg10[%add3A_280, %add3A_136], %get3A_369 : memref<192x128xf32, #tpu.memory_space<vmem>>[vector<16xi32>, vector<16xi32>], vector<16xf32>,
          %mul3A_370 = arith.constant 16 : i32
          %mul3A_371 = arith.muli %scan3A_276, %mul3A_370 : i32
          %get3A_372 = arith.constant 15 : i32
          %get3A_373 = arith.index_cast %get3A_372 : i32 to index
          %get3A_374 = arith.index_cast %mul3A_371 : i32 to index
          %get3A_375 = tpu.vector_load %arg8[%get3A_373, %get3A_374] {strides = array<i32>} : memref<16x1536xf32, #tpu.memory_space<vmem>>, vector<16xf32>,
          tpu.vector_store_idx %arg10[%add3A_280, %add3A_145], %get3A_375 : memref<192x128xf32, #tpu.memory_space<vmem>>[vector<16xi32>, vector<16xi32>], vector<16xf32>,
        }
        %scan3A_240 = arith.constant 96 : i32
        %mul3A_241 = arith.constant 32 : i32
        %mul3A_242 = arith.muli %add3A_207, %mul3A_241 : i32
        %add3A_243 = arith.addi %add3A, %mul3A_242 : i32
        %mul3A_244 = arith.constant 1536 : i32
        %mul3A_245 = arith.muli %add3A_243, %mul3A_244 : i32
        %multiple_of3A_246 = tpu.assume_multiple %mul3A_245, 128 : i32
        %jit3A_247 = arith.constant 8 : i32
        %div3A_248 = arith.divsi %multiple_of3A_246, %jit3A_247 : i32
        %sign3A_249 = arith.constant 0 : i32
        %sign3A_250 = arith.cmpi sgt, %multiple_of3A_246, %sign3A_249 : i32
        %sign3A_251 = arith.extui %sign3A_250 : i1 to i32
        %sign3A_252 = arith.constant 0 : i32
        %sign3A_253 = arith.cmpi slt, %multiple_of3A_246, %sign3A_252 : i32
        %sign3A_254 = arith.extui %sign3A_253 : i1 to i32
        %sign3A_255 = arith.subi %sign3A_251, %sign3A_254 : i32
        %sign3A_256 = arith.constant 0 : i32
        %sign3A_257 = arith.cmpi sgt, %jit3A_247, %sign3A_256 : i32
        %sign3A_258 = arith.extui %sign3A_257 : i1 to i32
        %sign3A_259 = arith.constant 0 : i32
        %sign3A_260 = arith.cmpi slt, %jit3A_247, %sign3A_259 : i32
        %sign3A_261 = arith.extui %sign3A_260 : i1 to i32
        %sign3A_262 = arith.subi %sign3A_258, %sign3A_261 : i32
        %ne3A_263 = arith.cmpi ne, %sign3A_255, %sign3A_262 : i32
        %rem3A_264 = arith.remsi %multiple_of3A_246, %jit3A_247 : i32
        %ne3A_265 = arith.constant 0 : i32
        %ne3A_266 = arith.cmpi ne, %rem3A_264, %ne3A_265 : i32
        %and3A_267 = arith.andi %ne3A_263, %ne3A_266 : i1
        %sub3A_268 = arith.constant 1 : i32
        %sub3A_269 = arith.subi %div3A_248, %sub3A_268 : i32
        %select_n3A_270 = arith.select %and3A_267, %sub3A_269, %div3A_248 : i32
        %multiple_of3A_271 = tpu.assume_multiple %select_n3A_270, 8 : i32
        %dma_start3A_272 = arith.constant 0 : i32
        %dma_start3A_273 = tpu.memref_slice %arg5[%multiple_of3A_271, %dma_start3A_272] : memref<125000x128xf32, #tpu.memory_space<hbm>> -> memref<192x128xf32, #tpu.memory_space<hbm>>
        %dma_start3A_274 = arith.constant 0 : i32
        %dma_start3A_275 = tpu.memref_slice %arg5[%multiple_of3A_271, %dma_start3A_274] : memref<125000x128xf32, #tpu.memory_space<hbm>> -> memref<192x128xf32, #tpu.memory_space<hbm>>
        tpu.enqueue_dma source(%arg10 : memref<192x128xf32, #tpu.memory_space<vmem>>) target(%dma_start3A_275 : memref<192x128xf32, #tpu.memory_space<hbm>>) target_semaphore(%arg16 : memref<!tpu.dma_semaphore, #tpu.memory_space<semaphore_mem>>)
      } else {
      }
    }
    %dma_wait3A = arith.constant 0 : i32
    %dma_wait3A_185 = arith.constant 0 : i32
    %dma_wait3A_186 = tpu.memref_slice %arg5[%dma_wait3A, %dma_wait3A_185] : memref<125000x128xf32, #tpu.memory_space<hbm>> -> memref<192x128xf32, #tpu.memory_space<hbm>>
    %dma_wait3A_187 = arith.constant 0 : i32
    %dma_wait3A_188 = arith.constant 0 : i32
    %dma_wait3A_189 = tpu.memref_slice %arg5[%dma_wait3A_187, %dma_wait3A_188] : memref<125000x128xf32, #tpu.memory_space<hbm>> -> memref<192x128xf32, #tpu.memory_space<hbm>>
    tpu.wait_dma2 semaphore(%arg15 : memref<!tpu.dma_semaphore, #tpu.memory_space<semaphore_mem>>) src(%arg9 : memref<192x128xf32, #tpu.memory_space<vmem>>) dst(%dma_wait3A_189 : memref<192x128xf32, #tpu.memory_space<hbm>>)
    %dma_wait3A_190 = arith.constant 0 : i32
    %dma_wait3A_191 = arith.constant 0 : i32
    %dma_wait3A_192 = tpu.memref_slice %arg5[%dma_wait3A_190, %dma_wait3A_191] : memref<125000x128xf32, #tpu.memory_space<hbm>> -> memref<192x128xf32, #tpu.memory_space<hbm>>
    %dma_wait3A_193 = arith.constant 0 : i32
    %dma_wait3A_194 = arith.constant 0 : i32
    %dma_wait3A_195 = tpu.memref_slice %arg5[%dma_wait3A_193, %dma_wait3A_194] : memref<125000x128xf32, #tpu.memory_space<hbm>> -> memref<192x128xf32, #tpu.memory_space<hbm>>
    tpu.wait_dma2 semaphore(%arg16 : memref<!tpu.dma_semaphore, #tpu.memory_space<semaphore_mem>>) src(%arg10 : memref<192x128xf32, #tpu.memory_space<vmem>>) dst(%dma_wait3A_195 : memref<192x128xf32, #tpu.memory_space<hbm>>)
    %eq3A = arith.constant 0 : i32
    %eq3A_196 = arith.cmpi eq, %add3A, %eq3A : i32
    %convert_element_type3A = arith.extui %eq3A_196 : i1 to i32
    %cond3A = arith.constant 0 : i32
    %cond3A_197 = arith.cmpi ne, %convert_element_type3A, %cond3A : i32
    scf.if %cond3A_197 {
      "tpu.region"() ({
        %run_scoped3A = tpu.sem_alloc : memref<!tpu.dma_semaphore, #tpu.memory_space<semaphore_mem>>
        tpu.enqueue_dma source(%arg3 : memref<16x64xf32, #tpu.memory_space<hbm>>) target(%arg11 : memref<16x64xf32, #tpu.memory_space<vmem>>) target_semaphore(%run_scoped3A : memref<!tpu.dma_semaphore, #tpu.memory_space<semaphore_mem>>)
        tpu.wait_dma2 semaphore(%run_scoped3A : memref<!tpu.dma_semaphore, #tpu.memory_space<semaphore_mem>>) src(%arg3 : memref<16x64xf32, #tpu.memory_space<hbm>>) dst(%arg11 : memref<16x64xf32, #tpu.memory_space<vmem>>)
        tpu.yield
      }) : () -> ()
      %scan3A = arith.constant 0 : i32
      %scan3A_203 = arith.constant 0 : i32
      %scan3A_204 = arith.constant 4 : i32
      %scan3A_205 = arith.addi %scan3A_203, %scan3A_204 : i32
      %scan3A_206 = arith.constant 1 : i32
      scf.for %scan3A_208 = %scan3A_203 to %scan3A_205 step %scan3A_206  : i32 {
        %mul3A_209 = arith.constant 2 : i32
        %mul3A_210 = arith.muli %mul3A_209, %scan3A_208 : i32
        %add3A_211 = vector.broadcast %mul3A_210 : i32 to vector<16xi32>
        %add3A_212 = arith.addi %shift_right_logical3A_2, %add3A_211 : vector<16xi32>
        %mul3A_213 = arith.constant 16 : i32
        %mul3A_214 = arith.muli %scan3A_208, %mul3A_213 : i32
        %get3A = arith.constant 0 : i32
        %get3A_215 = arith.index_cast %get3A : i32 to index
        %get3A_216 = arith.index_cast %mul3A_214 : i32 to index
        %get3A_217 = tpu.vector_load %arg11[%get3A_215, %get3A_216] {strides = array<i32>} : memref<16x64xf32, #tpu.memory_space<vmem>>, vector<16xf32>,
        tpu.vector_store_idx %arg12[%add3A_212, %add3A_10], %get3A_217 : memref<8x128xf32, #tpu.memory_space<vmem>>[vector<16xi32>, vector<16xi32>], vector<16xf32>,
        %mul3A_218 = arith.constant 16 : i32
        %mul3A_219 = arith.muli %scan3A_208, %mul3A_218 : i32
        %get3A_220 = arith.constant 1 : i32
        %get3A_221 = arith.index_cast %get3A_220 : i32 to index
        %get3A_222 = arith.index_cast %mul3A_219 : i32 to index
        %get3A_223 = tpu.vector_load %arg11[%get3A_221, %get3A_222] {strides = array<i32>} : memref<16x64xf32, #tpu.memory_space<vmem>>, vector<16xf32>,
        tpu.vector_store_idx %arg12[%add3A_212, %add3A_19], %get3A_223 : memref<8x128xf32, #tpu.memory_space<vmem>>[vector<16xi32>, vector<16xi32>], vector<16xf32>,
        %mul3A_224 = arith.constant 16 : i32
        %mul3A_225 = arith.muli %scan3A_208, %mul3A_224 : i32
        %get3A_226 = arith.constant 2 : i32
        %get3A_227 = arith.index_cast %get3A_226 : i32 to index
        %get3A_228 = arith.index_cast %mul3A_225 : i32 to index
        %get3A_229 = tpu.vector_load %arg11[%get3A_227, %get3A_228] {strides = array<i32>} : memref<16x64xf32, #tpu.memory_space<vmem>>, vector<16xf32>,
        tpu.vector_store_idx %arg12[%add3A_212, %add3A_28], %get3A_229 : memref<8x128xf32, #tpu.memory_space<vmem>>[vector<16xi32>, vector<16xi32>], vector<16xf32>,
        %mul3A_230 = arith.constant 16 : i32
        %mul3A_231 = arith.muli %scan3A_208, %mul3A_230 : i32
        %get3A_232 = arith.constant 3 : i32
        %get3A_233 = arith.index_cast %get3A_232 : i32 to index
        %get3A_234 = arith.index_cast %mul3A_231 : i32 to index
        %get3A_235 = tpu.vector_load %arg11[%get3A_233, %get3A_234] {strides = array<i32>} : memref<16x64xf32, #tpu.memory_space<vmem>>, vector<16xf32>,
        tpu.vector_store_idx %arg12[%add3A_212, %add3A_37], %get3A_235 : memref<8x128xf32, #tpu.memory_space<vmem>>[vector<16xi32>, vector<16xi32>], vector<16xf32>,
        %mul3A_236 = arith.constant 16 : i32
        %mul3A_237 = arith.muli %scan3A_208, %mul3A_236 : i32
        %get3A_238 = arith.constant 4 : i32
        %get3A_239 = arith.index_cast %get3A_238 : i32 to index
        %get3A_240 = arith.index_cast %mul3A_237 : i32 to index
        %get3A_241 = tpu.vector_load %arg11[%get3A_239, %get3A_240] {strides = array<i32>} : memref<16x64xf32, #tpu.memory_space<vmem>>, vector<16xf32>,
        tpu.vector_store_idx %arg12[%add3A_212, %add3A_46], %get3A_241 : memref<8x128xf32, #tpu.memory_space<vmem>>[vector<16xi32>, vector<16xi32>], vector<16xf32>,
        %mul3A_242 = arith.constant 16 : i32
        %mul3A_243 = arith.muli %scan3A_208, %mul3A_242 : i32
        %get3A_244 = arith.constant 5 : i32
        %get3A_245 = arith.index_cast %get3A_244 : i32 to index
        %get3A_246 = arith.index_cast %mul3A_243 : i32 to index
        %get3A_247 = tpu.vector_load %arg11[%get3A_245, %get3A_246] {strides = array<i32>} : memref<16x64xf32, #tpu.memory_space<vmem>>, vector<16xf32>,
        tpu.vector_store_idx %arg12[%add3A_212, %add3A_55], %get3A_247 : memref<8x128xf32, #tpu.memory_space<vmem>>[vector<16xi32>, vector<16xi32>], vector<16xf32>,
        %mul3A_248 = arith.constant 16 : i32
        %mul3A_249 = arith.muli %scan3A_208, %mul3A_248 : i32
        %get3A_250 = arith.constant 6 : i32
        %get3A_251 = arith.index_cast %get3A_250 : i32 to index
        %get3A_252 = arith.index_cast %mul3A_249 : i32 to index
        %get3A_253 = tpu.vector_load %arg11[%get3A_251, %get3A_252] {strides = array<i32>} : memref<16x64xf32, #tpu.memory_space<vmem>>, vector<16xf32>,
        tpu.vector_store_idx %arg12[%add3A_212, %add3A_64], %get3A_253 : memref<8x128xf32, #tpu.memory_space<vmem>>[vector<16xi32>, vector<16xi32>], vector<16xf32>,
        %mul3A_254 = arith.constant 16 : i32
        %mul3A_255 = arith.muli %scan3A_208, %mul3A_254 : i32
        %get3A_256 = arith.constant 7 : i32
        %get3A_257 = arith.index_cast %get3A_256 : i32 to index
        %get3A_258 = arith.index_cast %mul3A_255 : i32 to index
        %get3A_259 = tpu.vector_load %arg11[%get3A_257, %get3A_258] {strides = array<i32>} : memref<16x64xf32, #tpu.memory_space<vmem>>, vector<16xf32>,
        tpu.vector_store_idx %arg12[%add3A_212, %add3A_73], %get3A_259 : memref<8x128xf32, #tpu.memory_space<vmem>>[vector<16xi32>, vector<16xi32>], vector<16xf32>,
        %mul3A_260 = arith.constant 16 : i32
        %mul3A_261 = arith.muli %scan3A_208, %mul3A_260 : i32
        %get3A_262 = arith.constant 8 : i32
        %get3A_263 = arith.index_cast %get3A_262 : i32 to index
        %get3A_264 = arith.index_cast %mul3A_261 : i32 to index
        %get3A_265 = tpu.vector_load %arg11[%get3A_263, %get3A_264] {strides = array<i32>} : memref<16x64xf32, #tpu.memory_space<vmem>>, vector<16xf32>,
        tpu.vector_store_idx %arg12[%add3A_212, %add3A_82], %get3A_265 : memref<8x128xf32, #tpu.memory_space<vmem>>[vector<16xi32>, vector<16xi32>], vector<16xf32>,
        %mul3A_266 = arith.constant 16 : i32
        %mul3A_267 = arith.muli %scan3A_208, %mul3A_266 : i32
        %get3A_268 = arith.constant 9 : i32
        %get3A_269 = arith.index_cast %get3A_268 : i32 to index
        %get3A_270 = arith.index_cast %mul3A_267 : i32 to index
        %get3A_271 = tpu.vector_load %arg11[%get3A_269, %get3A_270] {strides = array<i32>} : memref<16x64xf32, #tpu.memory_space<vmem>>, vector<16xf32>,
        tpu.vector_store_idx %arg12[%add3A_212, %add3A_91], %get3A_271 : memref<8x128xf32, #tpu.memory_space<vmem>>[vector<16xi32>, vector<16xi32>], vector<16xf32>,
        %mul3A_272 = arith.constant 16 : i32
        %mul3A_273 = arith.muli %scan3A_208, %mul3A_272 : i32
        %get3A_274 = arith.constant 10 : i32
        %get3A_275 = arith.index_cast %get3A_274 : i32 to index
        %get3A_276 = arith.index_cast %mul3A_273 : i32 to index
        %get3A_277 = tpu.vector_load %arg11[%get3A_275, %get3A_276] {strides = array<i32>} : memref<16x64xf32, #tpu.memory_space<vmem>>, vector<16xf32>,
        tpu.vector_store_idx %arg12[%add3A_212, %add3A_100], %get3A_277 : memref<8x128xf32, #tpu.memory_space<vmem>>[vector<16xi32>, vector<16xi32>], vector<16xf32>,
        %mul3A_278 = arith.constant 16 : i32
        %mul3A_279 = arith.muli %scan3A_208, %mul3A_278 : i32
        %get3A_280 = arith.constant 11 : i32
        %get3A_281 = arith.index_cast %get3A_280 : i32 to index
        %get3A_282 = arith.index_cast %mul3A_279 : i32 to index
        %get3A_283 = tpu.vector_load %arg11[%get3A_281, %get3A_282] {strides = array<i32>} : memref<16x64xf32, #tpu.memory_space<vmem>>, vector<16xf32>,
        tpu.vector_store_idx %arg12[%add3A_212, %add3A_109], %get3A_283 : memref<8x128xf32, #tpu.memory_space<vmem>>[vector<16xi32>, vector<16xi32>], vector<16xf32>,
        %mul3A_284 = arith.constant 16 : i32
        %mul3A_285 = arith.muli %scan3A_208, %mul3A_284 : i32
        %get3A_286 = arith.constant 12 : i32
        %get3A_287 = arith.index_cast %get3A_286 : i32 to index
        %get3A_288 = arith.index_cast %mul3A_285 : i32 to index
        %get3A_289 = tpu.vector_load %arg11[%get3A_287, %get3A_288] {strides = array<i32>} : memref<16x64xf32, #tpu.memory_space<vmem>>, vector<16xf32>,
        tpu.vector_store_idx %arg12[%add3A_212, %add3A_118], %get3A_289 : memref<8x128xf32, #tpu.memory_space<vmem>>[vector<16xi32>, vector<16xi32>], vector<16xf32>,
        %mul3A_290 = arith.constant 16 : i32
        %mul3A_291 = arith.muli %scan3A_208, %mul3A_290 : i32
        %get3A_292 = arith.constant 13 : i32
        %get3A_293 = arith.index_cast %get3A_292 : i32 to index
        %get3A_294 = arith.index_cast %mul3A_291 : i32 to index
        %get3A_295 = tpu.vector_load %arg11[%get3A_293, %get3A_294] {strides = array<i32>} : memref<16x64xf32, #tpu.memory_space<vmem>>, vector<16xf32>,
        tpu.vector_store_idx %arg12[%add3A_212, %add3A_127], %get3A_295 : memref<8x128xf32, #tpu.memory_space<vmem>>[vector<16xi32>, vector<16xi32>], vector<16xf32>,
        %mul3A_296 = arith.constant 16 : i32
        %mul3A_297 = arith.muli %scan3A_208, %mul3A_296 : i32
        %get3A_298 = arith.constant 14 : i32
        %get3A_299 = arith.index_cast %get3A_298 : i32 to index
        %get3A_300 = arith.index_cast %mul3A_297 : i32 to index
        %get3A_301 = tpu.vector_load %arg11[%get3A_299, %get3A_300] {strides = array<i32>} : memref<16x64xf32, #tpu.memory_space<vmem>>, vector<16xf32>,
        tpu.vector_store_idx %arg12[%add3A_212, %add3A_136], %get3A_301 : memref<8x128xf32, #tpu.memory_space<vmem>>[vector<16xi32>, vector<16xi32>], vector<16xf32>,
        %mul3A_302 = arith.constant 16 : i32
        %mul3A_303 = arith.muli %scan3A_208, %mul3A_302 : i32
        %get3A_304 = arith.constant 15 : i32
        %get3A_305 = arith.index_cast %get3A_304 : i32 to index
        %get3A_306 = arith.index_cast %mul3A_303 : i32 to index
        %get3A_307 = tpu.vector_load %arg11[%get3A_305, %get3A_306] {strides = array<i32>} : memref<16x64xf32, #tpu.memory_space<vmem>>, vector<16xf32>,
        tpu.vector_store_idx %arg12[%add3A_212, %add3A_145], %get3A_307 : memref<8x128xf32, #tpu.memory_space<vmem>>[vector<16xi32>, vector<16xi32>], vector<16xf32>,
      }
      %scan3A_207 = arith.constant 4 : i32
      "tpu.region"() ({
        %run_scoped3A = tpu.sem_alloc : memref<!tpu.dma_semaphore, #tpu.memory_space<semaphore_mem>>
        %dma_start3A_208 = arith.constant 124992 : i32
        %dma_start3A_209 = arith.constant 0 : i32
        %dma_start3A_210 = tpu.memref_slice %arg5[%dma_start3A_208, %dma_start3A_209] : memref<125000x128xf32, #tpu.memory_space<hbm>> -> memref<8x128xf32, #tpu.memory_space<hbm>>
        %dma_start3A_211 = arith.constant 124992 : i32
        %dma_start3A_212 = arith.constant 0 : i32
        %dma_start3A_213 = tpu.memref_slice %arg5[%dma_start3A_211, %dma_start3A_212] : memref<125000x128xf32, #tpu.memory_space<hbm>> -> memref<8x128xf32, #tpu.memory_space<hbm>>
        tpu.enqueue_dma source(%arg12 : memref<8x128xf32, #tpu.memory_space<vmem>>) target(%dma_start3A_213 : memref<8x128xf32, #tpu.memory_space<hbm>>) target_semaphore(%run_scoped3A : memref<!tpu.dma_semaphore, #tpu.memory_space<semaphore_mem>>)
        %dma_wait3A_214 = arith.constant 124992 : i32
        %dma_wait3A_215 = arith.constant 0 : i32
        %dma_wait3A_216 = tpu.memref_slice %arg5[%dma_wait3A_214, %dma_wait3A_215] : memref<125000x128xf32, #tpu.memory_space<hbm>> -> memref<8x128xf32, #tpu.memory_space<hbm>>
        %dma_wait3A_217 = arith.constant 124992 : i32
        %dma_wait3A_218 = arith.constant 0 : i32
        %dma_wait3A_219 = tpu.memref_slice %arg5[%dma_wait3A_217, %dma_wait3A_218] : memref<125000x128xf32, #tpu.memory_space<hbm>> -> memref<8x128xf32, #tpu.memory_space<hbm>>
        tpu.wait_dma2 semaphore(%run_scoped3A : memref<!tpu.dma_semaphore, #tpu.memory_space<semaphore_mem>>) src(%arg12 : memref<8x128xf32, #tpu.memory_space<vmem>>) dst(%dma_wait3A_219 : memref<8x128xf32, #tpu.memory_space<hbm>>)
        tpu.yield
      }) : () -> ()
    } else {
    }
    %eq3A_198 = arith.constant 31 : i32
    %eq3A_199 = arith.cmpi eq, %add3A, %eq3A_198 : i32
    %convert_element_type3A_200 = arith.extui %eq3A_199 : i1 to i32
    %cond3A_201 = arith.constant 0 : i32
    %cond3A_202 = arith.cmpi ne, %convert_element_type3A_200, %cond3A_201 : i32
    scf.if %cond3A_202 {
      "tpu.region"() ({
        %run_scoped3A = tpu.sem_alloc : memref<!tpu.dma_semaphore, #tpu.memory_space<semaphore_mem>>
        %dma_start3A_208 = arith.constant 0 : i32
        %dma_start3A_209 = arith.constant 0 : i32
        %dma_start3A_210 = tpu.memref_slice %arg7[%dma_start3A_208, %dma_start3A_209] : memref<16x1536xf32, #tpu.memory_space<vmem>> -> memref<16x1024xf32, #tpu.memory_space<vmem>>
        %dma_start3A_211 = arith.constant 0 : i32
        %dma_start3A_212 = arith.constant 0 : i32
        %dma_start3A_213 = tpu.memref_slice %arg7[%dma_start3A_211, %dma_start3A_212] : memref<16x1536xf32, #tpu.memory_space<vmem>> -> memref<16x1024xf32, #tpu.memory_space<vmem>>
        tpu.enqueue_dma source(%arg4 : memref<16x1024xf32, #tpu.memory_space<hbm>>) target(%dma_start3A_213 : memref<16x1024xf32, #tpu.memory_space<vmem>>) target_semaphore(%run_scoped3A : memref<!tpu.dma_semaphore, #tpu.memory_space<semaphore_mem>>)
        %dma_wait3A_214 = arith.constant 0 : i32
        %dma_wait3A_215 = arith.constant 0 : i32
        %dma_wait3A_216 = tpu.memref_slice %arg7[%dma_wait3A_214, %dma_wait3A_215] : memref<16x1536xf32, #tpu.memory_space<vmem>> -> memref<16x1024xf32, #tpu.memory_space<vmem>>
        %dma_wait3A_217 = arith.constant 0 : i32
        %dma_wait3A_218 = arith.constant 0 : i32
        %dma_wait3A_219 = tpu.memref_slice %arg7[%dma_wait3A_217, %dma_wait3A_218] : memref<16x1536xf32, #tpu.memory_space<vmem>> -> memref<16x1024xf32, #tpu.memory_space<vmem>>
        tpu.wait_dma2 semaphore(%run_scoped3A : memref<!tpu.dma_semaphore, #tpu.memory_space<semaphore_mem>>) src(%arg4 : memref<16x1024xf32, #tpu.memory_space<hbm>>) dst(%dma_wait3A_219 : memref<16x1024xf32, #tpu.memory_space<vmem>>)
        tpu.yield
      }) : () -> ()
      %scan3A = arith.constant 0 : i32
      %scan3A_203 = arith.constant 0 : i32
      %scan3A_204 = arith.constant 64 : i32
      %scan3A_205 = arith.addi %scan3A_203, %scan3A_204 : i32
      %scan3A_206 = arith.constant 1 : i32
      scf.for %scan3A_208 = %scan3A_203 to %scan3A_205 step %scan3A_206  : i32 {
        %mul3A_209 = arith.constant 2 : i32
        %mul3A_210 = arith.muli %mul3A_209, %scan3A_208 : i32
        %add3A_211 = vector.broadcast %mul3A_210 : i32 to vector<16xi32>
        %add3A_212 = arith.addi %shift_right_logical3A_2, %add3A_211 : vector<16xi32>
        %mul3A_213 = arith.constant 16 : i32
        %mul3A_214 = arith.muli %scan3A_208, %mul3A_213 : i32
        %get3A = arith.constant 0 : i32
        %get3A_215 = arith.index_cast %get3A : i32 to index
        %get3A_216 = arith.index_cast %mul3A_214 : i32 to index
        %get3A_217 = tpu.vector_load %arg7[%get3A_215, %get3A_216] {strides = array<i32>} : memref<16x1536xf32, #tpu.memory_space<vmem>>, vector<16xf32>,
        tpu.vector_store_idx %arg9[%add3A_212, %add3A_10], %get3A_217 : memref<192x128xf32, #tpu.memory_space<vmem>>[vector<16xi32>, vector<16xi32>], vector<16xf32>,
        %mul3A_218 = arith.constant 16 : i32
        %mul3A_219 = arith.muli %scan3A_208, %mul3A_218 : i32
        %get3A_220 = arith.constant 1 : i32
        %get3A_221 = arith.index_cast %get3A_220 : i32 to index
        %get3A_222 = arith.index_cast %mul3A_219 : i32 to index
        %get3A_223 = tpu.vector_load %arg7[%get3A_221, %get3A_222] {strides = array<i32>} : memref<16x1536xf32, #tpu.memory_space<vmem>>, vector<16xf32>,
        tpu.vector_store_idx %arg9[%add3A_212, %add3A_19], %get3A_223 : memref<192x128xf32, #tpu.memory_space<vmem>>[vector<16xi32>, vector<16xi32>], vector<16xf32>,
        %mul3A_224 = arith.constant 16 : i32
        %mul3A_225 = arith.muli %scan3A_208, %mul3A_224 : i32
        %get3A_226 = arith.constant 2 : i32
        %get3A_227 = arith.index_cast %get3A_226 : i32 to index
        %get3A_228 = arith.index_cast %mul3A_225 : i32 to index
        %get3A_229 = tpu.vector_load %arg7[%get3A_227, %get3A_228] {strides = array<i32>} : memref<16x1536xf32, #tpu.memory_space<vmem>>, vector<16xf32>,
        tpu.vector_store_idx %arg9[%add3A_212, %add3A_28], %get3A_229 : memref<192x128xf32, #tpu.memory_space<vmem>>[vector<16xi32>, vector<16xi32>], vector<16xf32>,
        %mul3A_230 = arith.constant 16 : i32
        %mul3A_231 = arith.muli %scan3A_208, %mul3A_230 : i32
        %get3A_232 = arith.constant 3 : i32
        %get3A_233 = arith.index_cast %get3A_232 : i32 to index
        %get3A_234 = arith.index_cast %mul3A_231 : i32 to index
        %get3A_235 = tpu.vector_load %arg7[%get3A_233, %get3A_234] {strides = array<i32>} : memref<16x1536xf32, #tpu.memory_space<vmem>>, vector<16xf32>,
        tpu.vector_store_idx %arg9[%add3A_212, %add3A_37], %get3A_235 : memref<192x128xf32, #tpu.memory_space<vmem>>[vector<16xi32>, vector<16xi32>], vector<16xf32>,
        %mul3A_236 = arith.constant 16 : i32
        %mul3A_237 = arith.muli %scan3A_208, %mul3A_236 : i32
        %get3A_238 = arith.constant 4 : i32
        %get3A_239 = arith.index_cast %get3A_238 : i32 to index
        %get3A_240 = arith.index_cast %mul3A_237 : i32 to index
        %get3A_241 = tpu.vector_load %arg7[%get3A_239, %get3A_240] {strides = array<i32>} : memref<16x1536xf32, #tpu.memory_space<vmem>>, vector<16xf32>,
        tpu.vector_store_idx %arg9[%add3A_212, %add3A_46], %get3A_241 : memref<192x128xf32, #tpu.memory_space<vmem>>[vector<16xi32>, vector<16xi32>], vector<16xf32>,
        %mul3A_242 = arith.constant 16 : i32
        %mul3A_243 = arith.muli %scan3A_208, %mul3A_242 : i32
        %get3A_244 = arith.constant 5 : i32
        %get3A_245 = arith.index_cast %get3A_244 : i32 to index
        %get3A_246 = arith.index_cast %mul3A_243 : i32 to index
        %get3A_247 = tpu.vector_load %arg7[%get3A_245, %get3A_246] {strides = array<i32>} : memref<16x1536xf32, #tpu.memory_space<vmem>>, vector<16xf32>,
        tpu.vector_store_idx %arg9[%add3A_212, %add3A_55], %get3A_247 : memref<192x128xf32, #tpu.memory_space<vmem>>[vector<16xi32>, vector<16xi32>], vector<16xf32>,
        %mul3A_248 = arith.constant 16 : i32
        %mul3A_249 = arith.muli %scan3A_208, %mul3A_248 : i32
        %get3A_250 = arith.constant 6 : i32
        %get3A_251 = arith.index_cast %get3A_250 : i32 to index
        %get3A_252 = arith.index_cast %mul3A_249 : i32 to index
        %get3A_253 = tpu.vector_load %arg7[%get3A_251, %get3A_252] {strides = array<i32>} : memref<16x1536xf32, #tpu.memory_space<vmem>>, vector<16xf32>,
        tpu.vector_store_idx %arg9[%add3A_212, %add3A_64], %get3A_253 : memref<192x128xf32, #tpu.memory_space<vmem>>[vector<16xi32>, vector<16xi32>], vector<16xf32>,
        %mul3A_254 = arith.constant 16 : i32
        %mul3A_255 = arith.muli %scan3A_208, %mul3A_254 : i32
        %get3A_256 = arith.constant 7 : i32
        %get3A_257 = arith.index_cast %get3A_256 : i32 to index
        %get3A_258 = arith.index_cast %mul3A_255 : i32 to index
        %get3A_259 = tpu.vector_load %arg7[%get3A_257, %get3A_258] {strides = array<i32>} : memref<16x1536xf32, #tpu.memory_space<vmem>>, vector<16xf32>,
        tpu.vector_store_idx %arg9[%add3A_212, %add3A_73], %get3A_259 : memref<192x128xf32, #tpu.memory_space<vmem>>[vector<16xi32>, vector<16xi32>], vector<16xf32>,
        %mul3A_260 = arith.constant 16 : i32
        %mul3A_261 = arith.muli %scan3A_208, %mul3A_260 : i32
        %get3A_262 = arith.constant 8 : i32
        %get3A_263 = arith.index_cast %get3A_262 : i32 to index
        %get3A_264 = arith.index_cast %mul3A_261 : i32 to index
        %get3A_265 = tpu.vector_load %arg7[%get3A_263, %get3A_264] {strides = array<i32>} : memref<16x1536xf32, #tpu.memory_space<vmem>>, vector<16xf32>,
        tpu.vector_store_idx %arg9[%add3A_212, %add3A_82], %get3A_265 : memref<192x128xf32, #tpu.memory_space<vmem>>[vector<16xi32>, vector<16xi32>], vector<16xf32>,
        %mul3A_266 = arith.constant 16 : i32
        %mul3A_267 = arith.muli %scan3A_208, %mul3A_266 : i32
        %get3A_268 = arith.constant 9 : i32
        %get3A_269 = arith.index_cast %get3A_268 : i32 to index
        %get3A_270 = arith.index_cast %mul3A_267 : i32 to index
        %get3A_271 = tpu.vector_load %arg7[%get3A_269, %get3A_270] {strides = array<i32>} : memref<16x1536xf32, #tpu.memory_space<vmem>>, vector<16xf32>,
        tpu.vector_store_idx %arg9[%add3A_212, %add3A_91], %get3A_271 : memref<192x128xf32, #tpu.memory_space<vmem>>[vector<16xi32>, vector<16xi32>], vector<16xf32>,
        %mul3A_272 = arith.constant 16 : i32
        %mul3A_273 = arith.muli %scan3A_208, %mul3A_272 : i32
        %get3A_274 = arith.constant 10 : i32
        %get3A_275 = arith.index_cast %get3A_274 : i32 to index
        %get3A_276 = arith.index_cast %mul3A_273 : i32 to index
        %get3A_277 = tpu.vector_load %arg7[%get3A_275, %get3A_276] {strides = array<i32>} : memref<16x1536xf32, #tpu.memory_space<vmem>>, vector<16xf32>,
        tpu.vector_store_idx %arg9[%add3A_212, %add3A_100], %get3A_277 : memref<192x128xf32, #tpu.memory_space<vmem>>[vector<16xi32>, vector<16xi32>], vector<16xf32>,
        %mul3A_278 = arith.constant 16 : i32
        %mul3A_279 = arith.muli %scan3A_208, %mul3A_278 : i32
        %get3A_280 = arith.constant 11 : i32
        %get3A_281 = arith.index_cast %get3A_280 : i32 to index
        %get3A_282 = arith.index_cast %mul3A_279 : i32 to index
        %get3A_283 = tpu.vector_load %arg7[%get3A_281, %get3A_282] {strides = array<i32>} : memref<16x1536xf32, #tpu.memory_space<vmem>>, vector<16xf32>,
        tpu.vector_store_idx %arg9[%add3A_212, %add3A_109], %get3A_283 : memref<192x128xf32, #tpu.memory_space<vmem>>[vector<16xi32>, vector<16xi32>], vector<16xf32>,
        %mul3A_284 = arith.constant 16 : i32
        %mul3A_285 = arith.muli %scan3A_208, %mul3A_284 : i32
        %get3A_286 = arith.constant 12 : i32
        %get3A_287 = arith.index_cast %get3A_286 : i32 to index
        %get3A_288 = arith.index_cast %mul3A_285 : i32 to index
        %get3A_289 = tpu.vector_load %arg7[%get3A_287, %get3A_288] {strides = array<i32>} : memref<16x1536xf32, #tpu.memory_space<vmem>>, vector<16xf32>,
        tpu.vector_store_idx %arg9[%add3A_212, %add3A_118], %get3A_289 : memref<192x128xf32, #tpu.memory_space<vmem>>[vector<16xi32>, vector<16xi32>], vector<16xf32>,
        %mul3A_290 = arith.constant 16 : i32
        %mul3A_291 = arith.muli %scan3A_208, %mul3A_290 : i32
        %get3A_292 = arith.constant 13 : i32
        %get3A_293 = arith.index_cast %get3A_292 : i32 to index
        %get3A_294 = arith.index_cast %mul3A_291 : i32 to index
        %get3A_295 = tpu.vector_load %arg7[%get3A_293, %get3A_294] {strides = array<i32>} : memref<16x1536xf32, #tpu.memory_space<vmem>>, vector<16xf32>,
        tpu.vector_store_idx %arg9[%add3A_212, %add3A_127], %get3A_295 : memref<192x128xf32, #tpu.memory_space<vmem>>[vector<16xi32>, vector<16xi32>], vector<16xf32>,
        %mul3A_296 = arith.constant 16 : i32
        %mul3A_297 = arith.muli %scan3A_208, %mul3A_296 : i32
        %get3A_298 = arith.constant 14 : i32
        %get3A_299 = arith.index_cast %get3A_298 : i32 to index
        %get3A_300 = arith.index_cast %mul3A_297 : i32 to index
        %get3A_301 = tpu.vector_load %arg7[%get3A_299, %get3A_300] {strides = array<i32>} : memref<16x1536xf32, #tpu.memory_space<vmem>>, vector<16xf32>,
        tpu.vector_store_idx %arg9[%add3A_212, %add3A_136], %get3A_301 : memref<192x128xf32, #tpu.memory_space<vmem>>[vector<16xi32>, vector<16xi32>], vector<16xf32>,
        %mul3A_302 = arith.constant 16 : i32
        %mul3A_303 = arith.muli %scan3A_208, %mul3A_302 : i32
        %get3A_304 = arith.constant 15 : i32
        %get3A_305 = arith.index_cast %get3A_304 : i32 to index
        %get3A_306 = arith.index_cast %mul3A_303 : i32 to index
        %get3A_307 = tpu.vector_load %arg7[%get3A_305, %get3A_306] {strides = array<i32>} : memref<16x1536xf32, #tpu.memory_space<vmem>>, vector<16xf32>,
        tpu.vector_store_idx %arg9[%add3A_212, %add3A_145], %get3A_307 : memref<192x128xf32, #tpu.memory_space<vmem>>[vector<16xi32>, vector<16xi32>], vector<16xf32>,
      }
      %scan3A_207 = arith.constant 64 : i32
      "tpu.region"() ({
        %run_scoped3A = tpu.sem_alloc : memref<!tpu.dma_semaphore, #tpu.memory_space<semaphore_mem>>
        %dma_start3A_208 = arith.constant 0 : i32
        %dma_start3A_209 = arith.constant 0 : i32
        %dma_start3A_210 = tpu.memref_slice %arg9[%dma_start3A_208, %dma_start3A_209] : memref<192x128xf32, #tpu.memory_space<vmem>> -> memref<128x128xf32, #tpu.memory_space<vmem>>
        %dma_start3A_211 = arith.constant 0 : i32
        %dma_start3A_212 = arith.constant 0 : i32
        %dma_start3A_213 = tpu.memref_slice %arg9[%dma_start3A_211, %dma_start3A_212] : memref<192x128xf32, #tpu.memory_space<vmem>> -> memref<128x128xf32, #tpu.memory_space<vmem>>
        tpu.enqueue_dma source(%dma_start3A_213 : memref<128x128xf32, #tpu.memory_space<vmem>>) target(%arg6 : memref<128x128xf32, #tpu.memory_space<hbm>>) target_semaphore(%run_scoped3A : memref<!tpu.dma_semaphore, #tpu.memory_space<semaphore_mem>>)
        %dma_wait3A_214 = arith.constant 0 : i32
        %dma_wait3A_215 = arith.constant 0 : i32
        %dma_wait3A_216 = tpu.memref_slice %arg9[%dma_wait3A_214, %dma_wait3A_215] : memref<192x128xf32, #tpu.memory_space<vmem>> -> memref<128x128xf32, #tpu.memory_space<vmem>>
        %dma_wait3A_217 = arith.constant 0 : i32
        %dma_wait3A_218 = arith.constant 0 : i32
        %dma_wait3A_219 = tpu.memref_slice %arg9[%dma_wait3A_217, %dma_wait3A_218] : memref<192x128xf32, #tpu.memory_space<vmem>> -> memref<128x128xf32, #tpu.memory_space<vmem>>
        tpu.wait_dma2 semaphore(%run_scoped3A : memref<!tpu.dma_semaphore, #tpu.memory_space<semaphore_mem>>) src(%dma_wait3A_219 : memref<128x128xf32, #tpu.memory_space<vmem>>) dst(%arg6 : memref<128x128xf32, #tpu.memory_space<hbm>>)
        tpu.yield
      }) : () -> ()
    } else {
    }
    return
  }
}

#map = affine_map<(d0, d1) -> (0)>
#map1 = affine_map<(d0, d1) -> (0, 0)>
module attributes {stable_mosaic.version = 14 : i64} {
  func.func @user_k(%arg0: i32, %arg1: i32, %arg2: memref<16384xi32, #tpu.memory_space<hbm>>, %arg3: memref<16384xi32, #tpu.memory_space<hbm>>, %arg4: memref<125000x128xf32, #tpu.memory_space<hbm>>, %arg5: memref<128x128xf32, #tpu.memory_space<hbm>>, %arg6: memref<16x16384xf32, #tpu.memory_space<hbm>>, %arg7: memref<16x16384xf32, #tpu.memory_space<hbm>>, %arg8: memref<4x128xi32, #tpu.memory_space<vmem>>, %arg9: memref<4x128xi32, #tpu.memory_space<vmem>>, %arg10: memref<512x128xf32, #tpu.memory_space<vmem>>, %arg11: memref<16x512xf32, #tpu.memory_space<vmem>>, %arg12: memref<!tpu.dma_semaphore, #tpu.memory_space<semaphore_mem>>) attributes {dimension_semantics = [#tpu.dimension_semantics<core_parallel>, #tpu.dimension_semantics<subcore_parallel>], iteration_bounds = array<i64: 2, 16>, scalar_prefetch = 0 : i64, scratch_operands = 5 : i64, tpu.core_type = #tpu.core_type<sc_vector_subcore>, window_params = [{transform_indices = #map}, {transform_indices = #map}, {transform_indices = #map1}, {transform_indices = #map1}, {transform_indices = #map1}, {transform_indices = #map1}]} {
    %mul3A = arith.constant 2 : i32
    %mul3A_0 = arith.muli %arg1, %mul3A : i32
    %add3A = arith.addi %mul3A_0, %arg0 : i32
    %mul3A_1 = arith.constant 512 : i32
    %mul3A_2 = arith.muli %add3A, %mul3A_1 : i32
    %iota3A = tpu.iota {dimensions = array<i32: 0>} : vector<16xi32>
    %add3A_3 = arith.constant 0 : i32
    %add3A_4 = arith.addi %mul3A_2, %add3A_3 : i32
    %run_scoped3A = arith.constant 0 : i32
    "tpu.region"() ({
      %run_scoped3A_896 = tpu.sem_alloc : memref<!tpu.dma_semaphore, #tpu.memory_space<semaphore_mem>>
      %dma_start3A_897 = arith.constant 0 : i32
      %dma_start3A_898 = tpu.memref_slice %arg8[%run_scoped3A, %dma_start3A_897] : memref<4x128xi32, #tpu.memory_space<vmem>> -> memref<1x128xi32, #tpu.memory_space<vmem>>
      %dma_start3A_899 = tpu.memref_squeeze %dma_start3A_898 : memref<1x128xi32, #tpu.memory_space<vmem>> -> memref<128xi32, #tpu.memory_space<vmem>>
      %dma_start3A_900 = tpu.memref_slice %arg2[%add3A_4] : memref<16384xi32, #tpu.memory_space<hbm>> -> memref<128xi32, #tpu.memory_space<hbm>>
      %dma_start3A_901 = arith.constant 0 : i32
      %dma_start3A_902 = tpu.memref_slice %arg8[%run_scoped3A, %dma_start3A_901] : memref<4x128xi32, #tpu.memory_space<vmem>> -> memref<1x128xi32, #tpu.memory_space<vmem>>
      %dma_start3A_903 = tpu.memref_squeeze %dma_start3A_902 : memref<1x128xi32, #tpu.memory_space<vmem>> -> memref<128xi32, #tpu.memory_space<vmem>>
      %dma_start3A_904 = tpu.memref_slice %arg2[%add3A_4] : memref<16384xi32, #tpu.memory_space<hbm>> -> memref<128xi32, #tpu.memory_space<hbm>>
      tpu.enqueue_dma source(%dma_start3A_904 : memref<128xi32, #tpu.memory_space<hbm>>) target(%dma_start3A_903 : memref<128xi32, #tpu.memory_space<vmem>>) target_semaphore(%run_scoped3A_896 : memref<!tpu.dma_semaphore, #tpu.memory_space<semaphore_mem>>)
      %dma_wait3A_905 = arith.constant 0 : i32
      %dma_wait3A_906 = tpu.memref_slice %arg8[%run_scoped3A, %dma_wait3A_905] : memref<4x128xi32, #tpu.memory_space<vmem>> -> memref<1x128xi32, #tpu.memory_space<vmem>>
      %dma_wait3A_907 = tpu.memref_squeeze %dma_wait3A_906 : memref<1x128xi32, #tpu.memory_space<vmem>> -> memref<128xi32, #tpu.memory_space<vmem>>
      %dma_wait3A_908 = tpu.memref_slice %arg2[%add3A_4] : memref<16384xi32, #tpu.memory_space<hbm>> -> memref<128xi32, #tpu.memory_space<hbm>>
      %dma_wait3A_909 = arith.constant 0 : i32
      %dma_wait3A_910 = tpu.memref_slice %arg8[%run_scoped3A, %dma_wait3A_909] : memref<4x128xi32, #tpu.memory_space<vmem>> -> memref<1x128xi32, #tpu.memory_space<vmem>>
      %dma_wait3A_911 = tpu.memref_squeeze %dma_wait3A_910 : memref<1x128xi32, #tpu.memory_space<vmem>> -> memref<128xi32, #tpu.memory_space<vmem>>
      %dma_wait3A_912 = tpu.memref_slice %arg2[%add3A_4] : memref<16384xi32, #tpu.memory_space<hbm>> -> memref<128xi32, #tpu.memory_space<hbm>>
      tpu.wait_dma2 semaphore(%run_scoped3A_896 : memref<!tpu.dma_semaphore, #tpu.memory_space<semaphore_mem>>) src(%dma_wait3A_912 : memref<128xi32, #tpu.memory_space<hbm>>) dst(%dma_wait3A_911 : memref<128xi32, #tpu.memory_space<vmem>>)
      tpu.yield
    }) : () -> ()
    %add3A_5 = arith.constant 128 : i32
    %add3A_6 = arith.addi %mul3A_2, %add3A_5 : i32
    %run_scoped3A_7 = arith.constant 1 : i32
    "tpu.region"() ({
      %run_scoped3A_896 = tpu.sem_alloc : memref<!tpu.dma_semaphore, #tpu.memory_space<semaphore_mem>>
      %dma_start3A_897 = arith.constant 0 : i32
      %dma_start3A_898 = tpu.memref_slice %arg8[%run_scoped3A_7, %dma_start3A_897] : memref<4x128xi32, #tpu.memory_space<vmem>> -> memref<1x128xi32, #tpu.memory_space<vmem>>
      %dma_start3A_899 = tpu.memref_squeeze %dma_start3A_898 : memref<1x128xi32, #tpu.memory_space<vmem>> -> memref<128xi32, #tpu.memory_space<vmem>>
      %dma_start3A_900 = tpu.memref_slice %arg2[%add3A_6] : memref<16384xi32, #tpu.memory_space<hbm>> -> memref<128xi32, #tpu.memory_space<hbm>>
      %dma_start3A_901 = arith.constant 0 : i32
      %dma_start3A_902 = tpu.memref_slice %arg8[%run_scoped3A_7, %dma_start3A_901] : memref<4x128xi32, #tpu.memory_space<vmem>> -> memref<1x128xi32, #tpu.memory_space<vmem>>
      %dma_start3A_903 = tpu.memref_squeeze %dma_start3A_902 : memref<1x128xi32, #tpu.memory_space<vmem>> -> memref<128xi32, #tpu.memory_space<vmem>>
      %dma_start3A_904 = tpu.memref_slice %arg2[%add3A_6] : memref<16384xi32, #tpu.memory_space<hbm>> -> memref<128xi32, #tpu.memory_space<hbm>>
      tpu.enqueue_dma source(%dma_start3A_904 : memref<128xi32, #tpu.memory_space<hbm>>) target(%dma_start3A_903 : memref<128xi32, #tpu.memory_space<vmem>>) target_semaphore(%run_scoped3A_896 : memref<!tpu.dma_semaphore, #tpu.memory_space<semaphore_mem>>)
      %dma_wait3A_905 = arith.constant 0 : i32
      %dma_wait3A_906 = tpu.memref_slice %arg8[%run_scoped3A_7, %dma_wait3A_905] : memref<4x128xi32, #tpu.memory_space<vmem>> -> memref<1x128xi32, #tpu.memory_space<vmem>>
      %dma_wait3A_907 = tpu.memref_squeeze %dma_wait3A_906 : memref<1x128xi32, #tpu.memory_space<vmem>> -> memref<128xi32, #tpu.memory_space<vmem>>
      %dma_wait3A_908 = tpu.memref_slice %arg2[%add3A_6] : memref<16384xi32, #tpu.memory_space<hbm>> -> memref<128xi32, #tpu.memory_space<hbm>>
      %dma_wait3A_909 = arith.constant 0 : i32
      %dma_wait3A_910 = tpu.memref_slice %arg8[%run_scoped3A_7, %dma_wait3A_909] : memref<4x128xi32, #tpu.memory_space<vmem>> -> memref<1x128xi32, #tpu.memory_space<vmem>>
      %dma_wait3A_911 = tpu.memref_squeeze %dma_wait3A_910 : memref<1x128xi32, #tpu.memory_space<vmem>> -> memref<128xi32, #tpu.memory_space<vmem>>
      %dma_wait3A_912 = tpu.memref_slice %arg2[%add3A_6] : memref<16384xi32, #tpu.memory_space<hbm>> -> memref<128xi32, #tpu.memory_space<hbm>>
      tpu.wait_dma2 semaphore(%run_scoped3A_896 : memref<!tpu.dma_semaphore, #tpu.memory_space<semaphore_mem>>) src(%dma_wait3A_912 : memref<128xi32, #tpu.memory_space<hbm>>) dst(%dma_wait3A_911 : memref<128xi32, #tpu.memory_space<vmem>>)
      tpu.yield
    }) : () -> ()
    %add3A_8 = arith.constant 256 : i32
    %add3A_9 = arith.addi %mul3A_2, %add3A_8 : i32
    %run_scoped3A_10 = arith.constant 2 : i32
    "tpu.region"() ({
      %run_scoped3A_896 = tpu.sem_alloc : memref<!tpu.dma_semaphore, #tpu.memory_space<semaphore_mem>>
      %dma_start3A_897 = arith.constant 0 : i32
      %dma_start3A_898 = tpu.memref_slice %arg8[%run_scoped3A_10, %dma_start3A_897] : memref<4x128xi32, #tpu.memory_space<vmem>> -> memref<1x128xi32, #tpu.memory_space<vmem>>
      %dma_start3A_899 = tpu.memref_squeeze %dma_start3A_898 : memref<1x128xi32, #tpu.memory_space<vmem>> -> memref<128xi32, #tpu.memory_space<vmem>>
      %dma_start3A_900 = tpu.memref_slice %arg2[%add3A_9] : memref<16384xi32, #tpu.memory_space<hbm>> -> memref<128xi32, #tpu.memory_space<hbm>>
      %dma_start3A_901 = arith.constant 0 : i32
      %dma_start3A_902 = tpu.memref_slice %arg8[%run_scoped3A_10, %dma_start3A_901] : memref<4x128xi32, #tpu.memory_space<vmem>> -> memref<1x128xi32, #tpu.memory_space<vmem>>
      %dma_start3A_903 = tpu.memref_squeeze %dma_start3A_902 : memref<1x128xi32, #tpu.memory_space<vmem>> -> memref<128xi32, #tpu.memory_space<vmem>>
      %dma_start3A_904 = tpu.memref_slice %arg2[%add3A_9] : memref<16384xi32, #tpu.memory_space<hbm>> -> memref<128xi32, #tpu.memory_space<hbm>>
      tpu.enqueue_dma source(%dma_start3A_904 : memref<128xi32, #tpu.memory_space<hbm>>) target(%dma_start3A_903 : memref<128xi32, #tpu.memory_space<vmem>>) target_semaphore(%run_scoped3A_896 : memref<!tpu.dma_semaphore, #tpu.memory_space<semaphore_mem>>)
      %dma_wait3A_905 = arith.constant 0 : i32
      %dma_wait3A_906 = tpu.memref_slice %arg8[%run_scoped3A_10, %dma_wait3A_905] : memref<4x128xi32, #tpu.memory_space<vmem>> -> memref<1x128xi32, #tpu.memory_space<vmem>>
      %dma_wait3A_907 = tpu.memref_squeeze %dma_wait3A_906 : memref<1x128xi32, #tpu.memory_space<vmem>> -> memref<128xi32, #tpu.memory_space<vmem>>
      %dma_wait3A_908 = tpu.memref_slice %arg2[%add3A_9] : memref<16384xi32, #tpu.memory_space<hbm>> -> memref<128xi32, #tpu.memory_space<hbm>>
      %dma_wait3A_909 = arith.constant 0 : i32
      %dma_wait3A_910 = tpu.memref_slice %arg8[%run_scoped3A_10, %dma_wait3A_909] : memref<4x128xi32, #tpu.memory_space<vmem>> -> memref<1x128xi32, #tpu.memory_space<vmem>>
      %dma_wait3A_911 = tpu.memref_squeeze %dma_wait3A_910 : memref<1x128xi32, #tpu.memory_space<vmem>> -> memref<128xi32, #tpu.memory_space<vmem>>
      %dma_wait3A_912 = tpu.memref_slice %arg2[%add3A_9] : memref<16384xi32, #tpu.memory_space<hbm>> -> memref<128xi32, #tpu.memory_space<hbm>>
      tpu.wait_dma2 semaphore(%run_scoped3A_896 : memref<!tpu.dma_semaphore, #tpu.memory_space<semaphore_mem>>) src(%dma_wait3A_912 : memref<128xi32, #tpu.memory_space<hbm>>) dst(%dma_wait3A_911 : memref<128xi32, #tpu.memory_space<vmem>>)
      tpu.yield
    }) : () -> ()
    %add3A_11 = arith.constant 384 : i32
    %add3A_12 = arith.addi %mul3A_2, %add3A_11 : i32
    %run_scoped3A_13 = arith.constant 3 : i32
    "tpu.region"() ({
      %run_scoped3A_896 = tpu.sem_alloc : memref<!tpu.dma_semaphore, #tpu.memory_space<semaphore_mem>>
      %dma_start3A_897 = arith.constant 0 : i32
      %dma_start3A_898 = tpu.memref_slice %arg8[%run_scoped3A_13, %dma_start3A_897] : memref<4x128xi32, #tpu.memory_space<vmem>> -> memref<1x128xi32, #tpu.memory_space<vmem>>
      %dma_start3A_899 = tpu.memref_squeeze %dma_start3A_898 : memref<1x128xi32, #tpu.memory_space<vmem>> -> memref<128xi32, #tpu.memory_space<vmem>>
      %dma_start3A_900 = tpu.memref_slice %arg2[%add3A_12] : memref<16384xi32, #tpu.memory_space<hbm>> -> memref<128xi32, #tpu.memory_space<hbm>>
      %dma_start3A_901 = arith.constant 0 : i32
      %dma_start3A_902 = tpu.memref_slice %arg8[%run_scoped3A_13, %dma_start3A_901] : memref<4x128xi32, #tpu.memory_space<vmem>> -> memref<1x128xi32, #tpu.memory_space<vmem>>
      %dma_start3A_903 = tpu.memref_squeeze %dma_start3A_902 : memref<1x128xi32, #tpu.memory_space<vmem>> -> memref<128xi32, #tpu.memory_space<vmem>>
      %dma_start3A_904 = tpu.memref_slice %arg2[%add3A_12] : memref<16384xi32, #tpu.memory_space<hbm>> -> memref<128xi32, #tpu.memory_space<hbm>>
      tpu.enqueue_dma source(%dma_start3A_904 : memref<128xi32, #tpu.memory_space<hbm>>) target(%dma_start3A_903 : memref<128xi32, #tpu.memory_space<vmem>>) target_semaphore(%run_scoped3A_896 : memref<!tpu.dma_semaphore, #tpu.memory_space<semaphore_mem>>)
      %dma_wait3A_905 = arith.constant 0 : i32
      %dma_wait3A_906 = tpu.memref_slice %arg8[%run_scoped3A_13, %dma_wait3A_905] : memref<4x128xi32, #tpu.memory_space<vmem>> -> memref<1x128xi32, #tpu.memory_space<vmem>>
      %dma_wait3A_907 = tpu.memref_squeeze %dma_wait3A_906 : memref<1x128xi32, #tpu.memory_space<vmem>> -> memref<128xi32, #tpu.memory_space<vmem>>
      %dma_wait3A_908 = tpu.memref_slice %arg2[%add3A_12] : memref<16384xi32, #tpu.memory_space<hbm>> -> memref<128xi32, #tpu.memory_space<hbm>>
      %dma_wait3A_909 = arith.constant 0 : i32
      %dma_wait3A_910 = tpu.memref_slice %arg8[%run_scoped3A_13, %dma_wait3A_909] : memref<4x128xi32, #tpu.memory_space<vmem>> -> memref<1x128xi32, #tpu.memory_space<vmem>>
      %dma_wait3A_911 = tpu.memref_squeeze %dma_wait3A_910 : memref<1x128xi32, #tpu.memory_space<vmem>> -> memref<128xi32, #tpu.memory_space<vmem>>
      %dma_wait3A_912 = tpu.memref_slice %arg2[%add3A_12] : memref<16384xi32, #tpu.memory_space<hbm>> -> memref<128xi32, #tpu.memory_space<hbm>>
      tpu.wait_dma2 semaphore(%run_scoped3A_896 : memref<!tpu.dma_semaphore, #tpu.memory_space<semaphore_mem>>) src(%dma_wait3A_912 : memref<128xi32, #tpu.memory_space<hbm>>) dst(%dma_wait3A_911 : memref<128xi32, #tpu.memory_space<vmem>>)
      tpu.yield
    }) : () -> ()
    %get3A = arith.constant 0 : i32
    %get3A_14 = arith.index_cast %get3A : i32 to index
    %get3A_15 = arith.constant 0 : index
    %get3A_16 = tpu.vector_load %arg8[%get3A_14, %get3A_15] {strides = array<i32>} : memref<4x128xi32, #tpu.memory_space<vmem>>, vector<16xi32>,
    %shift_right_logical3A = arith.constant 3 : i32
    %shift_right_logical3A_17 = vector.broadcast %shift_right_logical3A : i32 to vector<16xi32>
    %shift_right_logical3A_18 = arith.shrui %get3A_16, %shift_right_logical3A_17 : vector<16xi32>
    %swap3A = arith.constant 0 : i32
    %swap3A_19 = arith.index_cast %swap3A : i32 to index
    %swap3A_20 = arith.constant 0 : index
    %swap3A_21 = tpu.vector_load %arg9[%swap3A_19, %swap3A_20] {strides = array<i32>} : memref<4x128xi32, #tpu.memory_space<vmem>>, vector<16xi32>,
    tpu.vector_store %arg9[%swap3A_19, %swap3A_20], %shift_right_logical3A_18 {strides = array<i32>} : memref<4x128xi32, #tpu.memory_space<vmem>>, vector<16xi32>,
    %get3A_22 = arith.constant 0 : i32
    %get3A_23 = arith.index_cast %get3A_22 : i32 to index
    %get3A_24 = arith.constant 16 : index
    %get3A_25 = tpu.vector_load %arg8[%get3A_23, %get3A_24] {strides = array<i32>} : memref<4x128xi32, #tpu.memory_space<vmem>>, vector<16xi32>,
    %shift_right_logical3A_26 = arith.constant 3 : i32
    %shift_right_logical3A_27 = vector.broadcast %shift_right_logical3A_26 : i32 to vector<16xi32>
    %shift_right_logical3A_28 = arith.shrui %get3A_25, %shift_right_logical3A_27 : vector<16xi32>
    %swap3A_29 = arith.constant 0 : i32
    %swap3A_30 = arith.index_cast %swap3A_29 : i32 to index
    %swap3A_31 = arith.constant 16 : index
    %swap3A_32 = tpu.vector_load %arg9[%swap3A_30, %swap3A_31] {strides = array<i32>} : memref<4x128xi32, #tpu.memory_space<vmem>>, vector<16xi32>,
    tpu.vector_store %arg9[%swap3A_30, %swap3A_31], %shift_right_logical3A_28 {strides = array<i32>} : memref<4x128xi32, #tpu.memory_space<vmem>>, vector<16xi32>,
    %get3A_33 = arith.constant 0 : i32
    %get3A_34 = arith.index_cast %get3A_33 : i32 to index
    %get3A_35 = arith.constant 32 : index
    %get3A_36 = tpu.vector_load %arg8[%get3A_34, %get3A_35] {strides = array<i32>} : memref<4x128xi32, #tpu.memory_space<vmem>>, vector<16xi32>,
    %shift_right_logical3A_37 = arith.constant 3 : i32
    %shift_right_logical3A_38 = vector.broadcast %shift_right_logical3A_37 : i32 to vector<16xi32>
    %shift_right_logical3A_39 = arith.shrui %get3A_36, %shift_right_logical3A_38 : vector<16xi32>
    %swap3A_40 = arith.constant 0 : i32
    %swap3A_41 = arith.index_cast %swap3A_40 : i32 to index
    %swap3A_42 = arith.constant 32 : index
    %swap3A_43 = tpu.vector_load %arg9[%swap3A_41, %swap3A_42] {strides = array<i32>} : memref<4x128xi32, #tpu.memory_space<vmem>>, vector<16xi32>,
    tpu.vector_store %arg9[%swap3A_41, %swap3A_42], %shift_right_logical3A_39 {strides = array<i32>} : memref<4x128xi32, #tpu.memory_space<vmem>>, vector<16xi32>,
    %get3A_44 = arith.constant 0 : i32
    %get3A_45 = arith.index_cast %get3A_44 : i32 to index
    %get3A_46 = arith.constant 48 : index
    %get3A_47 = tpu.vector_load %arg8[%get3A_45, %get3A_46] {strides = array<i32>} : memref<4x128xi32, #tpu.memory_space<vmem>>, vector<16xi32>,
    %shift_right_logical3A_48 = arith.constant 3 : i32
    %shift_right_logical3A_49 = vector.broadcast %shift_right_logical3A_48 : i32 to vector<16xi32>
    %shift_right_logical3A_50 = arith.shrui %get3A_47, %shift_right_logical3A_49 : vector<16xi32>
    %swap3A_51 = arith.constant 0 : i32
    %swap3A_52 = arith.index_cast %swap3A_51 : i32 to index
    %swap3A_53 = arith.constant 48 : index
    %swap3A_54 = tpu.vector_load %arg9[%swap3A_52, %swap3A_53] {strides = array<i32>} : memref<4x128xi32, #tpu.memory_space<vmem>>, vector<16xi32>,
    tpu.vector_store %arg9[%swap3A_52, %swap3A_53], %shift_right_logical3A_50 {strides = array<i32>} : memref<4x128xi32, #tpu.memory_space<vmem>>, vector<16xi32>,
    %get3A_55 = arith.constant 0 : i32
    %get3A_56 = arith.index_cast %get3A_55 : i32 to index
    %get3A_57 = arith.constant 64 : index
    %get3A_58 = tpu.vector_load %arg8[%get3A_56, %get3A_57] {strides = array<i32>} : memref<4x128xi32, #tpu.memory_space<vmem>>, vector<16xi32>,
    %shift_right_logical3A_59 = arith.constant 3 : i32
    %shift_right_logical3A_60 = vector.broadcast %shift_right_logical3A_59 : i32 to vector<16xi32>
    %shift_right_logical3A_61 = arith.shrui %get3A_58, %shift_right_logical3A_60 : vector<16xi32>
    %swap3A_62 = arith.constant 0 : i32
    %swap3A_63 = arith.index_cast %swap3A_62 : i32 to index
    %swap3A_64 = arith.constant 64 : index
    %swap3A_65 = tpu.vector_load %arg9[%swap3A_63, %swap3A_64] {strides = array<i32>} : memref<4x128xi32, #tpu.memory_space<vmem>>, vector<16xi32>,
    tpu.vector_store %arg9[%swap3A_63, %swap3A_64], %shift_right_logical3A_61 {strides = array<i32>} : memref<4x128xi32, #tpu.memory_space<vmem>>, vector<16xi32>,
    %get3A_66 = arith.constant 0 : i32
    %get3A_67 = arith.index_cast %get3A_66 : i32 to index
    %get3A_68 = arith.constant 80 : index
    %get3A_69 = tpu.vector_load %arg8[%get3A_67, %get3A_68] {strides = array<i32>} : memref<4x128xi32, #tpu.memory_space<vmem>>, vector<16xi32>,
    %shift_right_logical3A_70 = arith.constant 3 : i32
    %shift_right_logical3A_71 = vector.broadcast %shift_right_logical3A_70 : i32 to vector<16xi32>
    %shift_right_logical3A_72 = arith.shrui %get3A_69, %shift_right_logical3A_71 : vector<16xi32>
    %swap3A_73 = arith.constant 0 : i32
    %swap3A_74 = arith.index_cast %swap3A_73 : i32 to index
    %swap3A_75 = arith.constant 80 : index
    %swap3A_76 = tpu.vector_load %arg9[%swap3A_74, %swap3A_75] {strides = array<i32>} : memref<4x128xi32, #tpu.memory_space<vmem>>, vector<16xi32>,
    tpu.vector_store %arg9[%swap3A_74, %swap3A_75], %shift_right_logical3A_72 {strides = array<i32>} : memref<4x128xi32, #tpu.memory_space<vmem>>, vector<16xi32>,
    %get3A_77 = arith.constant 0 : i32
    %get3A_78 = arith.index_cast %get3A_77 : i32 to index
    %get3A_79 = arith.constant 96 : index
    %get3A_80 = tpu.vector_load %arg8[%get3A_78, %get3A_79] {strides = array<i32>} : memref<4x128xi32, #tpu.memory_space<vmem>>, vector<16xi32>,
    %shift_right_logical3A_81 = arith.constant 3 : i32
    %shift_right_logical3A_82 = vector.broadcast %shift_right_logical3A_81 : i32 to vector<16xi32>
    %shift_right_logical3A_83 = arith.shrui %get3A_80, %shift_right_logical3A_82 : vector<16xi32>
    %swap3A_84 = arith.constant 0 : i32
    %swap3A_85 = arith.index_cast %swap3A_84 : i32 to index
    %swap3A_86 = arith.constant 96 : index
    %swap3A_87 = tpu.vector_load %arg9[%swap3A_85, %swap3A_86] {strides = array<i32>} : memref<4x128xi32, #tpu.memory_space<vmem>>, vector<16xi32>,
    tpu.vector_store %arg9[%swap3A_85, %swap3A_86], %shift_right_logical3A_83 {strides = array<i32>} : memref<4x128xi32, #tpu.memory_space<vmem>>, vector<16xi32>,
    %get3A_88 = arith.constant 0 : i32
    %get3A_89 = arith.index_cast %get3A_88 : i32 to index
    %get3A_90 = arith.constant 112 : index
    %get3A_91 = tpu.vector_load %arg8[%get3A_89, %get3A_90] {strides = array<i32>} : memref<4x128xi32, #tpu.memory_space<vmem>>, vector<16xi32>,
    %shift_right_logical3A_92 = arith.constant 3 : i32
    %shift_right_logical3A_93 = vector.broadcast %shift_right_logical3A_92 : i32 to vector<16xi32>
    %shift_right_logical3A_94 = arith.shrui %get3A_91, %shift_right_logical3A_93 : vector<16xi32>
    %swap3A_95 = arith.constant 0 : i32
    %swap3A_96 = arith.index_cast %swap3A_95 : i32 to index
    %swap3A_97 = arith.constant 112 : index
    %swap3A_98 = tpu.vector_load %arg9[%swap3A_96, %swap3A_97] {strides = array<i32>} : memref<4x128xi32, #tpu.memory_space<vmem>>, vector<16xi32>,
    tpu.vector_store %arg9[%swap3A_96, %swap3A_97], %shift_right_logical3A_94 {strides = array<i32>} : memref<4x128xi32, #tpu.memory_space<vmem>>, vector<16xi32>,
    %get3A_99 = arith.constant 1 : i32
    %get3A_100 = arith.index_cast %get3A_99 : i32 to index
    %get3A_101 = arith.constant 0 : index
    %get3A_102 = tpu.vector_load %arg8[%get3A_100, %get3A_101] {strides = array<i32>} : memref<4x128xi32, #tpu.memory_space<vmem>>, vector<16xi32>,
    %shift_right_logical3A_103 = arith.constant 3 : i32
    %shift_right_logical3A_104 = vector.broadcast %shift_right_logical3A_103 : i32 to vector<16xi32>
    %shift_right_logical3A_105 = arith.shrui %get3A_102, %shift_right_logical3A_104 : vector<16xi32>
    %swap3A_106 = arith.constant 1 : i32
    %swap3A_107 = arith.index_cast %swap3A_106 : i32 to index
    %swap3A_108 = arith.constant 0 : index
    %swap3A_109 = tpu.vector_load %arg9[%swap3A_107, %swap3A_108] {strides = array<i32>} : memref<4x128xi32, #tpu.memory_space<vmem>>, vector<16xi32>,
    tpu.vector_store %arg9[%swap3A_107, %swap3A_108], %shift_right_logical3A_105 {strides = array<i32>} : memref<4x128xi32, #tpu.memory_space<vmem>>, vector<16xi32>,
    %get3A_110 = arith.constant 1 : i32
    %get3A_111 = arith.index_cast %get3A_110 : i32 to index
    %get3A_112 = arith.constant 16 : index
    %get3A_113 = tpu.vector_load %arg8[%get3A_111, %get3A_112] {strides = array<i32>} : memref<4x128xi32, #tpu.memory_space<vmem>>, vector<16xi32>,
    %shift_right_logical3A_114 = arith.constant 3 : i32
    %shift_right_logical3A_115 = vector.broadcast %shift_right_logical3A_114 : i32 to vector<16xi32>
    %shift_right_logical3A_116 = arith.shrui %get3A_113, %shift_right_logical3A_115 : vector<16xi32>
    %swap3A_117 = arith.constant 1 : i32
    %swap3A_118 = arith.index_cast %swap3A_117 : i32 to index
    %swap3A_119 = arith.constant 16 : index
    %swap3A_120 = tpu.vector_load %arg9[%swap3A_118, %swap3A_119] {strides = array<i32>} : memref<4x128xi32, #tpu.memory_space<vmem>>, vector<16xi32>,
    tpu.vector_store %arg9[%swap3A_118, %swap3A_119], %shift_right_logical3A_116 {strides = array<i32>} : memref<4x128xi32, #tpu.memory_space<vmem>>, vector<16xi32>,
    %get3A_121 = arith.constant 1 : i32
    %get3A_122 = arith.index_cast %get3A_121 : i32 to index
    %get3A_123 = arith.constant 32 : index
    %get3A_124 = tpu.vector_load %arg8[%get3A_122, %get3A_123] {strides = array<i32>} : memref<4x128xi32, #tpu.memory_space<vmem>>, vector<16xi32>,
    %shift_right_logical3A_125 = arith.constant 3 : i32
    %shift_right_logical3A_126 = vector.broadcast %shift_right_logical3A_125 : i32 to vector<16xi32>
    %shift_right_logical3A_127 = arith.shrui %get3A_124, %shift_right_logical3A_126 : vector<16xi32>
    %swap3A_128 = arith.constant 1 : i32
    %swap3A_129 = arith.index_cast %swap3A_128 : i32 to index
    %swap3A_130 = arith.constant 32 : index
    %swap3A_131 = tpu.vector_load %arg9[%swap3A_129, %swap3A_130] {strides = array<i32>} : memref<4x128xi32, #tpu.memory_space<vmem>>, vector<16xi32>,
    tpu.vector_store %arg9[%swap3A_129, %swap3A_130], %shift_right_logical3A_127 {strides = array<i32>} : memref<4x128xi32, #tpu.memory_space<vmem>>, vector<16xi32>,
    %get3A_132 = arith.constant 1 : i32
    %get3A_133 = arith.index_cast %get3A_132 : i32 to index
    %get3A_134 = arith.constant 48 : index
    %get3A_135 = tpu.vector_load %arg8[%get3A_133, %get3A_134] {strides = array<i32>} : memref<4x128xi32, #tpu.memory_space<vmem>>, vector<16xi32>,
    %shift_right_logical3A_136 = arith.constant 3 : i32
    %shift_right_logical3A_137 = vector.broadcast %shift_right_logical3A_136 : i32 to vector<16xi32>
    %shift_right_logical3A_138 = arith.shrui %get3A_135, %shift_right_logical3A_137 : vector<16xi32>
    %swap3A_139 = arith.constant 1 : i32
    %swap3A_140 = arith.index_cast %swap3A_139 : i32 to index
    %swap3A_141 = arith.constant 48 : index
    %swap3A_142 = tpu.vector_load %arg9[%swap3A_140, %swap3A_141] {strides = array<i32>} : memref<4x128xi32, #tpu.memory_space<vmem>>, vector<16xi32>,
    tpu.vector_store %arg9[%swap3A_140, %swap3A_141], %shift_right_logical3A_138 {strides = array<i32>} : memref<4x128xi32, #tpu.memory_space<vmem>>, vector<16xi32>,
    %get3A_143 = arith.constant 1 : i32
    %get3A_144 = arith.index_cast %get3A_143 : i32 to index
    %get3A_145 = arith.constant 64 : index
    %get3A_146 = tpu.vector_load %arg8[%get3A_144, %get3A_145] {strides = array<i32>} : memref<4x128xi32, #tpu.memory_space<vmem>>, vector<16xi32>,
    %shift_right_logical3A_147 = arith.constant 3 : i32
    %shift_right_logical3A_148 = vector.broadcast %shift_right_logical3A_147 : i32 to vector<16xi32>
    %shift_right_logical3A_149 = arith.shrui %get3A_146, %shift_right_logical3A_148 : vector<16xi32>
    %swap3A_150 = arith.constant 1 : i32
    %swap3A_151 = arith.index_cast %swap3A_150 : i32 to index
    %swap3A_152 = arith.constant 64 : index
    %swap3A_153 = tpu.vector_load %arg9[%swap3A_151, %swap3A_152] {strides = array<i32>} : memref<4x128xi32, #tpu.memory_space<vmem>>, vector<16xi32>,
    tpu.vector_store %arg9[%swap3A_151, %swap3A_152], %shift_right_logical3A_149 {strides = array<i32>} : memref<4x128xi32, #tpu.memory_space<vmem>>, vector<16xi32>,
    %get3A_154 = arith.constant 1 : i32
    %get3A_155 = arith.index_cast %get3A_154 : i32 to index
    %get3A_156 = arith.constant 80 : index
    %get3A_157 = tpu.vector_load %arg8[%get3A_155, %get3A_156] {strides = array<i32>} : memref<4x128xi32, #tpu.memory_space<vmem>>, vector<16xi32>,
    %shift_right_logical3A_158 = arith.constant 3 : i32
    %shift_right_logical3A_159 = vector.broadcast %shift_right_logical3A_158 : i32 to vector<16xi32>
    %shift_right_logical3A_160 = arith.shrui %get3A_157, %shift_right_logical3A_159 : vector<16xi32>
    %swap3A_161 = arith.constant 1 : i32
    %swap3A_162 = arith.index_cast %swap3A_161 : i32 to index
    %swap3A_163 = arith.constant 80 : index
    %swap3A_164 = tpu.vector_load %arg9[%swap3A_162, %swap3A_163] {strides = array<i32>} : memref<4x128xi32, #tpu.memory_space<vmem>>, vector<16xi32>,
    tpu.vector_store %arg9[%swap3A_162, %swap3A_163], %shift_right_logical3A_160 {strides = array<i32>} : memref<4x128xi32, #tpu.memory_space<vmem>>, vector<16xi32>,
    %get3A_165 = arith.constant 1 : i32
    %get3A_166 = arith.index_cast %get3A_165 : i32 to index
    %get3A_167 = arith.constant 96 : index
    %get3A_168 = tpu.vector_load %arg8[%get3A_166, %get3A_167] {strides = array<i32>} : memref<4x128xi32, #tpu.memory_space<vmem>>, vector<16xi32>,
    %shift_right_logical3A_169 = arith.constant 3 : i32
    %shift_right_logical3A_170 = vector.broadcast %shift_right_logical3A_169 : i32 to vector<16xi32>
    %shift_right_logical3A_171 = arith.shrui %get3A_168, %shift_right_logical3A_170 : vector<16xi32>
    %swap3A_172 = arith.constant 1 : i32
    %swap3A_173 = arith.index_cast %swap3A_172 : i32 to index
    %swap3A_174 = arith.constant 96 : index
    %swap3A_175 = tpu.vector_load %arg9[%swap3A_173, %swap3A_174] {strides = array<i32>} : memref<4x128xi32, #tpu.memory_space<vmem>>, vector<16xi32>,
    tpu.vector_store %arg9[%swap3A_173, %swap3A_174], %shift_right_logical3A_171 {strides = array<i32>} : memref<4x128xi32, #tpu.memory_space<vmem>>, vector<16xi32>,
    %get3A_176 = arith.constant 1 : i32
    %get3A_177 = arith.index_cast %get3A_176 : i32 to index
    %get3A_178 = arith.constant 112 : index
    %get3A_179 = tpu.vector_load %arg8[%get3A_177, %get3A_178] {strides = array<i32>} : memref<4x128xi32, #tpu.memory_space<vmem>>, vector<16xi32>,
    %shift_right_logical3A_180 = arith.constant 3 : i32
    %shift_right_logical3A_181 = vector.broadcast %shift_right_logical3A_180 : i32 to vector<16xi32>
    %shift_right_logical3A_182 = arith.shrui %get3A_179, %shift_right_logical3A_181 : vector<16xi32>
    %swap3A_183 = arith.constant 1 : i32
    %swap3A_184 = arith.index_cast %swap3A_183 : i32 to index
    %swap3A_185 = arith.constant 112 : index
    %swap3A_186 = tpu.vector_load %arg9[%swap3A_184, %swap3A_185] {strides = array<i32>} : memref<4x128xi32, #tpu.memory_space<vmem>>, vector<16xi32>,
    tpu.vector_store %arg9[%swap3A_184, %swap3A_185], %shift_right_logical3A_182 {strides = array<i32>} : memref<4x128xi32, #tpu.memory_space<vmem>>, vector<16xi32>,
    %get3A_187 = arith.constant 2 : i32
    %get3A_188 = arith.index_cast %get3A_187 : i32 to index
    %get3A_189 = arith.constant 0 : index
    %get3A_190 = tpu.vector_load %arg8[%get3A_188, %get3A_189] {strides = array<i32>} : memref<4x128xi32, #tpu.memory_space<vmem>>, vector<16xi32>,
    %shift_right_logical3A_191 = arith.constant 3 : i32
    %shift_right_logical3A_192 = vector.broadcast %shift_right_logical3A_191 : i32 to vector<16xi32>
    %shift_right_logical3A_193 = arith.shrui %get3A_190, %shift_right_logical3A_192 : vector<16xi32>
    %swap3A_194 = arith.constant 2 : i32
    %swap3A_195 = arith.index_cast %swap3A_194 : i32 to index
    %swap3A_196 = arith.constant 0 : index
    %swap3A_197 = tpu.vector_load %arg9[%swap3A_195, %swap3A_196] {strides = array<i32>} : memref<4x128xi32, #tpu.memory_space<vmem>>, vector<16xi32>,
    tpu.vector_store %arg9[%swap3A_195, %swap3A_196], %shift_right_logical3A_193 {strides = array<i32>} : memref<4x128xi32, #tpu.memory_space<vmem>>, vector<16xi32>,
    %get3A_198 = arith.constant 2 : i32
    %get3A_199 = arith.index_cast %get3A_198 : i32 to index
    %get3A_200 = arith.constant 16 : index
    %get3A_201 = tpu.vector_load %arg8[%get3A_199, %get3A_200] {strides = array<i32>} : memref<4x128xi32, #tpu.memory_space<vmem>>, vector<16xi32>,
    %shift_right_logical3A_202 = arith.constant 3 : i32
    %shift_right_logical3A_203 = vector.broadcast %shift_right_logical3A_202 : i32 to vector<16xi32>
    %shift_right_logical3A_204 = arith.shrui %get3A_201, %shift_right_logical3A_203 : vector<16xi32>
    %swap3A_205 = arith.constant 2 : i32
    %swap3A_206 = arith.index_cast %swap3A_205 : i32 to index
    %swap3A_207 = arith.constant 16 : index
    %swap3A_208 = tpu.vector_load %arg9[%swap3A_206, %swap3A_207] {strides = array<i32>} : memref<4x128xi32, #tpu.memory_space<vmem>>, vector<16xi32>,
    tpu.vector_store %arg9[%swap3A_206, %swap3A_207], %shift_right_logical3A_204 {strides = array<i32>} : memref<4x128xi32, #tpu.memory_space<vmem>>, vector<16xi32>,
    %get3A_209 = arith.constant 2 : i32
    %get3A_210 = arith.index_cast %get3A_209 : i32 to index
    %get3A_211 = arith.constant 32 : index
    %get3A_212 = tpu.vector_load %arg8[%get3A_210, %get3A_211] {strides = array<i32>} : memref<4x128xi32, #tpu.memory_space<vmem>>, vector<16xi32>,
    %shift_right_logical3A_213 = arith.constant 3 : i32
    %shift_right_logical3A_214 = vector.broadcast %shift_right_logical3A_213 : i32 to vector<16xi32>
    %shift_right_logical3A_215 = arith.shrui %get3A_212, %shift_right_logical3A_214 : vector<16xi32>
    %swap3A_216 = arith.constant 2 : i32
    %swap3A_217 = arith.index_cast %swap3A_216 : i32 to index
    %swap3A_218 = arith.constant 32 : index
    %swap3A_219 = tpu.vector_load %arg9[%swap3A_217, %swap3A_218] {strides = array<i32>} : memref<4x128xi32, #tpu.memory_space<vmem>>, vector<16xi32>,
    tpu.vector_store %arg9[%swap3A_217, %swap3A_218], %shift_right_logical3A_215 {strides = array<i32>} : memref<4x128xi32, #tpu.memory_space<vmem>>, vector<16xi32>,
    %get3A_220 = arith.constant 2 : i32
    %get3A_221 = arith.index_cast %get3A_220 : i32 to index
    %get3A_222 = arith.constant 48 : index
    %get3A_223 = tpu.vector_load %arg8[%get3A_221, %get3A_222] {strides = array<i32>} : memref<4x128xi32, #tpu.memory_space<vmem>>, vector<16xi32>,
    %shift_right_logical3A_224 = arith.constant 3 : i32
    %shift_right_logical3A_225 = vector.broadcast %shift_right_logical3A_224 : i32 to vector<16xi32>
    %shift_right_logical3A_226 = arith.shrui %get3A_223, %shift_right_logical3A_225 : vector<16xi32>
    %swap3A_227 = arith.constant 2 : i32
    %swap3A_228 = arith.index_cast %swap3A_227 : i32 to index
    %swap3A_229 = arith.constant 48 : index
    %swap3A_230 = tpu.vector_load %arg9[%swap3A_228, %swap3A_229] {strides = array<i32>} : memref<4x128xi32, #tpu.memory_space<vmem>>, vector<16xi32>,
    tpu.vector_store %arg9[%swap3A_228, %swap3A_229], %shift_right_logical3A_226 {strides = array<i32>} : memref<4x128xi32, #tpu.memory_space<vmem>>, vector<16xi32>,
    %get3A_231 = arith.constant 2 : i32
    %get3A_232 = arith.index_cast %get3A_231 : i32 to index
    %get3A_233 = arith.constant 64 : index
    %get3A_234 = tpu.vector_load %arg8[%get3A_232, %get3A_233] {strides = array<i32>} : memref<4x128xi32, #tpu.memory_space<vmem>>, vector<16xi32>,
    %shift_right_logical3A_235 = arith.constant 3 : i32
    %shift_right_logical3A_236 = vector.broadcast %shift_right_logical3A_235 : i32 to vector<16xi32>
    %shift_right_logical3A_237 = arith.shrui %get3A_234, %shift_right_logical3A_236 : vector<16xi32>
    %swap3A_238 = arith.constant 2 : i32
    %swap3A_239 = arith.index_cast %swap3A_238 : i32 to index
    %swap3A_240 = arith.constant 64 : index
    %swap3A_241 = tpu.vector_load %arg9[%swap3A_239, %swap3A_240] {strides = array<i32>} : memref<4x128xi32, #tpu.memory_space<vmem>>, vector<16xi32>,
    tpu.vector_store %arg9[%swap3A_239, %swap3A_240], %shift_right_logical3A_237 {strides = array<i32>} : memref<4x128xi32, #tpu.memory_space<vmem>>, vector<16xi32>,
    %get3A_242 = arith.constant 2 : i32
    %get3A_243 = arith.index_cast %get3A_242 : i32 to index
    %get3A_244 = arith.constant 80 : index
    %get3A_245 = tpu.vector_load %arg8[%get3A_243, %get3A_244] {strides = array<i32>} : memref<4x128xi32, #tpu.memory_space<vmem>>, vector<16xi32>,
    %shift_right_logical3A_246 = arith.constant 3 : i32
    %shift_right_logical3A_247 = vector.broadcast %shift_right_logical3A_246 : i32 to vector<16xi32>
    %shift_right_logical3A_248 = arith.shrui %get3A_245, %shift_right_logical3A_247 : vector<16xi32>
    %swap3A_249 = arith.constant 2 : i32
    %swap3A_250 = arith.index_cast %swap3A_249 : i32 to index
    %swap3A_251 = arith.constant 80 : index
    %swap3A_252 = tpu.vector_load %arg9[%swap3A_250, %swap3A_251] {strides = array<i32>} : memref<4x128xi32, #tpu.memory_space<vmem>>, vector<16xi32>,
    tpu.vector_store %arg9[%swap3A_250, %swap3A_251], %shift_right_logical3A_248 {strides = array<i32>} : memref<4x128xi32, #tpu.memory_space<vmem>>, vector<16xi32>,
    %get3A_253 = arith.constant 2 : i32
    %get3A_254 = arith.index_cast %get3A_253 : i32 to index
    %get3A_255 = arith.constant 96 : index
    %get3A_256 = tpu.vector_load %arg8[%get3A_254, %get3A_255] {strides = array<i32>} : memref<4x128xi32, #tpu.memory_space<vmem>>, vector<16xi32>,
    %shift_right_logical3A_257 = arith.constant 3 : i32
    %shift_right_logical3A_258 = vector.broadcast %shift_right_logical3A_257 : i32 to vector<16xi32>
    %shift_right_logical3A_259 = arith.shrui %get3A_256, %shift_right_logical3A_258 : vector<16xi32>
    %swap3A_260 = arith.constant 2 : i32
    %swap3A_261 = arith.index_cast %swap3A_260 : i32 to index
    %swap3A_262 = arith.constant 96 : index
    %swap3A_263 = tpu.vector_load %arg9[%swap3A_261, %swap3A_262] {strides = array<i32>} : memref<4x128xi32, #tpu.memory_space<vmem>>, vector<16xi32>,
    tpu.vector_store %arg9[%swap3A_261, %swap3A_262], %shift_right_logical3A_259 {strides = array<i32>} : memref<4x128xi32, #tpu.memory_space<vmem>>, vector<16xi32>,
    %get3A_264 = arith.constant 2 : i32
    %get3A_265 = arith.index_cast %get3A_264 : i32 to index
    %get3A_266 = arith.constant 112 : index
    %get3A_267 = tpu.vector_load %arg8[%get3A_265, %get3A_266] {strides = array<i32>} : memref<4x128xi32, #tpu.memory_space<vmem>>, vector<16xi32>,
    %shift_right_logical3A_268 = arith.constant 3 : i32
    %shift_right_logical3A_269 = vector.broadcast %shift_right_logical3A_268 : i32 to vector<16xi32>
    %shift_right_logical3A_270 = arith.shrui %get3A_267, %shift_right_logical3A_269 : vector<16xi32>
    %swap3A_271 = arith.constant 2 : i32
    %swap3A_272 = arith.index_cast %swap3A_271 : i32 to index
    %swap3A_273 = arith.constant 112 : index
    %swap3A_274 = tpu.vector_load %arg9[%swap3A_272, %swap3A_273] {strides = array<i32>} : memref<4x128xi32, #tpu.memory_space<vmem>>, vector<16xi32>,
    tpu.vector_store %arg9[%swap3A_272, %swap3A_273], %shift_right_logical3A_270 {strides = array<i32>} : memref<4x128xi32, #tpu.memory_space<vmem>>, vector<16xi32>,
    %get3A_275 = arith.constant 3 : i32
    %get3A_276 = arith.index_cast %get3A_275 : i32 to index
    %get3A_277 = arith.constant 0 : index
    %get3A_278 = tpu.vector_load %arg8[%get3A_276, %get3A_277] {strides = array<i32>} : memref<4x128xi32, #tpu.memory_space<vmem>>, vector<16xi32>,
    %shift_right_logical3A_279 = arith.constant 3 : i32
    %shift_right_logical3A_280 = vector.broadcast %shift_right_logical3A_279 : i32 to vector<16xi32>
    %shift_right_logical3A_281 = arith.shrui %get3A_278, %shift_right_logical3A_280 : vector<16xi32>
    %swap3A_282 = arith.constant 3 : i32
    %swap3A_283 = arith.index_cast %swap3A_282 : i32 to index
    %swap3A_284 = arith.constant 0 : index
    %swap3A_285 = tpu.vector_load %arg9[%swap3A_283, %swap3A_284] {strides = array<i32>} : memref<4x128xi32, #tpu.memory_space<vmem>>, vector<16xi32>,
    tpu.vector_store %arg9[%swap3A_283, %swap3A_284], %shift_right_logical3A_281 {strides = array<i32>} : memref<4x128xi32, #tpu.memory_space<vmem>>, vector<16xi32>,
    %get3A_286 = arith.constant 3 : i32
    %get3A_287 = arith.index_cast %get3A_286 : i32 to index
    %get3A_288 = arith.constant 16 : index
    %get3A_289 = tpu.vector_load %arg8[%get3A_287, %get3A_288] {strides = array<i32>} : memref<4x128xi32, #tpu.memory_space<vmem>>, vector<16xi32>,
    %shift_right_logical3A_290 = arith.constant 3 : i32
    %shift_right_logical3A_291 = vector.broadcast %shift_right_logical3A_290 : i32 to vector<16xi32>
    %shift_right_logical3A_292 = arith.shrui %get3A_289, %shift_right_logical3A_291 : vector<16xi32>
    %swap3A_293 = arith.constant 3 : i32
    %swap3A_294 = arith.index_cast %swap3A_293 : i32 to index
    %swap3A_295 = arith.constant 16 : index
    %swap3A_296 = tpu.vector_load %arg9[%swap3A_294, %swap3A_295] {strides = array<i32>} : memref<4x128xi32, #tpu.memory_space<vmem>>, vector<16xi32>,
    tpu.vector_store %arg9[%swap3A_294, %swap3A_295], %shift_right_logical3A_292 {strides = array<i32>} : memref<4x128xi32, #tpu.memory_space<vmem>>, vector<16xi32>,
    %get3A_297 = arith.constant 3 : i32
    %get3A_298 = arith.index_cast %get3A_297 : i32 to index
    %get3A_299 = arith.constant 32 : index
    %get3A_300 = tpu.vector_load %arg8[%get3A_298, %get3A_299] {strides = array<i32>} : memref<4x128xi32, #tpu.memory_space<vmem>>, vector<16xi32>,
    %shift_right_logical3A_301 = arith.constant 3 : i32
    %shift_right_logical3A_302 = vector.broadcast %shift_right_logical3A_301 : i32 to vector<16xi32>
    %shift_right_logical3A_303 = arith.shrui %get3A_300, %shift_right_logical3A_302 : vector<16xi32>
    %swap3A_304 = arith.constant 3 : i32
    %swap3A_305 = arith.index_cast %swap3A_304 : i32 to index
    %swap3A_306 = arith.constant 32 : index
    %swap3A_307 = tpu.vector_load %arg9[%swap3A_305, %swap3A_306] {strides = array<i32>} : memref<4x128xi32, #tpu.memory_space<vmem>>, vector<16xi32>,
    tpu.vector_store %arg9[%swap3A_305, %swap3A_306], %shift_right_logical3A_303 {strides = array<i32>} : memref<4x128xi32, #tpu.memory_space<vmem>>, vector<16xi32>,
    %get3A_308 = arith.constant 3 : i32
    %get3A_309 = arith.index_cast %get3A_308 : i32 to index
    %get3A_310 = arith.constant 48 : index
    %get3A_311 = tpu.vector_load %arg8[%get3A_309, %get3A_310] {strides = array<i32>} : memref<4x128xi32, #tpu.memory_space<vmem>>, vector<16xi32>,
    %shift_right_logical3A_312 = arith.constant 3 : i32
    %shift_right_logical3A_313 = vector.broadcast %shift_right_logical3A_312 : i32 to vector<16xi32>
    %shift_right_logical3A_314 = arith.shrui %get3A_311, %shift_right_logical3A_313 : vector<16xi32>
    %swap3A_315 = arith.constant 3 : i32
    %swap3A_316 = arith.index_cast %swap3A_315 : i32 to index
    %swap3A_317 = arith.constant 48 : index
    %swap3A_318 = tpu.vector_load %arg9[%swap3A_316, %swap3A_317] {strides = array<i32>} : memref<4x128xi32, #tpu.memory_space<vmem>>, vector<16xi32>,
    tpu.vector_store %arg9[%swap3A_316, %swap3A_317], %shift_right_logical3A_314 {strides = array<i32>} : memref<4x128xi32, #tpu.memory_space<vmem>>, vector<16xi32>,
    %get3A_319 = arith.constant 3 : i32
    %get3A_320 = arith.index_cast %get3A_319 : i32 to index
    %get3A_321 = arith.constant 64 : index
    %get3A_322 = tpu.vector_load %arg8[%get3A_320, %get3A_321] {strides = array<i32>} : memref<4x128xi32, #tpu.memory_space<vmem>>, vector<16xi32>,
    %shift_right_logical3A_323 = arith.constant 3 : i32
    %shift_right_logical3A_324 = vector.broadcast %shift_right_logical3A_323 : i32 to vector<16xi32>
    %shift_right_logical3A_325 = arith.shrui %get3A_322, %shift_right_logical3A_324 : vector<16xi32>
    %swap3A_326 = arith.constant 3 : i32
    %swap3A_327 = arith.index_cast %swap3A_326 : i32 to index
    %swap3A_328 = arith.constant 64 : index
    %swap3A_329 = tpu.vector_load %arg9[%swap3A_327, %swap3A_328] {strides = array<i32>} : memref<4x128xi32, #tpu.memory_space<vmem>>, vector<16xi32>,
    tpu.vector_store %arg9[%swap3A_327, %swap3A_328], %shift_right_logical3A_325 {strides = array<i32>} : memref<4x128xi32, #tpu.memory_space<vmem>>, vector<16xi32>,
    %get3A_330 = arith.constant 3 : i32
    %get3A_331 = arith.index_cast %get3A_330 : i32 to index
    %get3A_332 = arith.constant 80 : index
    %get3A_333 = tpu.vector_load %arg8[%get3A_331, %get3A_332] {strides = array<i32>} : memref<4x128xi32, #tpu.memory_space<vmem>>, vector<16xi32>,
    %shift_right_logical3A_334 = arith.constant 3 : i32
    %shift_right_logical3A_335 = vector.broadcast %shift_right_logical3A_334 : i32 to vector<16xi32>
    %shift_right_logical3A_336 = arith.shrui %get3A_333, %shift_right_logical3A_335 : vector<16xi32>
    %swap3A_337 = arith.constant 3 : i32
    %swap3A_338 = arith.index_cast %swap3A_337 : i32 to index
    %swap3A_339 = arith.constant 80 : index
    %swap3A_340 = tpu.vector_load %arg9[%swap3A_338, %swap3A_339] {strides = array<i32>} : memref<4x128xi32, #tpu.memory_space<vmem>>, vector<16xi32>,
    tpu.vector_store %arg9[%swap3A_338, %swap3A_339], %shift_right_logical3A_336 {strides = array<i32>} : memref<4x128xi32, #tpu.memory_space<vmem>>, vector<16xi32>,
    %get3A_341 = arith.constant 3 : i32
    %get3A_342 = arith.index_cast %get3A_341 : i32 to index
    %get3A_343 = arith.constant 96 : index
    %get3A_344 = tpu.vector_load %arg8[%get3A_342, %get3A_343] {strides = array<i32>} : memref<4x128xi32, #tpu.memory_space<vmem>>, vector<16xi32>,
    %shift_right_logical3A_345 = arith.constant 3 : i32
    %shift_right_logical3A_346 = vector.broadcast %shift_right_logical3A_345 : i32 to vector<16xi32>
    %shift_right_logical3A_347 = arith.shrui %get3A_344, %shift_right_logical3A_346 : vector<16xi32>
    %swap3A_348 = arith.constant 3 : i32
    %swap3A_349 = arith.index_cast %swap3A_348 : i32 to index
    %swap3A_350 = arith.constant 96 : index
    %swap3A_351 = tpu.vector_load %arg9[%swap3A_349, %swap3A_350] {strides = array<i32>} : memref<4x128xi32, #tpu.memory_space<vmem>>, vector<16xi32>,
    tpu.vector_store %arg9[%swap3A_349, %swap3A_350], %shift_right_logical3A_347 {strides = array<i32>} : memref<4x128xi32, #tpu.memory_space<vmem>>, vector<16xi32>,
    %get3A_352 = arith.constant 3 : i32
    %get3A_353 = arith.index_cast %get3A_352 : i32 to index
    %get3A_354 = arith.constant 112 : index
    %get3A_355 = tpu.vector_load %arg8[%get3A_353, %get3A_354] {strides = array<i32>} : memref<4x128xi32, #tpu.memory_space<vmem>>, vector<16xi32>,
    %shift_right_logical3A_356 = arith.constant 3 : i32
    %shift_right_logical3A_357 = vector.broadcast %shift_right_logical3A_356 : i32 to vector<16xi32>
    %shift_right_logical3A_358 = arith.shrui %get3A_355, %shift_right_logical3A_357 : vector<16xi32>
    %swap3A_359 = arith.constant 3 : i32
    %swap3A_360 = arith.index_cast %swap3A_359 : i32 to index
    %swap3A_361 = arith.constant 112 : index
    %swap3A_362 = tpu.vector_load %arg9[%swap3A_360, %swap3A_361] {strides = array<i32>} : memref<4x128xi32, #tpu.memory_space<vmem>>, vector<16xi32>,
    tpu.vector_store %arg9[%swap3A_360, %swap3A_361], %shift_right_logical3A_358 {strides = array<i32>} : memref<4x128xi32, #tpu.memory_space<vmem>>, vector<16xi32>,
    %dma_start3A = arith.constant 0 : i32
    %dma_start3A_363 = arith.constant 0 : i32
    %dma_start3A_364 = arith.constant 0 : i32
    %dma_start3A_365 = tpu.memref_slice %arg10[%dma_start3A_363, %dma_start3A_364] : memref<512x128xf32, #tpu.memory_space<vmem>> -> memref<128x128xf32, #tpu.memory_space<vmem>>
    %dma_start3A_366 = arith.constant 0 : i32
    %dma_start3A_367 = tpu.memref_slice %arg9[%dma_start3A, %dma_start3A_366] : memref<4x128xi32, #tpu.memory_space<vmem>> -> memref<1x128xi32, #tpu.memory_space<vmem>>
    %dma_start3A_368 = tpu.memref_squeeze %dma_start3A_367 : memref<1x128xi32, #tpu.memory_space<vmem>> -> memref<128xi32, #tpu.memory_space<vmem>>
    %dma_start3A_369 = arith.constant 0 : i32
    %dma_start3A_370 = arith.constant 0 : i32
    %dma_start3A_371 = tpu.memref_slice %arg4[%dma_start3A_369, %dma_start3A_370] : memref<125000x128xf32, #tpu.memory_space<hbm>> -> memref<125000x128xf32, #tpu.memory_space<hbm>>
    tpu.enqueue_indirect_dma source(%dma_start3A_371 : memref<125000x128xf32, #tpu.memory_space<hbm>>) target(%dma_start3A_365 : memref<128x128xf32, #tpu.memory_space<vmem>>) offsets(%dma_start3A_368 : memref<128xi32, #tpu.memory_space<vmem>>) semaphore(%arg12 : memref<!tpu.dma_semaphore, #tpu.memory_space<semaphore_mem>>)
    %dma_start3A_372 = arith.constant 1 : i32
    %dma_start3A_373 = arith.constant 128 : i32
    %dma_start3A_374 = arith.constant 0 : i32
    %dma_start3A_375 = tpu.memref_slice %arg10[%dma_start3A_373, %dma_start3A_374] : memref<512x128xf32, #tpu.memory_space<vmem>> -> memref<128x128xf32, #tpu.memory_space<vmem>>
    %dma_start3A_376 = arith.constant 0 : i32
    %dma_start3A_377 = tpu.memref_slice %arg9[%dma_start3A_372, %dma_start3A_376] : memref<4x128xi32, #tpu.memory_space<vmem>> -> memref<1x128xi32, #tpu.memory_space<vmem>>
    %dma_start3A_378 = tpu.memref_squeeze %dma_start3A_377 : memref<1x128xi32, #tpu.memory_space<vmem>> -> memref<128xi32, #tpu.memory_space<vmem>>
    %dma_start3A_379 = arith.constant 0 : i32
    %dma_start3A_380 = arith.constant 0 : i32
    %dma_start3A_381 = tpu.memref_slice %arg4[%dma_start3A_379, %dma_start3A_380] : memref<125000x128xf32, #tpu.memory_space<hbm>> -> memref<125000x128xf32, #tpu.memory_space<hbm>>
    tpu.enqueue_indirect_dma source(%dma_start3A_381 : memref<125000x128xf32, #tpu.memory_space<hbm>>) target(%dma_start3A_375 : memref<128x128xf32, #tpu.memory_space<vmem>>) offsets(%dma_start3A_378 : memref<128xi32, #tpu.memory_space<vmem>>) semaphore(%arg12 : memref<!tpu.dma_semaphore, #tpu.memory_space<semaphore_mem>>)
    %dma_start3A_382 = arith.constant 2 : i32
    %dma_start3A_383 = arith.constant 256 : i32
    %dma_start3A_384 = arith.constant 0 : i32
    %dma_start3A_385 = tpu.memref_slice %arg10[%dma_start3A_383, %dma_start3A_384] : memref<512x128xf32, #tpu.memory_space<vmem>> -> memref<128x128xf32, #tpu.memory_space<vmem>>
    %dma_start3A_386 = arith.constant 0 : i32
    %dma_start3A_387 = tpu.memref_slice %arg9[%dma_start3A_382, %dma_start3A_386] : memref<4x128xi32, #tpu.memory_space<vmem>> -> memref<1x128xi32, #tpu.memory_space<vmem>>
    %dma_start3A_388 = tpu.memref_squeeze %dma_start3A_387 : memref<1x128xi32, #tpu.memory_space<vmem>> -> memref<128xi32, #tpu.memory_space<vmem>>
    %dma_start3A_389 = arith.constant 0 : i32
    %dma_start3A_390 = arith.constant 0 : i32
    %dma_start3A_391 = tpu.memref_slice %arg4[%dma_start3A_389, %dma_start3A_390] : memref<125000x128xf32, #tpu.memory_space<hbm>> -> memref<125000x128xf32, #tpu.memory_space<hbm>>
    tpu.enqueue_indirect_dma source(%dma_start3A_391 : memref<125000x128xf32, #tpu.memory_space<hbm>>) target(%dma_start3A_385 : memref<128x128xf32, #tpu.memory_space<vmem>>) offsets(%dma_start3A_388 : memref<128xi32, #tpu.memory_space<vmem>>) semaphore(%arg12 : memref<!tpu.dma_semaphore, #tpu.memory_space<semaphore_mem>>)
    %dma_start3A_392 = arith.constant 3 : i32
    %dma_start3A_393 = arith.constant 384 : i32
    %dma_start3A_394 = arith.constant 0 : i32
    %dma_start3A_395 = tpu.memref_slice %arg10[%dma_start3A_393, %dma_start3A_394] : memref<512x128xf32, #tpu.memory_space<vmem>> -> memref<128x128xf32, #tpu.memory_space<vmem>>
    %dma_start3A_396 = arith.constant 0 : i32
    %dma_start3A_397 = tpu.memref_slice %arg9[%dma_start3A_392, %dma_start3A_396] : memref<4x128xi32, #tpu.memory_space<vmem>> -> memref<1x128xi32, #tpu.memory_space<vmem>>
    %dma_start3A_398 = tpu.memref_squeeze %dma_start3A_397 : memref<1x128xi32, #tpu.memory_space<vmem>> -> memref<128xi32, #tpu.memory_space<vmem>>
    %dma_start3A_399 = arith.constant 0 : i32
    %dma_start3A_400 = arith.constant 0 : i32
    %dma_start3A_401 = tpu.memref_slice %arg4[%dma_start3A_399, %dma_start3A_400] : memref<125000x128xf32, #tpu.memory_space<hbm>> -> memref<125000x128xf32, #tpu.memory_space<hbm>>
    tpu.enqueue_indirect_dma source(%dma_start3A_401 : memref<125000x128xf32, #tpu.memory_space<hbm>>) target(%dma_start3A_395 : memref<128x128xf32, #tpu.memory_space<vmem>>) offsets(%dma_start3A_398 : memref<128xi32, #tpu.memory_space<vmem>>) semaphore(%arg12 : memref<!tpu.dma_semaphore, #tpu.memory_space<semaphore_mem>>)
    %dma_wait3A = arith.constant 0 : i32
    %dma_wait3A_402 = arith.constant 0 : i32
    %dma_wait3A_403 = arith.constant 0 : i32
    %dma_wait3A_404 = tpu.memref_slice %arg10[%dma_wait3A_402, %dma_wait3A_403] : memref<512x128xf32, #tpu.memory_space<vmem>> -> memref<128x128xf32, #tpu.memory_space<vmem>>
    %dma_wait3A_405 = arith.constant 0 : i32
    %dma_wait3A_406 = tpu.memref_slice %arg9[%dma_wait3A, %dma_wait3A_405] : memref<4x128xi32, #tpu.memory_space<vmem>> -> memref<1x128xi32, #tpu.memory_space<vmem>>
    %dma_wait3A_407 = tpu.memref_squeeze %dma_wait3A_406 : memref<1x128xi32, #tpu.memory_space<vmem>> -> memref<128xi32, #tpu.memory_space<vmem>>
    %dma_wait3A_408 = arith.constant 0 : i32
    %dma_wait3A_409 = arith.constant 0 : i32
    %dma_wait3A_410 = tpu.memref_slice %arg4[%dma_wait3A_408, %dma_wait3A_409] : memref<125000x128xf32, #tpu.memory_space<hbm>> -> memref<125000x128xf32, #tpu.memory_space<hbm>>
    tpu.wait_indirect_dma semaphore(%arg12 : memref<!tpu.dma_semaphore, #tpu.memory_space<semaphore_mem>>) src(%dma_wait3A_410 : memref<125000x128xf32, #tpu.memory_space<hbm>>) dst(%dma_wait3A_404 : memref<128x128xf32, #tpu.memory_space<vmem>>)
    %dma_wait3A_411 = arith.constant 1 : i32
    %dma_wait3A_412 = arith.constant 128 : i32
    %dma_wait3A_413 = arith.constant 0 : i32
    %dma_wait3A_414 = tpu.memref_slice %arg10[%dma_wait3A_412, %dma_wait3A_413] : memref<512x128xf32, #tpu.memory_space<vmem>> -> memref<128x128xf32, #tpu.memory_space<vmem>>
    %dma_wait3A_415 = arith.constant 0 : i32
    %dma_wait3A_416 = tpu.memref_slice %arg9[%dma_wait3A_411, %dma_wait3A_415] : memref<4x128xi32, #tpu.memory_space<vmem>> -> memref<1x128xi32, #tpu.memory_space<vmem>>
    %dma_wait3A_417 = tpu.memref_squeeze %dma_wait3A_416 : memref<1x128xi32, #tpu.memory_space<vmem>> -> memref<128xi32, #tpu.memory_space<vmem>>
    %dma_wait3A_418 = arith.constant 0 : i32
    %dma_wait3A_419 = arith.constant 0 : i32
    %dma_wait3A_420 = tpu.memref_slice %arg4[%dma_wait3A_418, %dma_wait3A_419] : memref<125000x128xf32, #tpu.memory_space<hbm>> -> memref<125000x128xf32, #tpu.memory_space<hbm>>
    tpu.wait_indirect_dma semaphore(%arg12 : memref<!tpu.dma_semaphore, #tpu.memory_space<semaphore_mem>>) src(%dma_wait3A_420 : memref<125000x128xf32, #tpu.memory_space<hbm>>) dst(%dma_wait3A_414 : memref<128x128xf32, #tpu.memory_space<vmem>>)
    %dma_wait3A_421 = arith.constant 2 : i32
    %dma_wait3A_422 = arith.constant 256 : i32
    %dma_wait3A_423 = arith.constant 0 : i32
    %dma_wait3A_424 = tpu.memref_slice %arg10[%dma_wait3A_422, %dma_wait3A_423] : memref<512x128xf32, #tpu.memory_space<vmem>> -> memref<128x128xf32, #tpu.memory_space<vmem>>
    %dma_wait3A_425 = arith.constant 0 : i32
    %dma_wait3A_426 = tpu.memref_slice %arg9[%dma_wait3A_421, %dma_wait3A_425] : memref<4x128xi32, #tpu.memory_space<vmem>> -> memref<1x128xi32, #tpu.memory_space<vmem>>
    %dma_wait3A_427 = tpu.memref_squeeze %dma_wait3A_426 : memref<1x128xi32, #tpu.memory_space<vmem>> -> memref<128xi32, #tpu.memory_space<vmem>>
    %dma_wait3A_428 = arith.constant 0 : i32
    %dma_wait3A_429 = arith.constant 0 : i32
    %dma_wait3A_430 = tpu.memref_slice %arg4[%dma_wait3A_428, %dma_wait3A_429] : memref<125000x128xf32, #tpu.memory_space<hbm>> -> memref<125000x128xf32, #tpu.memory_space<hbm>>
    tpu.wait_indirect_dma semaphore(%arg12 : memref<!tpu.dma_semaphore, #tpu.memory_space<semaphore_mem>>) src(%dma_wait3A_430 : memref<125000x128xf32, #tpu.memory_space<hbm>>) dst(%dma_wait3A_424 : memref<128x128xf32, #tpu.memory_space<vmem>>)
    %dma_wait3A_431 = arith.constant 3 : i32
    %dma_wait3A_432 = arith.constant 384 : i32
    %dma_wait3A_433 = arith.constant 0 : i32
    %dma_wait3A_434 = tpu.memref_slice %arg10[%dma_wait3A_432, %dma_wait3A_433] : memref<512x128xf32, #tpu.memory_space<vmem>> -> memref<128x128xf32, #tpu.memory_space<vmem>>
    %dma_wait3A_435 = arith.constant 0 : i32
    %dma_wait3A_436 = tpu.memref_slice %arg9[%dma_wait3A_431, %dma_wait3A_435] : memref<4x128xi32, #tpu.memory_space<vmem>> -> memref<1x128xi32, #tpu.memory_space<vmem>>
    %dma_wait3A_437 = tpu.memref_squeeze %dma_wait3A_436 : memref<1x128xi32, #tpu.memory_space<vmem>> -> memref<128xi32, #tpu.memory_space<vmem>>
    %dma_wait3A_438 = arith.constant 0 : i32
    %dma_wait3A_439 = arith.constant 0 : i32
    %dma_wait3A_440 = tpu.memref_slice %arg4[%dma_wait3A_438, %dma_wait3A_439] : memref<125000x128xf32, #tpu.memory_space<hbm>> -> memref<125000x128xf32, #tpu.memory_space<hbm>>
    tpu.wait_indirect_dma semaphore(%arg12 : memref<!tpu.dma_semaphore, #tpu.memory_space<semaphore_mem>>) src(%dma_wait3A_440 : memref<125000x128xf32, #tpu.memory_space<hbm>>) dst(%dma_wait3A_434 : memref<128x128xf32, #tpu.memory_space<vmem>>)
    %scan3A = arith.constant 0 : i32
    %scan3A_441 = arith.constant 0 : i32
    %scan3A_442 = arith.constant 32 : i32
    %scan3A_443 = arith.addi %scan3A_441, %scan3A_442 : i32
    %scan3A_444 = arith.constant 1 : i32
    scf.for %scan3A_896 = %scan3A_441 to %scan3A_443 step %scan3A_444  : i32 {
      %jit3A = arith.constant 8 : i32
      %div3A = arith.divsi %scan3A_896, %jit3A : i32
      %sign3A = arith.constant 0 : i32
      %sign3A_897 = arith.cmpi sgt, %scan3A_896, %sign3A : i32
      %sign3A_898 = arith.extui %sign3A_897 : i1 to i32
      %sign3A_899 = arith.constant 0 : i32
      %sign3A_900 = arith.cmpi slt, %scan3A_896, %sign3A_899 : i32
      %sign3A_901 = arith.extui %sign3A_900 : i1 to i32
      %sign3A_902 = arith.subi %sign3A_898, %sign3A_901 : i32
      %sign3A_903 = arith.constant 0 : i32
      %sign3A_904 = arith.cmpi sgt, %jit3A, %sign3A_903 : i32
      %sign3A_905 = arith.extui %sign3A_904 : i1 to i32
      %sign3A_906 = arith.constant 0 : i32
      %sign3A_907 = arith.cmpi slt, %jit3A, %sign3A_906 : i32
      %sign3A_908 = arith.extui %sign3A_907 : i1 to i32
      %sign3A_909 = arith.subi %sign3A_905, %sign3A_908 : i32
      %ne3A = arith.cmpi ne, %sign3A_902, %sign3A_909 : i32
      %rem3A = arith.remsi %scan3A_896, %jit3A : i32
      %ne3A_910 = arith.constant 0 : i32
      %ne3A_911 = arith.cmpi ne, %rem3A, %ne3A_910 : i32
      %and3A = arith.andi %ne3A, %ne3A_911 : i1
      %sub3A = arith.constant 1 : i32
      %sub3A_912 = arith.subi %div3A, %sub3A : i32
      %select_n3A = arith.select %and3A, %sub3A_912, %div3A : i32
      %jit3A_913 = arith.constant 8 : i32
      %eq3A = arith.constant 0 : i32
      %eq3A_914 = arith.cmpi eq, %jit3A_913, %eq3A : i32
      %jit3A_915 = arith.constant 1 : i32
      %select_n3A_916 = arith.select %eq3A_914, %jit3A_915, %jit3A_913 : i32
      %rem3A_917 = arith.remsi %scan3A_896, %select_n3A_916 : i32
      %ne3A_918 = arith.constant 0 : i32
      %ne3A_919 = arith.cmpi ne, %rem3A_917, %ne3A_918 : i32
      %lt3A = arith.constant 0 : i32
      %lt3A_920 = arith.cmpi slt, %rem3A_917, %lt3A : i32
      %lt3A_921 = arith.constant 0 : i32
      %lt3A_922 = arith.cmpi slt, %select_n3A_916, %lt3A_921 : i32
      %ne3A_923 = arith.xori %lt3A_920, %lt3A_922 : i1
      %and3A_924 = arith.andi %ne3A_923, %ne3A_919 : i1
      %add3A_925 = arith.addi %rem3A_917, %select_n3A_916 : i32
      %select_n3A_926 = arith.select %and3A_924, %add3A_925, %rem3A_917 : i32
      %mul3A_927 = arith.constant 16 : i32
      %mul3A_928 = arith.muli %select_n3A_926, %mul3A_927 : i32
      %get3A_929 = arith.index_cast %select_n3A : i32 to index
      %get3A_930 = arith.index_cast %mul3A_928 : i32 to index
      %get3A_931 = tpu.vector_load %arg8[%get3A_929, %get3A_930] {strides = array<i32>} : memref<4x128xi32, #tpu.memory_space<vmem>>, vector<16xi32>,
      %and3A_932 = arith.constant 7 : i32
      %and3A_933 = vector.broadcast %and3A_932 : i32 to vector<16xi32>
      %and3A_934 = arith.andi %get3A_931, %and3A_933 : vector<16xi32>
      %mul3A_935 = arith.constant 16 : i32
      %mul3A_936 = vector.broadcast %mul3A_935 : i32 to vector<16xi32>
      %mul3A_937 = arith.muli %and3A_934, %mul3A_936 : vector<16xi32>
      %mul3A_938 = arith.constant 16 : i32
      %mul3A_939 = arith.muli %scan3A_896, %mul3A_938 : i32
      %add3A_940 = vector.broadcast %mul3A_939 : i32 to vector<16xi32>
      %add3A_941 = arith.addi %add3A_940, %iota3A : vector<16xi32>
      %add3A_942 = arith.constant 0 : i32
      %add3A_943 = vector.broadcast %add3A_942 : i32 to vector<16xi32>
      %add3A_944 = arith.addi %mul3A_937, %add3A_943 : vector<16xi32>
      %gather3A = tpu.vector_load_idx %arg10[%add3A_941, %add3A_944] : memref<512x128xf32, #tpu.memory_space<vmem>>[vector<16xi32>, vector<16xi32>], vector<16xf32>,
      %mul3A_945 = arith.constant 16 : i32
      %mul3A_946 = arith.muli %scan3A_896, %mul3A_945 : i32
      %swap3A_947 = arith.constant 0 : i32
      %swap3A_948 = arith.index_cast %swap3A_947 : i32 to index
      %swap3A_949 = arith.index_cast %mul3A_946 : i32 to index
      %swap3A_950 = tpu.vector_load %arg11[%swap3A_948, %swap3A_949] {strides = array<i32>} : memref<16x512xf32, #tpu.memory_space<vmem>>, vector<16xf32>,
      tpu.vector_store %arg11[%swap3A_948, %swap3A_949], %gather3A {strides = array<i32>} : memref<16x512xf32, #tpu.memory_space<vmem>>, vector<16xf32>,
      %add3A_951 = arith.constant 1 : i32
      %add3A_952 = vector.broadcast %add3A_951 : i32 to vector<16xi32>
      %add3A_953 = arith.addi %mul3A_937, %add3A_952 : vector<16xi32>
      %gather3A_954 = tpu.vector_load_idx %arg10[%add3A_941, %add3A_953] : memref<512x128xf32, #tpu.memory_space<vmem>>[vector<16xi32>, vector<16xi32>], vector<16xf32>,
      %mul3A_955 = arith.constant 16 : i32
      %mul3A_956 = arith.muli %scan3A_896, %mul3A_955 : i32
      %swap3A_957 = arith.constant 1 : i32
      %swap3A_958 = arith.index_cast %swap3A_957 : i32 to index
      %swap3A_959 = arith.index_cast %mul3A_956 : i32 to index
      %swap3A_960 = tpu.vector_load %arg11[%swap3A_958, %swap3A_959] {strides = array<i32>} : memref<16x512xf32, #tpu.memory_space<vmem>>, vector<16xf32>,
      tpu.vector_store %arg11[%swap3A_958, %swap3A_959], %gather3A_954 {strides = array<i32>} : memref<16x512xf32, #tpu.memory_space<vmem>>, vector<16xf32>,
      %add3A_961 = arith.constant 2 : i32
      %add3A_962 = vector.broadcast %add3A_961 : i32 to vector<16xi32>
      %add3A_963 = arith.addi %mul3A_937, %add3A_962 : vector<16xi32>
      %gather3A_964 = tpu.vector_load_idx %arg10[%add3A_941, %add3A_963] : memref<512x128xf32, #tpu.memory_space<vmem>>[vector<16xi32>, vector<16xi32>], vector<16xf32>,
      %mul3A_965 = arith.constant 16 : i32
      %mul3A_966 = arith.muli %scan3A_896, %mul3A_965 : i32
      %swap3A_967 = arith.constant 2 : i32
      %swap3A_968 = arith.index_cast %swap3A_967 : i32 to index
      %swap3A_969 = arith.index_cast %mul3A_966 : i32 to index
      %swap3A_970 = tpu.vector_load %arg11[%swap3A_968, %swap3A_969] {strides = array<i32>} : memref<16x512xf32, #tpu.memory_space<vmem>>, vector<16xf32>,
      tpu.vector_store %arg11[%swap3A_968, %swap3A_969], %gather3A_964 {strides = array<i32>} : memref<16x512xf32, #tpu.memory_space<vmem>>, vector<16xf32>,
      %add3A_971 = arith.constant 3 : i32
      %add3A_972 = vector.broadcast %add3A_971 : i32 to vector<16xi32>
      %add3A_973 = arith.addi %mul3A_937, %add3A_972 : vector<16xi32>
      %gather3A_974 = tpu.vector_load_idx %arg10[%add3A_941, %add3A_973] : memref<512x128xf32, #tpu.memory_space<vmem>>[vector<16xi32>, vector<16xi32>], vector<16xf32>,
      %mul3A_975 = arith.constant 16 : i32
      %mul3A_976 = arith.muli %scan3A_896, %mul3A_975 : i32
      %swap3A_977 = arith.constant 3 : i32
      %swap3A_978 = arith.index_cast %swap3A_977 : i32 to index
      %swap3A_979 = arith.index_cast %mul3A_976 : i32 to index
      %swap3A_980 = tpu.vector_load %arg11[%swap3A_978, %swap3A_979] {strides = array<i32>} : memref<16x512xf32, #tpu.memory_space<vmem>>, vector<16xf32>,
      tpu.vector_store %arg11[%swap3A_978, %swap3A_979], %gather3A_974 {strides = array<i32>} : memref<16x512xf32, #tpu.memory_space<vmem>>, vector<16xf32>,
      %add3A_981 = arith.constant 4 : i32
      %add3A_982 = vector.broadcast %add3A_981 : i32 to vector<16xi32>
      %add3A_983 = arith.addi %mul3A_937, %add3A_982 : vector<16xi32>
      %gather3A_984 = tpu.vector_load_idx %arg10[%add3A_941, %add3A_983] : memref<512x128xf32, #tpu.memory_space<vmem>>[vector<16xi32>, vector<16xi32>], vector<16xf32>,
      %mul3A_985 = arith.constant 16 : i32
      %mul3A_986 = arith.muli %scan3A_896, %mul3A_985 : i32
      %swap3A_987 = arith.constant 4 : i32
      %swap3A_988 = arith.index_cast %swap3A_987 : i32 to index
      %swap3A_989 = arith.index_cast %mul3A_986 : i32 to index
      %swap3A_990 = tpu.vector_load %arg11[%swap3A_988, %swap3A_989] {strides = array<i32>} : memref<16x512xf32, #tpu.memory_space<vmem>>, vector<16xf32>,
      tpu.vector_store %arg11[%swap3A_988, %swap3A_989], %gather3A_984 {strides = array<i32>} : memref<16x512xf32, #tpu.memory_space<vmem>>, vector<16xf32>,
      %add3A_991 = arith.constant 5 : i32
      %add3A_992 = vector.broadcast %add3A_991 : i32 to vector<16xi32>
      %add3A_993 = arith.addi %mul3A_937, %add3A_992 : vector<16xi32>
      %gather3A_994 = tpu.vector_load_idx %arg10[%add3A_941, %add3A_993] : memref<512x128xf32, #tpu.memory_space<vmem>>[vector<16xi32>, vector<16xi32>], vector<16xf32>,
      %mul3A_995 = arith.constant 16 : i32
      %mul3A_996 = arith.muli %scan3A_896, %mul3A_995 : i32
      %swap3A_997 = arith.constant 5 : i32
      %swap3A_998 = arith.index_cast %swap3A_997 : i32 to index
      %swap3A_999 = arith.index_cast %mul3A_996 : i32 to index
      %swap3A_1000 = tpu.vector_load %arg11[%swap3A_998, %swap3A_999] {strides = array<i32>} : memref<16x512xf32, #tpu.memory_space<vmem>>, vector<16xf32>,
      tpu.vector_store %arg11[%swap3A_998, %swap3A_999], %gather3A_994 {strides = array<i32>} : memref<16x512xf32, #tpu.memory_space<vmem>>, vector<16xf32>,
      %add3A_1001 = arith.constant 6 : i32
      %add3A_1002 = vector.broadcast %add3A_1001 : i32 to vector<16xi32>
      %add3A_1003 = arith.addi %mul3A_937, %add3A_1002 : vector<16xi32>
      %gather3A_1004 = tpu.vector_load_idx %arg10[%add3A_941, %add3A_1003] : memref<512x128xf32, #tpu.memory_space<vmem>>[vector<16xi32>, vector<16xi32>], vector<16xf32>,
      %mul3A_1005 = arith.constant 16 : i32
      %mul3A_1006 = arith.muli %scan3A_896, %mul3A_1005 : i32
      %swap3A_1007 = arith.constant 6 : i32
      %swap3A_1008 = arith.index_cast %swap3A_1007 : i32 to index
      %swap3A_1009 = arith.index_cast %mul3A_1006 : i32 to index
      %swap3A_1010 = tpu.vector_load %arg11[%swap3A_1008, %swap3A_1009] {strides = array<i32>} : memref<16x512xf32, #tpu.memory_space<vmem>>, vector<16xf32>,
      tpu.vector_store %arg11[%swap3A_1008, %swap3A_1009], %gather3A_1004 {strides = array<i32>} : memref<16x512xf32, #tpu.memory_space<vmem>>, vector<16xf32>,
      %add3A_1011 = arith.constant 7 : i32
      %add3A_1012 = vector.broadcast %add3A_1011 : i32 to vector<16xi32>
      %add3A_1013 = arith.addi %mul3A_937, %add3A_1012 : vector<16xi32>
      %gather3A_1014 = tpu.vector_load_idx %arg10[%add3A_941, %add3A_1013] : memref<512x128xf32, #tpu.memory_space<vmem>>[vector<16xi32>, vector<16xi32>], vector<16xf32>,
      %mul3A_1015 = arith.constant 16 : i32
      %mul3A_1016 = arith.muli %scan3A_896, %mul3A_1015 : i32
      %swap3A_1017 = arith.constant 7 : i32
      %swap3A_1018 = arith.index_cast %swap3A_1017 : i32 to index
      %swap3A_1019 = arith.index_cast %mul3A_1016 : i32 to index
      %swap3A_1020 = tpu.vector_load %arg11[%swap3A_1018, %swap3A_1019] {strides = array<i32>} : memref<16x512xf32, #tpu.memory_space<vmem>>, vector<16xf32>,
      tpu.vector_store %arg11[%swap3A_1018, %swap3A_1019], %gather3A_1014 {strides = array<i32>} : memref<16x512xf32, #tpu.memory_space<vmem>>, vector<16xf32>,
      %add3A_1021 = arith.constant 8 : i32
      %add3A_1022 = vector.broadcast %add3A_1021 : i32 to vector<16xi32>
      %add3A_1023 = arith.addi %mul3A_937, %add3A_1022 : vector<16xi32>
      %gather3A_1024 = tpu.vector_load_idx %arg10[%add3A_941, %add3A_1023] : memref<512x128xf32, #tpu.memory_space<vmem>>[vector<16xi32>, vector<16xi32>], vector<16xf32>,
      %mul3A_1025 = arith.constant 16 : i32
      %mul3A_1026 = arith.muli %scan3A_896, %mul3A_1025 : i32
      %swap3A_1027 = arith.constant 8 : i32
      %swap3A_1028 = arith.index_cast %swap3A_1027 : i32 to index
      %swap3A_1029 = arith.index_cast %mul3A_1026 : i32 to index
      %swap3A_1030 = tpu.vector_load %arg11[%swap3A_1028, %swap3A_1029] {strides = array<i32>} : memref<16x512xf32, #tpu.memory_space<vmem>>, vector<16xf32>,
      tpu.vector_store %arg11[%swap3A_1028, %swap3A_1029], %gather3A_1024 {strides = array<i32>} : memref<16x512xf32, #tpu.memory_space<vmem>>, vector<16xf32>,
      %add3A_1031 = arith.constant 9 : i32
      %add3A_1032 = vector.broadcast %add3A_1031 : i32 to vector<16xi32>
      %add3A_1033 = arith.addi %mul3A_937, %add3A_1032 : vector<16xi32>
      %gather3A_1034 = tpu.vector_load_idx %arg10[%add3A_941, %add3A_1033] : memref<512x128xf32, #tpu.memory_space<vmem>>[vector<16xi32>, vector<16xi32>], vector<16xf32>,
      %mul3A_1035 = arith.constant 16 : i32
      %mul3A_1036 = arith.muli %scan3A_896, %mul3A_1035 : i32
      %swap3A_1037 = arith.constant 9 : i32
      %swap3A_1038 = arith.index_cast %swap3A_1037 : i32 to index
      %swap3A_1039 = arith.index_cast %mul3A_1036 : i32 to index
      %swap3A_1040 = tpu.vector_load %arg11[%swap3A_1038, %swap3A_1039] {strides = array<i32>} : memref<16x512xf32, #tpu.memory_space<vmem>>, vector<16xf32>,
      tpu.vector_store %arg11[%swap3A_1038, %swap3A_1039], %gather3A_1034 {strides = array<i32>} : memref<16x512xf32, #tpu.memory_space<vmem>>, vector<16xf32>,
      %add3A_1041 = arith.constant 10 : i32
      %add3A_1042 = vector.broadcast %add3A_1041 : i32 to vector<16xi32>
      %add3A_1043 = arith.addi %mul3A_937, %add3A_1042 : vector<16xi32>
      %gather3A_1044 = tpu.vector_load_idx %arg10[%add3A_941, %add3A_1043] : memref<512x128xf32, #tpu.memory_space<vmem>>[vector<16xi32>, vector<16xi32>], vector<16xf32>,
      %mul3A_1045 = arith.constant 16 : i32
      %mul3A_1046 = arith.muli %scan3A_896, %mul3A_1045 : i32
      %swap3A_1047 = arith.constant 10 : i32
      %swap3A_1048 = arith.index_cast %swap3A_1047 : i32 to index
      %swap3A_1049 = arith.index_cast %mul3A_1046 : i32 to index
      %swap3A_1050 = tpu.vector_load %arg11[%swap3A_1048, %swap3A_1049] {strides = array<i32>} : memref<16x512xf32, #tpu.memory_space<vmem>>, vector<16xf32>,
      tpu.vector_store %arg11[%swap3A_1048, %swap3A_1049], %gather3A_1044 {strides = array<i32>} : memref<16x512xf32, #tpu.memory_space<vmem>>, vector<16xf32>,
      %add3A_1051 = arith.constant 11 : i32
      %add3A_1052 = vector.broadcast %add3A_1051 : i32 to vector<16xi32>
      %add3A_1053 = arith.addi %mul3A_937, %add3A_1052 : vector<16xi32>
      %gather3A_1054 = tpu.vector_load_idx %arg10[%add3A_941, %add3A_1053] : memref<512x128xf32, #tpu.memory_space<vmem>>[vector<16xi32>, vector<16xi32>], vector<16xf32>,
      %mul3A_1055 = arith.constant 16 : i32
      %mul3A_1056 = arith.muli %scan3A_896, %mul3A_1055 : i32
      %swap3A_1057 = arith.constant 11 : i32
      %swap3A_1058 = arith.index_cast %swap3A_1057 : i32 to index
      %swap3A_1059 = arith.index_cast %mul3A_1056 : i32 to index
      %swap3A_1060 = tpu.vector_load %arg11[%swap3A_1058, %swap3A_1059] {strides = array<i32>} : memref<16x512xf32, #tpu.memory_space<vmem>>, vector<16xf32>,
      tpu.vector_store %arg11[%swap3A_1058, %swap3A_1059], %gather3A_1054 {strides = array<i32>} : memref<16x512xf32, #tpu.memory_space<vmem>>, vector<16xf32>,
      %add3A_1061 = arith.constant 12 : i32
      %add3A_1062 = vector.broadcast %add3A_1061 : i32 to vector<16xi32>
      %add3A_1063 = arith.addi %mul3A_937, %add3A_1062 : vector<16xi32>
      %gather3A_1064 = tpu.vector_load_idx %arg10[%add3A_941, %add3A_1063] : memref<512x128xf32, #tpu.memory_space<vmem>>[vector<16xi32>, vector<16xi32>], vector<16xf32>,
      %mul3A_1065 = arith.constant 16 : i32
      %mul3A_1066 = arith.muli %scan3A_896, %mul3A_1065 : i32
      %swap3A_1067 = arith.constant 12 : i32
      %swap3A_1068 = arith.index_cast %swap3A_1067 : i32 to index
      %swap3A_1069 = arith.index_cast %mul3A_1066 : i32 to index
      %swap3A_1070 = tpu.vector_load %arg11[%swap3A_1068, %swap3A_1069] {strides = array<i32>} : memref<16x512xf32, #tpu.memory_space<vmem>>, vector<16xf32>,
      tpu.vector_store %arg11[%swap3A_1068, %swap3A_1069], %gather3A_1064 {strides = array<i32>} : memref<16x512xf32, #tpu.memory_space<vmem>>, vector<16xf32>,
      %add3A_1071 = arith.constant 13 : i32
      %add3A_1072 = vector.broadcast %add3A_1071 : i32 to vector<16xi32>
      %add3A_1073 = arith.addi %mul3A_937, %add3A_1072 : vector<16xi32>
      %gather3A_1074 = tpu.vector_load_idx %arg10[%add3A_941, %add3A_1073] : memref<512x128xf32, #tpu.memory_space<vmem>>[vector<16xi32>, vector<16xi32>], vector<16xf32>,
      %mul3A_1075 = arith.constant 16 : i32
      %mul3A_1076 = arith.muli %scan3A_896, %mul3A_1075 : i32
      %swap3A_1077 = arith.constant 13 : i32
      %swap3A_1078 = arith.index_cast %swap3A_1077 : i32 to index
      %swap3A_1079 = arith.index_cast %mul3A_1076 : i32 to index
      %swap3A_1080 = tpu.vector_load %arg11[%swap3A_1078, %swap3A_1079] {strides = array<i32>} : memref<16x512xf32, #tpu.memory_space<vmem>>, vector<16xf32>,
      tpu.vector_store %arg11[%swap3A_1078, %swap3A_1079], %gather3A_1074 {strides = array<i32>} : memref<16x512xf32, #tpu.memory_space<vmem>>, vector<16xf32>,
      %add3A_1081 = arith.constant 14 : i32
      %add3A_1082 = vector.broadcast %add3A_1081 : i32 to vector<16xi32>
      %add3A_1083 = arith.addi %mul3A_937, %add3A_1082 : vector<16xi32>
      %gather3A_1084 = tpu.vector_load_idx %arg10[%add3A_941, %add3A_1083] : memref<512x128xf32, #tpu.memory_space<vmem>>[vector<16xi32>, vector<16xi32>], vector<16xf32>,
      %mul3A_1085 = arith.constant 16 : i32
      %mul3A_1086 = arith.muli %scan3A_896, %mul3A_1085 : i32
      %swap3A_1087 = arith.constant 14 : i32
      %swap3A_1088 = arith.index_cast %swap3A_1087 : i32 to index
      %swap3A_1089 = arith.index_cast %mul3A_1086 : i32 to index
      %swap3A_1090 = tpu.vector_load %arg11[%swap3A_1088, %swap3A_1089] {strides = array<i32>} : memref<16x512xf32, #tpu.memory_space<vmem>>, vector<16xf32>,
      tpu.vector_store %arg11[%swap3A_1088, %swap3A_1089], %gather3A_1084 {strides = array<i32>} : memref<16x512xf32, #tpu.memory_space<vmem>>, vector<16xf32>,
      %add3A_1091 = arith.constant 15 : i32
      %add3A_1092 = vector.broadcast %add3A_1091 : i32 to vector<16xi32>
      %add3A_1093 = arith.addi %mul3A_937, %add3A_1092 : vector<16xi32>
      %gather3A_1094 = tpu.vector_load_idx %arg10[%add3A_941, %add3A_1093] : memref<512x128xf32, #tpu.memory_space<vmem>>[vector<16xi32>, vector<16xi32>], vector<16xf32>,
      %mul3A_1095 = arith.constant 16 : i32
      %mul3A_1096 = arith.muli %scan3A_896, %mul3A_1095 : i32
      %swap3A_1097 = arith.constant 15 : i32
      %swap3A_1098 = arith.index_cast %swap3A_1097 : i32 to index
      %swap3A_1099 = arith.index_cast %mul3A_1096 : i32 to index
      %swap3A_1100 = tpu.vector_load %arg11[%swap3A_1098, %swap3A_1099] {strides = array<i32>} : memref<16x512xf32, #tpu.memory_space<vmem>>, vector<16xf32>,
      tpu.vector_store %arg11[%swap3A_1098, %swap3A_1099], %gather3A_1094 {strides = array<i32>} : memref<16x512xf32, #tpu.memory_space<vmem>>, vector<16xf32>,
    }
    %scan3A_445 = arith.constant 32 : i32
    "tpu.region"() ({
      %run_scoped3A_896 = tpu.sem_alloc : memref<!tpu.dma_semaphore, #tpu.memory_space<semaphore_mem>>
      %dma_start3A_897 = arith.constant 0 : i32
      %dma_start3A_898 = tpu.memref_slice %arg6[%dma_start3A_897, %mul3A_2] : memref<16x16384xf32, #tpu.memory_space<hbm>> -> memref<16x512xf32, #tpu.memory_space<hbm>>
      %dma_start3A_899 = arith.constant 0 : i32
      %dma_start3A_900 = tpu.memref_slice %arg6[%dma_start3A_899, %mul3A_2] : memref<16x16384xf32, #tpu.memory_space<hbm>> -> memref<16x512xf32, #tpu.memory_space<hbm>>
      tpu.enqueue_dma source(%arg11 : memref<16x512xf32, #tpu.memory_space<vmem>>) target(%dma_start3A_900 : memref<16x512xf32, #tpu.memory_space<hbm>>) target_semaphore(%run_scoped3A_896 : memref<!tpu.dma_semaphore, #tpu.memory_space<semaphore_mem>>)
      %dma_wait3A_901 = arith.constant 0 : i32
      %dma_wait3A_902 = tpu.memref_slice %arg6[%dma_wait3A_901, %mul3A_2] : memref<16x16384xf32, #tpu.memory_space<hbm>> -> memref<16x512xf32, #tpu.memory_space<hbm>>
      %dma_wait3A_903 = arith.constant 0 : i32
      %dma_wait3A_904 = tpu.memref_slice %arg6[%dma_wait3A_903, %mul3A_2] : memref<16x16384xf32, #tpu.memory_space<hbm>> -> memref<16x512xf32, #tpu.memory_space<hbm>>
      tpu.wait_dma2 semaphore(%run_scoped3A_896 : memref<!tpu.dma_semaphore, #tpu.memory_space<semaphore_mem>>) src(%arg11 : memref<16x512xf32, #tpu.memory_space<vmem>>) dst(%dma_wait3A_904 : memref<16x512xf32, #tpu.memory_space<hbm>>)
      tpu.yield
    }) : () -> ()
    %add3A_446 = arith.constant 0 : i32
    %add3A_447 = arith.addi %mul3A_2, %add3A_446 : i32
    %run_scoped3A_448 = arith.constant 0 : i32
    "tpu.region"() ({
      %run_scoped3A_896 = tpu.sem_alloc : memref<!tpu.dma_semaphore, #tpu.memory_space<semaphore_mem>>
      %dma_start3A_897 = arith.constant 0 : i32
      %dma_start3A_898 = tpu.memref_slice %arg8[%run_scoped3A_448, %dma_start3A_897] : memref<4x128xi32, #tpu.memory_space<vmem>> -> memref<1x128xi32, #tpu.memory_space<vmem>>
      %dma_start3A_899 = tpu.memref_squeeze %dma_start3A_898 : memref<1x128xi32, #tpu.memory_space<vmem>> -> memref<128xi32, #tpu.memory_space<vmem>>
      %dma_start3A_900 = tpu.memref_slice %arg3[%add3A_447] : memref<16384xi32, #tpu.memory_space<hbm>> -> memref<128xi32, #tpu.memory_space<hbm>>
      %dma_start3A_901 = arith.constant 0 : i32
      %dma_start3A_902 = tpu.memref_slice %arg8[%run_scoped3A_448, %dma_start3A_901] : memref<4x128xi32, #tpu.memory_space<vmem>> -> memref<1x128xi32, #tpu.memory_space<vmem>>
      %dma_start3A_903 = tpu.memref_squeeze %dma_start3A_902 : memref<1x128xi32, #tpu.memory_space<vmem>> -> memref<128xi32, #tpu.memory_space<vmem>>
      %dma_start3A_904 = tpu.memref_slice %arg3[%add3A_447] : memref<16384xi32, #tpu.memory_space<hbm>> -> memref<128xi32, #tpu.memory_space<hbm>>
      tpu.enqueue_dma source(%dma_start3A_904 : memref<128xi32, #tpu.memory_space<hbm>>) target(%dma_start3A_903 : memref<128xi32, #tpu.memory_space<vmem>>) target_semaphore(%run_scoped3A_896 : memref<!tpu.dma_semaphore, #tpu.memory_space<semaphore_mem>>)
      %dma_wait3A_905 = arith.constant 0 : i32
      %dma_wait3A_906 = tpu.memref_slice %arg8[%run_scoped3A_448, %dma_wait3A_905] : memref<4x128xi32, #tpu.memory_space<vmem>> -> memref<1x128xi32, #tpu.memory_space<vmem>>
      %dma_wait3A_907 = tpu.memref_squeeze %dma_wait3A_906 : memref<1x128xi32, #tpu.memory_space<vmem>> -> memref<128xi32, #tpu.memory_space<vmem>>
      %dma_wait3A_908 = tpu.memref_slice %arg3[%add3A_447] : memref<16384xi32, #tpu.memory_space<hbm>> -> memref<128xi32, #tpu.memory_space<hbm>>
      %dma_wait3A_909 = arith.constant 0 : i32
      %dma_wait3A_910 = tpu.memref_slice %arg8[%run_scoped3A_448, %dma_wait3A_909] : memref<4x128xi32, #tpu.memory_space<vmem>> -> memref<1x128xi32, #tpu.memory_space<vmem>>
      %dma_wait3A_911 = tpu.memref_squeeze %dma_wait3A_910 : memref<1x128xi32, #tpu.memory_space<vmem>> -> memref<128xi32, #tpu.memory_space<vmem>>
      %dma_wait3A_912 = tpu.memref_slice %arg3[%add3A_447] : memref<16384xi32, #tpu.memory_space<hbm>> -> memref<128xi32, #tpu.memory_space<hbm>>
      tpu.wait_dma2 semaphore(%run_scoped3A_896 : memref<!tpu.dma_semaphore, #tpu.memory_space<semaphore_mem>>) src(%dma_wait3A_912 : memref<128xi32, #tpu.memory_space<hbm>>) dst(%dma_wait3A_911 : memref<128xi32, #tpu.memory_space<vmem>>)
      tpu.yield
    }) : () -> ()
    %add3A_449 = arith.constant 128 : i32
    %add3A_450 = arith.addi %mul3A_2, %add3A_449 : i32
    %run_scoped3A_451 = arith.constant 1 : i32
    "tpu.region"() ({
      %run_scoped3A_896 = tpu.sem_alloc : memref<!tpu.dma_semaphore, #tpu.memory_space<semaphore_mem>>
      %dma_start3A_897 = arith.constant 0 : i32
      %dma_start3A_898 = tpu.memref_slice %arg8[%run_scoped3A_451, %dma_start3A_897] : memref<4x128xi32, #tpu.memory_space<vmem>> -> memref<1x128xi32, #tpu.memory_space<vmem>>
      %dma_start3A_899 = tpu.memref_squeeze %dma_start3A_898 : memref<1x128xi32, #tpu.memory_space<vmem>> -> memref<128xi32, #tpu.memory_space<vmem>>
      %dma_start3A_900 = tpu.memref_slice %arg3[%add3A_450] : memref<16384xi32, #tpu.memory_space<hbm>> -> memref<128xi32, #tpu.memory_space<hbm>>
      %dma_start3A_901 = arith.constant 0 : i32
      %dma_start3A_902 = tpu.memref_slice %arg8[%run_scoped3A_451, %dma_start3A_901] : memref<4x128xi32, #tpu.memory_space<vmem>> -> memref<1x128xi32, #tpu.memory_space<vmem>>
      %dma_start3A_903 = tpu.memref_squeeze %dma_start3A_902 : memref<1x128xi32, #tpu.memory_space<vmem>> -> memref<128xi32, #tpu.memory_space<vmem>>
      %dma_start3A_904 = tpu.memref_slice %arg3[%add3A_450] : memref<16384xi32, #tpu.memory_space<hbm>> -> memref<128xi32, #tpu.memory_space<hbm>>
      tpu.enqueue_dma source(%dma_start3A_904 : memref<128xi32, #tpu.memory_space<hbm>>) target(%dma_start3A_903 : memref<128xi32, #tpu.memory_space<vmem>>) target_semaphore(%run_scoped3A_896 : memref<!tpu.dma_semaphore, #tpu.memory_space<semaphore_mem>>)
      %dma_wait3A_905 = arith.constant 0 : i32
      %dma_wait3A_906 = tpu.memref_slice %arg8[%run_scoped3A_451, %dma_wait3A_905] : memref<4x128xi32, #tpu.memory_space<vmem>> -> memref<1x128xi32, #tpu.memory_space<vmem>>
      %dma_wait3A_907 = tpu.memref_squeeze %dma_wait3A_906 : memref<1x128xi32, #tpu.memory_space<vmem>> -> memref<128xi32, #tpu.memory_space<vmem>>
      %dma_wait3A_908 = tpu.memref_slice %arg3[%add3A_450] : memref<16384xi32, #tpu.memory_space<hbm>> -> memref<128xi32, #tpu.memory_space<hbm>>
      %dma_wait3A_909 = arith.constant 0 : i32
      %dma_wait3A_910 = tpu.memref_slice %arg8[%run_scoped3A_451, %dma_wait3A_909] : memref<4x128xi32, #tpu.memory_space<vmem>> -> memref<1x128xi32, #tpu.memory_space<vmem>>
      %dma_wait3A_911 = tpu.memref_squeeze %dma_wait3A_910 : memref<1x128xi32, #tpu.memory_space<vmem>> -> memref<128xi32, #tpu.memory_space<vmem>>
      %dma_wait3A_912 = tpu.memref_slice %arg3[%add3A_450] : memref<16384xi32, #tpu.memory_space<hbm>> -> memref<128xi32, #tpu.memory_space<hbm>>
      tpu.wait_dma2 semaphore(%run_scoped3A_896 : memref<!tpu.dma_semaphore, #tpu.memory_space<semaphore_mem>>) src(%dma_wait3A_912 : memref<128xi32, #tpu.memory_space<hbm>>) dst(%dma_wait3A_911 : memref<128xi32, #tpu.memory_space<vmem>>)
      tpu.yield
    }) : () -> ()
    %add3A_452 = arith.constant 256 : i32
    %add3A_453 = arith.addi %mul3A_2, %add3A_452 : i32
    %run_scoped3A_454 = arith.constant 2 : i32
    "tpu.region"() ({
      %run_scoped3A_896 = tpu.sem_alloc : memref<!tpu.dma_semaphore, #tpu.memory_space<semaphore_mem>>
      %dma_start3A_897 = arith.constant 0 : i32
      %dma_start3A_898 = tpu.memref_slice %arg8[%run_scoped3A_454, %dma_start3A_897] : memref<4x128xi32, #tpu.memory_space<vmem>> -> memref<1x128xi32, #tpu.memory_space<vmem>>
      %dma_start3A_899 = tpu.memref_squeeze %dma_start3A_898 : memref<1x128xi32, #tpu.memory_space<vmem>> -> memref<128xi32, #tpu.memory_space<vmem>>
      %dma_start3A_900 = tpu.memref_slice %arg3[%add3A_453] : memref<16384xi32, #tpu.memory_space<hbm>> -> memref<128xi32, #tpu.memory_space<hbm>>
      %dma_start3A_901 = arith.constant 0 : i32
      %dma_start3A_902 = tpu.memref_slice %arg8[%run_scoped3A_454, %dma_start3A_901] : memref<4x128xi32, #tpu.memory_space<vmem>> -> memref<1x128xi32, #tpu.memory_space<vmem>>
      %dma_start3A_903 = tpu.memref_squeeze %dma_start3A_902 : memref<1x128xi32, #tpu.memory_space<vmem>> -> memref<128xi32, #tpu.memory_space<vmem>>
      %dma_start3A_904 = tpu.memref_slice %arg3[%add3A_453] : memref<16384xi32, #tpu.memory_space<hbm>> -> memref<128xi32, #tpu.memory_space<hbm>>
      tpu.enqueue_dma source(%dma_start3A_904 : memref<128xi32, #tpu.memory_space<hbm>>) target(%dma_start3A_903 : memref<128xi32, #tpu.memory_space<vmem>>) target_semaphore(%run_scoped3A_896 : memref<!tpu.dma_semaphore, #tpu.memory_space<semaphore_mem>>)
      %dma_wait3A_905 = arith.constant 0 : i32
      %dma_wait3A_906 = tpu.memref_slice %arg8[%run_scoped3A_454, %dma_wait3A_905] : memref<4x128xi32, #tpu.memory_space<vmem>> -> memref<1x128xi32, #tpu.memory_space<vmem>>
      %dma_wait3A_907 = tpu.memref_squeeze %dma_wait3A_906 : memref<1x128xi32, #tpu.memory_space<vmem>> -> memref<128xi32, #tpu.memory_space<vmem>>
      %dma_wait3A_908 = tpu.memref_slice %arg3[%add3A_453] : memref<16384xi32, #tpu.memory_space<hbm>> -> memref<128xi32, #tpu.memory_space<hbm>>
      %dma_wait3A_909 = arith.constant 0 : i32
      %dma_wait3A_910 = tpu.memref_slice %arg8[%run_scoped3A_454, %dma_wait3A_909] : memref<4x128xi32, #tpu.memory_space<vmem>> -> memref<1x128xi32, #tpu.memory_space<vmem>>
      %dma_wait3A_911 = tpu.memref_squeeze %dma_wait3A_910 : memref<1x128xi32, #tpu.memory_space<vmem>> -> memref<128xi32, #tpu.memory_space<vmem>>
      %dma_wait3A_912 = tpu.memref_slice %arg3[%add3A_453] : memref<16384xi32, #tpu.memory_space<hbm>> -> memref<128xi32, #tpu.memory_space<hbm>>
      tpu.wait_dma2 semaphore(%run_scoped3A_896 : memref<!tpu.dma_semaphore, #tpu.memory_space<semaphore_mem>>) src(%dma_wait3A_912 : memref<128xi32, #tpu.memory_space<hbm>>) dst(%dma_wait3A_911 : memref<128xi32, #tpu.memory_space<vmem>>)
      tpu.yield
    }) : () -> ()
    %add3A_455 = arith.constant 384 : i32
    %add3A_456 = arith.addi %mul3A_2, %add3A_455 : i32
    %run_scoped3A_457 = arith.constant 3 : i32
    "tpu.region"() ({
      %run_scoped3A_896 = tpu.sem_alloc : memref<!tpu.dma_semaphore, #tpu.memory_space<semaphore_mem>>
      %dma_start3A_897 = arith.constant 0 : i32
      %dma_start3A_898 = tpu.memref_slice %arg8[%run_scoped3A_457, %dma_start3A_897] : memref<4x128xi32, #tpu.memory_space<vmem>> -> memref<1x128xi32, #tpu.memory_space<vmem>>
      %dma_start3A_899 = tpu.memref_squeeze %dma_start3A_898 : memref<1x128xi32, #tpu.memory_space<vmem>> -> memref<128xi32, #tpu.memory_space<vmem>>
      %dma_start3A_900 = tpu.memref_slice %arg3[%add3A_456] : memref<16384xi32, #tpu.memory_space<hbm>> -> memref<128xi32, #tpu.memory_space<hbm>>
      %dma_start3A_901 = arith.constant 0 : i32
      %dma_start3A_902 = tpu.memref_slice %arg8[%run_scoped3A_457, %dma_start3A_901] : memref<4x128xi32, #tpu.memory_space<vmem>> -> memref<1x128xi32, #tpu.memory_space<vmem>>
      %dma_start3A_903 = tpu.memref_squeeze %dma_start3A_902 : memref<1x128xi32, #tpu.memory_space<vmem>> -> memref<128xi32, #tpu.memory_space<vmem>>
      %dma_start3A_904 = tpu.memref_slice %arg3[%add3A_456] : memref<16384xi32, #tpu.memory_space<hbm>> -> memref<128xi32, #tpu.memory_space<hbm>>
      tpu.enqueue_dma source(%dma_start3A_904 : memref<128xi32, #tpu.memory_space<hbm>>) target(%dma_start3A_903 : memref<128xi32, #tpu.memory_space<vmem>>) target_semaphore(%run_scoped3A_896 : memref<!tpu.dma_semaphore, #tpu.memory_space<semaphore_mem>>)
      %dma_wait3A_905 = arith.constant 0 : i32
      %dma_wait3A_906 = tpu.memref_slice %arg8[%run_scoped3A_457, %dma_wait3A_905] : memref<4x128xi32, #tpu.memory_space<vmem>> -> memref<1x128xi32, #tpu.memory_space<vmem>>
      %dma_wait3A_907 = tpu.memref_squeeze %dma_wait3A_906 : memref<1x128xi32, #tpu.memory_space<vmem>> -> memref<128xi32, #tpu.memory_space<vmem>>
      %dma_wait3A_908 = tpu.memref_slice %arg3[%add3A_456] : memref<16384xi32, #tpu.memory_space<hbm>> -> memref<128xi32, #tpu.memory_space<hbm>>
      %dma_wait3A_909 = arith.constant 0 : i32
      %dma_wait3A_910 = tpu.memref_slice %arg8[%run_scoped3A_457, %dma_wait3A_909] : memref<4x128xi32, #tpu.memory_space<vmem>> -> memref<1x128xi32, #tpu.memory_space<vmem>>
      %dma_wait3A_911 = tpu.memref_squeeze %dma_wait3A_910 : memref<1x128xi32, #tpu.memory_space<vmem>> -> memref<128xi32, #tpu.memory_space<vmem>>
      %dma_wait3A_912 = tpu.memref_slice %arg3[%add3A_456] : memref<16384xi32, #tpu.memory_space<hbm>> -> memref<128xi32, #tpu.memory_space<hbm>>
      tpu.wait_dma2 semaphore(%run_scoped3A_896 : memref<!tpu.dma_semaphore, #tpu.memory_space<semaphore_mem>>) src(%dma_wait3A_912 : memref<128xi32, #tpu.memory_space<hbm>>) dst(%dma_wait3A_911 : memref<128xi32, #tpu.memory_space<vmem>>)
      tpu.yield
    }) : () -> ()
    %get3A_458 = arith.constant 0 : i32
    %get3A_459 = arith.index_cast %get3A_458 : i32 to index
    %get3A_460 = arith.constant 0 : index
    %get3A_461 = tpu.vector_load %arg8[%get3A_459, %get3A_460] {strides = array<i32>} : memref<4x128xi32, #tpu.memory_space<vmem>>, vector<16xi32>,
    %shift_right_logical3A_462 = arith.constant 3 : i32
    %shift_right_logical3A_463 = vector.broadcast %shift_right_logical3A_462 : i32 to vector<16xi32>
    %shift_right_logical3A_464 = arith.shrui %get3A_461, %shift_right_logical3A_463 : vector<16xi32>
    %swap3A_465 = arith.constant 0 : i32
    %swap3A_466 = arith.index_cast %swap3A_465 : i32 to index
    %swap3A_467 = arith.constant 0 : index
    %swap3A_468 = tpu.vector_load %arg9[%swap3A_466, %swap3A_467] {strides = array<i32>} : memref<4x128xi32, #tpu.memory_space<vmem>>, vector<16xi32>,
    tpu.vector_store %arg9[%swap3A_466, %swap3A_467], %shift_right_logical3A_464 {strides = array<i32>} : memref<4x128xi32, #tpu.memory_space<vmem>>, vector<16xi32>,
    %get3A_469 = arith.constant 0 : i32
    %get3A_470 = arith.index_cast %get3A_469 : i32 to index
    %get3A_471 = arith.constant 16 : index
    %get3A_472 = tpu.vector_load %arg8[%get3A_470, %get3A_471] {strides = array<i32>} : memref<4x128xi32, #tpu.memory_space<vmem>>, vector<16xi32>,
    %shift_right_logical3A_473 = arith.constant 3 : i32
    %shift_right_logical3A_474 = vector.broadcast %shift_right_logical3A_473 : i32 to vector<16xi32>
    %shift_right_logical3A_475 = arith.shrui %get3A_472, %shift_right_logical3A_474 : vector<16xi32>
    %swap3A_476 = arith.constant 0 : i32
    %swap3A_477 = arith.index_cast %swap3A_476 : i32 to index
    %swap3A_478 = arith.constant 16 : index
    %swap3A_479 = tpu.vector_load %arg9[%swap3A_477, %swap3A_478] {strides = array<i32>} : memref<4x128xi32, #tpu.memory_space<vmem>>, vector<16xi32>,
    tpu.vector_store %arg9[%swap3A_477, %swap3A_478], %shift_right_logical3A_475 {strides = array<i32>} : memref<4x128xi32, #tpu.memory_space<vmem>>, vector<16xi32>,
    %get3A_480 = arith.constant 0 : i32
    %get3A_481 = arith.index_cast %get3A_480 : i32 to index
    %get3A_482 = arith.constant 32 : index
    %get3A_483 = tpu.vector_load %arg8[%get3A_481, %get3A_482] {strides = array<i32>} : memref<4x128xi32, #tpu.memory_space<vmem>>, vector<16xi32>,
    %shift_right_logical3A_484 = arith.constant 3 : i32
    %shift_right_logical3A_485 = vector.broadcast %shift_right_logical3A_484 : i32 to vector<16xi32>
    %shift_right_logical3A_486 = arith.shrui %get3A_483, %shift_right_logical3A_485 : vector<16xi32>
    %swap3A_487 = arith.constant 0 : i32
    %swap3A_488 = arith.index_cast %swap3A_487 : i32 to index
    %swap3A_489 = arith.constant 32 : index
    %swap3A_490 = tpu.vector_load %arg9[%swap3A_488, %swap3A_489] {strides = array<i32>} : memref<4x128xi32, #tpu.memory_space<vmem>>, vector<16xi32>,
    tpu.vector_store %arg9[%swap3A_488, %swap3A_489], %shift_right_logical3A_486 {strides = array<i32>} : memref<4x128xi32, #tpu.memory_space<vmem>>, vector<16xi32>,
    %get3A_491 = arith.constant 0 : i32
    %get3A_492 = arith.index_cast %get3A_491 : i32 to index
    %get3A_493 = arith.constant 48 : index
    %get3A_494 = tpu.vector_load %arg8[%get3A_492, %get3A_493] {strides = array<i32>} : memref<4x128xi32, #tpu.memory_space<vmem>>, vector<16xi32>,
    %shift_right_logical3A_495 = arith.constant 3 : i32
    %shift_right_logical3A_496 = vector.broadcast %shift_right_logical3A_495 : i32 to vector<16xi32>
    %shift_right_logical3A_497 = arith.shrui %get3A_494, %shift_right_logical3A_496 : vector<16xi32>
    %swap3A_498 = arith.constant 0 : i32
    %swap3A_499 = arith.index_cast %swap3A_498 : i32 to index
    %swap3A_500 = arith.constant 48 : index
    %swap3A_501 = tpu.vector_load %arg9[%swap3A_499, %swap3A_500] {strides = array<i32>} : memref<4x128xi32, #tpu.memory_space<vmem>>, vector<16xi32>,
    tpu.vector_store %arg9[%swap3A_499, %swap3A_500], %shift_right_logical3A_497 {strides = array<i32>} : memref<4x128xi32, #tpu.memory_space<vmem>>, vector<16xi32>,
    %get3A_502 = arith.constant 0 : i32
    %get3A_503 = arith.index_cast %get3A_502 : i32 to index
    %get3A_504 = arith.constant 64 : index
    %get3A_505 = tpu.vector_load %arg8[%get3A_503, %get3A_504] {strides = array<i32>} : memref<4x128xi32, #tpu.memory_space<vmem>>, vector<16xi32>,
    %shift_right_logical3A_506 = arith.constant 3 : i32
    %shift_right_logical3A_507 = vector.broadcast %shift_right_logical3A_506 : i32 to vector<16xi32>
    %shift_right_logical3A_508 = arith.shrui %get3A_505, %shift_right_logical3A_507 : vector<16xi32>
    %swap3A_509 = arith.constant 0 : i32
    %swap3A_510 = arith.index_cast %swap3A_509 : i32 to index
    %swap3A_511 = arith.constant 64 : index
    %swap3A_512 = tpu.vector_load %arg9[%swap3A_510, %swap3A_511] {strides = array<i32>} : memref<4x128xi32, #tpu.memory_space<vmem>>, vector<16xi32>,
    tpu.vector_store %arg9[%swap3A_510, %swap3A_511], %shift_right_logical3A_508 {strides = array<i32>} : memref<4x128xi32, #tpu.memory_space<vmem>>, vector<16xi32>,
    %get3A_513 = arith.constant 0 : i32
    %get3A_514 = arith.index_cast %get3A_513 : i32 to index
    %get3A_515 = arith.constant 80 : index
    %get3A_516 = tpu.vector_load %arg8[%get3A_514, %get3A_515] {strides = array<i32>} : memref<4x128xi32, #tpu.memory_space<vmem>>, vector<16xi32>,
    %shift_right_logical3A_517 = arith.constant 3 : i32
    %shift_right_logical3A_518 = vector.broadcast %shift_right_logical3A_517 : i32 to vector<16xi32>
    %shift_right_logical3A_519 = arith.shrui %get3A_516, %shift_right_logical3A_518 : vector<16xi32>
    %swap3A_520 = arith.constant 0 : i32
    %swap3A_521 = arith.index_cast %swap3A_520 : i32 to index
    %swap3A_522 = arith.constant 80 : index
    %swap3A_523 = tpu.vector_load %arg9[%swap3A_521, %swap3A_522] {strides = array<i32>} : memref<4x128xi32, #tpu.memory_space<vmem>>, vector<16xi32>,
    tpu.vector_store %arg9[%swap3A_521, %swap3A_522], %shift_right_logical3A_519 {strides = array<i32>} : memref<4x128xi32, #tpu.memory_space<vmem>>, vector<16xi32>,
    %get3A_524 = arith.constant 0 : i32
    %get3A_525 = arith.index_cast %get3A_524 : i32 to index
    %get3A_526 = arith.constant 96 : index
    %get3A_527 = tpu.vector_load %arg8[%get3A_525, %get3A_526] {strides = array<i32>} : memref<4x128xi32, #tpu.memory_space<vmem>>, vector<16xi32>,
    %shift_right_logical3A_528 = arith.constant 3 : i32
    %shift_right_logical3A_529 = vector.broadcast %shift_right_logical3A_528 : i32 to vector<16xi32>
    %shift_right_logical3A_530 = arith.shrui %get3A_527, %shift_right_logical3A_529 : vector<16xi32>
    %swap3A_531 = arith.constant 0 : i32
    %swap3A_532 = arith.index_cast %swap3A_531 : i32 to index
    %swap3A_533 = arith.constant 96 : index
    %swap3A_534 = tpu.vector_load %arg9[%swap3A_532, %swap3A_533] {strides = array<i32>} : memref<4x128xi32, #tpu.memory_space<vmem>>, vector<16xi32>,
    tpu.vector_store %arg9[%swap3A_532, %swap3A_533], %shift_right_logical3A_530 {strides = array<i32>} : memref<4x128xi32, #tpu.memory_space<vmem>>, vector<16xi32>,
    %get3A_535 = arith.constant 0 : i32
    %get3A_536 = arith.index_cast %get3A_535 : i32 to index
    %get3A_537 = arith.constant 112 : index
    %get3A_538 = tpu.vector_load %arg8[%get3A_536, %get3A_537] {strides = array<i32>} : memref<4x128xi32, #tpu.memory_space<vmem>>, vector<16xi32>,
    %shift_right_logical3A_539 = arith.constant 3 : i32
    %shift_right_logical3A_540 = vector.broadcast %shift_right_logical3A_539 : i32 to vector<16xi32>
    %shift_right_logical3A_541 = arith.shrui %get3A_538, %shift_right_logical3A_540 : vector<16xi32>
    %swap3A_542 = arith.constant 0 : i32
    %swap3A_543 = arith.index_cast %swap3A_542 : i32 to index
    %swap3A_544 = arith.constant 112 : index
    %swap3A_545 = tpu.vector_load %arg9[%swap3A_543, %swap3A_544] {strides = array<i32>} : memref<4x128xi32, #tpu.memory_space<vmem>>, vector<16xi32>,
    tpu.vector_store %arg9[%swap3A_543, %swap3A_544], %shift_right_logical3A_541 {strides = array<i32>} : memref<4x128xi32, #tpu.memory_space<vmem>>, vector<16xi32>,
    %get3A_546 = arith.constant 1 : i32
    %get3A_547 = arith.index_cast %get3A_546 : i32 to index
    %get3A_548 = arith.constant 0 : index
    %get3A_549 = tpu.vector_load %arg8[%get3A_547, %get3A_548] {strides = array<i32>} : memref<4x128xi32, #tpu.memory_space<vmem>>, vector<16xi32>,
    %shift_right_logical3A_550 = arith.constant 3 : i32
    %shift_right_logical3A_551 = vector.broadcast %shift_right_logical3A_550 : i32 to vector<16xi32>
    %shift_right_logical3A_552 = arith.shrui %get3A_549, %shift_right_logical3A_551 : vector<16xi32>
    %swap3A_553 = arith.constant 1 : i32
    %swap3A_554 = arith.index_cast %swap3A_553 : i32 to index
    %swap3A_555 = arith.constant 0 : index
    %swap3A_556 = tpu.vector_load %arg9[%swap3A_554, %swap3A_555] {strides = array<i32>} : memref<4x128xi32, #tpu.memory_space<vmem>>, vector<16xi32>,
    tpu.vector_store %arg9[%swap3A_554, %swap3A_555], %shift_right_logical3A_552 {strides = array<i32>} : memref<4x128xi32, #tpu.memory_space<vmem>>, vector<16xi32>,
    %get3A_557 = arith.constant 1 : i32
    %get3A_558 = arith.index_cast %get3A_557 : i32 to index
    %get3A_559 = arith.constant 16 : index
    %get3A_560 = tpu.vector_load %arg8[%get3A_558, %get3A_559] {strides = array<i32>} : memref<4x128xi32, #tpu.memory_space<vmem>>, vector<16xi32>,
    %shift_right_logical3A_561 = arith.constant 3 : i32
    %shift_right_logical3A_562 = vector.broadcast %shift_right_logical3A_561 : i32 to vector<16xi32>
    %shift_right_logical3A_563 = arith.shrui %get3A_560, %shift_right_logical3A_562 : vector<16xi32>
    %swap3A_564 = arith.constant 1 : i32
    %swap3A_565 = arith.index_cast %swap3A_564 : i32 to index
    %swap3A_566 = arith.constant 16 : index
    %swap3A_567 = tpu.vector_load %arg9[%swap3A_565, %swap3A_566] {strides = array<i32>} : memref<4x128xi32, #tpu.memory_space<vmem>>, vector<16xi32>,
    tpu.vector_store %arg9[%swap3A_565, %swap3A_566], %shift_right_logical3A_563 {strides = array<i32>} : memref<4x128xi32, #tpu.memory_space<vmem>>, vector<16xi32>,
    %get3A_568 = arith.constant 1 : i32
    %get3A_569 = arith.index_cast %get3A_568 : i32 to index
    %get3A_570 = arith.constant 32 : index
    %get3A_571 = tpu.vector_load %arg8[%get3A_569, %get3A_570] {strides = array<i32>} : memref<4x128xi32, #tpu.memory_space<vmem>>, vector<16xi32>,
    %shift_right_logical3A_572 = arith.constant 3 : i32
    %shift_right_logical3A_573 = vector.broadcast %shift_right_logical3A_572 : i32 to vector<16xi32>
    %shift_right_logical3A_574 = arith.shrui %get3A_571, %shift_right_logical3A_573 : vector<16xi32>
    %swap3A_575 = arith.constant 1 : i32
    %swap3A_576 = arith.index_cast %swap3A_575 : i32 to index
    %swap3A_577 = arith.constant 32 : index
    %swap3A_578 = tpu.vector_load %arg9[%swap3A_576, %swap3A_577] {strides = array<i32>} : memref<4x128xi32, #tpu.memory_space<vmem>>, vector<16xi32>,
    tpu.vector_store %arg9[%swap3A_576, %swap3A_577], %shift_right_logical3A_574 {strides = array<i32>} : memref<4x128xi32, #tpu.memory_space<vmem>>, vector<16xi32>,
    %get3A_579 = arith.constant 1 : i32
    %get3A_580 = arith.index_cast %get3A_579 : i32 to index
    %get3A_581 = arith.constant 48 : index
    %get3A_582 = tpu.vector_load %arg8[%get3A_580, %get3A_581] {strides = array<i32>} : memref<4x128xi32, #tpu.memory_space<vmem>>, vector<16xi32>,
    %shift_right_logical3A_583 = arith.constant 3 : i32
    %shift_right_logical3A_584 = vector.broadcast %shift_right_logical3A_583 : i32 to vector<16xi32>
    %shift_right_logical3A_585 = arith.shrui %get3A_582, %shift_right_logical3A_584 : vector<16xi32>
    %swap3A_586 = arith.constant 1 : i32
    %swap3A_587 = arith.index_cast %swap3A_586 : i32 to index
    %swap3A_588 = arith.constant 48 : index
    %swap3A_589 = tpu.vector_load %arg9[%swap3A_587, %swap3A_588] {strides = array<i32>} : memref<4x128xi32, #tpu.memory_space<vmem>>, vector<16xi32>,
    tpu.vector_store %arg9[%swap3A_587, %swap3A_588], %shift_right_logical3A_585 {strides = array<i32>} : memref<4x128xi32, #tpu.memory_space<vmem>>, vector<16xi32>,
    %get3A_590 = arith.constant 1 : i32
    %get3A_591 = arith.index_cast %get3A_590 : i32 to index
    %get3A_592 = arith.constant 64 : index
    %get3A_593 = tpu.vector_load %arg8[%get3A_591, %get3A_592] {strides = array<i32>} : memref<4x128xi32, #tpu.memory_space<vmem>>, vector<16xi32>,
    %shift_right_logical3A_594 = arith.constant 3 : i32
    %shift_right_logical3A_595 = vector.broadcast %shift_right_logical3A_594 : i32 to vector<16xi32>
    %shift_right_logical3A_596 = arith.shrui %get3A_593, %shift_right_logical3A_595 : vector<16xi32>
    %swap3A_597 = arith.constant 1 : i32
    %swap3A_598 = arith.index_cast %swap3A_597 : i32 to index
    %swap3A_599 = arith.constant 64 : index
    %swap3A_600 = tpu.vector_load %arg9[%swap3A_598, %swap3A_599] {strides = array<i32>} : memref<4x128xi32, #tpu.memory_space<vmem>>, vector<16xi32>,
    tpu.vector_store %arg9[%swap3A_598, %swap3A_599], %shift_right_logical3A_596 {strides = array<i32>} : memref<4x128xi32, #tpu.memory_space<vmem>>, vector<16xi32>,
    %get3A_601 = arith.constant 1 : i32
    %get3A_602 = arith.index_cast %get3A_601 : i32 to index
    %get3A_603 = arith.constant 80 : index
    %get3A_604 = tpu.vector_load %arg8[%get3A_602, %get3A_603] {strides = array<i32>} : memref<4x128xi32, #tpu.memory_space<vmem>>, vector<16xi32>,
    %shift_right_logical3A_605 = arith.constant 3 : i32
    %shift_right_logical3A_606 = vector.broadcast %shift_right_logical3A_605 : i32 to vector<16xi32>
    %shift_right_logical3A_607 = arith.shrui %get3A_604, %shift_right_logical3A_606 : vector<16xi32>
    %swap3A_608 = arith.constant 1 : i32
    %swap3A_609 = arith.index_cast %swap3A_608 : i32 to index
    %swap3A_610 = arith.constant 80 : index
    %swap3A_611 = tpu.vector_load %arg9[%swap3A_609, %swap3A_610] {strides = array<i32>} : memref<4x128xi32, #tpu.memory_space<vmem>>, vector<16xi32>,
    tpu.vector_store %arg9[%swap3A_609, %swap3A_610], %shift_right_logical3A_607 {strides = array<i32>} : memref<4x128xi32, #tpu.memory_space<vmem>>, vector<16xi32>,
    %get3A_612 = arith.constant 1 : i32
    %get3A_613 = arith.index_cast %get3A_612 : i32 to index
    %get3A_614 = arith.constant 96 : index
    %get3A_615 = tpu.vector_load %arg8[%get3A_613, %get3A_614] {strides = array<i32>} : memref<4x128xi32, #tpu.memory_space<vmem>>, vector<16xi32>,
    %shift_right_logical3A_616 = arith.constant 3 : i32
    %shift_right_logical3A_617 = vector.broadcast %shift_right_logical3A_616 : i32 to vector<16xi32>
    %shift_right_logical3A_618 = arith.shrui %get3A_615, %shift_right_logical3A_617 : vector<16xi32>
    %swap3A_619 = arith.constant 1 : i32
    %swap3A_620 = arith.index_cast %swap3A_619 : i32 to index
    %swap3A_621 = arith.constant 96 : index
    %swap3A_622 = tpu.vector_load %arg9[%swap3A_620, %swap3A_621] {strides = array<i32>} : memref<4x128xi32, #tpu.memory_space<vmem>>, vector<16xi32>,
    tpu.vector_store %arg9[%swap3A_620, %swap3A_621], %shift_right_logical3A_618 {strides = array<i32>} : memref<4x128xi32, #tpu.memory_space<vmem>>, vector<16xi32>,
    %get3A_623 = arith.constant 1 : i32
    %get3A_624 = arith.index_cast %get3A_623 : i32 to index
    %get3A_625 = arith.constant 112 : index
    %get3A_626 = tpu.vector_load %arg8[%get3A_624, %get3A_625] {strides = array<i32>} : memref<4x128xi32, #tpu.memory_space<vmem>>, vector<16xi32>,
    %shift_right_logical3A_627 = arith.constant 3 : i32
    %shift_right_logical3A_628 = vector.broadcast %shift_right_logical3A_627 : i32 to vector<16xi32>
    %shift_right_logical3A_629 = arith.shrui %get3A_626, %shift_right_logical3A_628 : vector<16xi32>
    %swap3A_630 = arith.constant 1 : i32
    %swap3A_631 = arith.index_cast %swap3A_630 : i32 to index
    %swap3A_632 = arith.constant 112 : index
    %swap3A_633 = tpu.vector_load %arg9[%swap3A_631, %swap3A_632] {strides = array<i32>} : memref<4x128xi32, #tpu.memory_space<vmem>>, vector<16xi32>,
    tpu.vector_store %arg9[%swap3A_631, %swap3A_632], %shift_right_logical3A_629 {strides = array<i32>} : memref<4x128xi32, #tpu.memory_space<vmem>>, vector<16xi32>,
    %get3A_634 = arith.constant 2 : i32
    %get3A_635 = arith.index_cast %get3A_634 : i32 to index
    %get3A_636 = arith.constant 0 : index
    %get3A_637 = tpu.vector_load %arg8[%get3A_635, %get3A_636] {strides = array<i32>} : memref<4x128xi32, #tpu.memory_space<vmem>>, vector<16xi32>,
    %shift_right_logical3A_638 = arith.constant 3 : i32
    %shift_right_logical3A_639 = vector.broadcast %shift_right_logical3A_638 : i32 to vector<16xi32>
    %shift_right_logical3A_640 = arith.shrui %get3A_637, %shift_right_logical3A_639 : vector<16xi32>
    %swap3A_641 = arith.constant 2 : i32
    %swap3A_642 = arith.index_cast %swap3A_641 : i32 to index
    %swap3A_643 = arith.constant 0 : index
    %swap3A_644 = tpu.vector_load %arg9[%swap3A_642, %swap3A_643] {strides = array<i32>} : memref<4x128xi32, #tpu.memory_space<vmem>>, vector<16xi32>,
    tpu.vector_store %arg9[%swap3A_642, %swap3A_643], %shift_right_logical3A_640 {strides = array<i32>} : memref<4x128xi32, #tpu.memory_space<vmem>>, vector<16xi32>,
    %get3A_645 = arith.constant 2 : i32
    %get3A_646 = arith.index_cast %get3A_645 : i32 to index
    %get3A_647 = arith.constant 16 : index
    %get3A_648 = tpu.vector_load %arg8[%get3A_646, %get3A_647] {strides = array<i32>} : memref<4x128xi32, #tpu.memory_space<vmem>>, vector<16xi32>,
    %shift_right_logical3A_649 = arith.constant 3 : i32
    %shift_right_logical3A_650 = vector.broadcast %shift_right_logical3A_649 : i32 to vector<16xi32>
    %shift_right_logical3A_651 = arith.shrui %get3A_648, %shift_right_logical3A_650 : vector<16xi32>
    %swap3A_652 = arith.constant 2 : i32
    %swap3A_653 = arith.index_cast %swap3A_652 : i32 to index
    %swap3A_654 = arith.constant 16 : index
    %swap3A_655 = tpu.vector_load %arg9[%swap3A_653, %swap3A_654] {strides = array<i32>} : memref<4x128xi32, #tpu.memory_space<vmem>>, vector<16xi32>,
    tpu.vector_store %arg9[%swap3A_653, %swap3A_654], %shift_right_logical3A_651 {strides = array<i32>} : memref<4x128xi32, #tpu.memory_space<vmem>>, vector<16xi32>,
    %get3A_656 = arith.constant 2 : i32
    %get3A_657 = arith.index_cast %get3A_656 : i32 to index
    %get3A_658 = arith.constant 32 : index
    %get3A_659 = tpu.vector_load %arg8[%get3A_657, %get3A_658] {strides = array<i32>} : memref<4x128xi32, #tpu.memory_space<vmem>>, vector<16xi32>,
    %shift_right_logical3A_660 = arith.constant 3 : i32
    %shift_right_logical3A_661 = vector.broadcast %shift_right_logical3A_660 : i32 to vector<16xi32>
    %shift_right_logical3A_662 = arith.shrui %get3A_659, %shift_right_logical3A_661 : vector<16xi32>
    %swap3A_663 = arith.constant 2 : i32
    %swap3A_664 = arith.index_cast %swap3A_663 : i32 to index
    %swap3A_665 = arith.constant 32 : index
    %swap3A_666 = tpu.vector_load %arg9[%swap3A_664, %swap3A_665] {strides = array<i32>} : memref<4x128xi32, #tpu.memory_space<vmem>>, vector<16xi32>,
    tpu.vector_store %arg9[%swap3A_664, %swap3A_665], %shift_right_logical3A_662 {strides = array<i32>} : memref<4x128xi32, #tpu.memory_space<vmem>>, vector<16xi32>,
    %get3A_667 = arith.constant 2 : i32
    %get3A_668 = arith.index_cast %get3A_667 : i32 to index
    %get3A_669 = arith.constant 48 : index
    %get3A_670 = tpu.vector_load %arg8[%get3A_668, %get3A_669] {strides = array<i32>} : memref<4x128xi32, #tpu.memory_space<vmem>>, vector<16xi32>,
    %shift_right_logical3A_671 = arith.constant 3 : i32
    %shift_right_logical3A_672 = vector.broadcast %shift_right_logical3A_671 : i32 to vector<16xi32>
    %shift_right_logical3A_673 = arith.shrui %get3A_670, %shift_right_logical3A_672 : vector<16xi32>
    %swap3A_674 = arith.constant 2 : i32
    %swap3A_675 = arith.index_cast %swap3A_674 : i32 to index
    %swap3A_676 = arith.constant 48 : index
    %swap3A_677 = tpu.vector_load %arg9[%swap3A_675, %swap3A_676] {strides = array<i32>} : memref<4x128xi32, #tpu.memory_space<vmem>>, vector<16xi32>,
    tpu.vector_store %arg9[%swap3A_675, %swap3A_676], %shift_right_logical3A_673 {strides = array<i32>} : memref<4x128xi32, #tpu.memory_space<vmem>>, vector<16xi32>,
    %get3A_678 = arith.constant 2 : i32
    %get3A_679 = arith.index_cast %get3A_678 : i32 to index
    %get3A_680 = arith.constant 64 : index
    %get3A_681 = tpu.vector_load %arg8[%get3A_679, %get3A_680] {strides = array<i32>} : memref<4x128xi32, #tpu.memory_space<vmem>>, vector<16xi32>,
    %shift_right_logical3A_682 = arith.constant 3 : i32
    %shift_right_logical3A_683 = vector.broadcast %shift_right_logical3A_682 : i32 to vector<16xi32>
    %shift_right_logical3A_684 = arith.shrui %get3A_681, %shift_right_logical3A_683 : vector<16xi32>
    %swap3A_685 = arith.constant 2 : i32
    %swap3A_686 = arith.index_cast %swap3A_685 : i32 to index
    %swap3A_687 = arith.constant 64 : index
    %swap3A_688 = tpu.vector_load %arg9[%swap3A_686, %swap3A_687] {strides = array<i32>} : memref<4x128xi32, #tpu.memory_space<vmem>>, vector<16xi32>,
    tpu.vector_store %arg9[%swap3A_686, %swap3A_687], %shift_right_logical3A_684 {strides = array<i32>} : memref<4x128xi32, #tpu.memory_space<vmem>>, vector<16xi32>,
    %get3A_689 = arith.constant 2 : i32
    %get3A_690 = arith.index_cast %get3A_689 : i32 to index
    %get3A_691 = arith.constant 80 : index
    %get3A_692 = tpu.vector_load %arg8[%get3A_690, %get3A_691] {strides = array<i32>} : memref<4x128xi32, #tpu.memory_space<vmem>>, vector<16xi32>,
    %shift_right_logical3A_693 = arith.constant 3 : i32
    %shift_right_logical3A_694 = vector.broadcast %shift_right_logical3A_693 : i32 to vector<16xi32>
    %shift_right_logical3A_695 = arith.shrui %get3A_692, %shift_right_logical3A_694 : vector<16xi32>
    %swap3A_696 = arith.constant 2 : i32
    %swap3A_697 = arith.index_cast %swap3A_696 : i32 to index
    %swap3A_698 = arith.constant 80 : index
    %swap3A_699 = tpu.vector_load %arg9[%swap3A_697, %swap3A_698] {strides = array<i32>} : memref<4x128xi32, #tpu.memory_space<vmem>>, vector<16xi32>,
    tpu.vector_store %arg9[%swap3A_697, %swap3A_698], %shift_right_logical3A_695 {strides = array<i32>} : memref<4x128xi32, #tpu.memory_space<vmem>>, vector<16xi32>,
    %get3A_700 = arith.constant 2 : i32
    %get3A_701 = arith.index_cast %get3A_700 : i32 to index
    %get3A_702 = arith.constant 96 : index
    %get3A_703 = tpu.vector_load %arg8[%get3A_701, %get3A_702] {strides = array<i32>} : memref<4x128xi32, #tpu.memory_space<vmem>>, vector<16xi32>,
    %shift_right_logical3A_704 = arith.constant 3 : i32
    %shift_right_logical3A_705 = vector.broadcast %shift_right_logical3A_704 : i32 to vector<16xi32>
    %shift_right_logical3A_706 = arith.shrui %get3A_703, %shift_right_logical3A_705 : vector<16xi32>
    %swap3A_707 = arith.constant 2 : i32
    %swap3A_708 = arith.index_cast %swap3A_707 : i32 to index
    %swap3A_709 = arith.constant 96 : index
    %swap3A_710 = tpu.vector_load %arg9[%swap3A_708, %swap3A_709] {strides = array<i32>} : memref<4x128xi32, #tpu.memory_space<vmem>>, vector<16xi32>,
    tpu.vector_store %arg9[%swap3A_708, %swap3A_709], %shift_right_logical3A_706 {strides = array<i32>} : memref<4x128xi32, #tpu.memory_space<vmem>>, vector<16xi32>,
    %get3A_711 = arith.constant 2 : i32
    %get3A_712 = arith.index_cast %get3A_711 : i32 to index
    %get3A_713 = arith.constant 112 : index
    %get3A_714 = tpu.vector_load %arg8[%get3A_712, %get3A_713] {strides = array<i32>} : memref<4x128xi32, #tpu.memory_space<vmem>>, vector<16xi32>,
    %shift_right_logical3A_715 = arith.constant 3 : i32
    %shift_right_logical3A_716 = vector.broadcast %shift_right_logical3A_715 : i32 to vector<16xi32>
    %shift_right_logical3A_717 = arith.shrui %get3A_714, %shift_right_logical3A_716 : vector<16xi32>
    %swap3A_718 = arith.constant 2 : i32
    %swap3A_719 = arith.index_cast %swap3A_718 : i32 to index
    %swap3A_720 = arith.constant 112 : index
    %swap3A_721 = tpu.vector_load %arg9[%swap3A_719, %swap3A_720] {strides = array<i32>} : memref<4x128xi32, #tpu.memory_space<vmem>>, vector<16xi32>,
    tpu.vector_store %arg9[%swap3A_719, %swap3A_720], %shift_right_logical3A_717 {strides = array<i32>} : memref<4x128xi32, #tpu.memory_space<vmem>>, vector<16xi32>,
    %get3A_722 = arith.constant 3 : i32
    %get3A_723 = arith.index_cast %get3A_722 : i32 to index
    %get3A_724 = arith.constant 0 : index
    %get3A_725 = tpu.vector_load %arg8[%get3A_723, %get3A_724] {strides = array<i32>} : memref<4x128xi32, #tpu.memory_space<vmem>>, vector<16xi32>,
    %shift_right_logical3A_726 = arith.constant 3 : i32
    %shift_right_logical3A_727 = vector.broadcast %shift_right_logical3A_726 : i32 to vector<16xi32>
    %shift_right_logical3A_728 = arith.shrui %get3A_725, %shift_right_logical3A_727 : vector<16xi32>
    %swap3A_729 = arith.constant 3 : i32
    %swap3A_730 = arith.index_cast %swap3A_729 : i32 to index
    %swap3A_731 = arith.constant 0 : index
    %swap3A_732 = tpu.vector_load %arg9[%swap3A_730, %swap3A_731] {strides = array<i32>} : memref<4x128xi32, #tpu.memory_space<vmem>>, vector<16xi32>,
    tpu.vector_store %arg9[%swap3A_730, %swap3A_731], %shift_right_logical3A_728 {strides = array<i32>} : memref<4x128xi32, #tpu.memory_space<vmem>>, vector<16xi32>,
    %get3A_733 = arith.constant 3 : i32
    %get3A_734 = arith.index_cast %get3A_733 : i32 to index
    %get3A_735 = arith.constant 16 : index
    %get3A_736 = tpu.vector_load %arg8[%get3A_734, %get3A_735] {strides = array<i32>} : memref<4x128xi32, #tpu.memory_space<vmem>>, vector<16xi32>,
    %shift_right_logical3A_737 = arith.constant 3 : i32
    %shift_right_logical3A_738 = vector.broadcast %shift_right_logical3A_737 : i32 to vector<16xi32>
    %shift_right_logical3A_739 = arith.shrui %get3A_736, %shift_right_logical3A_738 : vector<16xi32>
    %swap3A_740 = arith.constant 3 : i32
    %swap3A_741 = arith.index_cast %swap3A_740 : i32 to index
    %swap3A_742 = arith.constant 16 : index
    %swap3A_743 = tpu.vector_load %arg9[%swap3A_741, %swap3A_742] {strides = array<i32>} : memref<4x128xi32, #tpu.memory_space<vmem>>, vector<16xi32>,
    tpu.vector_store %arg9[%swap3A_741, %swap3A_742], %shift_right_logical3A_739 {strides = array<i32>} : memref<4x128xi32, #tpu.memory_space<vmem>>, vector<16xi32>,
    %get3A_744 = arith.constant 3 : i32
    %get3A_745 = arith.index_cast %get3A_744 : i32 to index
    %get3A_746 = arith.constant 32 : index
    %get3A_747 = tpu.vector_load %arg8[%get3A_745, %get3A_746] {strides = array<i32>} : memref<4x128xi32, #tpu.memory_space<vmem>>, vector<16xi32>,
    %shift_right_logical3A_748 = arith.constant 3 : i32
    %shift_right_logical3A_749 = vector.broadcast %shift_right_logical3A_748 : i32 to vector<16xi32>
    %shift_right_logical3A_750 = arith.shrui %get3A_747, %shift_right_logical3A_749 : vector<16xi32>
    %swap3A_751 = arith.constant 3 : i32
    %swap3A_752 = arith.index_cast %swap3A_751 : i32 to index
    %swap3A_753 = arith.constant 32 : index
    %swap3A_754 = tpu.vector_load %arg9[%swap3A_752, %swap3A_753] {strides = array<i32>} : memref<4x128xi32, #tpu.memory_space<vmem>>, vector<16xi32>,
    tpu.vector_store %arg9[%swap3A_752, %swap3A_753], %shift_right_logical3A_750 {strides = array<i32>} : memref<4x128xi32, #tpu.memory_space<vmem>>, vector<16xi32>,
    %get3A_755 = arith.constant 3 : i32
    %get3A_756 = arith.index_cast %get3A_755 : i32 to index
    %get3A_757 = arith.constant 48 : index
    %get3A_758 = tpu.vector_load %arg8[%get3A_756, %get3A_757] {strides = array<i32>} : memref<4x128xi32, #tpu.memory_space<vmem>>, vector<16xi32>,
    %shift_right_logical3A_759 = arith.constant 3 : i32
    %shift_right_logical3A_760 = vector.broadcast %shift_right_logical3A_759 : i32 to vector<16xi32>
    %shift_right_logical3A_761 = arith.shrui %get3A_758, %shift_right_logical3A_760 : vector<16xi32>
    %swap3A_762 = arith.constant 3 : i32
    %swap3A_763 = arith.index_cast %swap3A_762 : i32 to index
    %swap3A_764 = arith.constant 48 : index
    %swap3A_765 = tpu.vector_load %arg9[%swap3A_763, %swap3A_764] {strides = array<i32>} : memref<4x128xi32, #tpu.memory_space<vmem>>, vector<16xi32>,
    tpu.vector_store %arg9[%swap3A_763, %swap3A_764], %shift_right_logical3A_761 {strides = array<i32>} : memref<4x128xi32, #tpu.memory_space<vmem>>, vector<16xi32>,
    %get3A_766 = arith.constant 3 : i32
    %get3A_767 = arith.index_cast %get3A_766 : i32 to index
    %get3A_768 = arith.constant 64 : index
    %get3A_769 = tpu.vector_load %arg8[%get3A_767, %get3A_768] {strides = array<i32>} : memref<4x128xi32, #tpu.memory_space<vmem>>, vector<16xi32>,
    %shift_right_logical3A_770 = arith.constant 3 : i32
    %shift_right_logical3A_771 = vector.broadcast %shift_right_logical3A_770 : i32 to vector<16xi32>
    %shift_right_logical3A_772 = arith.shrui %get3A_769, %shift_right_logical3A_771 : vector<16xi32>
    %swap3A_773 = arith.constant 3 : i32
    %swap3A_774 = arith.index_cast %swap3A_773 : i32 to index
    %swap3A_775 = arith.constant 64 : index
    %swap3A_776 = tpu.vector_load %arg9[%swap3A_774, %swap3A_775] {strides = array<i32>} : memref<4x128xi32, #tpu.memory_space<vmem>>, vector<16xi32>,
    tpu.vector_store %arg9[%swap3A_774, %swap3A_775], %shift_right_logical3A_772 {strides = array<i32>} : memref<4x128xi32, #tpu.memory_space<vmem>>, vector<16xi32>,
    %get3A_777 = arith.constant 3 : i32
    %get3A_778 = arith.index_cast %get3A_777 : i32 to index
    %get3A_779 = arith.constant 80 : index
    %get3A_780 = tpu.vector_load %arg8[%get3A_778, %get3A_779] {strides = array<i32>} : memref<4x128xi32, #tpu.memory_space<vmem>>, vector<16xi32>,
    %shift_right_logical3A_781 = arith.constant 3 : i32
    %shift_right_logical3A_782 = vector.broadcast %shift_right_logical3A_781 : i32 to vector<16xi32>
    %shift_right_logical3A_783 = arith.shrui %get3A_780, %shift_right_logical3A_782 : vector<16xi32>
    %swap3A_784 = arith.constant 3 : i32
    %swap3A_785 = arith.index_cast %swap3A_784 : i32 to index
    %swap3A_786 = arith.constant 80 : index
    %swap3A_787 = tpu.vector_load %arg9[%swap3A_785, %swap3A_786] {strides = array<i32>} : memref<4x128xi32, #tpu.memory_space<vmem>>, vector<16xi32>,
    tpu.vector_store %arg9[%swap3A_785, %swap3A_786], %shift_right_logical3A_783 {strides = array<i32>} : memref<4x128xi32, #tpu.memory_space<vmem>>, vector<16xi32>,
    %get3A_788 = arith.constant 3 : i32
    %get3A_789 = arith.index_cast %get3A_788 : i32 to index
    %get3A_790 = arith.constant 96 : index
    %get3A_791 = tpu.vector_load %arg8[%get3A_789, %get3A_790] {strides = array<i32>} : memref<4x128xi32, #tpu.memory_space<vmem>>, vector<16xi32>,
    %shift_right_logical3A_792 = arith.constant 3 : i32
    %shift_right_logical3A_793 = vector.broadcast %shift_right_logical3A_792 : i32 to vector<16xi32>
    %shift_right_logical3A_794 = arith.shrui %get3A_791, %shift_right_logical3A_793 : vector<16xi32>
    %swap3A_795 = arith.constant 3 : i32
    %swap3A_796 = arith.index_cast %swap3A_795 : i32 to index
    %swap3A_797 = arith.constant 96 : index
    %swap3A_798 = tpu.vector_load %arg9[%swap3A_796, %swap3A_797] {strides = array<i32>} : memref<4x128xi32, #tpu.memory_space<vmem>>, vector<16xi32>,
    tpu.vector_store %arg9[%swap3A_796, %swap3A_797], %shift_right_logical3A_794 {strides = array<i32>} : memref<4x128xi32, #tpu.memory_space<vmem>>, vector<16xi32>,
    %get3A_799 = arith.constant 3 : i32
    %get3A_800 = arith.index_cast %get3A_799 : i32 to index
    %get3A_801 = arith.constant 112 : index
    %get3A_802 = tpu.vector_load %arg8[%get3A_800, %get3A_801] {strides = array<i32>} : memref<4x128xi32, #tpu.memory_space<vmem>>, vector<16xi32>,
    %shift_right_logical3A_803 = arith.constant 3 : i32
    %shift_right_logical3A_804 = vector.broadcast %shift_right_logical3A_803 : i32 to vector<16xi32>
    %shift_right_logical3A_805 = arith.shrui %get3A_802, %shift_right_logical3A_804 : vector<16xi32>
    %swap3A_806 = arith.constant 3 : i32
    %swap3A_807 = arith.index_cast %swap3A_806 : i32 to index
    %swap3A_808 = arith.constant 112 : index
    %swap3A_809 = tpu.vector_load %arg9[%swap3A_807, %swap3A_808] {strides = array<i32>} : memref<4x128xi32, #tpu.memory_space<vmem>>, vector<16xi32>,
    tpu.vector_store %arg9[%swap3A_807, %swap3A_808], %shift_right_logical3A_805 {strides = array<i32>} : memref<4x128xi32, #tpu.memory_space<vmem>>, vector<16xi32>,
    %dma_start3A_810 = arith.constant 0 : i32
    %dma_start3A_811 = arith.constant 0 : i32
    %dma_start3A_812 = arith.constant 0 : i32
    %dma_start3A_813 = tpu.memref_slice %arg10[%dma_start3A_811, %dma_start3A_812] : memref<512x128xf32, #tpu.memory_space<vmem>> -> memref<128x128xf32, #tpu.memory_space<vmem>>
    %dma_start3A_814 = arith.constant 0 : i32
    %dma_start3A_815 = tpu.memref_slice %arg9[%dma_start3A_810, %dma_start3A_814] : memref<4x128xi32, #tpu.memory_space<vmem>> -> memref<1x128xi32, #tpu.memory_space<vmem>>
    %dma_start3A_816 = tpu.memref_squeeze %dma_start3A_815 : memref<1x128xi32, #tpu.memory_space<vmem>> -> memref<128xi32, #tpu.memory_space<vmem>>
    %dma_start3A_817 = arith.constant 0 : i32
    %dma_start3A_818 = arith.constant 0 : i32
    %dma_start3A_819 = tpu.memref_slice %arg5[%dma_start3A_817, %dma_start3A_818] : memref<128x128xf32, #tpu.memory_space<hbm>> -> memref<128x128xf32, #tpu.memory_space<hbm>>
    tpu.enqueue_indirect_dma source(%dma_start3A_819 : memref<128x128xf32, #tpu.memory_space<hbm>>) target(%dma_start3A_813 : memref<128x128xf32, #tpu.memory_space<vmem>>) offsets(%dma_start3A_816 : memref<128xi32, #tpu.memory_space<vmem>>) semaphore(%arg12 : memref<!tpu.dma_semaphore, #tpu.memory_space<semaphore_mem>>)
    %dma_start3A_820 = arith.constant 1 : i32
    %dma_start3A_821 = arith.constant 128 : i32
    %dma_start3A_822 = arith.constant 0 : i32
    %dma_start3A_823 = tpu.memref_slice %arg10[%dma_start3A_821, %dma_start3A_822] : memref<512x128xf32, #tpu.memory_space<vmem>> -> memref<128x128xf32, #tpu.memory_space<vmem>>
    %dma_start3A_824 = arith.constant 0 : i32
    %dma_start3A_825 = tpu.memref_slice %arg9[%dma_start3A_820, %dma_start3A_824] : memref<4x128xi32, #tpu.memory_space<vmem>> -> memref<1x128xi32, #tpu.memory_space<vmem>>
    %dma_start3A_826 = tpu.memref_squeeze %dma_start3A_825 : memref<1x128xi32, #tpu.memory_space<vmem>> -> memref<128xi32, #tpu.memory_space<vmem>>
    %dma_start3A_827 = arith.constant 0 : i32
    %dma_start3A_828 = arith.constant 0 : i32
    %dma_start3A_829 = tpu.memref_slice %arg5[%dma_start3A_827, %dma_start3A_828] : memref<128x128xf32, #tpu.memory_space<hbm>> -> memref<128x128xf32, #tpu.memory_space<hbm>>
    tpu.enqueue_indirect_dma source(%dma_start3A_829 : memref<128x128xf32, #tpu.memory_space<hbm>>) target(%dma_start3A_823 : memref<128x128xf32, #tpu.memory_space<vmem>>) offsets(%dma_start3A_826 : memref<128xi32, #tpu.memory_space<vmem>>) semaphore(%arg12 : memref<!tpu.dma_semaphore, #tpu.memory_space<semaphore_mem>>)
    %dma_start3A_830 = arith.constant 2 : i32
    %dma_start3A_831 = arith.constant 256 : i32
    %dma_start3A_832 = arith.constant 0 : i32
    %dma_start3A_833 = tpu.memref_slice %arg10[%dma_start3A_831, %dma_start3A_832] : memref<512x128xf32, #tpu.memory_space<vmem>> -> memref<128x128xf32, #tpu.memory_space<vmem>>
    %dma_start3A_834 = arith.constant 0 : i32
    %dma_start3A_835 = tpu.memref_slice %arg9[%dma_start3A_830, %dma_start3A_834] : memref<4x128xi32, #tpu.memory_space<vmem>> -> memref<1x128xi32, #tpu.memory_space<vmem>>
    %dma_start3A_836 = tpu.memref_squeeze %dma_start3A_835 : memref<1x128xi32, #tpu.memory_space<vmem>> -> memref<128xi32, #tpu.memory_space<vmem>>
    %dma_start3A_837 = arith.constant 0 : i32
    %dma_start3A_838 = arith.constant 0 : i32
    %dma_start3A_839 = tpu.memref_slice %arg5[%dma_start3A_837, %dma_start3A_838] : memref<128x128xf32, #tpu.memory_space<hbm>> -> memref<128x128xf32, #tpu.memory_space<hbm>>
    tpu.enqueue_indirect_dma source(%dma_start3A_839 : memref<128x128xf32, #tpu.memory_space<hbm>>) target(%dma_start3A_833 : memref<128x128xf32, #tpu.memory_space<vmem>>) offsets(%dma_start3A_836 : memref<128xi32, #tpu.memory_space<vmem>>) semaphore(%arg12 : memref<!tpu.dma_semaphore, #tpu.memory_space<semaphore_mem>>)
    %dma_start3A_840 = arith.constant 3 : i32
    %dma_start3A_841 = arith.constant 384 : i32
    %dma_start3A_842 = arith.constant 0 : i32
    %dma_start3A_843 = tpu.memref_slice %arg10[%dma_start3A_841, %dma_start3A_842] : memref<512x128xf32, #tpu.memory_space<vmem>> -> memref<128x128xf32, #tpu.memory_space<vmem>>
    %dma_start3A_844 = arith.constant 0 : i32
    %dma_start3A_845 = tpu.memref_slice %arg9[%dma_start3A_840, %dma_start3A_844] : memref<4x128xi32, #tpu.memory_space<vmem>> -> memref<1x128xi32, #tpu.memory_space<vmem>>
    %dma_start3A_846 = tpu.memref_squeeze %dma_start3A_845 : memref<1x128xi32, #tpu.memory_space<vmem>> -> memref<128xi32, #tpu.memory_space<vmem>>
    %dma_start3A_847 = arith.constant 0 : i32
    %dma_start3A_848 = arith.constant 0 : i32
    %dma_start3A_849 = tpu.memref_slice %arg5[%dma_start3A_847, %dma_start3A_848] : memref<128x128xf32, #tpu.memory_space<hbm>> -> memref<128x128xf32, #tpu.memory_space<hbm>>
    tpu.enqueue_indirect_dma source(%dma_start3A_849 : memref<128x128xf32, #tpu.memory_space<hbm>>) target(%dma_start3A_843 : memref<128x128xf32, #tpu.memory_space<vmem>>) offsets(%dma_start3A_846 : memref<128xi32, #tpu.memory_space<vmem>>) semaphore(%arg12 : memref<!tpu.dma_semaphore, #tpu.memory_space<semaphore_mem>>)
    %dma_wait3A_850 = arith.constant 0 : i32
    %dma_wait3A_851 = arith.constant 0 : i32
    %dma_wait3A_852 = arith.constant 0 : i32
    %dma_wait3A_853 = tpu.memref_slice %arg10[%dma_wait3A_851, %dma_wait3A_852] : memref<512x128xf32, #tpu.memory_space<vmem>> -> memref<128x128xf32, #tpu.memory_space<vmem>>
    %dma_wait3A_854 = arith.constant 0 : i32
    %dma_wait3A_855 = tpu.memref_slice %arg9[%dma_wait3A_850, %dma_wait3A_854] : memref<4x128xi32, #tpu.memory_space<vmem>> -> memref<1x128xi32, #tpu.memory_space<vmem>>
    %dma_wait3A_856 = tpu.memref_squeeze %dma_wait3A_855 : memref<1x128xi32, #tpu.memory_space<vmem>> -> memref<128xi32, #tpu.memory_space<vmem>>
    %dma_wait3A_857 = arith.constant 0 : i32
    %dma_wait3A_858 = arith.constant 0 : i32
    %dma_wait3A_859 = tpu.memref_slice %arg5[%dma_wait3A_857, %dma_wait3A_858] : memref<128x128xf32, #tpu.memory_space<hbm>> -> memref<128x128xf32, #tpu.memory_space<hbm>>
    tpu.wait_indirect_dma semaphore(%arg12 : memref<!tpu.dma_semaphore, #tpu.memory_space<semaphore_mem>>) src(%dma_wait3A_859 : memref<128x128xf32, #tpu.memory_space<hbm>>) dst(%dma_wait3A_853 : memref<128x128xf32, #tpu.memory_space<vmem>>)
    %dma_wait3A_860 = arith.constant 1 : i32
    %dma_wait3A_861 = arith.constant 128 : i32
    %dma_wait3A_862 = arith.constant 0 : i32
    %dma_wait3A_863 = tpu.memref_slice %arg10[%dma_wait3A_861, %dma_wait3A_862] : memref<512x128xf32, #tpu.memory_space<vmem>> -> memref<128x128xf32, #tpu.memory_space<vmem>>
    %dma_wait3A_864 = arith.constant 0 : i32
    %dma_wait3A_865 = tpu.memref_slice %arg9[%dma_wait3A_860, %dma_wait3A_864] : memref<4x128xi32, #tpu.memory_space<vmem>> -> memref<1x128xi32, #tpu.memory_space<vmem>>
    %dma_wait3A_866 = tpu.memref_squeeze %dma_wait3A_865 : memref<1x128xi32, #tpu.memory_space<vmem>> -> memref<128xi32, #tpu.memory_space<vmem>>
    %dma_wait3A_867 = arith.constant 0 : i32
    %dma_wait3A_868 = arith.constant 0 : i32
    %dma_wait3A_869 = tpu.memref_slice %arg5[%dma_wait3A_867, %dma_wait3A_868] : memref<128x128xf32, #tpu.memory_space<hbm>> -> memref<128x128xf32, #tpu.memory_space<hbm>>
    tpu.wait_indirect_dma semaphore(%arg12 : memref<!tpu.dma_semaphore, #tpu.memory_space<semaphore_mem>>) src(%dma_wait3A_869 : memref<128x128xf32, #tpu.memory_space<hbm>>) dst(%dma_wait3A_863 : memref<128x128xf32, #tpu.memory_space<vmem>>)
    %dma_wait3A_870 = arith.constant 2 : i32
    %dma_wait3A_871 = arith.constant 256 : i32
    %dma_wait3A_872 = arith.constant 0 : i32
    %dma_wait3A_873 = tpu.memref_slice %arg10[%dma_wait3A_871, %dma_wait3A_872] : memref<512x128xf32, #tpu.memory_space<vmem>> -> memref<128x128xf32, #tpu.memory_space<vmem>>
    %dma_wait3A_874 = arith.constant 0 : i32
    %dma_wait3A_875 = tpu.memref_slice %arg9[%dma_wait3A_870, %dma_wait3A_874] : memref<4x128xi32, #tpu.memory_space<vmem>> -> memref<1x128xi32, #tpu.memory_space<vmem>>
    %dma_wait3A_876 = tpu.memref_squeeze %dma_wait3A_875 : memref<1x128xi32, #tpu.memory_space<vmem>> -> memref<128xi32, #tpu.memory_space<vmem>>
    %dma_wait3A_877 = arith.constant 0 : i32
    %dma_wait3A_878 = arith.constant 0 : i32
    %dma_wait3A_879 = tpu.memref_slice %arg5[%dma_wait3A_877, %dma_wait3A_878] : memref<128x128xf32, #tpu.memory_space<hbm>> -> memref<128x128xf32, #tpu.memory_space<hbm>>
    tpu.wait_indirect_dma semaphore(%arg12 : memref<!tpu.dma_semaphore, #tpu.memory_space<semaphore_mem>>) src(%dma_wait3A_879 : memref<128x128xf32, #tpu.memory_space<hbm>>) dst(%dma_wait3A_873 : memref<128x128xf32, #tpu.memory_space<vmem>>)
    %dma_wait3A_880 = arith.constant 3 : i32
    %dma_wait3A_881 = arith.constant 384 : i32
    %dma_wait3A_882 = arith.constant 0 : i32
    %dma_wait3A_883 = tpu.memref_slice %arg10[%dma_wait3A_881, %dma_wait3A_882] : memref<512x128xf32, #tpu.memory_space<vmem>> -> memref<128x128xf32, #tpu.memory_space<vmem>>
    %dma_wait3A_884 = arith.constant 0 : i32
    %dma_wait3A_885 = tpu.memref_slice %arg9[%dma_wait3A_880, %dma_wait3A_884] : memref<4x128xi32, #tpu.memory_space<vmem>> -> memref<1x128xi32, #tpu.memory_space<vmem>>
    %dma_wait3A_886 = tpu.memref_squeeze %dma_wait3A_885 : memref<1x128xi32, #tpu.memory_space<vmem>> -> memref<128xi32, #tpu.memory_space<vmem>>
    %dma_wait3A_887 = arith.constant 0 : i32
    %dma_wait3A_888 = arith.constant 0 : i32
    %dma_wait3A_889 = tpu.memref_slice %arg5[%dma_wait3A_887, %dma_wait3A_888] : memref<128x128xf32, #tpu.memory_space<hbm>> -> memref<128x128xf32, #tpu.memory_space<hbm>>
    tpu.wait_indirect_dma semaphore(%arg12 : memref<!tpu.dma_semaphore, #tpu.memory_space<semaphore_mem>>) src(%dma_wait3A_889 : memref<128x128xf32, #tpu.memory_space<hbm>>) dst(%dma_wait3A_883 : memref<128x128xf32, #tpu.memory_space<vmem>>)
    %scan3A_890 = arith.constant 0 : i32
    %scan3A_891 = arith.constant 0 : i32
    %scan3A_892 = arith.constant 32 : i32
    %scan3A_893 = arith.addi %scan3A_891, %scan3A_892 : i32
    %scan3A_894 = arith.constant 1 : i32
    scf.for %scan3A_896 = %scan3A_891 to %scan3A_893 step %scan3A_894  : i32 {
      %jit3A = arith.constant 8 : i32
      %div3A = arith.divsi %scan3A_896, %jit3A : i32
      %sign3A = arith.constant 0 : i32
      %sign3A_897 = arith.cmpi sgt, %scan3A_896, %sign3A : i32
      %sign3A_898 = arith.extui %sign3A_897 : i1 to i32
      %sign3A_899 = arith.constant 0 : i32
      %sign3A_900 = arith.cmpi slt, %scan3A_896, %sign3A_899 : i32
      %sign3A_901 = arith.extui %sign3A_900 : i1 to i32
      %sign3A_902 = arith.subi %sign3A_898, %sign3A_901 : i32
      %sign3A_903 = arith.constant 0 : i32
      %sign3A_904 = arith.cmpi sgt, %jit3A, %sign3A_903 : i32
      %sign3A_905 = arith.extui %sign3A_904 : i1 to i32
      %sign3A_906 = arith.constant 0 : i32
      %sign3A_907 = arith.cmpi slt, %jit3A, %sign3A_906 : i32
      %sign3A_908 = arith.extui %sign3A_907 : i1 to i32
      %sign3A_909 = arith.subi %sign3A_905, %sign3A_908 : i32
      %ne3A = arith.cmpi ne, %sign3A_902, %sign3A_909 : i32
      %rem3A = arith.remsi %scan3A_896, %jit3A : i32
      %ne3A_910 = arith.constant 0 : i32
      %ne3A_911 = arith.cmpi ne, %rem3A, %ne3A_910 : i32
      %and3A = arith.andi %ne3A, %ne3A_911 : i1
      %sub3A = arith.constant 1 : i32
      %sub3A_912 = arith.subi %div3A, %sub3A : i32
      %select_n3A = arith.select %and3A, %sub3A_912, %div3A : i32
      %jit3A_913 = arith.constant 8 : i32
      %eq3A = arith.constant 0 : i32
      %eq3A_914 = arith.cmpi eq, %jit3A_913, %eq3A : i32
      %jit3A_915 = arith.constant 1 : i32
      %select_n3A_916 = arith.select %eq3A_914, %jit3A_915, %jit3A_913 : i32
      %rem3A_917 = arith.remsi %scan3A_896, %select_n3A_916 : i32
      %ne3A_918 = arith.constant 0 : i32
      %ne3A_919 = arith.cmpi ne, %rem3A_917, %ne3A_918 : i32
      %lt3A = arith.constant 0 : i32
      %lt3A_920 = arith.cmpi slt, %rem3A_917, %lt3A : i32
      %lt3A_921 = arith.constant 0 : i32
      %lt3A_922 = arith.cmpi slt, %select_n3A_916, %lt3A_921 : i32
      %ne3A_923 = arith.xori %lt3A_920, %lt3A_922 : i1
      %and3A_924 = arith.andi %ne3A_923, %ne3A_919 : i1
      %add3A_925 = arith.addi %rem3A_917, %select_n3A_916 : i32
      %select_n3A_926 = arith.select %and3A_924, %add3A_925, %rem3A_917 : i32
      %mul3A_927 = arith.constant 16 : i32
      %mul3A_928 = arith.muli %select_n3A_926, %mul3A_927 : i32
      %get3A_929 = arith.index_cast %select_n3A : i32 to index
      %get3A_930 = arith.index_cast %mul3A_928 : i32 to index
      %get3A_931 = tpu.vector_load %arg8[%get3A_929, %get3A_930] {strides = array<i32>} : memref<4x128xi32, #tpu.memory_space<vmem>>, vector<16xi32>,
      %and3A_932 = arith.constant 7 : i32
      %and3A_933 = vector.broadcast %and3A_932 : i32 to vector<16xi32>
      %and3A_934 = arith.andi %get3A_931, %and3A_933 : vector<16xi32>
      %mul3A_935 = arith.constant 16 : i32
      %mul3A_936 = vector.broadcast %mul3A_935 : i32 to vector<16xi32>
      %mul3A_937 = arith.muli %and3A_934, %mul3A_936 : vector<16xi32>
      %mul3A_938 = arith.constant 16 : i32
      %mul3A_939 = arith.muli %scan3A_896, %mul3A_938 : i32
      %add3A_940 = vector.broadcast %mul3A_939 : i32 to vector<16xi32>
      %add3A_941 = arith.addi %add3A_940, %iota3A : vector<16xi32>
      %add3A_942 = arith.constant 0 : i32
      %add3A_943 = vector.broadcast %add3A_942 : i32 to vector<16xi32>
      %add3A_944 = arith.addi %mul3A_937, %add3A_943 : vector<16xi32>
      %gather3A = tpu.vector_load_idx %arg10[%add3A_941, %add3A_944] : memref<512x128xf32, #tpu.memory_space<vmem>>[vector<16xi32>, vector<16xi32>], vector<16xf32>,
      %mul3A_945 = arith.constant 16 : i32
      %mul3A_946 = arith.muli %scan3A_896, %mul3A_945 : i32
      %swap3A_947 = arith.constant 0 : i32
      %swap3A_948 = arith.index_cast %swap3A_947 : i32 to index
      %swap3A_949 = arith.index_cast %mul3A_946 : i32 to index
      %swap3A_950 = tpu.vector_load %arg11[%swap3A_948, %swap3A_949] {strides = array<i32>} : memref<16x512xf32, #tpu.memory_space<vmem>>, vector<16xf32>,
      tpu.vector_store %arg11[%swap3A_948, %swap3A_949], %gather3A {strides = array<i32>} : memref<16x512xf32, #tpu.memory_space<vmem>>, vector<16xf32>,
      %add3A_951 = arith.constant 1 : i32
      %add3A_952 = vector.broadcast %add3A_951 : i32 to vector<16xi32>
      %add3A_953 = arith.addi %mul3A_937, %add3A_952 : vector<16xi32>
      %gather3A_954 = tpu.vector_load_idx %arg10[%add3A_941, %add3A_953] : memref<512x128xf32, #tpu.memory_space<vmem>>[vector<16xi32>, vector<16xi32>], vector<16xf32>,
      %mul3A_955 = arith.constant 16 : i32
      %mul3A_956 = arith.muli %scan3A_896, %mul3A_955 : i32
      %swap3A_957 = arith.constant 1 : i32
      %swap3A_958 = arith.index_cast %swap3A_957 : i32 to index
      %swap3A_959 = arith.index_cast %mul3A_956 : i32 to index
      %swap3A_960 = tpu.vector_load %arg11[%swap3A_958, %swap3A_959] {strides = array<i32>} : memref<16x512xf32, #tpu.memory_space<vmem>>, vector<16xf32>,
      tpu.vector_store %arg11[%swap3A_958, %swap3A_959], %gather3A_954 {strides = array<i32>} : memref<16x512xf32, #tpu.memory_space<vmem>>, vector<16xf32>,
      %add3A_961 = arith.constant 2 : i32
      %add3A_962 = vector.broadcast %add3A_961 : i32 to vector<16xi32>
      %add3A_963 = arith.addi %mul3A_937, %add3A_962 : vector<16xi32>
      %gather3A_964 = tpu.vector_load_idx %arg10[%add3A_941, %add3A_963] : memref<512x128xf32, #tpu.memory_space<vmem>>[vector<16xi32>, vector<16xi32>], vector<16xf32>,
      %mul3A_965 = arith.constant 16 : i32
      %mul3A_966 = arith.muli %scan3A_896, %mul3A_965 : i32
      %swap3A_967 = arith.constant 2 : i32
      %swap3A_968 = arith.index_cast %swap3A_967 : i32 to index
      %swap3A_969 = arith.index_cast %mul3A_966 : i32 to index
      %swap3A_970 = tpu.vector_load %arg11[%swap3A_968, %swap3A_969] {strides = array<i32>} : memref<16x512xf32, #tpu.memory_space<vmem>>, vector<16xf32>,
      tpu.vector_store %arg11[%swap3A_968, %swap3A_969], %gather3A_964 {strides = array<i32>} : memref<16x512xf32, #tpu.memory_space<vmem>>, vector<16xf32>,
      %add3A_971 = arith.constant 3 : i32
      %add3A_972 = vector.broadcast %add3A_971 : i32 to vector<16xi32>
      %add3A_973 = arith.addi %mul3A_937, %add3A_972 : vector<16xi32>
      %gather3A_974 = tpu.vector_load_idx %arg10[%add3A_941, %add3A_973] : memref<512x128xf32, #tpu.memory_space<vmem>>[vector<16xi32>, vector<16xi32>], vector<16xf32>,
      %mul3A_975 = arith.constant 16 : i32
      %mul3A_976 = arith.muli %scan3A_896, %mul3A_975 : i32
      %swap3A_977 = arith.constant 3 : i32
      %swap3A_978 = arith.index_cast %swap3A_977 : i32 to index
      %swap3A_979 = arith.index_cast %mul3A_976 : i32 to index
      %swap3A_980 = tpu.vector_load %arg11[%swap3A_978, %swap3A_979] {strides = array<i32>} : memref<16x512xf32, #tpu.memory_space<vmem>>, vector<16xf32>,
      tpu.vector_store %arg11[%swap3A_978, %swap3A_979], %gather3A_974 {strides = array<i32>} : memref<16x512xf32, #tpu.memory_space<vmem>>, vector<16xf32>,
      %add3A_981 = arith.constant 4 : i32
      %add3A_982 = vector.broadcast %add3A_981 : i32 to vector<16xi32>
      %add3A_983 = arith.addi %mul3A_937, %add3A_982 : vector<16xi32>
      %gather3A_984 = tpu.vector_load_idx %arg10[%add3A_941, %add3A_983] : memref<512x128xf32, #tpu.memory_space<vmem>>[vector<16xi32>, vector<16xi32>], vector<16xf32>,
      %mul3A_985 = arith.constant 16 : i32
      %mul3A_986 = arith.muli %scan3A_896, %mul3A_985 : i32
      %swap3A_987 = arith.constant 4 : i32
      %swap3A_988 = arith.index_cast %swap3A_987 : i32 to index
      %swap3A_989 = arith.index_cast %mul3A_986 : i32 to index
      %swap3A_990 = tpu.vector_load %arg11[%swap3A_988, %swap3A_989] {strides = array<i32>} : memref<16x512xf32, #tpu.memory_space<vmem>>, vector<16xf32>,
      tpu.vector_store %arg11[%swap3A_988, %swap3A_989], %gather3A_984 {strides = array<i32>} : memref<16x512xf32, #tpu.memory_space<vmem>>, vector<16xf32>,
      %add3A_991 = arith.constant 5 : i32
      %add3A_992 = vector.broadcast %add3A_991 : i32 to vector<16xi32>
      %add3A_993 = arith.addi %mul3A_937, %add3A_992 : vector<16xi32>
      %gather3A_994 = tpu.vector_load_idx %arg10[%add3A_941, %add3A_993] : memref<512x128xf32, #tpu.memory_space<vmem>>[vector<16xi32>, vector<16xi32>], vector<16xf32>,
      %mul3A_995 = arith.constant 16 : i32
      %mul3A_996 = arith.muli %scan3A_896, %mul3A_995 : i32
      %swap3A_997 = arith.constant 5 : i32
      %swap3A_998 = arith.index_cast %swap3A_997 : i32 to index
      %swap3A_999 = arith.index_cast %mul3A_996 : i32 to index
      %swap3A_1000 = tpu.vector_load %arg11[%swap3A_998, %swap3A_999] {strides = array<i32>} : memref<16x512xf32, #tpu.memory_space<vmem>>, vector<16xf32>,
      tpu.vector_store %arg11[%swap3A_998, %swap3A_999], %gather3A_994 {strides = array<i32>} : memref<16x512xf32, #tpu.memory_space<vmem>>, vector<16xf32>,
      %add3A_1001 = arith.constant 6 : i32
      %add3A_1002 = vector.broadcast %add3A_1001 : i32 to vector<16xi32>
      %add3A_1003 = arith.addi %mul3A_937, %add3A_1002 : vector<16xi32>
      %gather3A_1004 = tpu.vector_load_idx %arg10[%add3A_941, %add3A_1003] : memref<512x128xf32, #tpu.memory_space<vmem>>[vector<16xi32>, vector<16xi32>], vector<16xf32>,
      %mul3A_1005 = arith.constant 16 : i32
      %mul3A_1006 = arith.muli %scan3A_896, %mul3A_1005 : i32
      %swap3A_1007 = arith.constant 6 : i32
      %swap3A_1008 = arith.index_cast %swap3A_1007 : i32 to index
      %swap3A_1009 = arith.index_cast %mul3A_1006 : i32 to index
      %swap3A_1010 = tpu.vector_load %arg11[%swap3A_1008, %swap3A_1009] {strides = array<i32>} : memref<16x512xf32, #tpu.memory_space<vmem>>, vector<16xf32>,
      tpu.vector_store %arg11[%swap3A_1008, %swap3A_1009], %gather3A_1004 {strides = array<i32>} : memref<16x512xf32, #tpu.memory_space<vmem>>, vector<16xf32>,
      %add3A_1011 = arith.constant 7 : i32
      %add3A_1012 = vector.broadcast %add3A_1011 : i32 to vector<16xi32>
      %add3A_1013 = arith.addi %mul3A_937, %add3A_1012 : vector<16xi32>
      %gather3A_1014 = tpu.vector_load_idx %arg10[%add3A_941, %add3A_1013] : memref<512x128xf32, #tpu.memory_space<vmem>>[vector<16xi32>, vector<16xi32>], vector<16xf32>,
      %mul3A_1015 = arith.constant 16 : i32
      %mul3A_1016 = arith.muli %scan3A_896, %mul3A_1015 : i32
      %swap3A_1017 = arith.constant 7 : i32
      %swap3A_1018 = arith.index_cast %swap3A_1017 : i32 to index
      %swap3A_1019 = arith.index_cast %mul3A_1016 : i32 to index
      %swap3A_1020 = tpu.vector_load %arg11[%swap3A_1018, %swap3A_1019] {strides = array<i32>} : memref<16x512xf32, #tpu.memory_space<vmem>>, vector<16xf32>,
      tpu.vector_store %arg11[%swap3A_1018, %swap3A_1019], %gather3A_1014 {strides = array<i32>} : memref<16x512xf32, #tpu.memory_space<vmem>>, vector<16xf32>,
      %add3A_1021 = arith.constant 8 : i32
      %add3A_1022 = vector.broadcast %add3A_1021 : i32 to vector<16xi32>
      %add3A_1023 = arith.addi %mul3A_937, %add3A_1022 : vector<16xi32>
      %gather3A_1024 = tpu.vector_load_idx %arg10[%add3A_941, %add3A_1023] : memref<512x128xf32, #tpu.memory_space<vmem>>[vector<16xi32>, vector<16xi32>], vector<16xf32>,
      %mul3A_1025 = arith.constant 16 : i32
      %mul3A_1026 = arith.muli %scan3A_896, %mul3A_1025 : i32
      %swap3A_1027 = arith.constant 8 : i32
      %swap3A_1028 = arith.index_cast %swap3A_1027 : i32 to index
      %swap3A_1029 = arith.index_cast %mul3A_1026 : i32 to index
      %swap3A_1030 = tpu.vector_load %arg11[%swap3A_1028, %swap3A_1029] {strides = array<i32>} : memref<16x512xf32, #tpu.memory_space<vmem>>, vector<16xf32>,
      tpu.vector_store %arg11[%swap3A_1028, %swap3A_1029], %gather3A_1024 {strides = array<i32>} : memref<16x512xf32, #tpu.memory_space<vmem>>, vector<16xf32>,
      %add3A_1031 = arith.constant 9 : i32
      %add3A_1032 = vector.broadcast %add3A_1031 : i32 to vector<16xi32>
      %add3A_1033 = arith.addi %mul3A_937, %add3A_1032 : vector<16xi32>
      %gather3A_1034 = tpu.vector_load_idx %arg10[%add3A_941, %add3A_1033] : memref<512x128xf32, #tpu.memory_space<vmem>>[vector<16xi32>, vector<16xi32>], vector<16xf32>,
      %mul3A_1035 = arith.constant 16 : i32
      %mul3A_1036 = arith.muli %scan3A_896, %mul3A_1035 : i32
      %swap3A_1037 = arith.constant 9 : i32
      %swap3A_1038 = arith.index_cast %swap3A_1037 : i32 to index
      %swap3A_1039 = arith.index_cast %mul3A_1036 : i32 to index
      %swap3A_1040 = tpu.vector_load %arg11[%swap3A_1038, %swap3A_1039] {strides = array<i32>} : memref<16x512xf32, #tpu.memory_space<vmem>>, vector<16xf32>,
      tpu.vector_store %arg11[%swap3A_1038, %swap3A_1039], %gather3A_1034 {strides = array<i32>} : memref<16x512xf32, #tpu.memory_space<vmem>>, vector<16xf32>,
      %add3A_1041 = arith.constant 10 : i32
      %add3A_1042 = vector.broadcast %add3A_1041 : i32 to vector<16xi32>
      %add3A_1043 = arith.addi %mul3A_937, %add3A_1042 : vector<16xi32>
      %gather3A_1044 = tpu.vector_load_idx %arg10[%add3A_941, %add3A_1043] : memref<512x128xf32, #tpu.memory_space<vmem>>[vector<16xi32>, vector<16xi32>], vector<16xf32>,
      %mul3A_1045 = arith.constant 16 : i32
      %mul3A_1046 = arith.muli %scan3A_896, %mul3A_1045 : i32
      %swap3A_1047 = arith.constant 10 : i32
      %swap3A_1048 = arith.index_cast %swap3A_1047 : i32 to index
      %swap3A_1049 = arith.index_cast %mul3A_1046 : i32 to index
      %swap3A_1050 = tpu.vector_load %arg11[%swap3A_1048, %swap3A_1049] {strides = array<i32>} : memref<16x512xf32, #tpu.memory_space<vmem>>, vector<16xf32>,
      tpu.vector_store %arg11[%swap3A_1048, %swap3A_1049], %gather3A_1044 {strides = array<i32>} : memref<16x512xf32, #tpu.memory_space<vmem>>, vector<16xf32>,
      %add3A_1051 = arith.constant 11 : i32
      %add3A_1052 = vector.broadcast %add3A_1051 : i32 to vector<16xi32>
      %add3A_1053 = arith.addi %mul3A_937, %add3A_1052 : vector<16xi32>
      %gather3A_1054 = tpu.vector_load_idx %arg10[%add3A_941, %add3A_1053] : memref<512x128xf32, #tpu.memory_space<vmem>>[vector<16xi32>, vector<16xi32>], vector<16xf32>,
      %mul3A_1055 = arith.constant 16 : i32
      %mul3A_1056 = arith.muli %scan3A_896, %mul3A_1055 : i32
      %swap3A_1057 = arith.constant 11 : i32
      %swap3A_1058 = arith.index_cast %swap3A_1057 : i32 to index
      %swap3A_1059 = arith.index_cast %mul3A_1056 : i32 to index
      %swap3A_1060 = tpu.vector_load %arg11[%swap3A_1058, %swap3A_1059] {strides = array<i32>} : memref<16x512xf32, #tpu.memory_space<vmem>>, vector<16xf32>,
      tpu.vector_store %arg11[%swap3A_1058, %swap3A_1059], %gather3A_1054 {strides = array<i32>} : memref<16x512xf32, #tpu.memory_space<vmem>>, vector<16xf32>,
      %add3A_1061 = arith.constant 12 : i32
      %add3A_1062 = vector.broadcast %add3A_1061 : i32 to vector<16xi32>
      %add3A_1063 = arith.addi %mul3A_937, %add3A_1062 : vector<16xi32>
      %gather3A_1064 = tpu.vector_load_idx %arg10[%add3A_941, %add3A_1063] : memref<512x128xf32, #tpu.memory_space<vmem>>[vector<16xi32>, vector<16xi32>], vector<16xf32>,
      %mul3A_1065 = arith.constant 16 : i32
      %mul3A_1066 = arith.muli %scan3A_896, %mul3A_1065 : i32
      %swap3A_1067 = arith.constant 12 : i32
      %swap3A_1068 = arith.index_cast %swap3A_1067 : i32 to index
      %swap3A_1069 = arith.index_cast %mul3A_1066 : i32 to index
      %swap3A_1070 = tpu.vector_load %arg11[%swap3A_1068, %swap3A_1069] {strides = array<i32>} : memref<16x512xf32, #tpu.memory_space<vmem>>, vector<16xf32>,
      tpu.vector_store %arg11[%swap3A_1068, %swap3A_1069], %gather3A_1064 {strides = array<i32>} : memref<16x512xf32, #tpu.memory_space<vmem>>, vector<16xf32>,
      %add3A_1071 = arith.constant 13 : i32
      %add3A_1072 = vector.broadcast %add3A_1071 : i32 to vector<16xi32>
      %add3A_1073 = arith.addi %mul3A_937, %add3A_1072 : vector<16xi32>
      %gather3A_1074 = tpu.vector_load_idx %arg10[%add3A_941, %add3A_1073] : memref<512x128xf32, #tpu.memory_space<vmem>>[vector<16xi32>, vector<16xi32>], vector<16xf32>,
      %mul3A_1075 = arith.constant 16 : i32
      %mul3A_1076 = arith.muli %scan3A_896, %mul3A_1075 : i32
      %swap3A_1077 = arith.constant 13 : i32
      %swap3A_1078 = arith.index_cast %swap3A_1077 : i32 to index
      %swap3A_1079 = arith.index_cast %mul3A_1076 : i32 to index
      %swap3A_1080 = tpu.vector_load %arg11[%swap3A_1078, %swap3A_1079] {strides = array<i32>} : memref<16x512xf32, #tpu.memory_space<vmem>>, vector<16xf32>,
      tpu.vector_store %arg11[%swap3A_1078, %swap3A_1079], %gather3A_1074 {strides = array<i32>} : memref<16x512xf32, #tpu.memory_space<vmem>>, vector<16xf32>,
      %add3A_1081 = arith.constant 14 : i32
      %add3A_1082 = vector.broadcast %add3A_1081 : i32 to vector<16xi32>
      %add3A_1083 = arith.addi %mul3A_937, %add3A_1082 : vector<16xi32>
      %gather3A_1084 = tpu.vector_load_idx %arg10[%add3A_941, %add3A_1083] : memref<512x128xf32, #tpu.memory_space<vmem>>[vector<16xi32>, vector<16xi32>], vector<16xf32>,
      %mul3A_1085 = arith.constant 16 : i32
      %mul3A_1086 = arith.muli %scan3A_896, %mul3A_1085 : i32
      %swap3A_1087 = arith.constant 14 : i32
      %swap3A_1088 = arith.index_cast %swap3A_1087 : i32 to index
      %swap3A_1089 = arith.index_cast %mul3A_1086 : i32 to index
      %swap3A_1090 = tpu.vector_load %arg11[%swap3A_1088, %swap3A_1089] {strides = array<i32>} : memref<16x512xf32, #tpu.memory_space<vmem>>, vector<16xf32>,
      tpu.vector_store %arg11[%swap3A_1088, %swap3A_1089], %gather3A_1084 {strides = array<i32>} : memref<16x512xf32, #tpu.memory_space<vmem>>, vector<16xf32>,
      %add3A_1091 = arith.constant 15 : i32
      %add3A_1092 = vector.broadcast %add3A_1091 : i32 to vector<16xi32>
      %add3A_1093 = arith.addi %mul3A_937, %add3A_1092 : vector<16xi32>
      %gather3A_1094 = tpu.vector_load_idx %arg10[%add3A_941, %add3A_1093] : memref<512x128xf32, #tpu.memory_space<vmem>>[vector<16xi32>, vector<16xi32>], vector<16xf32>,
      %mul3A_1095 = arith.constant 16 : i32
      %mul3A_1096 = arith.muli %scan3A_896, %mul3A_1095 : i32
      %swap3A_1097 = arith.constant 15 : i32
      %swap3A_1098 = arith.index_cast %swap3A_1097 : i32 to index
      %swap3A_1099 = arith.index_cast %mul3A_1096 : i32 to index
      %swap3A_1100 = tpu.vector_load %arg11[%swap3A_1098, %swap3A_1099] {strides = array<i32>} : memref<16x512xf32, #tpu.memory_space<vmem>>, vector<16xf32>,
      tpu.vector_store %arg11[%swap3A_1098, %swap3A_1099], %gather3A_1094 {strides = array<i32>} : memref<16x512xf32, #tpu.memory_space<vmem>>, vector<16xf32>,
    }
    %scan3A_895 = arith.constant 32 : i32
    "tpu.region"() ({
      %run_scoped3A_896 = tpu.sem_alloc : memref<!tpu.dma_semaphore, #tpu.memory_space<semaphore_mem>>
      %dma_start3A_897 = arith.constant 0 : i32
      %dma_start3A_898 = tpu.memref_slice %arg7[%dma_start3A_897, %mul3A_2] : memref<16x16384xf32, #tpu.memory_space<hbm>> -> memref<16x512xf32, #tpu.memory_space<hbm>>
      %dma_start3A_899 = arith.constant 0 : i32
      %dma_start3A_900 = tpu.memref_slice %arg7[%dma_start3A_899, %mul3A_2] : memref<16x16384xf32, #tpu.memory_space<hbm>> -> memref<16x512xf32, #tpu.memory_space<hbm>>
      tpu.enqueue_dma source(%arg11 : memref<16x512xf32, #tpu.memory_space<vmem>>) target(%dma_start3A_900 : memref<16x512xf32, #tpu.memory_space<hbm>>) target_semaphore(%run_scoped3A_896 : memref<!tpu.dma_semaphore, #tpu.memory_space<semaphore_mem>>)
      %dma_wait3A_901 = arith.constant 0 : i32
      %dma_wait3A_902 = tpu.memref_slice %arg7[%dma_wait3A_901, %mul3A_2] : memref<16x16384xf32, #tpu.memory_space<hbm>> -> memref<16x512xf32, #tpu.memory_space<hbm>>
      %dma_wait3A_903 = arith.constant 0 : i32
      %dma_wait3A_904 = tpu.memref_slice %arg7[%dma_wait3A_903, %mul3A_2] : memref<16x16384xf32, #tpu.memory_space<hbm>> -> memref<16x512xf32, #tpu.memory_space<hbm>>
      tpu.wait_dma2 semaphore(%run_scoped3A_896 : memref<!tpu.dma_semaphore, #tpu.memory_space<semaphore_mem>>) src(%arg11 : memref<16x512xf32, #tpu.memory_space<vmem>>) dst(%dma_wait3A_904 : memref<16x512xf32, #tpu.memory_space<hbm>>)
      tpu.yield
    }) : () -> ()
    return
  }
}

module attributes {stable_mosaic.version = 14 : i64} {
  func.func @_mlp_body(%arg0: memref<16x16384xf32, #tpu.memory_space<vmem>>, %arg1: memref<16x16384xf32, #tpu.memory_space<vmem>>, %arg2: memref<8x16384xf32, #tpu.memory_space<vmem>>, %arg3: memref<64x16xf32, #tpu.memory_space<vmem>>, %arg4: memref<64x16xf32, #tpu.memory_space<vmem>>, %arg5: memref<64x8xf32, #tpu.memory_space<vmem>>, %arg6: memref<64x1xf32, #tpu.memory_space<vmem>>, %arg7: memref<32x64xf32, #tpu.memory_space<vmem>>, %arg8: memref<32x1xf32, #tpu.memory_space<vmem>>, %arg9: memref<1x32xf32, #tpu.memory_space<vmem>>, %arg10: memref<1x1xf32, #tpu.memory_space<vmem>>, %arg11: memref<1x16384xf32, #tpu.memory_space<vmem>>) attributes {dimension_semantics = [], scalar_prefetch = 0 : i64, scratch_operands = 0 : i64, tpu.core_type = #tpu.core_type<tc>} {
    %get3A = arith.constant 0 : index
    %get3A_0 = arith.constant 0 : index
    %get3A_1 = vector.load %arg3[%get3A, %get3A_0] : memref<64x16xf32, #tpu.memory_space<vmem>>, vector<64x16xf32>
    %get3A_2 = arith.constant 0 : index
    %get3A_3 = arith.constant 0 : index
    %get3A_4 = vector.load %arg0[%get3A_2, %get3A_3] : memref<16x16384xf32, #tpu.memory_space<vmem>>, vector<16x16384xf32>
    %dot_general3A = arith.constant dense<0.000000e+00> : vector<64x16384xf32>
    %dot_general3A_5 = tpu.matmul %get3A_1, %get3A_4, %dot_general3A {dimension_numbers = #tpu.dot_dimension_numbers<[1], [0], [0], [1], [0, 0, 1, 1], [], []>, transpose_lhs_hint = false} : vector<64x16xf32>, vector<16x16384xf32>, vector<64x16384xf32> -> vector<64x16384xf32>
    %get3A_6 = arith.constant 0 : index
    %get3A_7 = arith.constant 0 : index
    %get3A_8 = vector.load %arg4[%get3A_6, %get3A_7] : memref<64x16xf32, #tpu.memory_space<vmem>>, vector<64x16xf32>
    %get3A_9 = arith.constant 0 : index
    %get3A_10 = arith.constant 0 : index
    %get3A_11 = vector.load %arg1[%get3A_9, %get3A_10] : memref<16x16384xf32, #tpu.memory_space<vmem>>, vector<16x16384xf32>
    %dot_general3A_12 = arith.constant dense<0.000000e+00> : vector<64x16384xf32>
    %dot_general3A_13 = tpu.matmul %get3A_8, %get3A_11, %dot_general3A_12 {dimension_numbers = #tpu.dot_dimension_numbers<[1], [0], [0], [1], [0, 0, 1, 1], [], []>, transpose_lhs_hint = false} : vector<64x16xf32>, vector<16x16384xf32>, vector<64x16384xf32> -> vector<64x16384xf32>
    %add3A = arith.addf %dot_general3A_5, %dot_general3A_13 : vector<64x16384xf32>
    %get3A_14 = arith.constant 0 : index
    %get3A_15 = arith.constant 0 : index
    %get3A_16 = vector.load %arg5[%get3A_14, %get3A_15] : memref<64x8xf32, #tpu.memory_space<vmem>>, vector<64x8xf32>
    %get3A_17 = arith.constant 0 : index
    %get3A_18 = arith.constant 0 : index
    %get3A_19 = vector.load %arg2[%get3A_17, %get3A_18] : memref<8x16384xf32, #tpu.memory_space<vmem>>, vector<8x16384xf32>
    %dot_general3A_20 = arith.constant dense<0.000000e+00> : vector<64x16384xf32>
    %dot_general3A_21 = tpu.matmul %get3A_16, %get3A_19, %dot_general3A_20 {dimension_numbers = #tpu.dot_dimension_numbers<[1], [0], [0], [1], [0, 0, 1, 1], [], []>, transpose_lhs_hint = false} : vector<64x8xf32>, vector<8x16384xf32>, vector<64x16384xf32> -> vector<64x16384xf32>
    %add3A_22 = arith.addf %add3A, %dot_general3A_21 : vector<64x16384xf32>
    %get3A_23 = arith.constant 0 : index
    %get3A_24 = arith.constant 0 : index
    %get3A_25 = vector.load %arg6[%get3A_23, %get3A_24] : memref<64x1xf32, #tpu.memory_space<vmem>>, vector<64x1xf32>
    %add3A_26 = vector.broadcast %get3A_25 : vector<64x1xf32> to vector<64x16384xf32>
    %add3A_27 = arith.addf %add3A_22, %add3A_26 : vector<64x16384xf32>
    %max3A = arith.constant 0.000000e+00 : f32
    %max3A_28 = vector.broadcast %max3A : f32 to vector<64x16384xf32>
    %max3A_29 = arith.maximumf %add3A_27, %max3A_28 : vector<64x16384xf32>
    %get3A_30 = arith.constant 0 : index
    %get3A_31 = arith.constant 0 : index
    %get3A_32 = vector.load %arg7[%get3A_30, %get3A_31] : memref<32x64xf32, #tpu.memory_space<vmem>>, vector<32x64xf32>
    %dot_general3A_33 = arith.constant dense<0.000000e+00> : vector<32x16384xf32>
    %dot_general3A_34 = tpu.matmul %get3A_32, %max3A_29, %dot_general3A_33 {dimension_numbers = #tpu.dot_dimension_numbers<[1], [0], [0], [1], [0, 0, 1, 1], [], []>, transpose_lhs_hint = false} : vector<32x64xf32>, vector<64x16384xf32>, vector<32x16384xf32> -> vector<32x16384xf32>
    %get3A_35 = arith.constant 0 : index
    %get3A_36 = arith.constant 0 : index
    %get3A_37 = vector.load %arg8[%get3A_35, %get3A_36] : memref<32x1xf32, #tpu.memory_space<vmem>>, vector<32x1xf32>
    %add3A_38 = vector.broadcast %get3A_37 : vector<32x1xf32> to vector<32x16384xf32>
    %add3A_39 = arith.addf %dot_general3A_34, %add3A_38 : vector<32x16384xf32>
    %max3A_40 = arith.constant 0.000000e+00 : f32
    %max3A_41 = vector.broadcast %max3A_40 : f32 to vector<32x16384xf32>
    %max3A_42 = arith.maximumf %add3A_39, %max3A_41 : vector<32x16384xf32>
    %get3A_43 = arith.constant 0 : index
    %get3A_44 = arith.constant 0 : index
    %get3A_45 = vector.load %arg9[%get3A_43, %get3A_44] : memref<1x32xf32, #tpu.memory_space<vmem>>, vector<1x32xf32>
    %dot_general3A_46 = arith.constant dense<0.000000e+00> : vector<1x16384xf32>
    %dot_general3A_47 = tpu.matmul %get3A_45, %max3A_42, %dot_general3A_46 {dimension_numbers = #tpu.dot_dimension_numbers<[1], [0], [0], [1], [0, 0, 1, 1], [], []>, transpose_lhs_hint = false} : vector<1x32xf32>, vector<32x16384xf32>, vector<1x16384xf32> -> vector<1x16384xf32>
    %get3A_48 = arith.constant 0 : index
    %get3A_49 = arith.constant 0 : index
    %get3A_50 = vector.load %arg10[%get3A_48, %get3A_49] : memref<1x1xf32, #tpu.memory_space<vmem>>, vector<1x1xf32>
    %add3A_51 = vector.broadcast %get3A_50 : vector<1x1xf32> to vector<1x16384xf32>
    %add3A_52 = arith.addf %dot_general3A_47, %add3A_51 : vector<1x16384xf32>
    %swap3A = arith.constant 0 : index
    %swap3A_53 = arith.constant 0 : index
    %swap3A_54 = vector.load %arg11[%swap3A, %swap3A_53] : memref<1x16384xf32, #tpu.memory_space<vmem>>, vector<1x16384xf32>
    tpu.vector_store %arg11[%swap3A, %swap3A_53], %add3A_52 {strides = array<i32>} : memref<1x16384xf32, #tpu.memory_space<vmem>>, vector<1x16384xf32>,
    return
  }
}

</mosaic_0001>

<sc_bundles>
// kernel: kernel.5.cloned.1.call-start
scs
__scs_entry_jumppad:
0x0: {  	(pc) =	sbr.rel $0x88, $3  }
0x1: {  	(tag) =	ssettag $0x0;
	lr =	simm.s32 $0x1  }
0x2: {  	[smem:$0x3F96] =	sst lr;
	_ =	strace $0xD0000000  }
0x3: {  	_ = 	snop  }
0x4: {  	_ = 	snop  }
0x5: {  	_ = 	snop  }
0x6: {  	_ = 	snop  }
0x7: {  	_ = 	snop  }
__scs_overlays_trampoline_lowered:
0x8: {  	[smem:$0x3FA5] =	sst s0  }
0x9: {  	[smem:$0x3FA6] =	sst s1  }
0xa: {  	[smem:$0x3FA7] =	sst s2  }
0xb: {  	[smem:$0x3FA8] =	sst s3  }
0xc: {  	[smem:$0x3FA9] =	sst s4  }
0xd: {  	[smem:$0x3FAA] =	sst s5  }
0xe: {  	[smem:$0x3FAB] =	sst s6  }
0xf: {  	[smem:$0x3FAC] =	sst s7  }
0x10: {  	[smem:$0x3FAD] =	sst s8  }
0x11: {  	[smem:$0x3FAE] =	sst s9;
	s0 =	simm.s32 @!p0 $0x0  }
0x12: {  	s1 =	sld [smem:$0x3F94];
	s0 =	simm.s32 @p0 $0x1  }
0x13: {  	[smem:$0x3FAF] =	sst s0;
	s0 =	simm.s32 @!p1 $0x0  }
0x14: {  	s2 =	sld [smem:$0x3F93];
	s0 =	simm.s32 @p1 $0x1  }
0x15: {  	[smem:$0x3FB0] =	sst s0;
	s0 =	simm.s32 @!p2 $0x0  }
0x16: {  	s3 =	sld [smem:$0x3FDB];
	s0 =	simm.s32 @p2 $0x1  }
0x17: {  	s4 =	simm.s32 $0x1BF5;
	[smem:$0x3FB2] =	sst s0  }
0x18: {  	s0 =	sld [smem:$0x3F95];
	_ =	swait.ge [sflag:s4], $0x0  }
0x19: {  	s7 =	sld [smem:$0x3F96]  }
0x1a: {  	s8 =	sadd.s32 $0xFFFFE003, lr  }
0x1b: {  	s9 =	sadd.s32 $0xFFFFFEF7, lr;
	s5 =	simm.s32 $0xFFFFFFFF;
	p2 =	slt.u32 s8, $0xFFFFF086  }
0x1c: {  	p1 =	slt.u32 s9, $0xF7A;
	s5 =	simm.s32 @!p2 $0x0  }
0x1d: {  	s5 =	simm.s32 @p1 $0x1;
	p0 =	seq.s32 s7, s2  }
0x1e: {  	s7 =	smul.u32 @!p0 $0xF7A, s2;
	p2 =	seq.s32 @!p0 s5, $0x0  }
0x1f: {  	s9 =	smul.u32 $0xF7A, s1;
	s8 =	simm.s32 @!p0 $0x1BF5;
	p2 =	por !p2, p0  }
0x20: {  	[sflag:s8] =	ssyncset.s32 @!p0 $0xFFFFF086;
	s6 =	sadd.s32 @!p0 s3, s7;
	s7 =	simm.s32 @!p0 $0x108  }
0x21: {  	s3 =	sadd.s32 s3, s9;
	s6 =	sadd.s32 @!p0 $0x88, s6;
	s7 =	simm.s32 @p2 $0x1082  }
0x22: {  	[simem:s7], [sflag:s8] =	dma.local @!p0 [hbm:s6], $0xF7A  }
0x23: {  	s9 =	sor.u32 $0xD0000000, s2;
	s6 =	simm.s32 $0x108;
	_ =	swait.ge @!p0 [sflag:s8], $0x0  }
0x24: {  	s3 =	sadd.s32 $0x88, s3;
	s6 =	simm.s32 @!p1 $0x1082;
	[sflag:s4] =	ssyncset.s32 $0xFFFFF086  }
0x25: {  	[simem:s6], [sflag:s4] =	dma.local [hbm:s3], $0xF7A  }
0x26: {  	[smem:$0x3F96] =	sst s1;
	(tag) =	ssettag s2;
	_ =	strace s9  }
0x27: {  	s1 =	sld [smem:$0x3FA6]  }
0x28: {  	s2 =	sld [smem:$0x3FA7]  }
0x29: {  	s4 =	sld [smem:$0x3FA9]  }
0x2a: {  	p0 =	seq.s32 s5, $0x0;
	s5 =	sld [smem:$0x3FAA]  }
0x2b: {  	s6 =	sld [smem:$0x3FAB]  }
0x2c: {  	s7 =	sld [smem:$0x3FAC]  }
0x2d: {  	s3 =	simm.s32 $0x108;
	s8 =	sld [smem:$0x3FAD]  }
0x2e: {  	s3 =	simm.s32 @!p0 $0x1082;
	s9 =	sld [smem:$0x3FAE]  }
0x2f: {  	lr =	sadd.s32 s0, s3;
	s0 =	sld [smem:$0x3FA5]  }
0x30: {  	s3 =	sld [smem:$0x3FA8]  }
0x31: {  	[smem:$0x3FB1] =	sst s10  }
0x32: {  	s10 =	sld [smem:$0x3FAF];
	_ =	sdelay $0x3  }
0x33: {  	p0 =	seq.s32 s10, $0x1;
	s10 =	sld [smem:$0x3FB1];
	_ =	sdelay $0x3  }
0x34: {  	[smem:$0x3FB1] =	sst s10  }
0x35: {  	s10 =	sld [smem:$0x3FB0];
	_ =	sdelay $0x3  }
0x36: {  	p1 =	seq.s32 s10, $0x1;
	s10 =	sld [smem:$0x3FB1];
	_ =	sdelay $0x3  }
0x37: {  	[smem:$0x3FB1] =	sst s10  }
0x38: {  	s10 =	sld [smem:$0x3FB2]  }
0x39: {  	_ = 	snop;
	(pc) =	sbr.ind lr, $3  }
0x3a: {  	_ = 	snop  }
0x3b: {  	_ = 	snop  }
0x3c: {  	p2 =	seq.s32 s10, $0x1;
	s10 =	sld [smem:$0x3FB1]  }
0x3d: {  	_ =	shalt  }
0x3e: {  	_ =	shalt  }
0x3f: {  	_ =	shalt  }
0x40: {  	_ =	shalt  }
0x41: {  	_ =	shalt  }
0x42: {  	_ =	shalt  }
0x43: {  	_ =	shalt  }
0x44: {  	_ =	shalt  }
0x45: {  	_ =	shalt  }
0x46: {  	_ =	shalt  }
0x47: {  	_ =	shalt  }
0x48: {  	_ =	shalt  }
0x49: {  	_ =	shalt  }
0x4a: {  	_ =	shalt  }
0x4b: {  	_ =	shalt  }
0x4c: {  	_ =	shalt  }
0x4d: {  	_ =	shalt  }
0x4e: {  	_ =	shalt  }
0x4f: {  	_ =	shalt  }
0x50: {  	_ =	shalt  }
0x51: {  	_ =	shalt  }
0x52: {  	_ =	shalt  }
0x53: {  	_ =	shalt  }
0x54: {  	_ =	shalt  }
0x55: {  	_ =	shalt  }
0x56: {  	_ =	shalt  }
0x57: {  	_ =	shalt  }
0x58: {  	_ =	shalt  }
0x59: {  	_ =	shalt  }
0x5a: {  	_ =	shalt  }
0x5b: {  	_ =	shalt  }
0x5c: {  	_ =	shalt  }
0x5d: {  	_ =	shalt  }
0x5e: {  	_ =	shalt  }
0x5f: {  	_ =	shalt  }
0x60: {  	_ =	shalt  }
0x61: {  	_ =	shalt  }
0x62: {  	_ =	shalt  }
0x63: {  	_ =	shalt  }
0x64: {  	_ =	shalt  }
0x65: {  	_ =	shalt  }
0x66: {  	_ =	shalt  }
0x67: {  	_ =	shalt  }
0x68: {  	_ =	shalt  }
0x69: {  	_ =	shalt  }
0x6a: {  	_ =	shalt  }
0x6b: {  	_ =	shalt  }
0x6c: {  	_ =	shalt  }
0x6d: {  	_ =	shalt  }
0x6e: {  	_ =	shalt  }
0x6f: {  	_ =	shalt  }
0x70: {  	_ =	shalt  }
0x71: {  	_ =	shalt  }
0x72: {  	_ =	shalt  }
0x73: {  	_ =	shalt  }
0x74: {  	_ =	shalt  }
0x75: {  	_ =	shalt  }
0x76: {  	_ =	shalt  }
0x77: {  	_ =	shalt  }
0x78: {  	_ =	shalt  }
0x79: {  	_ =	shalt  }
0x7a: {  	_ =	shalt  }
0x7b: {  	_ =	shalt  }
0x7c: {  	_ =	shalt  }
0x7d: {  	_ =	shalt  }
0x7e: {  	_ =	shalt  }
0x7f: {  	_ =	shalt  }
0x80: {  	_ =	shalt  }
0x81: {  	_ =	shalt  }
0x82: {  	_ =	shalt  }
0x83: {  	_ =	shalt  }
0x84: {  	_ =	shalt  }
0x85: {  	_ =	shalt  }
0x86: {  	_ =	shalt  }
0x87: {  	_ =	shalt  }
.Lfunc_end0:
.L_simem_size_0:
called_computation_lowered:
.L_overlay_start_0:
0x88: {  	s2 =	sld [smem:$0x3FD9]  }
0x89: {  	s3 =	sld [smem:$0x3FFE];
	_ =	sdelay $0x1  }
0x8a: {  	s1 =	srdreg.scid  }
0x8b: {  	s0 =	sand.u32 $0x1, s1  }
0x8c: {  	s17 =	sshll.u32 s0, $0xA;
	s2 =	sadd.s32 s3, s2  }
0x8d: {  	s2 =	sadd.s32 s2, s17  }
0x8e: {  	[smem:$0x3FBD] =	sst s2  }
0x8f: {  	_ = 	snop  }
0x90: {  	s2 =	sld [smem:$0x3FC6]  }
0x91: {  	s18 =	sld [smem:$0x3FD0];
	(tm) =	ssettm $0x1  }
0x92: {  	s4 =	sld [smem:$0x3FFB];
	_ =	sdelay $0x3  }
0x93: {  	_ =	strace s4  }
0x94: {  	s4 =	sld [smem:$0x3FFC];
	_ =	sdelay $0x3  }
0x95: {  	_ =	strace s4  }
0x96: {  	s4 =	sld [smem:$0x3FFD];
	_ =	sdelay $0x3  }
0x97: {  	_ =	strace s4  }
0x98: {  	_ =	strace $0x8FFFFFFF  }
0x99: {  	s19 =	sld [smem:$0x3FDB];
	_ =	sdelay $0x1  }
0x9a: {  	s5 =	simm.s32 $_scs_section_size  }
0x9b: {  	s6 =	simm.s32 $_size__tile_overlayer_lowered;
	s7 =	simm.s32 $_tile_overlayer_lowered  }
0x9c: {  	s22 =	simm.s32 $0x1BFF;
	s21 =	sshll.u32 s7, $0x1;
	s4 =	sadd.s32 s5, s19  }
0x9d: {  	s8 =	simm.s32 $0x0;
	s20 =	sshll.u32 s6, $0x1;
	s6 =	sadd.s32 s21, s4  }
0x9e: {  	[timem:s8], [sflag:s22] =	dma.local [hbm:s6], s20  }
0x9f: {  	_ =	swait.ge [sflag:s22], s20  }
0xa0: {  	s5 =	ssub.s32 $0x0, s20;
	[sflag:s22] =	ssyncset.done $0x0  }
0xa1: {  	[sflag:s22] =	ssyncadd.s32 s5;
	_ =	sdelay $0x1  }
0xa2: {  	s23 =	simm.s32 $0x1B8B  }
0xa3: {  	_ =	swait.ge [sflag:s23], $0x1  }
0xa4: {  	[sflag:s23] =	ssyncset.done $0x0  }
0xa5: {  	s25 =	simm.s32 $0x1B8E;
	s24 =	sld [smem:$0x3FFE];
	[sflag:s23] =	ssyncadd.s32 $0xFFFFFFFF  }
0xa6: {  	s26 =	simm.s32 $execute0_lowered;
	[smem:$0x3FD2] =	sst s25  }
0xa7: {  	s6 =	sshll.u32 s26, $0x1;
	_ =	strace $0x80000046;
	[dreg:$0x1] =	wrdreg $0xFFFFFFFF  }
0xa8: {  	s28 =	simm.s32 $_size_execute0_lowered;
	s4 =	sadd.s32 s4, s6;
	[dreg:$0x0] =	wrdreg $0x0  }
0xa9: {  	s6 =	sshll.u32 s28, $0x1;
	[dreg:$0x2] =	wrdreg s4  }
0xaa: {  	[dreg:$0x3] =	wrdreg s6  }
0xab: {  	[dreg:$0x4] =	wrdreg $0xC0  }
0xac: {  	_ =	task [dreg:s8], $0x5FFFF  }
0xad: {  	[dreg:$0x1] =	wrdreg $0xFFFFFFFF  }
0xae: {  	[dreg:$0x0] =	wrdreg $0x60  }
0xaf: {  	[dreg:$0x2] =	wrdreg s2  }
0xb0: {  	[dreg:$0x3] =	wrdreg s24  }
0xb1: {  	[dreg:$0x4] =	wrdreg s18  }
0xb2: {  	[dreg:$0x5] =	wrdreg $0x9  }
0xb3: {  	_ =	task.clear_ibuf [dreg:s8], $0x6FFFF;
	_ =	strace $0x90000046  }
0xb4: {  	s29 =	simm.s32 $0x9;
	_ =	strace $0x80000048  }
0xb5: {  	_ =	swait.ge [sflag:s29], $0x1  }
0xb6: {  	[sflag:s29] =	ssyncadd.s32 $0xFFFFFFFF  }
0xb7: {  	_ =	strace $0x90000048  }
0xb8: {  	_ =	sfence  }
0xb9: {  	s30 =	sld [smem:$0x0];
	_ =	sdelay $0x2  }
0xba: {  	s31 =	sshll.u32 s1, $0xD;
	s1 =	sshrl.u32 s1, $0x2  }
0xbb: {  	s3 =	sand.u32 $0x4000, s31;
	s1 =	sadd.s32 s1, s30  }
0xbc: {  	s0 =	sor.u32 s3, s0;
	s1 =	sshll.u32 s1, $0x11  }
0xbd: {  	s0 =	sor.u32 s1, s0  }
0xbe: {  	s0 =	sadd.s32 $0x8F2B, s0  }
0xbf: {  	[sflag:s0] =	ssyncadd.remote.s32 $0x1  }
0xc0: {  	_ =	sfence.sel $0xFFFF  }
0xc1: {  	[dreg:$0x0] =	wrdreg $0xFFFFFFFF;
	(pc) =	sbr.abs _section_cstart, $3  }
0xc2: {  	[dreg:$0x1] =	wrdreg $0xFFFFFFFF  }
0xc3: {  	_ =	task.clear_ibuf [dreg:s8], $0x2FFFF;
	_ =	strace $0x9FFFFFFF  }
0xc4: {  	(tm) =	ssettm $0x7FFFFFFF  }
0xc5: {  	_ =	shalt  }
tec
execute0_lowered:
.L_overlay_start_1:
0x0: {  	(tag) =	ssettag $0x1  }
0x1: {  	s1 =	rddreg [dreg:$0x0]  }
0x2: {  	s0 =	rddreg [dreg:$0x1]  }
0x3: {  	s5 =	rddreg [dreg:$0x2]  }
0x4: {  	s4 =	simm.s32 $0x0;
	s2 =	srdreg.scid;
	s3 =	stileid.u32  }
0x5: {  	s8 =	simm.s32 $0x15;
	s15 =	simm.s32 $0x3000;
	s16 =	simm.s32 $0x7A1400  }
0x6: {  	s17 =	simm.s32 $0x1;
	s18 =	simm.s32 $0xC000;
	s19 =	simm.s32 $0x2  }
0x7: {  	s20 =	simm.s32 $0x12000;
	s21 =	simm.s32 $0x3;
	s22 =	simm.s32 $0x4  }
0x8: {  	v0 =	vlaneseq.u32;
	s23 =	simm.s32 $0x5;
	s25 =	simm.s32 $0x18800;
	s26 =	simm.s32 $0x0  }
0x9: {  	[smem:$0x7FF] =	sst s4;
	s6 =	sadd.s32 $0x2600, s0;
	s2 =	sand.u32 $0x1, s2;
	v1 =	vand.u32 $0x7, v0  }
0xa: {  	s3 =	sshll.u32 s3, $0x1;
	s9 =	sadd.s32 $0x1EAE00, s0;
	v2 =	vshrl.u32 v0, $0x3;
	s12 =	sadd.s32 $0x1EAC00, s0;
	v0 =	vmul.u32 $0x10, v1  }
0xb: {  	s14 =	sadd.s32 $0x400, s5;
	_ =	strace $0x80000047;
	[dreg:$0x4] =	wrdreg s6;
	v1 =	vmul.u32 $0x80, v2  }
.Ltmp0:
0xc: {  	s6 =	sadd.s32 $0x2800, s0;
	s7 =	sor.u32 s2, s3;
	v2 =	vor.u32 $0x1, v0;
	v3 =	vor.u32 $0x2, v0;
	v4 =	vor.u32 $0x3, v0;
	(pc) =	sbr.rel .LBB2_1-.Ltmp0, $4  }
0xd: {  	s10 =	ssub.s32 $0x2, s2;
	p0 =	slt.u32 s7, $0xB;
	s2 =	smul.u32 $0x600, s7;
	v5 =	vor.u32 $0x4, v0;
	v6 =	vor.u32 $0x5, v0;
	v7 =	vor.u32 $0x6, v0  }
0xe: {  	s30 =	sshrl.u32 s10, $0x1;
	p1 =	sne.s32 s7, $0x0;
	s8 =	simm.s32 @!p0 $0x14;
	v8 =	vor.u32 $0x7, v0;
	v9 =	vor.u32 $0x8, v0;
	v10 =	vor.u32 $0x9, v0  }
0xf: {  	s3 =	ssub.s32 s10, s30;
	v11 =	vor.u32 $0xA, v0;
	v12 =	vor.u32 $0xB, v0;
	v13 =	vor.u32 $0xC, v0;
	p0 =	seq.s32 s7, $0x1F;
	s31 =	sadd.s32 $0x1, s8  }
0x10: {  	v14 =	vor.u32 $0xD, v0;
	v15 =	vor.u32 $0xE, v0;
	v16 =	vor.u32 $0xF, v0;
	s10 =	sadd.s32 s1, s2;
	s13 =	smax.u32 s3, $0x1;
	s11 =	sshrl.u32 s31, $0x1  }
.LBB2_19:
0x11: {  	s26 =	sadd.s32 $0x1, s26  }
0x12: {  	p2 =	sne.s32 s26, s13  }
.Ltmp1:
0x13: {  	_ = 	snop;
	(pc) =	sbr.rel @!p2 .LBB2_20-.Ltmp1, $1  }
0x14: {  	_ =	sdelay $0x3  }
.LBB2_1:
.Ltmp2:
0x15: {  	(pc) =	sbr.rel .LBB2_2-.Ltmp2, $3  }
0x16: {  	_ =	sdelay $0x1  }
0x17: {  	[tilespmem:s4], [sflag:$0x1] =	stream.strided.gather [hbm4b:s10+s15], $0x6000, s16, s15, $0x38;
	[tilespmem:$0x18C00] =	vst v63  }
0x18: {  	s28 =	simm.s32 $0x0  }
.LBB2_10:
0x19: {  	s28 =	sadd.s32 $0x1, s28  }
0x1a: {  	p2 =	sne.s32 s28, s11  }
.Ltmp3:
0x1b: {  	_ = 	snop;
	(pc) =	sbr.rel @!p2 .LBB2_11-.Ltmp3, $1  }
0x1c: {  	_ =	sdelay $0x3  }
.LBB2_2:
0x1d: {  	s29 =	sshllo.u32 s28, $0x1  }
0x1e: {  	s30 =	sshll.u32 s28, $0x1;
	p3 =	sge.u32 s29, s8  }
0x1f: {  	p4 =	sge.u32 s30, s8;
	s0 =	sshll.u32 @!p3 s29, $0x5  }
.Ltmp4:
0x20: {  	s0 =	sor.u32 @!p3 s7, s0;
	(pc) =	sbr.rel @p4 .LBB2_6-.Ltmp4, $4  }
0x21: {  	s0 =	smul.u32 @!p3 $0x600, s0  }
0x22: {  	p2 =	seq.s32 s28, $0x0;
	s2 =	simm.s32 @!p3 $0x3000  }
0x23: {  	s3 =	simm.s32 @!p3 $0x7A1400;
	s24 =	simm.s32 @!p3 $0x6000;
	s0 =	sadd.s32 @!p3 s1, s0  }
0x24: {  	[tilespmem:s24], [sflag:$0x2] =	stream.strided.gather @!p3 [hbm4b:s0+s2], $0x6000, s3, s2, $0x38;
	[tilespmem:$0x18C00] =	vst v63  }
0x25: {  	_ =	swait.ge [sflag:s17], $0x6000  }
0x26: {  	[sflag:s17] =	ssyncset.done $0x0  }
0x27: {  	s0 =	simm.s32 @!p2 $0x3;
	s31 =	simm.s32 $0x0;
	[sflag:s17] =	ssyncadd.s32 $0xFFFFA000  }
0x28: {  	v17 =	vmov s31;
	_ =	swait.ge @!p2 [sflag:s0], $0x6000  }
0x29: {  	s2 =	sand.u32 $0x70, s31;
	s3 =	sand.u32 $0x3C00, s31;
	v17 =	vshll.u32 v17, $0x7;
	[sflag:s0] =	ssyncset.done @!p2 $0x0  }
0x2a: {  	s3 =	sor.u32 s2, s3;
	v17 =	vor.u32 v1, v17;
	[sflag:s0] =	ssyncadd.s32 @!p2 $0xFFFFA000  }
0x2b: {  	v19 =	vor.u32 v0, v17;
	v18 =	vld [tilespmem:s3+$0x0];
	_ =	sdelay $0x4  }
0x2c: {  	[tilespmem:v19+s18+$0x0] =	vst.idx.msk $0xffff, v18  }
0x2d: {  	v19 =	vor.u32 v2, v17;
	v18 =	vld [tilespmem:s3+$0x80];
	_ =	sdelay $0x4  }
0x2e: {  	[tilespmem:v19+s18+$0x0] =	vst.idx.msk $0xffff, v18  }
0x2f: {  	v19 =	vor.u32 v3, v17;
	v18 =	vld [tilespmem:s3+$0x100];
	_ =	sdelay $0x4  }
0x30: {  	[tilespmem:v19+s18+$0x0] =	vst.idx.msk $0xffff, v18  }
0x31: {  	v19 =	vor.u32 v4, v17;
	v18 =	vld [tilespmem:s3+$0x180];
	_ =	sdelay $0x4  }
0x32: {  	[tilespmem:v19+s18+$0x0] =	vst.idx.msk $0xffff, v18  }
0x33: {  	v19 =	vor.u32 v5, v17;
	v18 =	vld [tilespmem:s3+$0x200];
	_ =	sdelay $0x4  }
0x34: {  	[tilespmem:v19+s18+$0x0] =	vst.idx.msk $0xffff, v18  }
0x35: {  	v19 =	vor.u32 v6, v17;
	v18 =	vld [tilespmem:s3+$0x280];
	_ =	sdelay $0x4  }
0x36: {  	[tilespmem:v19+s18+$0x0] =	vst.idx.msk $0xffff, v18  }
0x37: {  	v19 =	vor.u32 v7, v17;
	v18 =	vld [tilespmem:s3+$0x300];
	_ =	sdelay $0x1  }
0x38: {  	s5 =	sand.u32 $0x7, s31  }
0x39: {  	s2 =	sshll.u32 s5, $0x4  }
0x3a: {  	s2 =	sadd.s32 $0x0, s2  }
0x3b: {  	s2 =	sor.u32 $0x380, s2;
	[tilespmem:v19+s18+$0x0] =	vst.idx.msk $0xffff, v18  }
0x3c: {  	v19 =	vor.u32 v8, v17;
	v18 =	vld [tilespmem:s2+$0x0];
	_ =	sdelay $0x4  }
0x3d: {  	[tilespmem:v19+s18+$0x0] =	vst.idx.msk $0xffff, v18  }
0x3e: {  	v19 =	vor.u32 v9, v17;
	v18 =	vld [tilespmem:s3+$0x3000];
	_ =	sdelay $0x4  }
0x3f: {  	[tilespmem:v19+s18+$0x0] =	vst.idx.msk $0xffff, v18  }
0x40: {  	v19 =	vor.u32 v10, v17;
	v18 =	vld [tilespmem:s3+$0x3080];
	_ =	sdelay $0x4  }
0x41: {  	[tilespmem:v19+s18+$0x0] =	vst.idx.msk $0xffff, v18  }
0x42: {  	v19 =	vor.u32 v11, v17;
	v18 =	vld [tilespmem:s3+$0x3100];
	_ =	sdelay $0x4  }
0x43: {  	[tilespmem:v19+s18+$0x0] =	vst.idx.msk $0xffff, v18  }
0x44: {  	v19 =	vor.u32 v12, v17;
	v18 =	vld [tilespmem:s3+$0x3180];
	_ =	sdelay $0x4  }
0x45: {  	[tilespmem:v19+s18+$0x0] =	vst.idx.msk $0xffff, v18  }
0x46: {  	v19 =	vor.u32 v13, v17;
	v18 =	vld [tilespmem:s3+$0x3200];
	_ =	sdelay $0x4  }
0x47: {  	[tilespmem:v19+s18+$0x0] =	vst.idx.msk $0xffff, v18  }
0x48: {  	v19 =	vor.u32 v14, v17;
	v18 =	vld [tilespmem:s3+$0x3280];
	_ =	sdelay $0x4  }
0x49: {  	[tilespmem:v19+s18+$0x0] =	vst.idx.msk $0xffff, v18  }
0x4a: {  	v19 =	vor.u32 v15, v17;
	v18 =	vld [tilespmem:s3+$0x3300];
	_ =	sdelay $0x4  }
0x4b: {  	[tilespmem:v19+s18+$0x0] =	vst.idx.msk $0xffff, v18  }
0x4c: {  	v19 =	vor.u32 v16, v17;
	v18 =	vld [tilespmem:s3+$0x3380];
	_ =	sdelay $0x1  }
0x4d: {  	s24 =	simm.s32 $0x2  }
0x4e: {  	s0 =	simm.s32 $0x80;
	v17 =	vmov s24;
	s24 =	simm.s32 $0x4;
	s3 =	simm.s32 $0x10  }
.LBB2_4:
0x4f: {  	p4 =	sne.s32 s24, $0xBE;
	v17 =	vshll.u32 v17, $0x7;
	s2 =	sand.u32 $0x70, s3;
	s5 =	sand.u32 $0x3C00, s0  }
0x50: {  	s2 =	sor.u32 s2, s5;
	v17 =	vor.u32 v1, v17;
	[tilespmem:v19+s18+$0x0] =	vst.idx.msk $0xffff, v18  }
0x51: {  	v18 =	vld [tilespmem:s2+$0x0];
	v19 =	vor.u32 v0, v17;
	_ =	sdelay $0x4  }
0x52: {  	[tilespmem:v19+s18+$0x0] =	vst.idx.msk $0xffff, v18  }
0x53: {  	v19 =	vor.u32 v2, v17;
	v18 =	vld [tilespmem:s2+$0x80];
	_ =	sdelay $0x4  }
0x54: {  	[tilespmem:v19+s18+$0x0] =	vst.idx.msk $0xffff, v18  }
0x55: {  	v19 =	vor.u32 v3, v17;
	v18 =	vld [tilespmem:s2+$0x100];
	_ =	sdelay $0x4  }
0x56: {  	[tilespmem:v19+s18+$0x0] =	vst.idx.msk $0xffff, v18  }
0x57: {  	v19 =	vor.u32 v4, v17;
	v18 =	vld [tilespmem:s2+$0x180];
	_ =	sdelay $0x4  }
0x58: {  	[tilespmem:v19+s18+$0x0] =	vst.idx.msk $0xffff, v18  }
0x59: {  	v19 =	vor.u32 v5, v17;
	v18 =	vld [tilespmem:s2+$0x200];
	_ =	sdelay $0x4  }
0x5a: {  	[tilespmem:v19+s18+$0x0] =	vst.idx.msk $0xffff, v18  }
0x5b: {  	v19 =	vor.u32 v6, v17;
	v18 =	vld [tilespmem:s2+$0x280];
	_ =	sdelay $0x4  }
0x5c: {  	[tilespmem:v19+s18+$0x0] =	vst.idx.msk $0xffff, v18  }
0x5d: {  	v19 =	vor.u32 v7, v17;
	v18 =	vld [tilespmem:s2+$0x300]  }
0x5e: {  	s31 =	sadd.s32 $0x1, s31  }
0x5f: {  	s5 =	sand.u32 $0x7, s31  }
0x60: {  	s5 =	sshll.u32 s5, $0x4  }
0x61: {  	s5 =	sadd.s32 s5, s0  }
0x62: {  	s5 =	sor.u32 $0x380, s5;
	[tilespmem:v19+s18+$0x0] =	vst.idx.msk $0xffff, v18  }
0x63: {  	v19 =	vor.u32 v8, v17;
	v18 =	vld [tilespmem:s5+$0x0];
	_ =	sdelay $0x4  }
0x64: {  	[tilespmem:v19+s18+$0x0] =	vst.idx.msk $0xffff, v18  }
0x65: {  	v19 =	vor.u32 v9, v17;
	v18 =	vld [tilespmem:s2+$0x3000];
	_ =	sdelay $0x4  }
0x66: {  	[tilespmem:v19+s18+$0x0] =	vst.idx.msk $0xffff, v18  }
0x67: {  	v19 =	vor.u32 v10, v17;
	v18 =	vld [tilespmem:s2+$0x3080];
	_ =	sdelay $0x4  }
0x68: {  	[tilespmem:v19+s18+$0x0] =	vst.idx.msk $0xffff, v18  }
0x69: {  	v19 =	vor.u32 v11, v17;
	v18 =	vld [tilespmem:s2+$0x3100];
	_ =	sdelay $0x4  }
0x6a: {  	[tilespmem:v19+s18+$0x0] =	vst.idx.msk $0xffff, v18  }
0x6b: {  	v19 =	vor.u32 v12, v17;
	v18 =	vld [tilespmem:s2+$0x3180];
	_ =	sdelay $0x4  }
0x6c: {  	[tilespmem:v19+s18+$0x0] =	vst.idx.msk $0xffff, v18  }
0x6d: {  	v19 =	vor.u32 v13, v17;
	v18 =	vld [tilespmem:s2+$0x3200];
	_ =	sdelay $0x4  }
0x6e: {  	[tilespmem:v19+s18+$0x0] =	vst.idx.msk $0xffff, v18  }
0x6f: {  	v19 =	vor.u32 v14, v17;
	v18 =	vld [tilespmem:s2+$0x3280];
	_ =	sdelay $0x4  }
0x70: {  	[tilespmem:v19+s18+$0x0] =	vst.idx.msk $0xffff, v18  }
0x71: {  	v19 =	vor.u32 v15, v17;
	v18 =	vld [tilespmem:s2+$0x3300];
	_ =	sdelay $0x4  }
.Ltmp5:
0x72: {  	[tilespmem:v19+s18+$0x0] =	vst.idx.msk $0xffff, v18;
	(pc) =	sbr.rel @p4 .LBB2_4-.Ltmp5, $2  }
0x73: {  	v19 =	vor.u32 v16, v17;
	v18 =	vld [tilespmem:s2+$0x3380];
	_ =	sdelay $0x2  }
0x74: {  	s3 =	sadd.s32 $0x10, s3;
	s0 =	sadd.s32 $0x80, s0;
	v17 =	vmov s24;
	s24 =	sadd.s32 $0x2, s24  }
0x75: {  	_ =	sdelay $0x2  }
0x76: {  	v17 =	vshll.u32 v17, $0x7;
	s2 =	sand.u32 $0x70, s3;
	s24 =	sand.u32 $0x3C00, s0  }
0x77: {  	s2 =	sor.u32 s2, s24;
	v17 =	vor.u32 v1, v17;
	[tilespmem:v19+s18+$0x0] =	vst.idx.msk $0xffff, v18  }
0x78: {  	v18 =	vld [tilespmem:s2+$0x0];
	v19 =	vor.u32 v0, v17;
	_ =	sdelay $0x4  }
0x79: {  	[tilespmem:v19+s18+$0x0] =	vst.idx.msk $0xffff, v18  }
0x7a: {  	v19 =	vor.u32 v2, v17;
	v18 =	vld [tilespmem:s2+$0x80];
	_ =	sdelay $0x4  }
0x7b: {  	[tilespmem:v19+s18+$0x0] =	vst.idx.msk $0xffff, v18  }
0x7c: {  	v19 =	vor.u32 v3, v17;
	v18 =	vld [tilespmem:s2+$0x100];
	_ =	sdelay $0x4  }
0x7d: {  	[tilespmem:v19+s18+$0x0] =	vst.idx.msk $0xffff, v18  }
0x7e: {  	v19 =	vor.u32 v4, v17;
	v18 =	vld [tilespmem:s2+$0x180];
	_ =	sdelay $0x4  }
0x7f: {  	[tilespmem:v19+s18+$0x0] =	vst.idx.msk $0xffff, v18  }
0x80: {  	v19 =	vor.u32 v5, v17;
	v18 =	vld [tilespmem:s2+$0x200];
	_ =	sdelay $0x4  }
0x81: {  	[tilespmem:v19+s18+$0x0] =	vst.idx.msk $0xffff, v18  }
0x82: {  	v19 =	vor.u32 v6, v17;
	v18 =	vld [tilespmem:s2+$0x280];
	_ =	sdelay $0x4  }
0x83: {  	[tilespmem:v19+s18+$0x0] =	vst.idx.msk $0xffff, v18  }
0x84: {  	v19 =	vor.u32 v7, v17;
	v18 =	vld [tilespmem:s2+$0x300]  }
0x85: {  	s5 =	sadd.s32 $0x1, s31  }
0x86: {  	s3 =	sand.u32 $0x7, s5  }
0x87: {  	s3 =	sshll.u32 s3, $0x4  }
0x88: {  	s24 =	sadd.s32 s3, s0  }
0x89: {  	s0 =	sor.u32 $0x380, s24;
	[tilespmem:v19+s18+$0x0] =	vst.idx.msk $0xffff, v18  }
0x8a: {  	v19 =	vor.u32 v8, v17;
	v18 =	vld [tilespmem:s0+$0x0];
	_ =	sdelay $0x4  }
0x8b: {  	[tilespmem:v19+s18+$0x0] =	vst.idx.msk $0xffff, v18  }
0x8c: {  	v19 =	vor.u32 v9, v17;
	v18 =	vld [tilespmem:s2+$0x3000];
	_ =	sdelay $0x4  }
0x8d: {  	[tilespmem:v19+s18+$0x0] =	vst.idx.msk $0xffff, v18  }
0x8e: {  	v19 =	vor.u32 v10, v17;
	v18 =	vld [tilespmem:s2+$0x3080];
	_ =	sdelay $0x4  }
0x8f: {  	[tilespmem:v19+s18+$0x0] =	vst.idx.msk $0xffff, v18  }
0x90: {  	v19 =	vor.u32 v11, v17;
	v18 =	vld [tilespmem:s2+$0x3100];
	_ =	sdelay $0x4  }
0x91: {  	[tilespmem:v19+s18+$0x0] =	vst.idx.msk $0xffff, v18  }
0x92: {  	v19 =	vor.u32 v12, v17;
	v18 =	vld [tilespmem:s2+$0x3180];
	_ =	sdelay $0x4  }
0x93: {  	[tilespmem:v19+s18+$0x0] =	vst.idx.msk $0xffff, v18  }
0x94: {  	v19 =	vor.u32 v13, v17;
	v18 =	vld [tilespmem:s2+$0x3200];
	_ =	sdelay $0x4  }
0x95: {  	[tilespmem:v19+s18+$0x0] =	vst.idx.msk $0xffff, v18  }
0x96: {  	v19 =	vor.u32 v14, v17;
	v18 =	vld [tilespmem:s2+$0x3280];
	_ =	sdelay $0x4  }
0x97: {  	[tilespmem:v19+s18+$0x0] =	vst.idx.msk $0xffff, v18  }
0x98: {  	v19 =	vor.u32 v15, v17;
	v18 =	vld [tilespmem:s2+$0x3300];
	_ =	sdelay $0x4  }
0x99: {  	[tilespmem:v19+s18+$0x0] =	vst.idx.msk $0xffff, v18  }
0x9a: {  	s31 =	sshll.u32 s28, $0x6;
	v17 =	vor.u32 v16, v17;
	v18 =	vld [tilespmem:s2+$0x3380]  }
0x9b: {  	s0 =	sor.u32 s7, s31  }
0x9c: {  	s0 =	smul.u32 $0x6000, s0;
	_ =	sdelay $0x1  }
0x9d: {  	s0 =	sshrl.u32 s0, $0x3  }
0x9e: {  	s0 =	sadd.s32 s6, s0;
	[tilespmem:v17+s18+$0x0] =	vst.idx.msk $0xffff, v18  }
0x9f: {  	[hbm4b:s0+s4] =	stream.linear.scatter [tilespmem:s18], [sflag:$0x3], $0x6000, $0x38;
	[tilespmem:$0x18C00] =	vst v63  }
.LBB2_6:
0xa0: {  	s0 =	sadd.s32 $0x2, s30  }
0xa1: {  	p4 =	sge.u32 s0, s8  }
0xa2: {  	s0 =	sshll.u32 @!p4 s0, $0x5  }
.Ltmp6:
0xa3: {  	s0 =	sor.u32 @!p4 s7, s0;
	(pc) =	sbr.rel @p3 .LBB2_10-.Ltmp6, $4  }
0xa4: {  	s0 =	smul.u32 @!p4 $0x600, s0  }
0xa5: {  	s2 =	simm.s32 @!p4 $0x3000  }
0xa6: {  	s3 =	simm.s32 @!p4 $0x7A1400;
	s5 =	simm.s32 @!p4 $0x0;
	s0 =	sadd.s32 @!p4 s1, s0  }
0xa7: {  	[tilespmem:s5], [sflag:$0x1] =	stream.strided.gather @!p4 [hbm4b:s0+s2], $0x6000, s3, s2, $0x38;
	[tilespmem:$0x18C00] =	vst v63  }
0xa8: {  	_ =	swait.ge [sflag:s19], $0x6000  }
0xa9: {  	[sflag:s19] =	ssyncset.done $0x0  }
0xaa: {  	s0 =	simm.s32 @!p2 $0x4;
	s30 =	simm.s32 $0x0;
	[sflag:s19] =	ssyncadd.s32 $0xFFFFA000  }
0xab: {  	v17 =	vmov s30;
	_ =	swait.ge @!p2 [sflag:s0], $0x6000  }
0xac: {  	s2 =	sand.u32 $0x70, s30;
	s3 =	sand.u32 $0x3C00, s30;
	v17 =	vshll.u32 v17, $0x7;
	[sflag:s0] =	ssyncset.done @!p2 $0x0  }
0xad: {  	s5 =	sor.u32 s2, s3;
	v17 =	vor.u32 v1, v17;
	[sflag:s0] =	ssyncadd.s32 @!p2 $0xFFFFA000  }
0xae: {  	v19 =	vor.u32 v0, v17;
	v18 =	vld [tilespmem:s5+$0x6000];
	_ =	sdelay $0x4  }
0xaf: {  	[tilespmem:v19+s20+$0x0] =	vst.idx.msk $0xffff, v18  }
0xb0: {  	v19 =	vor.u32 v2, v17;
	v18 =	vld [tilespmem:s5+$0x6080];
	_ =	sdelay $0x4  }
0xb1: {  	[tilespmem:v19+s20+$0x0] =	vst.idx.msk $0xffff, v18  }
0xb2: {  	v19 =	vor.u32 v3, v17;
	v18 =	vld [tilespmem:s5+$0x6100];
	_ =	sdelay $0x4  }
0xb3: {  	[tilespmem:v19+s20+$0x0] =	vst.idx.msk $0xffff, v18  }
0xb4: {  	v19 =	vor.u32 v4, v17;
	v18 =	vld [tilespmem:s5+$0x6180];
	_ =	sdelay $0x4  }
0xb5: {  	[tilespmem:v19+s20+$0x0] =	vst.idx.msk $0xffff, v18  }
0xb6: {  	v19 =	vor.u32 v5, v17;
	v18 =	vld [tilespmem:s5+$0x6200];
	_ =	sdelay $0x4  }
0xb7: {  	[tilespmem:v19+s20+$0x0] =	vst.idx.msk $0xffff, v18  }
0xb8: {  	v19 =	vor.u32 v6, v17;
	v18 =	vld [tilespmem:s5+$0x6280];
	_ =	sdelay $0x4  }
0xb9: {  	[tilespmem:v19+s20+$0x0] =	vst.idx.msk $0xffff, v18  }
0xba: {  	v19 =	vor.u32 v7, v17;
	v18 =	vld [tilespmem:s5+$0x6300];
	_ =	sdelay $0x1  }
0xbb: {  	s24 =	sand.u32 $0x7, s30  }
0xbc: {  	s2 =	sshll.u32 s24, $0x4  }
0xbd: {  	s2 =	sadd.s32 $0x0, s2  }
0xbe: {  	s2 =	sor.u32 $0x380, s2;
	[tilespmem:v19+s20+$0x0] =	vst.idx.msk $0xffff, v18  }
0xbf: {  	v19 =	vor.u32 v8, v17;
	v18 =	vld [tilespmem:s2+$0x6000];
	_ =	sdelay $0x4  }
0xc0: {  	[tilespmem:v19+s20+$0x0] =	vst.idx.msk $0xffff, v18  }
0xc1: {  	v19 =	vor.u32 v9, v17;
	v18 =	vld [tilespmem:s5+$0x9000];
	_ =	sdelay $0x4  }
0xc2: {  	[tilespmem:v19+s20+$0x0] =	vst.idx.msk $0xffff, v18  }
0xc3: {  	v19 =	vor.u32 v10, v17;
	v18 =	vld [tilespmem:s5+$0x9080];
	_ =	sdelay $0x4  }
0xc4: {  	[tilespmem:v19+s20+$0x0] =	vst.idx.msk $0xffff, v18  }
0xc5: {  	v19 =	vor.u32 v11, v17;
	v18 =	vld [tilespmem:s5+$0x9100];
	_ =	sdelay $0x4  }
0xc6: {  	[tilespmem:v19+s20+$0x0] =	vst.idx.msk $0xffff, v18  }
0xc7: {  	v19 =	vor.u32 v12, v17;
	v18 =	vld [tilespmem:s5+$0x9180];
	_ =	sdelay $0x4  }
0xc8: {  	[tilespmem:v19+s20+$0x0] =	vst.idx.msk $0xffff, v18  }
0xc9: {  	v19 =	vor.u32 v13, v17;
	v18 =	vld [tilespmem:s5+$0x9200];
	_ =	sdelay $0x4  }
0xca: {  	[tilespmem:v19+s20+$0x0] =	vst.idx.msk $0xffff, v18  }
0xcb: {  	v19 =	vor.u32 v14, v17;
	v18 =	vld [tilespmem:s5+$0x9280];
	_ =	sdelay $0x4  }
0xcc: {  	[tilespmem:v19+s20+$0x0] =	vst.idx.msk $0xffff, v18  }
0xcd: {  	v19 =	vor.u32 v15, v17;
	v18 =	vld [tilespmem:s5+$0x9300];
	_ =	sdelay $0x4  }
0xce: {  	[tilespmem:v19+s20+$0x0] =	vst.idx.msk $0xffff, v18  }
0xcf: {  	v19 =	vor.u32 v16, v17;
	v18 =	vld [tilespmem:s5+$0x9380];
	_ =	sdelay $0x1  }
0xd0: {  	s31 =	simm.s32 $0x2  }
0xd1: {  	s24 =	simm.s32 $0x4;
	s3 =	simm.s32 $0x10;
	s0 =	simm.s32 $0x80;
	v17 =	vmov s31  }
.LBB2_8:
0xd2: {  	p2 =	sne.s32 s24, $0xBE;
	v17 =	vshll.u32 v17, $0x7;
	s2 =	sand.u32 $0x70, s3;
	s5 =	sand.u32 $0x3C00, s0  }
0xd3: {  	s2 =	sor.u32 s2, s5;
	v17 =	vor.u32 v1, v17;
	[tilespmem:v19+s20+$0x0] =	vst.idx.msk $0xffff, v18  }
0xd4: {  	v18 =	vld [tilespmem:s2+$0x6000];
	v19 =	vor.u32 v0, v17;
	_ =	sdelay $0x4  }
0xd5: {  	[tilespmem:v19+s20+$0x0] =	vst.idx.msk $0xffff, v18  }
0xd6: {  	v19 =	vor.u32 v2, v17;
	v18 =	vld [tilespmem:s2+$0x6080];
	_ =	sdelay $0x4  }
0xd7: {  	[tilespmem:v19+s20+$0x0] =	vst.idx.msk $0xffff, v18  }
0xd8: {  	v19 =	vor.u32 v3, v17;
	v18 =	vld [tilespmem:s2+$0x6100];
	_ =	sdelay $0x4  }
0xd9: {  	[tilespmem:v19+s20+$0x0] =	vst.idx.msk $0xffff, v18  }
0xda: {  	v19 =	vor.u32 v4, v17;
	v18 =	vld [tilespmem:s2+$0x6180];
	_ =	sdelay $0x4  }
0xdb: {  	[tilespmem:v19+s20+$0x0] =	vst.idx.msk $0xffff, v18  }
0xdc: {  	v19 =	vor.u32 v5, v17;
	v18 =	vld [tilespmem:s2+$0x6200];
	_ =	sdelay $0x4  }
0xdd: {  	[tilespmem:v19+s20+$0x0] =	vst.idx.msk $0xffff, v18  }
0xde: {  	v19 =	vor.u32 v6, v17;
	v18 =	vld [tilespmem:s2+$0x6280];
	_ =	sdelay $0x4  }
0xdf: {  	[tilespmem:v19+s20+$0x0] =	vst.idx.msk $0xffff, v18  }
0xe0: {  	v19 =	vor.u32 v7, v17;
	v18 =	vld [tilespmem:s2+$0x6300]  }
0xe1: {  	s30 =	sadd.s32 $0x1, s30  }
0xe2: {  	s5 =	sand.u32 $0x7, s30  }
0xe3: {  	s5 =	sshll.u32 s5, $0x4  }
0xe4: {  	s5 =	sadd.s32 s5, s0  }
0xe5: {  	s5 =	sor.u32 $0x380, s5;
	[tilespmem:v19+s20+$0x0] =	vst.idx.msk $0xffff, v18  }
0xe6: {  	v19 =	vor.u32 v8, v17;
	v18 =	vld [tilespmem:s5+$0x6000];
	_ =	sdelay $0x4  }
0xe7: {  	[tilespmem:v19+s20+$0x0] =	vst.idx.msk $0xffff, v18  }
0xe8: {  	v19 =	vor.u32 v9, v17;
	v18 =	vld [tilespmem:s2+$0x9000];
	_ =	sdelay $0x4  }
0xe9: {  	[tilespmem:v19+s20+$0x0] =	vst.idx.msk $0xffff, v18  }
0xea: {  	v19 =	vor.u32 v10, v17;
	v18 =	vld [tilespmem:s2+$0x9080];
	_ =	sdelay $0x4  }
0xeb: {  	[tilespmem:v19+s20+$0x0] =	vst.idx.msk $0xffff, v18  }
0xec: {  	v19 =	vor.u32 v11, v17;
	v18 =	vld [tilespmem:s2+$0x9100];
	_ =	sdelay $0x4  }
0xed: {  	[tilespmem:v19+s20+$0x0] =	vst.idx.msk $0xffff, v18  }
0xee: {  	v19 =	vor.u32 v12, v17;
	v18 =	vld [tilespmem:s2+$0x9180];
	_ =	sdelay $0x4  }
0xef: {  	[tilespmem:v19+s20+$0x0] =	vst.idx.msk $0xffff, v18  }
0xf0: {  	v19 =	vor.u32 v13, v17;
	v18 =	vld [tilespmem:s2+$0x9200];
	_ =	sdelay $0x4  }
0xf1: {  	[tilespmem:v19+s20+$0x0] =	vst.idx.msk $0xffff, v18  }
0xf2: {  	v19 =	vor.u32 v14, v17;
	v18 =	vld [tilespmem:s2+$0x9280];
	_ =	sdelay $0x4  }
0xf3: {  	[tilespmem:v19+s20+$0x0] =	vst.idx.msk $0xffff, v18  }
0xf4: {  	v19 =	vor.u32 v15, v17;
	v18 =	vld [tilespmem:s2+$0x9300];
	_ =	sdelay $0x4  }
.Ltmp7:
0xf5: {  	[tilespmem:v19+s20+$0x0] =	vst.idx.msk $0xffff, v18;
	(pc) =	sbr.rel @p2 .LBB2_8-.Ltmp7, $2  }
0xf6: {  	v19 =	vor.u32 v16, v17;
	v18 =	vld [tilespmem:s2+$0x9380];
	_ =	sdelay $0x2  }
0xf7: {  	s3 =	sadd.s32 $0x10, s3;
	s0 =	sadd.s32 $0x80, s0;
	v17 =	vmov s24;
	s24 =	sadd.s32 $0x2, s24  }
0xf8: {  	_ =	sdelay $0x2  }
0xf9: {  	v17 =	vshll.u32 v17, $0x7;
	s2 =	sand.u32 $0x70, s3;
	s5 =	sand.u32 $0x3C00, s0  }
0xfa: {  	s2 =	sor.u32 s2, s5;
	v17 =	vor.u32 v1, v17;
	[tilespmem:v19+s20+$0x0] =	vst.idx.msk $0xffff, v18  }
0xfb: {  	v18 =	vld [tilespmem:s2+$0x6000];
	v19 =	vor.u32 v0, v17;
	_ =	sdelay $0x4  }
0xfc: {  	[tilespmem:v19+s20+$0x0] =	vst.idx.msk $0xffff, v18  }
0xfd: {  	v19 =	vor.u32 v2, v17;
	v18 =	vld [tilespmem:s2+$0x6080];
	_ =	sdelay $0x4  }
0xfe: {  	[tilespmem:v19+s20+$0x0] =	vst.idx.msk $0xffff, v18  }
0xff: {  	v19 =	vor.u32 v3, v17;
	v18 =	vld [tilespmem:s2+$0x6100];
	_ =	sdelay $0x4  }
0x100: {  	[tilespmem:v19+s20+$0x0] =	vst.idx.msk $0xffff, v18  }
0x101: {  	v19 =	vor.u32 v4, v17;
	v18 =	vld [tilespmem:s2+$0x6180];
	_ =	sdelay $0x4  }
0x102: {  	[tilespmem:v19+s20+$0x0] =	vst.idx.msk $0xffff, v18  }
0x103: {  	v19 =	vor.u32 v5, v17;
	v18 =	vld [tilespmem:s2+$0x6200];
	_ =	sdelay $0x4  }
0x104: {  	[tilespmem:v19+s20+$0x0] =	vst.idx.msk $0xffff, v18  }
0x105: {  	v19 =	vor.u32 v6, v17;
	v18 =	vld [tilespmem:s2+$0x6280];
	_ =	sdelay $0x4  }
0x106: {  	[tilespmem:v19+s20+$0x0] =	vst.idx.msk $0xffff, v18  }
0x107: {  	v19 =	vor.u32 v7, v17;
	v18 =	vld [tilespmem:s2+$0x6300]  }
0x108: {  	s24 =	sadd.s32 $0x1, s30  }
0x109: {  	s3 =	sand.u32 $0x7, s24  }
0x10a: {  	s3 =	sshll.u32 s3, $0x4  }
0x10b: {  	s30 =	sadd.s32 s3, s0  }
0x10c: {  	s0 =	sor.u32 $0x380, s30;
	[tilespmem:v19+s20+$0x0] =	vst.idx.msk $0xffff, v18  }
0x10d: {  	v19 =	vor.u32 v8, v17;
	v18 =	vld [tilespmem:s0+$0x6000];
	_ =	sdelay $0x4  }
0x10e: {  	[tilespmem:v19+s20+$0x0] =	vst.idx.msk $0xffff, v18  }
0x10f: {  	v19 =	vor.u32 v9, v17;
	v18 =	vld [tilespmem:s2+$0x9000];
	_ =	sdelay $0x4  }
0x110: {  	[tilespmem:v19+s20+$0x0] =	vst.idx.msk $0xffff, v18  }
0x111: {  	v19 =	vor.u32 v10, v17;
	v18 =	vld [tilespmem:s2+$0x9080];
	_ =	sdelay $0x4  }
0x112: {  	[tilespmem:v19+s20+$0x0] =	vst.idx.msk $0xffff, v18  }
0x113: {  	v19 =	vor.u32 v11, v17;
	v18 =	vld [tilespmem:s2+$0x9100];
	_ =	sdelay $0x4  }
0x114: {  	[tilespmem:v19+s20+$0x0] =	vst.idx.msk $0xffff, v18  }
0x115: {  	v19 =	vor.u32 v12, v17;
	v18 =	vld [tilespmem:s2+$0x9180];
	_ =	sdelay $0x4  }
0x116: {  	[tilespmem:v19+s20+$0x0] =	vst.idx.msk $0xffff, v18  }
0x117: {  	v19 =	vor.u32 v13, v17;
	v18 =	vld [tilespmem:s2+$0x9200];
	_ =	sdelay $0x4  }
0x118: {  	[tilespmem:v19+s20+$0x0] =	vst.idx.msk $0xffff, v18  }
0x119: {  	v19 =	vor.u32 v14, v17;
	v18 =	vld [tilespmem:s2+$0x9280];
	_ =	sdelay $0x4  }
0x11a: {  	[tilespmem:v19+s20+$0x0] =	vst.idx.msk $0xffff, v18  }
0x11b: {  	v19 =	vor.u32 v15, v17;
	v18 =	vld [tilespmem:s2+$0x9300];
	_ =	sdelay $0x4  }
0x11c: {  	[tilespmem:v19+s20+$0x0] =	vst.idx.msk $0xffff, v18  }
0x11d: {  	v17 =	vor.u32 v16, v17;
	v18 =	vld [tilespmem:s2+$0x9380]  }
0x11e: {  	s31 =	sshll.u32 s29, $0x5  }
.Ltmp8:
0x11f: {  	s0 =	sor.u32 s7, s31;
	(pc) =	sbr.rel .LBB2_10-.Ltmp8, $3  }
0x120: {  	s0 =	smul.u32 $0xC00, s0;
	_ =	sdelay $0x1  }
0x121: {  	s0 =	sadd.s32 s6, s0;
	[tilespmem:v17+s20+$0x0] =	vst.idx.msk $0xffff, v18  }
0x122: {  	[hbm4b:s0+s4] =	stream.linear.scatter [tilespmem:s20], [sflag:$0x4], $0x6000, $0x38;
	[tilespmem:$0x18C00] =	vst v63  }
.LBB2_11:
0x123: {  	_ =	swait.ge [sflag:s21], $0x6000  }
.Ltmp9:
0x124: {  	[sflag:s21] =	ssyncset.done $0x0;
	(pc) =	sbr.rel @p0 .LBB2_16-.Ltmp9, $4  }
0x125: {  	[sflag:s21] =	ssyncadd.s32 $0xFFFFA000  }
0x126: {  	_ =	swait.ge [sflag:s22], $0x6000  }
0x127: {  	[sflag:s22] =	ssyncset.done $0x0  }
0x128: {  	[sflag:s22] =	ssyncadd.s32 $0xFFFFA000  }
.Ltmp10:
0x129: {  	(pc) =	sbr.rel @p1 .LBB2_19-.Ltmp10, $1  }
0x12a: {  	_ =	sdelay $0x3  }
0x12b: {  	s0 =	simm.s32 $0x0;
	s2 =	rddreg [dreg:$0x4];
	s3 =	simm.s32 $0x18000  }
0x12c: {  	[tilespmem:s3], [sflag:$0x5] =	stream.linear.gather [hbm4b:s2+s0], $0x800, $0x38;
	[tilespmem:$0x18C00] =	vst v63  }
0x12d: {  	v17 =	vmov s0;
	_ =	swait.ge [sflag:s23], $0x800  }
0x12e: {  	v17 =	vshll.u32 v17, $0x7;
	[sflag:s23] =	ssyncset.done $0x0  }
0x12f: {  	s28 =	simm.s32 $0x18400;
	v17 =	vor.u32 v1, v17;
	[sflag:s23] =	ssyncadd.s32 $0xFFFFF800  }
0x130: {  	v19 =	vor.u32 v0, v17;
	v18 =	vld [tilespmem:s28+$0xFFFFFC00];
	_ =	sdelay $0x4  }
0x131: {  	[tilespmem:v19+s25+$0x0] =	vst.idx.msk $0xffff, v18  }
0x132: {  	v19 =	vor.u32 v2, v17;
	v18 =	vld [tilespmem:s28+$0xFFFFFC80];
	_ =	sdelay $0x4  }
0x133: {  	[tilespmem:v19+s25+$0x0] =	vst.idx.msk $0xffff, v18  }
0x134: {  	v19 =	vor.u32 v3, v17;
	v18 =	vld [tilespmem:s28+$0xFFFFFD00];
	_ =	sdelay $0x4  }
0x135: {  	[tilespmem:v19+s25+$0x0] =	vst.idx.msk $0xffff, v18  }
0x136: {  	v19 =	vor.u32 v4, v17;
	v18 =	vld [tilespmem:s28+$0xFFFFFD80];
	_ =	sdelay $0x4  }
0x137: {  	[tilespmem:v19+s25+$0x0] =	vst.idx.msk $0xffff, v18  }
0x138: {  	v19 =	vor.u32 v5, v17;
	v18 =	vld [tilespmem:s28+$0xFFFFFE00];
	_ =	sdelay $0x4  }
0x139: {  	[tilespmem:v19+s25+$0x0] =	vst.idx.msk $0xffff, v18  }
0x13a: {  	v19 =	vor.u32 v6, v17;
	v18 =	vld [tilespmem:s28+$0xFFFFFE80];
	_ =	sdelay $0x4  }
0x13b: {  	[tilespmem:v19+s25+$0x0] =	vst.idx.msk $0xffff, v18  }
0x13c: {  	v19 =	vor.u32 v7, v17;
	v18 =	vld [tilespmem:s28+$0xFFFFFF00];
	_ =	sdelay $0x4  }
0x13d: {  	[tilespmem:v19+s25+$0x0] =	vst.idx.msk $0xffff, v18  }
0x13e: {  	v19 =	vor.u32 v8, v17;
	v18 =	vld [tilespmem:s28+$0xFFFFFF80];
	_ =	sdelay $0x4  }
0x13f: {  	[tilespmem:v19+s25+$0x0] =	vst.idx.msk $0xffff, v18  }
0x140: {  	v19 =	vor.u32 v9, v17;
	v18 =	vld [tilespmem:s28+$0x0];
	_ =	sdelay $0x4  }
0x141: {  	[tilespmem:v19+s25+$0x0] =	vst.idx.msk $0xffff, v18  }
0x142: {  	v19 =	vor.u32 v10, v17;
	v18 =	vld [tilespmem:s28+$0x80];
	_ =	sdelay $0x4  }
0x143: {  	[tilespmem:v19+s25+$0x0] =	vst.idx.msk $0xffff, v18  }
0x144: {  	v19 =	vor.u32 v11, v17;
	v18 =	vld [tilespmem:s28+$0x100];
	_ =	sdelay $0x4  }
0x145: {  	[tilespmem:v19+s25+$0x0] =	vst.idx.msk $0xffff, v18  }
0x146: {  	v19 =	vor.u32 v12, v17;
	v18 =	vld [tilespmem:s28+$0x180];
	_ =	sdelay $0x4  }
0x147: {  	[tilespmem:v19+s25+$0x0] =	vst.idx.msk $0xffff, v18  }
0x148: {  	v19 =	vor.u32 v13, v17;
	v18 =	vld [tilespmem:s28+$0x200];
	_ =	sdelay $0x4  }
0x149: {  	[tilespmem:v19+s25+$0x0] =	vst.idx.msk $0xffff, v18  }
0x14a: {  	v19 =	vor.u32 v14, v17;
	v18 =	vld [tilespmem:s28+$0x280];
	_ =	sdelay $0x4  }
0x14b: {  	[tilespmem:v19+s25+$0x0] =	vst.idx.msk $0xffff, v18  }
0x14c: {  	v19 =	vor.u32 v15, v17;
	v18 =	vld [tilespmem:s28+$0x300];
	_ =	sdelay $0x4  }
0x14d: {  	[tilespmem:v19+s25+$0x0] =	vst.idx.msk $0xffff, v18  }
0x14e: {  	v19 =	vor.u32 v16, v17;
	v18 =	vld [tilespmem:s28+$0x380];
	_ =	sdelay $0x1  }
0x14f: {  	s31 =	simm.s32 $0x2  }
0x150: {  	s0 =	simm.s32 $0x4;
	v17 =	vmov s31  }
.LBB2_14:
0x151: {  	p2 =	sne.s32 s0, $0x6;
	v17 =	vshll.u32 v17, $0x7  }
0x152: {  	s28 =	sadd.s32 $0x10, s28;
	v17 =	vor.u32 v1, v17;
	[tilespmem:v19+s25+$0x0] =	vst.idx.msk $0xffff, v18  }
0x153: {  	v18 =	vld [tilespmem:s28+$0xFFFFFC00];
	v19 =	vor.u32 v0, v17;
	_ =	sdelay $0x4  }
0x154: {  	[tilespmem:v19+s25+$0x0] =	vst.idx.msk $0xffff, v18  }
0x155: {  	v19 =	vor.u32 v2, v17;
	v18 =	vld [tilespmem:s28+$0xFFFFFC80];
	_ =	sdelay $0x4  }
0x156: {  	[tilespmem:v19+s25+$0x0] =	vst.idx.msk $0xffff, v18  }
0x157: {  	v19 =	vor.u32 v3, v17;
	v18 =	vld [tilespmem:s28+$0xFFFFFD00];
	_ =	sdelay $0x4  }
0x158: {  	[tilespmem:v19+s25+$0x0] =	vst.idx.msk $0xffff, v18  }
0x159: {  	v19 =	vor.u32 v4, v17;
	v18 =	vld [tilespmem:s28+$0xFFFFFD80];
	_ =	sdelay $0x4  }
0x15a: {  	[tilespmem:v19+s25+$0x0] =	vst.idx.msk $0xffff, v18  }
0x15b: {  	v19 =	vor.u32 v5, v17;
	v18 =	vld [tilespmem:s28+$0xFFFFFE00];
	_ =	sdelay $0x4  }
0x15c: {  	[tilespmem:v19+s25+$0x0] =	vst.idx.msk $0xffff, v18  }
0x15d: {  	v19 =	vor.u32 v6, v17;
	v18 =	vld [tilespmem:s28+$0xFFFFFE80];
	_ =	sdelay $0x4  }
0x15e: {  	[tilespmem:v19+s25+$0x0] =	vst.idx.msk $0xffff, v18  }
0x15f: {  	v19 =	vor.u32 v7, v17;
	v18 =	vld [tilespmem:s28+$0xFFFFFF00];
	_ =	sdelay $0x4  }
0x160: {  	[tilespmem:v19+s25+$0x0] =	vst.idx.msk $0xffff, v18  }
0x161: {  	v19 =	vor.u32 v8, v17;
	v18 =	vld [tilespmem:s28+$0xFFFFFF80];
	_ =	sdelay $0x4  }
0x162: {  	[tilespmem:v19+s25+$0x0] =	vst.idx.msk $0xffff, v18  }
0x163: {  	v19 =	vor.u32 v9, v17;
	v18 =	vld [tilespmem:s28+$0x0];
	_ =	sdelay $0x4  }
0x164: {  	[tilespmem:v19+s25+$0x0] =	vst.idx.msk $0xffff, v18  }
0x165: {  	v19 =	vor.u32 v10, v17;
	v18 =	vld [tilespmem:s28+$0x80];
	_ =	sdelay $0x4  }
0x166: {  	[tilespmem:v19+s25+$0x0] =	vst.idx.msk $0xffff, v18  }
0x167: {  	v19 =	vor.u32 v11, v17;
	v18 =	vld [tilespmem:s28+$0x100];
	_ =	sdelay $0x4  }
0x168: {  	[tilespmem:v19+s25+$0x0] =	vst.idx.msk $0xffff, v18  }
0x169: {  	v19 =	vor.u32 v12, v17;
	v18 =	vld [tilespmem:s28+$0x180];
	_ =	sdelay $0x4  }
0x16a: {  	[tilespmem:v19+s25+$0x0] =	vst.idx.msk $0xffff, v18  }
0x16b: {  	v19 =	vor.u32 v13, v17;
	v18 =	vld [tilespmem:s28+$0x200];
	_ =	sdelay $0x4  }
0x16c: {  	[tilespmem:v19+s25+$0x0] =	vst.idx.msk $0xffff, v18  }
0x16d: {  	v19 =	vor.u32 v14, v17;
	v18 =	vld [tilespmem:s28+$0x280];
	_ =	sdelay $0x4  }
0x16e: {  	[tilespmem:v19+s25+$0x0] =	vst.idx.msk $0xffff, v18  }
0x16f: {  	v19 =	vor.u32 v15, v17;
	v18 =	vld [tilespmem:s28+$0x300];
	_ =	sdelay $0x4  }
.Ltmp11:
0x170: {  	[tilespmem:v19+s25+$0x0] =	vst.idx.msk $0xffff, v18;
	(pc) =	sbr.rel @p2 .LBB2_14-.Ltmp11, $2  }
0x171: {  	v19 =	vor.u32 v16, v17;
	v18 =	vld [tilespmem:s28+$0x380];
	_ =	sdelay $0x2  }
0x172: {  	v17 =	vmov s0;
	s0 =	sadd.s32 $0x2, s0  }
0x173: {  	_ =	sdelay $0x2  }
0x174: {  	v17 =	vshll.u32 v17, $0x7  }
0x175: {  	s0 =	sadd.s32 $0x10, s28;
	v17 =	vor.u32 v1, v17;
	[tilespmem:v19+s25+$0x0] =	vst.idx.msk $0xffff, v18  }
0x176: {  	v18 =	vld [tilespmem:s0+$0xFFFFFC00];
	v19 =	vor.u32 v0, v17;
	_ =	sdelay $0x4  }
0x177: {  	[tilespmem:v19+s25+$0x0] =	vst.idx.msk $0xffff, v18  }
0x178: {  	v19 =	vor.u32 v2, v17;
	v18 =	vld [tilespmem:s0+$0xFFFFFC80];
	_ =	sdelay $0x4  }
0x179: {  	[tilespmem:v19+s25+$0x0] =	vst.idx.msk $0xffff, v18  }
0x17a: {  	v19 =	vor.u32 v3, v17;
	v18 =	vld [tilespmem:s0+$0xFFFFFD00];
	_ =	sdelay $0x4  }
0x17b: {  	[tilespmem:v19+s25+$0x0] =	vst.idx.msk $0xffff, v18  }
0x17c: {  	v19 =	vor.u32 v4, v17;
	v18 =	vld [tilespmem:s0+$0xFFFFFD80];
	_ =	sdelay $0x4  }
0x17d: {  	[tilespmem:v19+s25+$0x0] =	vst.idx.msk $0xffff, v18  }
0x17e: {  	v19 =	vor.u32 v5, v17;
	v18 =	vld [tilespmem:s0+$0xFFFFFE00];
	_ =	sdelay $0x4  }
0x17f: {  	[tilespmem:v19+s25+$0x0] =	vst.idx.msk $0xffff, v18  }
0x180: {  	v19 =	vor.u32 v6, v17;
	v18 =	vld [tilespmem:s0+$0xFFFFFE80];
	_ =	sdelay $0x4  }
0x181: {  	[tilespmem:v19+s25+$0x0] =	vst.idx.msk $0xffff, v18  }
0x182: {  	v19 =	vor.u32 v7, v17;
	v18 =	vld [tilespmem:s0+$0xFFFFFF00];
	_ =	sdelay $0x4  }
0x183: {  	[tilespmem:v19+s25+$0x0] =	vst.idx.msk $0xffff, v18  }
0x184: {  	v19 =	vor.u32 v8, v17;
	v18 =	vld [tilespmem:s0+$0xFFFFFF80];
	_ =	sdelay $0x4  }
0x185: {  	[tilespmem:v19+s25+$0x0] =	vst.idx.msk $0xffff, v18  }
0x186: {  	v19 =	vor.u32 v9, v17;
	v18 =	vld [tilespmem:s0+$0x0];
	_ =	sdelay $0x4  }
0x187: {  	[tilespmem:v19+s25+$0x0] =	vst.idx.msk $0xffff, v18  }
0x188: {  	v19 =	vor.u32 v10, v17;
	v18 =	vld [tilespmem:s0+$0x80];
	_ =	sdelay $0x4  }
0x189: {  	[tilespmem:v19+s25+$0x0] =	vst.idx.msk $0xffff, v18  }
0x18a: {  	v19 =	vor.u32 v11, v17;
	v18 =	vld [tilespmem:s0+$0x100];
	_ =	sdelay $0x4  }
0x18b: {  	[tilespmem:v19+s25+$0x0] =	vst.idx.msk $0xffff, v18  }
0x18c: {  	v19 =	vor.u32 v12, v17;
	v18 =	vld [tilespmem:s0+$0x180];
	_ =	sdelay $0x4  }
0x18d: {  	[tilespmem:v19+s25+$0x0] =	vst.idx.msk $0xffff, v18  }
0x18e: {  	v19 =	vor.u32 v13, v17;
	v18 =	vld [tilespmem:s0+$0x200];
	_ =	sdelay $0x4  }
0x18f: {  	[tilespmem:v19+s25+$0x0] =	vst.idx.msk $0xffff, v18  }
0x190: {  	v19 =	vor.u32 v14, v17;
	v18 =	vld [tilespmem:s0+$0x280];
	_ =	sdelay $0x4  }
0x191: {  	[tilespmem:v19+s25+$0x0] =	vst.idx.msk $0xffff, v18  }
0x192: {  	v19 =	vor.u32 v15, v17;
	v18 =	vld [tilespmem:s0+$0x300];
	_ =	sdelay $0x4  }
0x193: {  	[tilespmem:v19+s25+$0x0] =	vst.idx.msk $0xffff, v18  }
0x194: {  	v17 =	vor.u32 v16, v17;
	v18 =	vld [tilespmem:s0+$0x380];
	_ =	sdelay $0x4  }
.Ltmp12:
0x195: {  	[tilespmem:v17+s25+$0x0] =	vst.idx.msk $0xffff, v18;
	(pc) =	sbr.rel .LBB2_19-.Ltmp12, $4  }
0x196: {  	[hbm4b:s12+s4] =	stream.linear.scatter [tilespmem:s25], [sflag:$0x5], $0x400, $0x38;
	[tilespmem:$0x18C00] =	vst v63  }
0x197: {  	_ =	swait.ge [sflag:s23], $0x400  }
0x198: {  	[sflag:s23] =	ssyncset.done $0x0  }
0x199: {  	[sflag:s23] =	ssyncadd.s32 $0xFFFFFC00  }
.LBB2_16:
0x19a: {  	s0 =	simm.s32 $0x0;
	s2 =	rddreg [dreg:$0x2]  }
0x19b: {  	[tilespmem:s0], [sflag:$0x5] =	stream.linear.gather [hbm4b:s2+s0], $0x2000, $0x38;
	[tilespmem:$0x18C00] =	vst v63  }
0x19c: {  	_ = 	snop  }
0x19d: {  	[tilespmem:s15], [sflag:$0x5] =	stream.linear.gather [hbm4b:s14+s0], $0x2000, $0x38;
	[tilespmem:$0x18C00] =	vst v63  }
0x19e: {  	v17 =	vmov s0;
	_ =	swait.ge [sflag:s23], $0x4000  }
0x19f: {  	s30 =	sand.u32 $0x70, s0;
	s3 =	sand.u32 $0x1C00, s0;
	v17 =	vshll.u32 v17, $0x7;
	[sflag:s23] =	ssyncset.done $0x0  }
0x1a0: {  	s2 =	sor.u32 s30, s3;
	v17 =	vor.u32 v1, v17;
	[sflag:s23] =	ssyncadd.s32 $0xFFFFC000  }
0x1a1: {  	v19 =	vor.u32 v0, v17;
	v18 =	vld [tilespmem:s2+$0x0];
	_ =	sdelay $0x4  }
0x1a2: {  	[tilespmem:v19+s18+$0x0] =	vst.idx.msk $0xffff, v18  }
0x1a3: {  	v19 =	vor.u32 v2, v17;
	v18 =	vld [tilespmem:s2+$0x80];
	_ =	sdelay $0x4  }
0x1a4: {  	[tilespmem:v19+s18+$0x0] =	vst.idx.msk $0xffff, v18  }
0x1a5: {  	v19 =	vor.u32 v3, v17;
	v18 =	vld [tilespmem:s2+$0x100];
	_ =	sdelay $0x4  }
0x1a6: {  	[tilespmem:v19+s18+$0x0] =	vst.idx.msk $0xffff, v18  }
0x1a7: {  	v19 =	vor.u32 v4, v17;
	v18 =	vld [tilespmem:s2+$0x180];
	_ =	sdelay $0x4  }
0x1a8: {  	[tilespmem:v19+s18+$0x0] =	vst.idx.msk $0xffff, v18  }
0x1a9: {  	v19 =	vor.u32 v5, v17;
	v18 =	vld [tilespmem:s2+$0x200];
	_ =	sdelay $0x4  }
0x1aa: {  	[tilespmem:v19+s18+$0x0] =	vst.idx.msk $0xffff, v18  }
0x1ab: {  	v19 =	vor.u32 v6, v17;
	v18 =	vld [tilespmem:s2+$0x280];
	_ =	sdelay $0x4  }
0x1ac: {  	[tilespmem:v19+s18+$0x0] =	vst.idx.msk $0xffff, v18  }
0x1ad: {  	v19 =	vor.u32 v7, v17;
	v18 =	vld [tilespmem:s2+$0x300];
	_ =	sdelay $0x3  }
0x1ae: {  	s0 =	sor.u32 s0, s0  }
0x1af: {  	s0 =	sor.u32 $0x380, s0;
	[tilespmem:v19+s18+$0x0] =	vst.idx.msk $0xffff, v18  }
0x1b0: {  	v19 =	vor.u32 v8, v17;
	v18 =	vld [tilespmem:s0+$0x0];
	_ =	sdelay $0x4  }
0x1b1: {  	[tilespmem:v19+s18+$0x0] =	vst.idx.msk $0xffff, v18  }
0x1b2: {  	v19 =	vor.u32 v9, v17;
	v18 =	vld [tilespmem:s2+$0x3000];
	_ =	sdelay $0x4  }
0x1b3: {  	[tilespmem:v19+s18+$0x0] =	vst.idx.msk $0xffff, v18  }
0x1b4: {  	v19 =	vor.u32 v10, v17;
	v18 =	vld [tilespmem:s2+$0x3080];
	_ =	sdelay $0x4  }
0x1b5: {  	[tilespmem:v19+s18+$0x0] =	vst.idx.msk $0xffff, v18  }
0x1b6: {  	v19 =	vor.u32 v11, v17;
	v18 =	vld [tilespmem:s2+$0x3100];
	_ =	sdelay $0x4  }
0x1b7: {  	[tilespmem:v19+s18+$0x0] =	vst.idx.msk $0xffff, v18  }
0x1b8: {  	v19 =	vor.u32 v12, v17;
	v18 =	vld [tilespmem:s2+$0x3180];
	_ =	sdelay $0x4  }
0x1b9: {  	[tilespmem:v19+s18+$0x0] =	vst.idx.msk $0xffff, v18  }
0x1ba: {  	v19 =	vor.u32 v13, v17;
	v18 =	vld [tilespmem:s2+$0x3200];
	_ =	sdelay $0x4  }
0x1bb: {  	[tilespmem:v19+s18+$0x0] =	vst.idx.msk $0xffff, v18  }
0x1bc: {  	v19 =	vor.u32 v14, v17;
	v18 =	vld [tilespmem:s2+$0x3280];
	_ =	sdelay $0x4  }
0x1bd: {  	[tilespmem:v19+s18+$0x0] =	vst.idx.msk $0xffff, v18  }
0x1be: {  	v19 =	vor.u32 v15, v17;
	v18 =	vld [tilespmem:s2+$0x3300];
	_ =	sdelay $0x4  }
0x1bf: {  	[tilespmem:v19+s18+$0x0] =	vst.idx.msk $0xffff, v18  }
0x1c0: {  	v19 =	vor.u32 v16, v17;
	v18 =	vld [tilespmem:s2+$0x3380];
	_ =	sdelay $0x1  }
0x1c1: {  	s31 =	simm.s32 $0x2  }
0x1c2: {  	s28 =	simm.s32 $0x10;
	s3 =	simm.s32 $0x4;
	s0 =	simm.s32 $0x80;
	v17 =	vmov s31  }
.LBB2_17:
0x1c3: {  	p2 =	sne.s32 s3, $0x7E;
	v17 =	vshll.u32 v17, $0x7;
	s2 =	sand.u32 $0x70, s28;
	s5 =	sand.u32 $0x1C00, s0  }
0x1c4: {  	s2 =	sor.u32 s2, s5;
	v17 =	vor.u32 v1, v17;
	[tilespmem:v19+s18+$0x0] =	vst.idx.msk $0xffff, v18  }
0x1c5: {  	v18 =	vld [tilespmem:s2+$0x0];
	v19 =	vor.u32 v0, v17;
	_ =	sdelay $0x4  }
0x1c6: {  	[tilespmem:v19+s18+$0x0] =	vst.idx.msk $0xffff, v18  }
0x1c7: {  	v19 =	vor.u32 v2, v17;
	v18 =	vld [tilespmem:s2+$0x80];
	_ =	sdelay $0x4  }
0x1c8: {  	[tilespmem:v19+s18+$0x0] =	vst.idx.msk $0xffff, v18  }
0x1c9: {  	v19 =	vor.u32 v3, v17;
	v18 =	vld [tilespmem:s2+$0x100];
	_ =	sdelay $0x4  }
0x1ca: {  	[tilespmem:v19+s18+$0x0] =	vst.idx.msk $0xffff, v18  }
0x1cb: {  	v19 =	vor.u32 v4, v17;
	v18 =	vld [tilespmem:s2+$0x180];
	_ =	sdelay $0x4  }
0x1cc: {  	[tilespmem:v19+s18+$0x0] =	vst.idx.msk $0xffff, v18  }
0x1cd: {  	v19 =	vor.u32 v5, v17;
	v18 =	vld [tilespmem:s2+$0x200];
	_ =	sdelay $0x4  }
0x1ce: {  	[tilespmem:v19+s18+$0x0] =	vst.idx.msk $0xffff, v18  }
0x1cf: {  	v19 =	vor.u32 v6, v17;
	v18 =	vld [tilespmem:s2+$0x280];
	_ =	sdelay $0x4  }
0x1d0: {  	[tilespmem:v19+s18+$0x0] =	vst.idx.msk $0xffff, v18  }
0x1d1: {  	v19 =	vor.u32 v7, v17;
	v18 =	vld [tilespmem:s2+$0x300];
	_ =	sdelay $0x3  }
0x1d2: {  	s5 =	sor.u32 s0, s28  }
0x1d3: {  	s5 =	sor.u32 $0x380, s5;
	[tilespmem:v19+s18+$0x0] =	vst.idx.msk $0xffff, v18  }
0x1d4: {  	v19 =	vor.u32 v8, v17;
	v18 =	vld [tilespmem:s5+$0x0];
	_ =	sdelay $0x4  }
0x1d5: {  	[tilespmem:v19+s18+$0x0] =	vst.idx.msk $0xffff, v18  }
0x1d6: {  	v19 =	vor.u32 v9, v17;
	v18 =	vld [tilespmem:s2+$0x3000];
	_ =	sdelay $0x4  }
0x1d7: {  	[tilespmem:v19+s18+$0x0] =	vst.idx.msk $0xffff, v18  }
0x1d8: {  	v19 =	vor.u32 v10, v17;
	v18 =	vld [tilespmem:s2+$0x3080];
	_ =	sdelay $0x4  }
0x1d9: {  	[tilespmem:v19+s18+$0x0] =	vst.idx.msk $0xffff, v18  }
0x1da: {  	v19 =	vor.u32 v11, v17;
	v18 =	vld [tilespmem:s2+$0x3100];
	_ =	sdelay $0x4  }
0x1db: {  	[tilespmem:v19+s18+$0x0] =	vst.idx.msk $0xffff, v18  }
0x1dc: {  	v19 =	vor.u32 v12, v17;
	v18 =	vld [tilespmem:s2+$0x3180];
	_ =	sdelay $0x4  }
0x1dd: {  	[tilespmem:v19+s18+$0x0] =	vst.idx.msk $0xffff, v18  }
0x1de: {  	v19 =	vor.u32 v13, v17;
	v18 =	vld [tilespmem:s2+$0x3200];
	_ =	sdelay $0x4  }
0x1df: {  	[tilespmem:v19+s18+$0x0] =	vst.idx.msk $0xffff, v18  }
0x1e0: {  	v19 =	vor.u32 v14, v17;
	v18 =	vld [tilespmem:s2+$0x3280];
	_ =	sdelay $0x4  }
0x1e1: {  	[tilespmem:v19+s18+$0x0] =	vst.idx.msk $0xffff, v18  }
0x1e2: {  	v19 =	vor.u32 v15, v17;
	v18 =	vld [tilespmem:s2+$0x3300];
	_ =	sdelay $0x4  }
.Ltmp13:
0x1e3: {  	[tilespmem:v19+s18+$0x0] =	vst.idx.msk $0xffff, v18;
	(pc) =	sbr.rel @p2 .LBB2_17-.Ltmp13, $2  }
0x1e4: {  	v19 =	vor.u32 v16, v17;
	v18 =	vld [tilespmem:s2+$0x3380];
	_ =	sdelay $0x2  }
0x1e5: {  	s0 =	sadd.s32 $0x80, s0;
	s28 =	sadd.s32 $0x10, s28;
	v17 =	vmov s3;
	s3 =	sadd.s32 $0x2, s3  }
0x1e6: {  	_ =	sdelay $0x2  }
0x1e7: {  	v17 =	vshll.u32 v17, $0x7;
	s2 =	sand.u32 $0x70, s28;
	s3 =	sand.u32 $0x1C00, s0  }
0x1e8: {  	s2 =	sor.u32 s2, s3;
	v17 =	vor.u32 v1, v17;
	[tilespmem:v19+s18+$0x0] =	vst.idx.msk $0xffff, v18  }
0x1e9: {  	v18 =	vld [tilespmem:s2+$0x0];
	v19 =	vor.u32 v0, v17;
	_ =	sdelay $0x4  }
0x1ea: {  	[tilespmem:v19+s18+$0x0] =	vst.idx.msk $0xffff, v18  }
0x1eb: {  	v19 =	vor.u32 v2, v17;
	v18 =	vld [tilespmem:s2+$0x80];
	_ =	sdelay $0x4  }
0x1ec: {  	[tilespmem:v19+s18+$0x0] =	vst.idx.msk $0xffff, v18  }
0x1ed: {  	v19 =	vor.u32 v3, v17;
	v18 =	vld [tilespmem:s2+$0x100];
	_ =	sdelay $0x4  }
0x1ee: {  	[tilespmem:v19+s18+$0x0] =	vst.idx.msk $0xffff, v18  }
0x1ef: {  	v19 =	vor.u32 v4, v17;
	v18 =	vld [tilespmem:s2+$0x180];
	_ =	sdelay $0x4  }
0x1f0: {  	[tilespmem:v19+s18+$0x0] =	vst.idx.msk $0xffff, v18  }
0x1f1: {  	v19 =	vor.u32 v5, v17;
	v18 =	vld [tilespmem:s2+$0x200];
	_ =	sdelay $0x4  }
0x1f2: {  	[tilespmem:v19+s18+$0x0] =	vst.idx.msk $0xffff, v18  }
0x1f3: {  	v19 =	vor.u32 v6, v17;
	v18 =	vld [tilespmem:s2+$0x280];
	_ =	sdelay $0x4  }
0x1f4: {  	[tilespmem:v19+s18+$0x0] =	vst.idx.msk $0xffff, v18  }
0x1f5: {  	v19 =	vor.u32 v7, v17;
	v18 =	vld [tilespmem:s2+$0x300];
	_ =	sdelay $0x3  }
0x1f6: {  	s31 =	sor.u32 s0, s28  }
0x1f7: {  	s0 =	sor.u32 $0x380, s31;
	[tilespmem:v19+s18+$0x0] =	vst.idx.msk $0xffff, v18  }
0x1f8: {  	v19 =	vor.u32 v8, v17;
	v18 =	vld [tilespmem:s0+$0x0];
	_ =	sdelay $0x4  }
0x1f9: {  	[tilespmem:v19+s18+$0x0] =	vst.idx.msk $0xffff, v18  }
0x1fa: {  	v19 =	vor.u32 v9, v17;
	v18 =	vld [tilespmem:s2+$0x3000];
	_ =	sdelay $0x4  }
0x1fb: {  	[tilespmem:v19+s18+$0x0] =	vst.idx.msk $0xffff, v18  }
0x1fc: {  	v19 =	vor.u32 v10, v17;
	v18 =	vld [tilespmem:s2+$0x3080];
	_ =	sdelay $0x4  }
0x1fd: {  	[tilespmem:v19+s18+$0x0] =	vst.idx.msk $0xffff, v18  }
0x1fe: {  	v19 =	vor.u32 v11, v17;
	v18 =	vld [tilespmem:s2+$0x3100];
	_ =	sdelay $0x4  }
0x1ff: {  	[tilespmem:v19+s18+$0x0] =	vst.idx.msk $0xffff, v18  }
0x200: {  	v19 =	vor.u32 v12, v17;
	v18 =	vld [tilespmem:s2+$0x3180];
	_ =	sdelay $0x4  }
0x201: {  	[tilespmem:v19+s18+$0x0] =	vst.idx.msk $0xffff, v18  }
0x202: {  	v19 =	vor.u32 v13, v17;
	v18 =	vld [tilespmem:s2+$0x3200];
	_ =	sdelay $0x4  }
0x203: {  	[tilespmem:v19+s18+$0x0] =	vst.idx.msk $0xffff, v18  }
0x204: {  	v19 =	vor.u32 v14, v17;
	v18 =	vld [tilespmem:s2+$0x3280];
	_ =	sdelay $0x4  }
0x205: {  	[tilespmem:v19+s18+$0x0] =	vst.idx.msk $0xffff, v18  }
0x206: {  	v19 =	vor.u32 v15, v17;
	v18 =	vld [tilespmem:s2+$0x3300];
	_ =	sdelay $0x4  }
0x207: {  	[tilespmem:v19+s18+$0x0] =	vst.idx.msk $0xffff, v18  }
0x208: {  	v17 =	vor.u32 v16, v17;
	v18 =	vld [tilespmem:s2+$0x3380];
	_ =	sdelay $0x4  }
.Ltmp14:
0x209: {  	[tilespmem:v17+s18+$0x0] =	vst.idx.msk $0xffff, v18;
	(pc) =	sbr.rel .LBB2_19-.Ltmp14, $4  }
0x20a: {  	[hbm4b:s9+s4] =	stream.linear.scatter [tilespmem:s18], [sflag:$0x5], $0x4000, $0x38;
	[tilespmem:$0x18C00] =	vst v63  }
0x20b: {  	_ =	swait.ge [sflag:s23], $0x4000  }
0x20c: {  	[sflag:s23] =	ssyncset.done $0x0  }
0x20d: {  	[sflag:s23] =	ssyncadd.s32 $0xFFFFC000  }
.LBB2_20:
0x20e: {  	_ =	sfence.sel $0x180000  }
0x20f: {  	[bflag:$0x0] =	sbarrier.arrive $0xFFFF  }
0x210: {  	_ =	strace $0x90000047  }
0x211: {  	s0 =	stileid.u32;
	[bflag:$0x2] =	sbarrier.arrive $0xFFFF  }
0x212: {  	p0 =	sne.s32 s0, $0x0;
	s0 =	rddreg [dreg:$0x3]  }
0x213: {  	s0 =	sadd.s32 @!p0 $0x100000, s0  }
0x214: {  	[sflag:s0] =	ssyncadd.tile.s32 @!p0 $0x1;
	_ =	shalt  }
.Lfunc_end2:
_tile_overlayer_lowered:
.L_overlay_start_2:
0x215: {  	(tag) =	ssettag $0x2  }
0x216: {  	s0 =	rddreg [dreg:$0x0];
	s2 =	stileid.u32  }
0x217: {  	s1 =	rddreg [dreg:$0x1];
	p0 =	sne.s32 s2, $0x0  }
0x218: {  	s3 =	rddreg [dreg:$0x2];
	[bflag:$0x3] =	sbarrier.arrive $0xFFFF;
	s2 =	simm.s32 @!p0 $0x1C05  }
0x219: {  	[timem:s3], [sflag:s2] =	dma.local @!p0 [hbm:s0], s1  }
0x21a: {  	s0 =	simm.s32 @!p0 $0x5  }
0x21b: {  	_ =	swait.ge @!p0 [sflag:s0], s1  }
0x21c: {  	s1 =	ssub.s32 @!p0 $0x0, s1;
	[sflag:s0] =	ssyncset.done @!p0 $0x0  }
0x21d: {  	[sflag:s0] =	ssyncadd.s32 @!p0 s1  }
0x21e: {  	[bflag:$0x3] =	sbarrier.arrive $0xFFFF  }
0x21f: {  	_ =	shalt  }

// kernel: kernel.8.cloned.1.call-start
scs
__scs_entry_jumppad:
0x0: {  	(pc) =	sbr.rel $0x88, $3  }
0x1: {  	(tag) =	ssettag $0x0;
	lr =	simm.s32 $0x1  }
0x2: {  	[smem:$0x3F96] =	sst lr;
	_ =	strace $0xD0000000  }
0x3: {  	_ = 	snop  }
0x4: {  	_ = 	snop  }
0x5: {  	_ = 	snop  }
0x6: {  	_ = 	snop  }
0x7: {  	_ = 	snop  }
__scs_overlays_trampoline_lowered:
0x8: {  	[smem:$0x3FA5] =	sst s0  }
0x9: {  	[smem:$0x3FA6] =	sst s1  }
0xa: {  	[smem:$0x3FA7] =	sst s2  }
0xb: {  	[smem:$0x3FA8] =	sst s3  }
0xc: {  	[smem:$0x3FA9] =	sst s4  }
0xd: {  	[smem:$0x3FAA] =	sst s5  }
0xe: {  	[smem:$0x3FAB] =	sst s6  }
0xf: {  	[smem:$0x3FAC] =	sst s7  }
0x10: {  	[smem:$0x3FAD] =	sst s8  }
0x11: {  	[smem:$0x3FAE] =	sst s9;
	s0 =	simm.s32 @!p0 $0x0  }
0x12: {  	s1 =	sld [smem:$0x3F94];
	s0 =	simm.s32 @p0 $0x1  }
0x13: {  	[smem:$0x3FAF] =	sst s0;
	s0 =	simm.s32 @!p1 $0x0  }
0x14: {  	s2 =	sld [smem:$0x3F93];
	s0 =	simm.s32 @p1 $0x1  }
0x15: {  	[smem:$0x3FB0] =	sst s0;
	s0 =	simm.s32 @!p2 $0x0  }
0x16: {  	s3 =	sld [smem:$0x3FDB];
	s0 =	simm.s32 @p2 $0x1  }
0x17: {  	s4 =	simm.s32 $0x1BF5;
	[smem:$0x3FB2] =	sst s0  }
0x18: {  	s0 =	sld [smem:$0x3F95];
	_ =	swait.ge [sflag:s4], $0x0  }
0x19: {  	s7 =	sld [smem:$0x3F96]  }
0x1a: {  	s8 =	sadd.s32 $0xFFFFE003, lr  }
0x1b: {  	s9 =	sadd.s32 $0xFFFFFEF7, lr;
	s5 =	simm.s32 $0xFFFFFFFF;
	p2 =	slt.u32 s8, $0xFFFFF086  }
0x1c: {  	p1 =	slt.u32 s9, $0xF7A;
	s5 =	simm.s32 @!p2 $0x0  }
0x1d: {  	s5 =	simm.s32 @p1 $0x1;
	p0 =	seq.s32 s7, s2  }
0x1e: {  	s7 =	smul.u32 @!p0 $0xF7A, s2;
	p2 =	seq.s32 @!p0 s5, $0x0  }
0x1f: {  	s9 =	smul.u32 $0xF7A, s1;
	s8 =	simm.s32 @!p0 $0x1BF5;
	p2 =	por !p2, p0  }
0x20: {  	[sflag:s8] =	ssyncset.s32 @!p0 $0xFFFFF086;
	s6 =	sadd.s32 @!p0 s3, s7;
	s7 =	simm.s32 @!p0 $0x108  }
0x21: {  	s3 =	sadd.s32 s3, s9;
	s6 =	sadd.s32 @!p0 $0x88, s6;
	s7 =	simm.s32 @p2 $0x1082  }
0x22: {  	[simem:s7], [sflag:s8] =	dma.local @!p0 [hbm:s6], $0xF7A  }
0x23: {  	s9 =	sor.u32 $0xD0000000, s2;
	s6 =	simm.s32 $0x108;
	_ =	swait.ge @!p0 [sflag:s8], $0x0  }
0x24: {  	s3 =	sadd.s32 $0x88, s3;
	s6 =	simm.s32 @!p1 $0x1082;
	[sflag:s4] =	ssyncset.s32 $0xFFFFF086  }
0x25: {  	[simem:s6], [sflag:s4] =	dma.local [hbm:s3], $0xF7A  }
0x26: {  	[smem:$0x3F96] =	sst s1;
	(tag) =	ssettag s2;
	_ =	strace s9  }
0x27: {  	s1 =	sld [smem:$0x3FA6]  }
0x28: {  	s2 =	sld [smem:$0x3FA7]  }
0x29: {  	s4 =	sld [smem:$0x3FA9]  }
0x2a: {  	p0 =	seq.s32 s5, $0x0;
	s5 =	sld [smem:$0x3FAA]  }
0x2b: {  	s6 =	sld [smem:$0x3FAB]  }
0x2c: {  	s7 =	sld [smem:$0x3FAC]  }
0x2d: {  	s3 =	simm.s32 $0x108;
	s8 =	sld [smem:$0x3FAD]  }
0x2e: {  	s3 =	simm.s32 @!p0 $0x1082;
	s9 =	sld [smem:$0x3FAE]  }
0x2f: {  	lr =	sadd.s32 s0, s3;
	s0 =	sld [smem:$0x3FA5]  }
0x30: {  	s3 =	sld [smem:$0x3FA8]  }
0x31: {  	[smem:$0x3FB1] =	sst s10  }
0x32: {  	s10 =	sld [smem:$0x3FAF];
	_ =	sdelay $0x3  }
0x33: {  	p0 =	seq.s32 s10, $0x1;
	s10 =	sld [smem:$0x3FB1];
	_ =	sdelay $0x3  }
0x34: {  	[smem:$0x3FB1] =	sst s10  }
0x35: {  	s10 =	sld [smem:$0x3FB0];
	_ =	sdelay $0x3  }
0x36: {  	p1 =	seq.s32 s10, $0x1;
	s10 =	sld [smem:$0x3FB1];
	_ =	sdelay $0x3  }
0x37: {  	[smem:$0x3FB1] =	sst s10  }
0x38: {  	s10 =	sld [smem:$0x3FB2]  }
0x39: {  	_ = 	snop;
	(pc) =	sbr.ind lr, $3  }
0x3a: {  	_ = 	snop  }
0x3b: {  	_ = 	snop  }
0x3c: {  	p2 =	seq.s32 s10, $0x1;
	s10 =	sld [smem:$0x3FB1]  }
0x3d: {  	_ =	shalt  }
0x3e: {  	_ =	shalt  }
0x3f: {  	_ =	shalt  }
0x40: {  	_ =	shalt  }
0x41: {  	_ =	shalt  }
0x42: {  	_ =	shalt  }
0x43: {  	_ =	shalt  }
0x44: {  	_ =	shalt  }
0x45: {  	_ =	shalt  }
0x46: {  	_ =	shalt  }
0x47: {  	_ =	shalt  }
0x48: {  	_ =	shalt  }
0x49: {  	_ =	shalt  }
0x4a: {  	_ =	shalt  }
0x4b: {  	_ =	shalt  }
0x4c: {  	_ =	shalt  }
0x4d: {  	_ =	shalt  }
0x4e: {  	_ =	shalt  }
0x4f: {  	_ =	shalt  }
0x50: {  	_ =	shalt  }
0x51: {  	_ =	shalt  }
0x52: {  	_ =	shalt  }
0x53: {  	_ =	shalt  }
0x54: {  	_ =	shalt  }
0x55: {  	_ =	shalt  }
0x56: {  	_ =	shalt  }
0x57: {  	_ =	shalt  }
0x58: {  	_ =	shalt  }
0x59: {  	_ =	shalt  }
0x5a: {  	_ =	shalt  }
0x5b: {  	_ =	shalt  }
0x5c: {  	_ =	shalt  }
0x5d: {  	_ =	shalt  }
0x5e: {  	_ =	shalt  }
0x5f: {  	_ =	shalt  }
0x60: {  	_ =	shalt  }
0x61: {  	_ =	shalt  }
0x62: {  	_ =	shalt  }
0x63: {  	_ =	shalt  }
0x64: {  	_ =	shalt  }
0x65: {  	_ =	shalt  }
0x66: {  	_ =	shalt  }
0x67: {  	_ =	shalt  }
0x68: {  	_ =	shalt  }
0x69: {  	_ =	shalt  }
0x6a: {  	_ =	shalt  }
0x6b: {  	_ =	shalt  }
0x6c: {  	_ =	shalt  }
0x6d: {  	_ =	shalt  }
0x6e: {  	_ =	shalt  }
0x6f: {  	_ =	shalt  }
0x70: {  	_ =	shalt  }
0x71: {  	_ =	shalt  }
0x72: {  	_ =	shalt  }
0x73: {  	_ =	shalt  }
0x74: {  	_ =	shalt  }
0x75: {  	_ =	shalt  }
0x76: {  	_ =	shalt  }
0x77: {  	_ =	shalt  }
0x78: {  	_ =	shalt  }
0x79: {  	_ =	shalt  }
0x7a: {  	_ =	shalt  }
0x7b: {  	_ =	shalt  }
0x7c: {  	_ =	shalt  }
0x7d: {  	_ =	shalt  }
0x7e: {  	_ =	shalt  }
0x7f: {  	_ =	shalt  }
0x80: {  	_ =	shalt  }
0x81: {  	_ =	shalt  }
0x82: {  	_ =	shalt  }
0x83: {  	_ =	shalt  }
0x84: {  	_ =	shalt  }
0x85: {  	_ =	shalt  }
0x86: {  	_ =	shalt  }
0x87: {  	_ =	shalt  }
.Lfunc_end0:
.L_simem_size_0:
called_computation.1_lowered:
.L_overlay_start_0:
0x88: {  	s2 =	sld [smem:$0x3FD9]  }
0x89: {  	s3 =	sld [smem:$0x3FFE];
	_ =	sdelay $0x1  }
0x8a: {  	s1 =	srdreg.scid  }
0x8b: {  	s0 =	sand.u32 $0x1, s1  }
0x8c: {  	s17 =	sshll.u32 s0, $0xA;
	s2 =	sadd.s32 s3, s2  }
0x8d: {  	s2 =	sadd.s32 s2, s17  }
0x8e: {  	[smem:$0x3FBD] =	sst s2  }
0x8f: {  	_ = 	snop  }
0x90: {  	s2 =	sld [smem:$0x3FC9]  }
0x91: {  	s18 =	sld [smem:$0x3FC8];
	(tm) =	ssettm $0x1  }
0x92: {  	s4 =	sld [smem:$0x3FFB];
	_ =	sdelay $0x3  }
0x93: {  	_ =	strace s4  }
0x94: {  	s4 =	sld [smem:$0x3FFC];
	_ =	sdelay $0x3  }
0x95: {  	_ =	strace s4  }
0x96: {  	s4 =	sld [smem:$0x3FFD];
	_ =	sdelay $0x3  }
0x97: {  	_ =	strace s4  }
0x98: {  	_ =	strace $0x8FFFFFFF  }
0x99: {  	s19 =	sld [smem:$0x3FDB];
	_ =	sdelay $0x1  }
0x9a: {  	s5 =	simm.s32 $_scs_section_size  }
0x9b: {  	s6 =	simm.s32 $_size__tile_overlayer_lowered;
	s7 =	simm.s32 $_tile_overlayer_lowered  }
0x9c: {  	s22 =	simm.s32 $0x1BFF;
	s21 =	sshll.u32 s7, $0x1;
	s4 =	sadd.s32 s5, s19  }
0x9d: {  	s8 =	simm.s32 $0x0;
	s20 =	sshll.u32 s6, $0x1;
	s6 =	sadd.s32 s21, s4  }
0x9e: {  	[timem:s8], [sflag:s22] =	dma.local [hbm:s6], s20  }
0x9f: {  	_ =	swait.ge [sflag:s22], s20  }
0xa0: {  	s5 =	ssub.s32 $0x0, s20;
	[sflag:s22] =	ssyncset.done $0x0  }
0xa1: {  	[sflag:s22] =	ssyncadd.s32 s5;
	_ =	sdelay $0x1  }
0xa2: {  	s23 =	simm.s32 $0x1B8B  }
0xa3: {  	_ =	swait.ge [sflag:s23], $0x1  }
0xa4: {  	[sflag:s23] =	ssyncset.done $0x0  }
0xa5: {  	s25 =	simm.s32 $0x1B8E;
	s24 =	sld [smem:$0x3FFE];
	[sflag:s23] =	ssyncadd.s32 $0xFFFFFFFF  }
0xa6: {  	s26 =	simm.s32 $execute0_lowered;
	[smem:$0x3FD2] =	sst s25  }
0xa7: {  	s6 =	sshll.u32 s26, $0x1;
	_ =	strace $0x80000049;
	[dreg:$0x1] =	wrdreg $0xFFFFFFFF  }
0xa8: {  	s28 =	simm.s32 $_size_execute0_lowered;
	s4 =	sadd.s32 s4, s6;
	[dreg:$0x0] =	wrdreg $0x0  }
0xa9: {  	s6 =	sshll.u32 s28, $0x1;
	[dreg:$0x2] =	wrdreg s4  }
0xaa: {  	[dreg:$0x3] =	wrdreg s6  }
0xab: {  	[dreg:$0x4] =	wrdreg $0xC0  }
0xac: {  	_ =	task [dreg:s8], $0x5FFFF  }
0xad: {  	[dreg:$0x1] =	wrdreg $0xFFFFFFFF  }
0xae: {  	[dreg:$0x0] =	wrdreg $0x60  }
0xaf: {  	[dreg:$0x2] =	wrdreg s2  }
0xb0: {  	[dreg:$0x3] =	wrdreg s18  }
0xb1: {  	[dreg:$0x4] =	wrdreg s24  }
0xb2: {  	[dreg:$0x5] =	wrdreg $0x9  }
0xb3: {  	_ =	task.clear_ibuf [dreg:s8], $0x6FFFF;
	_ =	strace $0x90000049  }
0xb4: {  	s29 =	simm.s32 $0x9;
	_ =	strace $0x8000004B  }
0xb5: {  	_ =	swait.ge [sflag:s29], $0x1  }
0xb6: {  	[sflag:s29] =	ssyncadd.s32 $0xFFFFFFFF  }
0xb7: {  	_ =	strace $0x9000004B  }
0xb8: {  	_ =	sfence  }
0xb9: {  	s30 =	sld [smem:$0x0];
	_ =	sdelay $0x2  }
0xba: {  	s31 =	sshll.u32 s1, $0xD;
	s1 =	sshrl.u32 s1, $0x2  }
0xbb: {  	s3 =	sand.u32 $0x4000, s31;
	s1 =	sadd.s32 s1, s30  }
0xbc: {  	s0 =	sor.u32 s3, s0;
	s1 =	sshll.u32 s1, $0x11  }
0xbd: {  	s0 =	sor.u32 s1, s0  }
0xbe: {  	s0 =	sadd.s32 $0x8F2B, s0  }
0xbf: {  	[sflag:s0] =	ssyncadd.remote.s32 $0x1  }
0xc0: {  	_ =	sfence.sel $0xFFFF  }
0xc1: {  	[dreg:$0x0] =	wrdreg $0xFFFFFFFF;
	(pc) =	sbr.abs _section_cstart, $3  }
0xc2: {  	[dreg:$0x1] =	wrdreg $0xFFFFFFFF  }
0xc3: {  	_ =	task.clear_ibuf [dreg:s8], $0x2FFFF;
	_ =	strace $0x9FFFFFFF  }
0xc4: {  	(tm) =	ssettm $0x7FFFFFFF  }
0xc5: {  	_ =	shalt  }
tec
execute0_lowered:
.L_overlay_start_1:
0x0: {  	(tag) =	ssettag $0x1  }
0x1: {  	s0 =	rddreg [dreg:$0x0]  }
0x2: {  	s1 =	rddreg [dreg:$0x1]  }
0x3: {  	s5 =	rddreg [dreg:$0x2];
	s2 =	simm.s32 $0x0;
	s3 =	srdreg.scid  }
0x4: {  	s6 =	stileid.u32;
	s16 =	simm.s32 $0x2;
	s17 =	simm.s32 $0x80  }
0x5: {  	s28 =	simm.s32 $0xC400;
	s29 =	simm.s32 $0x1;
	s30 =	simm.s32 $0x1000  }
0x6: {  	s31 =	simm.s32 $0x20000;
	[smem:$0x7FF] =	sst s2;
	s4 =	sand.u32 $0x1, s3  }
0x7: {  	s6 =	sshll.u32 s6, $0xA;
	s3 =	sadd.s32 $0x2800, s5;
	s7 =	sshll.u32 s4, $0x9  }
0x8: {  	_ =	strace $0x8000004A;
	s21 =	ssub.s32 $0x2, s4;
	s6 =	sor.u32 s7, s6  }
0x9: {  	s4 =	sadd.s32 $0x1EAE00, s5;
	s8 =	sshrl.u32 s21, $0x1;
	s10 =	sshrl.u32 s6, $0x3  }
0xa: {  	s5 =	sadd.s32 s6, s5;
	s22 =	ssub.s32 s21, s8;
	s21 =	simm.s32 $0x400  }
0xb: {  	s23 =	sadd.s32 s0, s10;
	s24 =	sor.u32 $0x10, s10;
	s12 =	sor.u32 $0x20, s10  }
0xc: {  	s13 =	sor.u32 $0x30, s10;
	s9 =	sadd.s32 $0x1EB600, s5;
	s10 =	sadd.s32 s1, s10  }
0xd: {  	s14 =	sadd.s32 $0x1F3600, s5;
	s15 =	smax.u32 s22, $0x1;
	[dreg:$0x4] =	wrdreg s23  }
0xe: {  	s25 =	sadd.s32 s0, s24;
	s26 =	sadd.s32 s0, s12;
	s0 =	sadd.s32 s0, s13  }
0xf: {  	s11 =	sadd.s32 s1, s24;
	s12 =	sadd.s32 s1, s12;
	[dreg:$0x5] =	wrdreg s25  }
0x10: {  	s13 =	sadd.s32 s1, s13;
	s23 =	simm.s32 $0x4400;
	[dreg:$0x6] =	wrdreg s26  }
0x11: {  	v0 =	vlaneseq.u32;
	s24 =	simm.s32 $0x300;
	s1 =	simm.s32 $0x0;
	[dreg:$0x7] =	wrdreg s0  }
0x12: {  	v0 =	vmul.u32 $0x80, v0;
	s25 =	simm.s32 $0x8400;
	s26 =	simm.s32 $0x380;
	s0 =	simm.s32 $0x10400  }
.LBB2_1:
0x13: {  	s5 =	rddreg [dreg:$0x4]  }
0x14: {  	[tilespmem:s2], [sflag:$0x2] =	stream.linear.gather [hbm4b:s5+s2], $0x80, $0x38;
	[tilespmem:$0x12400] =	vst v63  }
0x15: {  	_ =	swait.ge [sflag:s16], $0x80  }
0x16: {  	[sflag:s16] =	ssyncset.done $0x0  }
0x17: {  	s20 =	rddreg [dreg:$0x5];
	[sflag:s16] =	ssyncadd.s32 $0xFFFFFF80  }
0x18: {  	[tilespmem:s17], [sflag:$0x2] =	stream.linear.gather [hbm4b:s20+s2], $0x80, $0x38;
	[tilespmem:$0x12400] =	vst v63  }
0x19: {  	_ =	swait.ge [sflag:s16], $0x80  }
0x1a: {  	[sflag:s16] =	ssyncset.done $0x0  }
0x1b: {  	s6 =	simm.s32 $0x100;
	s22 =	rddreg [dreg:$0x6];
	[sflag:s16] =	ssyncadd.s32 $0xFFFFFF80  }
0x1c: {  	[tilespmem:s6], [sflag:$0x2] =	stream.linear.gather [hbm4b:s22+s2], $0x80, $0x38;
	[tilespmem:$0x12400] =	vst v63  }
0x1d: {  	_ =	swait.ge [sflag:s16], $0x80  }
0x1e: {  	[sflag:s16] =	ssyncset.done $0x0  }
0x1f: {  	s8 =	simm.s32 $0x180;
	s7 =	rddreg [dreg:$0x7];
	[sflag:s16] =	ssyncadd.s32 $0xFFFFFF80  }
0x20: {  	[tilespmem:s8], [sflag:$0x2] =	stream.linear.gather [hbm4b:s7+s2], $0x80, $0x38;
	[tilespmem:$0x12400] =	vst v63  }
0x21: {  	_ =	swait.ge [sflag:s16], $0x80  }
0x22: {  	[sflag:s16] =	ssyncset.done $0x0  }
0x23: {  	[sflag:s16] =	ssyncadd.s32 $0xFFFFFF80  }
0x24: {  	v1 =	vld [tilespmem:$0x0]  }
0x25: {  	v2 =	vld [tilespmem:$0x10]  }
0x26: {  	v3 =	vld [tilespmem:$0x20]  }
0x27: {  	v4 =	vld [tilespmem:$0x30]  }
0x28: {  	v5 =	vld [tilespmem:$0x40]  }
0x29: {  	v6 =	vld [tilespmem:$0x50];
	v1 =	vshrl.u32 v1, $0x3  }
0x2a: {  	[tilespmem:$0x200] =	vst v1;
	v1 =	vshrl.u32 v2, $0x3;
	v2 =	vld [tilespmem:$0x60]  }
0x2b: {  	[tilespmem:$0x210] =	vst v1;
	v1 =	vshrl.u32 v3, $0x3;
	v3 =	vld [tilespmem:$0x70]  }
0x2c: {  	v49 =	vld [tilespmem:$0x80];
	[tilespmem:$0x220] =	vst v1;
	v1 =	vshrl.u32 v4, $0x3  }
0x2d: {  	v50 =	vld [tilespmem:$0x90];
	[tilespmem:$0x230] =	vst v1;
	v1 =	vshrl.u32 v5, $0x3  }
0x2e: {  	v51 =	vld [tilespmem:$0xA0];
	[tilespmem:$0x240] =	vst v1;
	v1 =	vshrl.u32 v6, $0x3  }
0x2f: {  	[tilespmem:$0x250] =	vst v1;
	v1 =	vshrl.u32 v2, $0x3;
	v2 =	vld [tilespmem:$0xB0]  }
0x30: {  	[tilespmem:$0x260] =	vst v1;
	v1 =	vshrl.u32 v3, $0x3;
	v3 =	vld [tilespmem:$0xC0]  }
0x31: {  	v52 =	vld [tilespmem:$0xD0];
	[tilespmem:$0x270] =	vst v1;
	v1 =	vshrl.u32 v49, $0x3  }
0x32: {  	v53 =	vld [tilespmem:$0xE0];
	[tilespmem:$0x280] =	vst v1;
	v1 =	vshrl.u32 v50, $0x3  }
0x33: {  	v54 =	vld [tilespmem:$0xF0];
	[tilespmem:$0x290] =	vst v1;
	v1 =	vshrl.u32 v51, $0x3  }
0x34: {  	[tilespmem:$0x2A0] =	vst v1;
	v1 =	vshrl.u32 v2, $0x3;
	v2 =	vld [tilespmem:$0x100]  }
0x35: {  	[tilespmem:$0x2B0] =	vst v1;
	v1 =	vshrl.u32 v3, $0x3;
	v3 =	vld [tilespmem:$0x110]  }
0x36: {  	v55 =	vld [tilespmem:$0x120];
	[tilespmem:$0x2C0] =	vst v1;
	v1 =	vshrl.u32 v52, $0x3  }
0x37: {  	v56 =	vld [tilespmem:$0x130];
	[tilespmem:$0x2D0] =	vst v1;
	v1 =	vshrl.u32 v53, $0x3  }
0x38: {  	v57 =	vld [tilespmem:$0x140];
	[tilespmem:$0x2E0] =	vst v1;
	v1 =	vshrl.u32 v54, $0x3  }
0x39: {  	[tilespmem:$0x2F0] =	vst v1;
	v1 =	vshrl.u32 v2, $0x3;
	v2 =	vld [tilespmem:$0x150]  }
0x3a: {  	[tilespmem:$0x300] =	vst v1;
	v1 =	vshrl.u32 v3, $0x3;
	v3 =	vld [tilespmem:$0x160]  }
0x3b: {  	v58 =	vld [tilespmem:$0x170];
	[tilespmem:$0x310] =	vst v1;
	v1 =	vshrl.u32 v55, $0x3  }
0x3c: {  	v59 =	vld [tilespmem:$0x180];
	[tilespmem:$0x320] =	vst v1;
	v1 =	vshrl.u32 v56, $0x3  }
0x3d: {  	v60 =	vld [tilespmem:$0x190];
	[tilespmem:$0x330] =	vst v1;
	v1 =	vshrl.u32 v57, $0x3  }
0x3e: {  	[tilespmem:$0x340] =	vst v1;
	v1 =	vshrl.u32 v2, $0x3;
	v2 =	vld [tilespmem:$0x1A0]  }
0x3f: {  	[tilespmem:$0x350] =	vst v1;
	v1 =	vshrl.u32 v3, $0x3;
	v3 =	vld [tilespmem:$0x1B0]  }
0x40: {  	v61 =	vld [tilespmem:$0x1C0];
	[tilespmem:$0x360] =	vst v1;
	v1 =	vshrl.u32 v58, $0x3  }
0x41: {  	v62 =	vld [tilespmem:$0x1D0];
	[tilespmem:$0x370] =	vst v1;
	v1 =	vshrl.u32 v59, $0x3  }
0x42: {  	v63 =	vld [tilespmem:$0x1E0];
	[tilespmem:$0x380] =	vst v1;
	v1 =	vshrl.u32 v60, $0x3  }
0x43: {  	[tilespmem:$0x390] =	vst v1;
	v1 =	vshrl.u32 v2, $0x3;
	v2 =	vld [tilespmem:$0x1F0]  }
0x44: {  	[tilespmem:$0x3A0] =	vst v1;
	v1 =	vshrl.u32 v3, $0x3  }
0x45: {  	[tilespmem:$0x3B0] =	vst v1;
	v1 =	vshrl.u32 v61, $0x3  }
0x46: {  	[tilespmem:$0x3C0] =	vst v1;
	v1 =	vshrl.u32 v62, $0x3  }
0x47: {  	[tilespmem:$0x3D0] =	vst v1;
	v1 =	vshrl.u32 v63, $0x3  }
0x48: {  	[tilespmem:$0x3E0] =	vst v1;
	v1 =	vshrl.u32 v2, $0x3  }
0x49: {  	s18 =	simm.s32 $0x200;
	[tilespmem:$0x3F0] =	vst v1  }
0x4a: {  	[tilespmem:s21], [sflag:$0x1] =	stream.indirect.gather [hbm4b:s3+s17], $0x80, s18, s17, $0xb8;
	[tilespmem:$0x12400] =	vst v63  }
0x4b: {  	s19 =	simm.s32 $0x280  }
0x4c: {  	[tilespmem:s23], [sflag:$0x1] =	stream.indirect.gather [hbm4b:s3+s17], $0x80, s19, s17, $0xb8;
	[tilespmem:$0x12400] =	vst v63  }
0x4d: {  	_ = 	snop  }
0x4e: {  	[tilespmem:s25], [sflag:$0x1] =	stream.indirect.gather [hbm4b:s3+s17], $0x80, s24, s17, $0xb8;
	[tilespmem:$0x12400] =	vst v63  }
0x4f: {  	_ = 	snop  }
0x50: {  	[tilespmem:s28], [sflag:$0x1] =	stream.indirect.gather [hbm4b:s3+s17], $0x80, s26, s17, $0xb8;
	[tilespmem:$0x12400] =	vst v63  }
0x51: {  	_ =	swait.ge [sflag:s29], $0x4000  }
0x52: {  	[sflag:s29] =	ssyncset.done $0x0  }
0x53: {  	[sflag:s29] =	ssyncadd.s32 $0xFFFFC000  }
0x54: {  	_ =	swait.ge [sflag:s29], $0x4000  }
0x55: {  	[sflag:s29] =	ssyncset.done $0x0  }
0x56: {  	[sflag:s29] =	ssyncadd.s32 $0xFFFFC000  }
0x57: {  	_ =	swait.ge [sflag:s29], $0x4000  }
0x58: {  	[sflag:s29] =	ssyncset.done $0x0  }
0x59: {  	[sflag:s29] =	ssyncadd.s32 $0xFFFFC000  }
0x5a: {  	s20 =	sand.u32 $0x600, s2;
	_ =	swait.ge [sflag:s29], $0x4000  }
0x5b: {  	s5 =	sshrl.u32 s20, $0x2;
	s22 =	sand.u32 $0x70, s2;
	[sflag:s29] =	ssyncset.done $0x0  }
0x5c: {  	s5 =	sor.u32 s22, s5;
	[sflag:s29] =	ssyncadd.s32 $0xFFFFC000  }
0x5d: {  	v1 =	vld [tilespmem:s5+$0x0];
	_ =	sdelay $0x3  }
0x5e: {  	v2 =	vmov s2  }
0x5f: {  	v2 =	vshll.u32 v2, $0x7;
	v1 =	vshll.u32 v1, $0x4  }
0x60: {  	v2 =	vor.u32 v0, v2;
	v1 =	vand.u32 $0x70, v1  }
0x61: {  	v1 =	vor.u32 v2, v1;
	_ =	sdelay $0x4  }
0x62: {  	v2 =	vld.idx.msk [tilespmem:v1+s21+$0x0], $0xffff  }
0x63: {  	v3 =	vor.u32 $0x1, v1;
	_ =	sdelay $0x1  }
0x64: {  	s7 =	sand.u32 $0xC00, s2  }
0x65: {  	s18 =	sor.u32 s22, s7  }
0x66: {  	[tilespmem:s18+$0x10400] =	vst v2  }
0x67: {  	v2 =	vld.idx.msk [tilespmem:v3+s21+$0x0], $0xffff  }
0x68: {  	v3 =	vor.u32 $0x2, v1;
	_ =	sdelay $0x2  }
0x69: {  	s5 =	sadd.s32 $0x10400, s18  }
0x6a: {  	[tilespmem:s5+$0x80] =	vst v2  }
0x6b: {  	v2 =	vld.idx.msk [tilespmem:v3+s21+$0x0], $0xffff  }
0x6c: {  	v3 =	vor.u32 $0x3, v1;
	_ =	sdelay $0x3  }
0x6d: {  	[tilespmem:s5+$0x100] =	vst v2  }
0x6e: {  	v2 =	vld.idx.msk [tilespmem:v3+s21+$0x0], $0xffff  }
0x6f: {  	v3 =	vor.u32 $0x4, v1;
	_ =	sdelay $0x3  }
0x70: {  	[tilespmem:s5+$0x180] =	vst v2  }
0x71: {  	v2 =	vld.idx.msk [tilespmem:v3+s21+$0x0], $0xffff  }
0x72: {  	v3 =	vor.u32 $0x5, v1;
	_ =	sdelay $0x3  }
0x73: {  	[tilespmem:s5+$0x200] =	vst v2  }
0x74: {  	v2 =	vld.idx.msk [tilespmem:v3+s21+$0x0], $0xffff  }
0x75: {  	v3 =	vor.u32 $0x6, v1;
	_ =	sdelay $0x3  }
0x76: {  	[tilespmem:s5+$0x280] =	vst v2  }
0x77: {  	v2 =	vld.idx.msk [tilespmem:v3+s21+$0x0], $0xffff  }
0x78: {  	v3 =	vor.u32 $0x7, v1;
	_ =	sdelay $0x3  }
0x79: {  	[tilespmem:s5+$0x300] =	vst v2  }
0x7a: {  	v2 =	vld.idx.msk [tilespmem:v3+s21+$0x0], $0xffff  }
0x7b: {  	v3 =	vor.u32 $0x8, v1;
	_ =	sdelay $0x1  }
0x7c: {  	s8 =	sor.u32 s2, s2  }
0x7d: {  	s5 =	sor.u32 $0x380, s8  }
0x7e: {  	[tilespmem:s5+$0x10400] =	vst v2  }
0x7f: {  	v2 =	vld.idx.msk [tilespmem:v3+s21+$0x0], $0xffff  }
0x80: {  	v3 =	vor.u32 $0x9, v1;
	_ =	sdelay $0x3  }
0x81: {  	[tilespmem:s18+$0x11400] =	vst v2  }
0x82: {  	v2 =	vld.idx.msk [tilespmem:v3+s21+$0x0], $0xffff  }
0x83: {  	v3 =	vor.u32 $0xA, v1;
	_ =	sdelay $0x3  }
0x84: {  	[tilespmem:s18+$0x11480] =	vst v2  }
0x85: {  	v2 =	vld.idx.msk [tilespmem:v3+s21+$0x0], $0xffff  }
0x86: {  	v3 =	vor.u32 $0xB, v1;
	_ =	sdelay $0x3  }
0x87: {  	[tilespmem:s18+$0x11500] =	vst v2  }
0x88: {  	v2 =	vld.idx.msk [tilespmem:v3+s21+$0x0], $0xffff  }
0x89: {  	v3 =	vor.u32 $0xC, v1;
	_ =	sdelay $0x3  }
0x8a: {  	[tilespmem:s18+$0x11580] =	vst v2  }
0x8b: {  	v2 =	vld.idx.msk [tilespmem:v3+s21+$0x0], $0xffff  }
0x8c: {  	v3 =	vor.u32 $0xD, v1;
	_ =	sdelay $0x3  }
0x8d: {  	[tilespmem:s18+$0x11600] =	vst v2  }
0x8e: {  	v2 =	vld.idx.msk [tilespmem:v3+s21+$0x0], $0xffff  }
0x8f: {  	v3 =	vor.u32 $0xE, v1;
	_ =	sdelay $0x3  }
0x90: {  	[tilespmem:s18+$0x11680] =	vst v2  }
0x91: {  	v2 =	vld.idx.msk [tilespmem:v3+s21+$0x0], $0xffff  }
0x92: {  	v1 =	vor.u32 $0xF, v1;
	_ =	sdelay $0x3  }
0x93: {  	[tilespmem:s18+$0x11700] =	vst v2  }
0x94: {  	v1 =	vld.idx.msk [tilespmem:v1+s21+$0x0], $0xffff  }
0x95: {  	s19 =	simm.s32 $0x40  }
0x96: {  	s20 =	simm.s32 $0x80;
	s22 =	sand.u32 $0x600, s19;
	s5 =	simm.s32 $0x10  }
0x97: {  	s19 =	simm.s32 $0x0;
	s6 =	sshrl.u32 s22, $0x2;
	s7 =	sand.u32 $0x70, s5  }
.LBB2_2:
0x98: {  	s8 =	sor.u32 s7, s6  }
0x99: {  	[tilespmem:s18+$0x11780] =	vst v1;
	s19 =	sadd.s32 $0x80, s19;
	s6 =	smov.u32 s20;
	s22 =	sadd.s32 $0x40, s20  }
0x9a: {  	p0 =	sne.s32 s20, $0x7C0;
	v1 =	vld [tilespmem:s8+$0x0];
	_ =	sdelay $0x3  }
0x9b: {  	v2 =	vmov s5  }
0x9c: {  	v2 =	vshll.u32 v2, $0x7;
	v1 =	vshll.u32 v1, $0x4  }
0x9d: {  	v2 =	vor.u32 v0, v2;
	v1 =	vand.u32 $0x70, v1  }
0x9e: {  	v1 =	vor.u32 v2, v1;
	_ =	sdelay $0x4  }
0x9f: {  	v2 =	vld.idx.msk [tilespmem:v1+s21+$0x0], $0xffff;
	_ =	sdelay $0x1  }
0xa0: {  	v3 =	vor.u32 $0x1, v1;
	_ =	sdelay $0x1  }
0xa1: {  	s8 =	sand.u32 $0xC00, s19  }
0xa2: {  	s18 =	sor.u32 s7, s8  }
0xa3: {  	[tilespmem:s18+$0x10400] =	vst v2  }
0xa4: {  	v2 =	vld.idx.msk [tilespmem:v3+s21+$0x0], $0xffff;
	_ =	sdelay $0x1  }
0xa5: {  	v3 =	vor.u32 $0x2, v1;
	_ =	sdelay $0x2  }
0xa6: {  	s7 =	sadd.s32 $0x10400, s18  }
0xa7: {  	[tilespmem:s7+$0x80] =	vst v2  }
0xa8: {  	v2 =	vld.idx.msk [tilespmem:v3+s21+$0x0], $0xffff;
	_ =	sdelay $0x1  }
0xa9: {  	v3 =	vor.u32 $0x3, v1;
	_ =	sdelay $0x3  }
0xaa: {  	[tilespmem:s7+$0x100] =	vst v2  }
0xab: {  	v2 =	vld.idx.msk [tilespmem:v3+s21+$0x0], $0xffff;
	_ =	sdelay $0x1  }
0xac: {  	v3 =	vor.u32 $0x4, v1;
	_ =	sdelay $0x3  }
0xad: {  	[tilespmem:s7+$0x180] =	vst v2  }
0xae: {  	v2 =	vld.idx.msk [tilespmem:v3+s21+$0x0], $0xffff;
	_ =	sdelay $0x1  }
0xaf: {  	v3 =	vor.u32 $0x5, v1;
	_ =	sdelay $0x3  }
0xb0: {  	[tilespmem:s7+$0x200] =	vst v2  }
0xb1: {  	v2 =	vld.idx.msk [tilespmem:v3+s21+$0x0], $0xffff;
	_ =	sdelay $0x1  }
0xb2: {  	v3 =	vor.u32 $0x6, v1;
	_ =	sdelay $0x3  }
0xb3: {  	[tilespmem:s7+$0x280] =	vst v2  }
0xb4: {  	v2 =	vld.idx.msk [tilespmem:v3+s21+$0x0], $0xffff;
	_ =	sdelay $0x1  }
0xb5: {  	v3 =	vor.u32 $0x7, v1;
	_ =	sdelay $0x3  }
0xb6: {  	[tilespmem:s7+$0x300] =	vst v2  }
0xb7: {  	v2 =	vld.idx.msk [tilespmem:v3+s21+$0x0], $0xffff;
	_ =	sdelay $0x1  }
0xb8: {  	v3 =	vor.u32 $0x8, v1;
	_ =	sdelay $0x1  }
0xb9: {  	s7 =	sor.u32 s19, s5  }
0xba: {  	s7 =	sor.u32 $0x380, s7  }
0xbb: {  	[tilespmem:s7+$0x10400] =	vst v2  }
0xbc: {  	v2 =	vld.idx.msk [tilespmem:v3+s21+$0x0], $0xffff;
	_ =	sdelay $0x1  }
0xbd: {  	v3 =	vor.u32 $0x9, v1;
	_ =	sdelay $0x3  }
0xbe: {  	[tilespmem:s18+$0x11400] =	vst v2  }
0xbf: {  	v2 =	vld.idx.msk [tilespmem:v3+s21+$0x0], $0xffff;
	_ =	sdelay $0x1  }
0xc0: {  	v3 =	vor.u32 $0xA, v1;
	_ =	sdelay $0x3  }
0xc1: {  	[tilespmem:s18+$0x11480] =	vst v2  }
0xc2: {  	v2 =	vld.idx.msk [tilespmem:v3+s21+$0x0], $0xffff;
	_ =	sdelay $0x1  }
0xc3: {  	v3 =	vor.u32 $0xB, v1;
	_ =	sdelay $0x3  }
0xc4: {  	[tilespmem:s18+$0x11500] =	vst v2  }
0xc5: {  	v2 =	vld.idx.msk [tilespmem:v3+s21+$0x0], $0xffff;
	_ =	sdelay $0x1  }
0xc6: {  	v3 =	vor.u32 $0xC, v1;
	_ =	sdelay $0x3  }
0xc7: {  	[tilespmem:s18+$0x11580] =	vst v2  }
0xc8: {  	v2 =	vld.idx.msk [tilespmem:v3+s21+$0x0], $0xffff;
	_ =	sdelay $0x1  }
0xc9: {  	v3 =	vor.u32 $0xD, v1;
	_ =	sdelay $0x3  }
0xca: {  	[tilespmem:s18+$0x11600] =	vst v2  }
0xcb: {  	v2 =	vld.idx.msk [tilespmem:v3+s21+$0x0], $0xffff;
	_ =	sdelay $0x1  }
0xcc: {  	v3 =	vor.u32 $0xE, v1;
	_ =	sdelay $0x3  }
0xcd: {  	[tilespmem:s18+$0x11680] =	vst v2  }
0xce: {  	v2 =	vld.idx.msk [tilespmem:v3+s21+$0x0], $0xffff;
	_ =	sdelay $0x1  }
0xcf: {  	v1 =	vor.u32 $0xF, v1;
	_ =	sdelay $0x3  }
0xd0: {  	[tilespmem:s18+$0x11700] =	vst v2  }
0xd1: {  	v1 =	vld.idx.msk [tilespmem:v1+s21+$0x0], $0xffff  }
.Ltmp0:
0xd2: {  	(pc) =	sbr.rel @p0 .LBB2_2-.Ltmp0, $3  }
0xd3: {  	_ =	sdelay $0x1  }
0xd4: {  	s6 =	sand.u32 $0x600, s6;
	s5 =	sadd.s32 $0x10, s5  }
0xd5: {  	s20 =	smov.u32 s22;
	s6 =	sshrl.u32 s6, $0x2;
	s7 =	sand.u32 $0x70, s5  }
0xd6: {  	s6 =	sor.u32 s7, s6;
	[tilespmem:s18+$0x11780] =	vst v1  }
0xd7: {  	v1 =	vld [tilespmem:s6+$0x0];
	_ =	sdelay $0x3  }
0xd8: {  	v2 =	vmov s5  }
0xd9: {  	v2 =	vshll.u32 v2, $0x7;
	v1 =	vshll.u32 v1, $0x4  }
0xda: {  	v2 =	vor.u32 v0, v2;
	v1 =	vand.u32 $0x70, v1  }
0xdb: {  	v1 =	vor.u32 v2, v1;
	_ =	sdelay $0x4  }
0xdc: {  	v2 =	vld.idx.msk [tilespmem:v1+s21+$0x0], $0xffff  }
0xdd: {  	v3 =	vor.u32 $0x1, v1  }
0xde: {  	s20 =	sadd.s32 $0x80, s19  }
0xdf: {  	s8 =	sand.u32 $0xC00, s20  }
0xe0: {  	s22 =	sor.u32 s7, s8  }
0xe1: {  	[tilespmem:s22+$0x10400] =	vst v2  }
0xe2: {  	v2 =	vld.idx.msk [tilespmem:v3+s21+$0x0], $0xffff  }
0xe3: {  	v3 =	vor.u32 $0x2, v1;
	_ =	sdelay $0x2  }
0xe4: {  	s8 =	sadd.s32 $0x10400, s22  }
0xe5: {  	[tilespmem:s8+$0x80] =	vst v2  }
0xe6: {  	v2 =	vld.idx.msk [tilespmem:v3+s21+$0x0], $0xffff  }
0xe7: {  	v3 =	vor.u32 $0x3, v1;
	_ =	sdelay $0x3  }
0xe8: {  	[tilespmem:s8+$0x100] =	vst v2  }
0xe9: {  	v2 =	vld.idx.msk [tilespmem:v3+s21+$0x0], $0xffff  }
0xea: {  	v3 =	vor.u32 $0x4, v1;
	_ =	sdelay $0x3  }
0xeb: {  	[tilespmem:s8+$0x180] =	vst v2  }
0xec: {  	v2 =	vld.idx.msk [tilespmem:v3+s21+$0x0], $0xffff  }
0xed: {  	v3 =	vor.u32 $0x5, v1;
	_ =	sdelay $0x3  }
0xee: {  	[tilespmem:s8+$0x200] =	vst v2  }
0xef: {  	v2 =	vld.idx.msk [tilespmem:v3+s21+$0x0], $0xffff  }
0xf0: {  	v3 =	vor.u32 $0x6, v1;
	_ =	sdelay $0x3  }
0xf1: {  	[tilespmem:s8+$0x280] =	vst v2  }
0xf2: {  	v2 =	vld.idx.msk [tilespmem:v3+s21+$0x0], $0xffff  }
0xf3: {  	v3 =	vor.u32 $0x7, v1;
	_ =	sdelay $0x3  }
0xf4: {  	[tilespmem:s8+$0x300] =	vst v2  }
0xf5: {  	v2 =	vld.idx.msk [tilespmem:v3+s21+$0x0], $0xffff  }
0xf6: {  	v3 =	vor.u32 $0x8, v1;
	_ =	sdelay $0x1  }
0xf7: {  	s18 =	sor.u32 s20, s5  }
0xf8: {  	s5 =	sor.u32 $0x380, s18  }
0xf9: {  	[tilespmem:s5+$0x10400] =	vst v2  }
0xfa: {  	v2 =	vld.idx.msk [tilespmem:v3+s21+$0x0], $0xffff  }
0xfb: {  	v3 =	vor.u32 $0x9, v1;
	_ =	sdelay $0x3  }
0xfc: {  	[tilespmem:s22+$0x11400] =	vst v2  }
0xfd: {  	v2 =	vld.idx.msk [tilespmem:v3+s21+$0x0], $0xffff  }
0xfe: {  	v3 =	vor.u32 $0xA, v1;
	_ =	sdelay $0x3  }
0xff: {  	[tilespmem:s22+$0x11480] =	vst v2  }
0x100: {  	v2 =	vld.idx.msk [tilespmem:v3+s21+$0x0], $0xffff  }
0x101: {  	v3 =	vor.u32 $0xB, v1;
	_ =	sdelay $0x3  }
0x102: {  	[tilespmem:s22+$0x11500] =	vst v2  }
0x103: {  	v2 =	vld.idx.msk [tilespmem:v3+s21+$0x0], $0xffff  }
0x104: {  	v3 =	vor.u32 $0xC, v1;
	_ =	sdelay $0x3  }
0x105: {  	[tilespmem:s22+$0x11580] =	vst v2  }
0x106: {  	v2 =	vld.idx.msk [tilespmem:v3+s21+$0x0], $0xffff  }
0x107: {  	v3 =	vor.u32 $0xD, v1;
	_ =	sdelay $0x3  }
0x108: {  	[tilespmem:s22+$0x11600] =	vst v2  }
0x109: {  	v2 =	vld.idx.msk [tilespmem:v3+s21+$0x0], $0xffff  }
0x10a: {  	v3 =	vor.u32 $0xE, v1;
	_ =	sdelay $0x3  }
0x10b: {  	[tilespmem:s22+$0x11680] =	vst v2  }
0x10c: {  	v2 =	vld.idx.msk [tilespmem:v3+s21+$0x0], $0xffff  }
0x10d: {  	v1 =	vor.u32 $0xF, v1;
	_ =	sdelay $0x3  }
0x10e: {  	[tilespmem:s22+$0x11700] =	vst v2  }
0x10f: {  	v1 =	vld.idx.msk [tilespmem:v1+s21+$0x0], $0xffff;
	_ =	sdelay $0x4  }
0x110: {  	[tilespmem:s22+$0x11780] =	vst v1  }
0x111: {  	[hbm4b:s9+s30] =	stream.strided.scatter [tilespmem:s0], [sflag:$0x2], $0x2000, s31, s30, $0x38;
	[tilespmem:$0x12400] =	vst v63  }
0x112: {  	_ =	swait.ge [sflag:s16], $0x2000  }
0x113: {  	[sflag:s16] =	ssyncset.done $0x0  }
0x114: {  	s5 =	simm.s32 $0x0;
	[sflag:s16] =	ssyncadd.s32 $0xFFFFE000  }
0x115: {  	[tilespmem:s5], [sflag:$0x2] =	stream.linear.gather [hbm4b:s10+s5], $0x80, $0x38;
	[tilespmem:$0x12400] =	vst v63  }
0x116: {  	_ =	swait.ge [sflag:s16], $0x80  }
0x117: {  	[sflag:s16] =	ssyncset.done $0x0  }
0x118: {  	[sflag:s16] =	ssyncadd.s32 $0xFFFFFF80  }
0x119: {  	[tilespmem:s17], [sflag:$0x2] =	stream.linear.gather [hbm4b:s11+s5], $0x80, $0x38;
	[tilespmem:$0x12400] =	vst v63  }
0x11a: {  	_ =	swait.ge [sflag:s16], $0x80  }
0x11b: {  	[sflag:s16] =	ssyncset.done $0x0  }
0x11c: {  	s19 =	simm.s32 $0x100;
	[sflag:s16] =	ssyncadd.s32 $0xFFFFFF80  }
0x11d: {  	[tilespmem:s19], [sflag:$0x2] =	stream.linear.gather [hbm4b:s12+s5], $0x80, $0x38;
	[tilespmem:$0x12400] =	vst v63  }
0x11e: {  	_ =	swait.ge [sflag:s16], $0x80  }
0x11f: {  	[sflag:s16] =	ssyncset.done $0x0  }
0x120: {  	s20 =	simm.s32 $0x180;
	[sflag:s16] =	ssyncadd.s32 $0xFFFFFF80  }
0x121: {  	[tilespmem:s20], [sflag:$0x2] =	stream.linear.gather [hbm4b:s13+s5], $0x80, $0x38;
	[tilespmem:$0x12400] =	vst v63  }
0x122: {  	_ =	swait.ge [sflag:s16], $0x80  }
0x123: {  	[sflag:s16] =	ssyncset.done $0x0  }
0x124: {  	[sflag:s16] =	ssyncadd.s32 $0xFFFFFF80  }
0x125: {  	v1 =	vld [tilespmem:$0x0]  }
0x126: {  	v2 =	vld [tilespmem:$0x10]  }
0x127: {  	v3 =	vld [tilespmem:$0x20]  }
0x128: {  	v4 =	vld [tilespmem:$0x30]  }
0x129: {  	v5 =	vld [tilespmem:$0x40]  }
0x12a: {  	v6 =	vld [tilespmem:$0x50];
	v1 =	vshrl.u32 v1, $0x3  }
0x12b: {  	[tilespmem:$0x200] =	vst v1;
	v1 =	vshrl.u32 v2, $0x3;
	v2 =	vld [tilespmem:$0x60]  }
0x12c: {  	[tilespmem:$0x210] =	vst v1;
	v1 =	vshrl.u32 v3, $0x3;
	v3 =	vld [tilespmem:$0x70]  }
0x12d: {  	v49 =	vld [tilespmem:$0x80];
	[tilespmem:$0x220] =	vst v1;
	v1 =	vshrl.u32 v4, $0x3  }
0x12e: {  	v50 =	vld [tilespmem:$0x90];
	[tilespmem:$0x230] =	vst v1;
	v1 =	vshrl.u32 v5, $0x3  }
0x12f: {  	v51 =	vld [tilespmem:$0xA0];
	[tilespmem:$0x240] =	vst v1;
	v1 =	vshrl.u32 v6, $0x3  }
0x130: {  	[tilespmem:$0x250] =	vst v1;
	v1 =	vshrl.u32 v2, $0x3;
	v2 =	vld [tilespmem:$0xB0]  }
0x131: {  	[tilespmem:$0x260] =	vst v1;
	v1 =	vshrl.u32 v3, $0x3;
	v3 =	vld [tilespmem:$0xC0]  }
0x132: {  	v52 =	vld [tilespmem:$0xD0];
	[tilespmem:$0x270] =	vst v1;
	v1 =	vshrl.u32 v49, $0x3  }
0x133: {  	v53 =	vld [tilespmem:$0xE0];
	[tilespmem:$0x280] =	vst v1;
	v1 =	vshrl.u32 v50, $0x3  }
0x134: {  	v54 =	vld [tilespmem:$0xF0];
	[tilespmem:$0x290] =	vst v1;
	v1 =	vshrl.u32 v51, $0x3  }
0x135: {  	[tilespmem:$0x2A0] =	vst v1;
	v1 =	vshrl.u32 v2, $0x3;
	v2 =	vld [tilespmem:$0x100]  }
0x136: {  	[tilespmem:$0x2B0] =	vst v1;
	v1 =	vshrl.u32 v3, $0x3;
	v3 =	vld [tilespmem:$0x110]  }
0x137: {  	v55 =	vld [tilespmem:$0x120];
	[tilespmem:$0x2C0] =	vst v1;
	v1 =	vshrl.u32 v52, $0x3  }
0x138: {  	v56 =	vld [tilespmem:$0x130];
	[tilespmem:$0x2D0] =	vst v1;
	v1 =	vshrl.u32 v53, $0x3  }
0x139: {  	v57 =	vld [tilespmem:$0x140];
	[tilespmem:$0x2E0] =	vst v1;
	v1 =	vshrl.u32 v54, $0x3  }
0x13a: {  	[tilespmem:$0x2F0] =	vst v1;
	v1 =	vshrl.u32 v2, $0x3;
	v2 =	vld [tilespmem:$0x150]  }
0x13b: {  	[tilespmem:$0x300] =	vst v1;
	v1 =	vshrl.u32 v3, $0x3;
	v3 =	vld [tilespmem:$0x160]  }
0x13c: {  	v58 =	vld [tilespmem:$0x170];
	[tilespmem:$0x310] =	vst v1;
	v1 =	vshrl.u32 v55, $0x3  }
0x13d: {  	v59 =	vld [tilespmem:$0x180];
	[tilespmem:$0x320] =	vst v1;
	v1 =	vshrl.u32 v56, $0x3  }
0x13e: {  	v60 =	vld [tilespmem:$0x190];
	[tilespmem:$0x330] =	vst v1;
	v1 =	vshrl.u32 v57, $0x3  }
0x13f: {  	[tilespmem:$0x340] =	vst v1;
	v1 =	vshrl.u32 v2, $0x3;
	v2 =	vld [tilespmem:$0x1A0]  }
0x140: {  	[tilespmem:$0x350] =	vst v1;
	v1 =	vshrl.u32 v3, $0x3;
	v3 =	vld [tilespmem:$0x1B0]  }
0x141: {  	v61 =	vld [tilespmem:$0x1C0];
	[tilespmem:$0x360] =	vst v1;
	v1 =	vshrl.u32 v58, $0x3  }
0x142: {  	v62 =	vld [tilespmem:$0x1D0];
	[tilespmem:$0x370] =	vst v1;
	v1 =	vshrl.u32 v59, $0x3  }
0x143: {  	v63 =	vld [tilespmem:$0x1E0];
	[tilespmem:$0x380] =	vst v1;
	v1 =	vshrl.u32 v60, $0x3  }
0x144: {  	[tilespmem:$0x390] =	vst v1;
	v1 =	vshrl.u32 v2, $0x3;
	v2 =	vld [tilespmem:$0x1F0]  }
0x145: {  	[tilespmem:$0x3A0] =	vst v1;
	v1 =	vshrl.u32 v3, $0x3  }
0x146: {  	[tilespmem:$0x3B0] =	vst v1;
	v1 =	vshrl.u32 v61, $0x3  }
0x147: {  	[tilespmem:$0x3C0] =	vst v1;
	v1 =	vshrl.u32 v62, $0x3  }
0x148: {  	[tilespmem:$0x3D0] =	vst v1;
	v1 =	vshrl.u32 v63, $0x3  }
0x149: {  	[tilespmem:$0x3E0] =	vst v1;
	v1 =	vshrl.u32 v2, $0x3  }
0x14a: {  	s22 =	simm.s32 $0x200;
	[tilespmem:$0x3F0] =	vst v1  }
0x14b: {  	[tilespmem:s21], [sflag:$0x1] =	stream.indirect.gather [hbm4b:s4+s17], $0x80, s22, s17, $0xb8;
	[tilespmem:$0x12400] =	vst v63  }
0x14c: {  	s7 =	simm.s32 $0x280  }
0x14d: {  	[tilespmem:s23], [sflag:$0x1] =	stream.indirect.gather [hbm4b:s4+s17], $0x80, s7, s17, $0xb8;
	[tilespmem:$0x12400] =	vst v63  }
0x14e: {  	_ = 	snop  }
0x14f: {  	[tilespmem:s25], [sflag:$0x1] =	stream.indirect.gather [hbm4b:s4+s17], $0x80, s24, s17, $0xb8;
	[tilespmem:$0x12400] =	vst v63  }
0x150: {  	_ = 	snop  }
0x151: {  	[tilespmem:s28], [sflag:$0x1] =	stream.indirect.gather [hbm4b:s4+s17], $0x80, s26, s17, $0xb8;
	[tilespmem:$0x12400] =	vst v63  }
0x152: {  	_ =	swait.ge [sflag:s29], $0x4000  }
0x153: {  	[sflag:s29] =	ssyncset.done $0x0  }
0x154: {  	[sflag:s29] =	ssyncadd.s32 $0xFFFFC000  }
0x155: {  	_ =	swait.ge [sflag:s29], $0x4000  }
0x156: {  	[sflag:s29] =	ssyncset.done $0x0  }
0x157: {  	[sflag:s29] =	ssyncadd.s32 $0xFFFFC000  }
0x158: {  	_ =	swait.ge [sflag:s29], $0x4000  }
0x159: {  	[sflag:s29] =	ssyncset.done $0x0  }
0x15a: {  	[sflag:s29] =	ssyncadd.s32 $0xFFFFC000  }
0x15b: {  	s8 =	sand.u32 $0x600, s5;
	_ =	swait.ge [sflag:s29], $0x4000  }
0x15c: {  	s18 =	sand.u32 $0x70, s5;
	s6 =	sshrl.u32 s8, $0x2;
	[sflag:s29] =	ssyncset.done $0x0  }
0x15d: {  	s6 =	sor.u32 s18, s6;
	[sflag:s29] =	ssyncadd.s32 $0xFFFFC000  }
0x15e: {  	v1 =	vld [tilespmem:s6+$0x0];
	_ =	sdelay $0x3  }
0x15f: {  	v2 =	vmov s5  }
0x160: {  	v2 =	vshll.u32 v2, $0x7;
	v1 =	vshll.u32 v1, $0x4  }
0x161: {  	v2 =	vor.u32 v0, v2;
	v1 =	vand.u32 $0x70, v1  }
0x162: {  	v1 =	vor.u32 v2, v1;
	_ =	sdelay $0x4  }
0x163: {  	v2 =	vld.idx.msk [tilespmem:v1+s21+$0x0], $0xffff  }
0x164: {  	v3 =	vor.u32 $0x1, v1;
	_ =	sdelay $0x1  }
0x165: {  	s19 =	sand.u32 $0xC00, s5  }
0x166: {  	s19 =	sor.u32 s18, s19  }
0x167: {  	[tilespmem:s19+$0x10400] =	vst v2  }
0x168: {  	v2 =	vld.idx.msk [tilespmem:v3+s21+$0x0], $0xffff  }
0x169: {  	v3 =	vor.u32 $0x2, v1;
	_ =	sdelay $0x2  }
0x16a: {  	s6 =	sadd.s32 $0x10400, s19  }
0x16b: {  	[tilespmem:s6+$0x80] =	vst v2  }
0x16c: {  	v2 =	vld.idx.msk [tilespmem:v3+s21+$0x0], $0xffff  }
0x16d: {  	v3 =	vor.u32 $0x3, v1;
	_ =	sdelay $0x3  }
0x16e: {  	[tilespmem:s6+$0x100] =	vst v2  }
0x16f: {  	v2 =	vld.idx.msk [tilespmem:v3+s21+$0x0], $0xffff  }
0x170: {  	v3 =	vor.u32 $0x4, v1;
	_ =	sdelay $0x3  }
0x171: {  	[tilespmem:s6+$0x180] =	vst v2  }
0x172: {  	v2 =	vld.idx.msk [tilespmem:v3+s21+$0x0], $0xffff  }
0x173: {  	v3 =	vor.u32 $0x5, v1;
	_ =	sdelay $0x3  }
0x174: {  	[tilespmem:s6+$0x200] =	vst v2  }
0x175: {  	v2 =	vld.idx.msk [tilespmem:v3+s21+$0x0], $0xffff  }
0x176: {  	v3 =	vor.u32 $0x6, v1;
	_ =	sdelay $0x3  }
0x177: {  	[tilespmem:s6+$0x280] =	vst v2  }
0x178: {  	v2 =	vld.idx.msk [tilespmem:v3+s21+$0x0], $0xffff  }
0x179: {  	v3 =	vor.u32 $0x7, v1;
	_ =	sdelay $0x3  }
0x17a: {  	[tilespmem:s6+$0x300] =	vst v2  }
0x17b: {  	v2 =	vld.idx.msk [tilespmem:v3+s21+$0x0], $0xffff  }
0x17c: {  	v3 =	vor.u32 $0x8, v1;
	_ =	sdelay $0x1  }
0x17d: {  	s20 =	sor.u32 s5, s5  }
0x17e: {  	s6 =	sor.u32 $0x380, s20  }
0x17f: {  	[tilespmem:s6+$0x10400] =	vst v2  }
0x180: {  	v2 =	vld.idx.msk [tilespmem:v3+s21+$0x0], $0xffff  }
0x181: {  	v3 =	vor.u32 $0x9, v1;
	_ =	sdelay $0x3  }
0x182: {  	[tilespmem:s19+$0x11400] =	vst v2  }
0x183: {  	v2 =	vld.idx.msk [tilespmem:v3+s21+$0x0], $0xffff  }
0x184: {  	v3 =	vor.u32 $0xA, v1;
	_ =	sdelay $0x3  }
0x185: {  	[tilespmem:s19+$0x11480] =	vst v2  }
0x186: {  	v2 =	vld.idx.msk [tilespmem:v3+s21+$0x0], $0xffff  }
0x187: {  	v3 =	vor.u32 $0xB, v1;
	_ =	sdelay $0x3  }
0x188: {  	[tilespmem:s19+$0x11500] =	vst v2  }
0x189: {  	v2 =	vld.idx.msk [tilespmem:v3+s21+$0x0], $0xffff  }
0x18a: {  	v3 =	vor.u32 $0xC, v1;
	_ =	sdelay $0x3  }
0x18b: {  	[tilespmem:s19+$0x11580] =	vst v2  }
0x18c: {  	v2 =	vld.idx.msk [tilespmem:v3+s21+$0x0], $0xffff  }
0x18d: {  	v3 =	vor.u32 $0xD, v1;
	_ =	sdelay $0x3  }
0x18e: {  	[tilespmem:s19+$0x11600] =	vst v2  }
0x18f: {  	v2 =	vld.idx.msk [tilespmem:v3+s21+$0x0], $0xffff  }
0x190: {  	v3 =	vor.u32 $0xE, v1;
	_ =	sdelay $0x3  }
0x191: {  	[tilespmem:s19+$0x11680] =	vst v2  }
0x192: {  	v2 =	vld.idx.msk [tilespmem:v3+s21+$0x0], $0xffff  }
0x193: {  	v1 =	vor.u32 $0xF, v1;
	_ =	sdelay $0x3  }
0x194: {  	[tilespmem:s19+$0x11700] =	vst v2  }
0x195: {  	v1 =	vld.idx.msk [tilespmem:v1+s21+$0x0], $0xffff  }
0x196: {  	s22 =	simm.s32 $0x40  }
0x197: {  	s18 =	simm.s32 $0x10;
	s6 =	sand.u32 $0x600, s22  }
0x198: {  	s7 =	sand.u32 $0x70, s18;
	s22 =	simm.s32 $0x80;
	s6 =	sshrl.u32 s6, $0x2  }
.LBB2_4:
0x199: {  	s8 =	sor.u32 s7, s6  }
0x19a: {  	[tilespmem:s19+$0x11780] =	vst v1;
	s5 =	sadd.s32 $0x80, s5;
	s6 =	smov.u32 s22;
	s20 =	sadd.s32 $0x40, s22  }
0x19b: {  	p0 =	sne.s32 s22, $0x7C0;
	v1 =	vld [tilespmem:s8+$0x0];
	_ =	sdelay $0x3  }
0x19c: {  	v2 =	vmov s18  }
0x19d: {  	v2 =	vshll.u32 v2, $0x7;
	v1 =	vshll.u32 v1, $0x4  }
0x19e: {  	v2 =	vor.u32 v0, v2;
	v1 =	vand.u32 $0x70, v1  }
0x19f: {  	v1 =	vor.u32 v2, v1;
	_ =	sdelay $0x4  }
0x1a0: {  	v2 =	vld.idx.msk [tilespmem:v1+s21+$0x0], $0xffff;
	_ =	sdelay $0x1  }
0x1a1: {  	v3 =	vor.u32 $0x1, v1;
	_ =	sdelay $0x1  }
0x1a2: {  	s8 =	sand.u32 $0xC00, s5  }
0x1a3: {  	s19 =	sor.u32 s7, s8  }
0x1a4: {  	[tilespmem:s19+$0x10400] =	vst v2  }
0x1a5: {  	v2 =	vld.idx.msk [tilespmem:v3+s21+$0x0], $0xffff;
	_ =	sdelay $0x1  }
0x1a6: {  	v3 =	vor.u32 $0x2, v1;
	_ =	sdelay $0x2  }
0x1a7: {  	s7 =	sadd.s32 $0x10400, s19  }
0x1a8: {  	[tilespmem:s7+$0x80] =	vst v2  }
0x1a9: {  	v2 =	vld.idx.msk [tilespmem:v3+s21+$0x0], $0xffff;
	_ =	sdelay $0x1  }
0x1aa: {  	v3 =	vor.u32 $0x3, v1;
	_ =	sdelay $0x3  }
0x1ab: {  	[tilespmem:s7+$0x100] =	vst v2  }
0x1ac: {  	v2 =	vld.idx.msk [tilespmem:v3+s21+$0x0], $0xffff;
	_ =	sdelay $0x1  }
0x1ad: {  	v3 =	vor.u32 $0x4, v1;
	_ =	sdelay $0x3  }
0x1ae: {  	[tilespmem:s7+$0x180] =	vst v2  }
0x1af: {  	v2 =	vld.idx.msk [tilespmem:v3+s21+$0x0], $0xffff;
	_ =	sdelay $0x1  }
0x1b0: {  	v3 =	vor.u32 $0x5, v1;
	_ =	sdelay $0x3  }
0x1b1: {  	[tilespmem:s7+$0x200] =	vst v2  }
0x1b2: {  	v2 =	vld.idx.msk [tilespmem:v3+s21+$0x0], $0xffff;
	_ =	sdelay $0x1  }
0x1b3: {  	v3 =	vor.u32 $0x6, v1;
	_ =	sdelay $0x3  }
0x1b4: {  	[tilespmem:s7+$0x280] =	vst v2  }
0x1b5: {  	v2 =	vld.idx.msk [tilespmem:v3+s21+$0x0], $0xffff;
	_ =	sdelay $0x1  }
0x1b6: {  	v3 =	vor.u32 $0x7, v1;
	_ =	sdelay $0x3  }
0x1b7: {  	[tilespmem:s7+$0x300] =	vst v2  }
0x1b8: {  	v2 =	vld.idx.msk [tilespmem:v3+s21+$0x0], $0xffff;
	_ =	sdelay $0x1  }
0x1b9: {  	v3 =	vor.u32 $0x8, v1;
	_ =	sdelay $0x1  }
0x1ba: {  	s7 =	sor.u32 s5, s18  }
0x1bb: {  	s7 =	sor.u32 $0x380, s7  }
0x1bc: {  	[tilespmem:s7+$0x10400] =	vst v2  }
0x1bd: {  	v2 =	vld.idx.msk [tilespmem:v3+s21+$0x0], $0xffff;
	_ =	sdelay $0x1  }
0x1be: {  	v3 =	vor.u32 $0x9, v1;
	_ =	sdelay $0x3  }
0x1bf: {  	[tilespmem:s19+$0x11400] =	vst v2  }
0x1c0: {  	v2 =	vld.idx.msk [tilespmem:v3+s21+$0x0], $0xffff;
	_ =	sdelay $0x1  }
0x1c1: {  	v3 =	vor.u32 $0xA, v1;
	_ =	sdelay $0x3  }
0x1c2: {  	[tilespmem:s19+$0x11480] =	vst v2  }
0x1c3: {  	v2 =	vld.idx.msk [tilespmem:v3+s21+$0x0], $0xffff;
	_ =	sdelay $0x1  }
0x1c4: {  	v3 =	vor.u32 $0xB, v1;
	_ =	sdelay $0x3  }
0x1c5: {  	[tilespmem:s19+$0x11500] =	vst v2  }
0x1c6: {  	v2 =	vld.idx.msk [tilespmem:v3+s21+$0x0], $0xffff;
	_ =	sdelay $0x1  }
0x1c7: {  	v3 =	vor.u32 $0xC, v1;
	_ =	sdelay $0x3  }
0x1c8: {  	[tilespmem:s19+$0x11580] =	vst v2  }
0x1c9: {  	v2 =	vld.idx.msk [tilespmem:v3+s21+$0x0], $0xffff;
	_ =	sdelay $0x1  }
0x1ca: {  	v3 =	vor.u32 $0xD, v1;
	_ =	sdelay $0x3  }
0x1cb: {  	[tilespmem:s19+$0x11600] =	vst v2  }
0x1cc: {  	v2 =	vld.idx.msk [tilespmem:v3+s21+$0x0], $0xffff;
	_ =	sdelay $0x1  }
0x1cd: {  	v3 =	vor.u32 $0xE, v1;
	_ =	sdelay $0x3  }
0x1ce: {  	[tilespmem:s19+$0x11680] =	vst v2  }
0x1cf: {  	v2 =	vld.idx.msk [tilespmem:v3+s21+$0x0], $0xffff;
	_ =	sdelay $0x1  }
0x1d0: {  	v1 =	vor.u32 $0xF, v1;
	_ =	sdelay $0x3  }
0x1d1: {  	[tilespmem:s19+$0x11700] =	vst v2  }
0x1d2: {  	v1 =	vld.idx.msk [tilespmem:v1+s21+$0x0], $0xffff  }
.Ltmp1:
0x1d3: {  	(pc) =	sbr.rel @p0 .LBB2_4-.Ltmp1, $3  }
0x1d4: {  	_ =	sdelay $0x1  }
0x1d5: {  	s6 =	sand.u32 $0x600, s6;
	s18 =	sadd.s32 $0x10, s18  }
0x1d6: {  	s22 =	smov.u32 s20;
	s6 =	sshrl.u32 s6, $0x2;
	s7 =	sand.u32 $0x70, s18  }
0x1d7: {  	s6 =	sor.u32 s7, s6;
	[tilespmem:s19+$0x11780] =	vst v1  }
0x1d8: {  	v1 =	vld [tilespmem:s6+$0x0];
	_ =	sdelay $0x3  }
0x1d9: {  	v2 =	vmov s18  }
0x1da: {  	v2 =	vshll.u32 v2, $0x7;
	v1 =	vshll.u32 v1, $0x4  }
0x1db: {  	v2 =	vor.u32 v0, v2;
	v1 =	vand.u32 $0x70, v1  }
0x1dc: {  	v1 =	vor.u32 v2, v1;
	_ =	sdelay $0x4  }
0x1dd: {  	v2 =	vld.idx.msk [tilespmem:v1+s21+$0x0], $0xffff  }
0x1de: {  	v3 =	vor.u32 $0x1, v1  }
0x1df: {  	s5 =	sadd.s32 $0x80, s5  }
0x1e0: {  	s22 =	sand.u32 $0xC00, s5  }
0x1e1: {  	s6 =	sor.u32 s7, s22  }
0x1e2: {  	[tilespmem:s6+$0x10400] =	vst v2  }
0x1e3: {  	v2 =	vld.idx.msk [tilespmem:v3+s21+$0x0], $0xffff  }
0x1e4: {  	v3 =	vor.u32 $0x2, v1;
	_ =	sdelay $0x2  }
0x1e5: {  	s7 =	sadd.s32 $0x10400, s6  }
0x1e6: {  	[tilespmem:s7+$0x80] =	vst v2  }
0x1e7: {  	v2 =	vld.idx.msk [tilespmem:v3+s21+$0x0], $0xffff  }
0x1e8: {  	v3 =	vor.u32 $0x3, v1;
	_ =	sdelay $0x3  }
0x1e9: {  	[tilespmem:s7+$0x100] =	vst v2  }
0x1ea: {  	v2 =	vld.idx.msk [tilespmem:v3+s21+$0x0], $0xffff  }
0x1eb: {  	v3 =	vor.u32 $0x4, v1;
	_ =	sdelay $0x3  }
0x1ec: {  	[tilespmem:s7+$0x180] =	vst v2  }
0x1ed: {  	v2 =	vld.idx.msk [tilespmem:v3+s21+$0x0], $0xffff  }
0x1ee: {  	v3 =	vor.u32 $0x5, v1;
	_ =	sdelay $0x3  }
0x1ef: {  	[tilespmem:s7+$0x200] =	vst v2  }
0x1f0: {  	v2 =	vld.idx.msk [tilespmem:v3+s21+$0x0], $0xffff  }
0x1f1: {  	v3 =	vor.u32 $0x6, v1;
	_ =	sdelay $0x3  }
0x1f2: {  	[tilespmem:s7+$0x280] =	vst v2  }
0x1f3: {  	v2 =	vld.idx.msk [tilespmem:v3+s21+$0x0], $0xffff  }
0x1f4: {  	v3 =	vor.u32 $0x7, v1;
	_ =	sdelay $0x3  }
0x1f5: {  	[tilespmem:s7+$0x300] =	vst v2  }
0x1f6: {  	v2 =	vld.idx.msk [tilespmem:v3+s21+$0x0], $0xffff  }
0x1f7: {  	v3 =	vor.u32 $0x8, v1;
	_ =	sdelay $0x1  }
0x1f8: {  	s5 =	sor.u32 s5, s18  }
0x1f9: {  	s5 =	sor.u32 $0x380, s5  }
0x1fa: {  	[tilespmem:s5+$0x10400] =	vst v2  }
0x1fb: {  	v2 =	vld.idx.msk [tilespmem:v3+s21+$0x0], $0xffff  }
0x1fc: {  	v3 =	vor.u32 $0x9, v1;
	_ =	sdelay $0x3  }
0x1fd: {  	[tilespmem:s6+$0x11400] =	vst v2  }
0x1fe: {  	v2 =	vld.idx.msk [tilespmem:v3+s21+$0x0], $0xffff  }
0x1ff: {  	v3 =	vor.u32 $0xA, v1;
	_ =	sdelay $0x3  }
0x200: {  	[tilespmem:s6+$0x11480] =	vst v2  }
0x201: {  	v2 =	vld.idx.msk [tilespmem:v3+s21+$0x0], $0xffff  }
0x202: {  	v3 =	vor.u32 $0xB, v1;
	_ =	sdelay $0x3  }
0x203: {  	[tilespmem:s6+$0x11500] =	vst v2  }
0x204: {  	v2 =	vld.idx.msk [tilespmem:v3+s21+$0x0], $0xffff  }
0x205: {  	v3 =	vor.u32 $0xC, v1;
	_ =	sdelay $0x3  }
0x206: {  	[tilespmem:s6+$0x11580] =	vst v2  }
0x207: {  	v2 =	vld.idx.msk [tilespmem:v3+s21+$0x0], $0xffff  }
0x208: {  	v3 =	vor.u32 $0xD, v1;
	_ =	sdelay $0x3  }
0x209: {  	[tilespmem:s6+$0x11600] =	vst v2  }
0x20a: {  	v2 =	vld.idx.msk [tilespmem:v3+s21+$0x0], $0xffff  }
0x20b: {  	v3 =	vor.u32 $0xE, v1;
	_ =	sdelay $0x3  }
0x20c: {  	[tilespmem:s6+$0x11680] =	vst v2  }
0x20d: {  	v2 =	vld.idx.msk [tilespmem:v3+s21+$0x0], $0xffff  }
0x20e: {  	v1 =	vor.u32 $0xF, v1;
	_ =	sdelay $0x3  }
0x20f: {  	[tilespmem:s6+$0x11700] =	vst v2  }
0x210: {  	v1 =	vld.idx.msk [tilespmem:v1+s21+$0x0], $0xffff;
	_ =	sdelay $0x2  }
0x211: {  	s1 =	sadd.s32 $0x1, s1  }
0x212: {  	p0 =	sne.s32 s1, s15  }
.Ltmp2:
0x213: {  	[tilespmem:s6+$0x11780] =	vst v1;
	(pc) =	sbr.rel @p0 .LBB2_1-.Ltmp2, $4  }
0x214: {  	[hbm4b:s14+s30] =	stream.strided.scatter [tilespmem:s0], [sflag:$0x2], $0x2000, s31, s30, $0x38;
	[tilespmem:$0x12400] =	vst v63  }
0x215: {  	_ =	swait.ge [sflag:s16], $0x2000  }
0x216: {  	[sflag:s16] =	ssyncset.done $0x0  }
0x217: {  	[sflag:s16] =	ssyncadd.s32 $0xFFFFE000  }
0x218: {  	_ =	sfence.sel $0x180000  }
0x219: {  	[bflag:$0x0] =	sbarrier.arrive $0xFFFF  }
0x21a: {  	_ =	strace $0x9000004A  }
0x21b: {  	s0 =	stileid.u32;
	[bflag:$0x2] =	sbarrier.arrive $0xFFFF  }
0x21c: {  	p0 =	sne.s32 s0, $0x0;
	s0 =	rddreg [dreg:$0x3]  }
0x21d: {  	s0 =	sadd.s32 @!p0 $0x100000, s0  }
0x21e: {  	[sflag:s0] =	ssyncadd.tile.s32 @!p0 $0x1;
	_ =	shalt  }
.Lfunc_end2:
_tile_overlayer_lowered:
.L_overlay_start_2:
0x21f: {  	(tag) =	ssettag $0x2  }
0x220: {  	s0 =	rddreg [dreg:$0x0];
	s2 =	stileid.u32  }
0x221: {  	s1 =	rddreg [dreg:$0x1];
	p0 =	sne.s32 s2, $0x0  }
0x222: {  	s3 =	rddreg [dreg:$0x2];
	[bflag:$0x3] =	sbarrier.arrive $0xFFFF;
	s2 =	simm.s32 @!p0 $0x1C02  }
0x223: {  	[timem:s3], [sflag:s2] =	dma.local @!p0 [hbm:s0], s1  }
0x224: {  	s0 =	simm.s32 @!p0 $0x2  }
0x225: {  	_ =	swait.ge @!p0 [sflag:s0], s1  }
0x226: {  	s1 =	ssub.s32 @!p0 $0x0, s1;
	[sflag:s0] =	ssyncset.done @!p0 $0x0  }
0x227: {  	[sflag:s0] =	ssyncadd.s32 @!p0 s1  }
0x228: {  	[bflag:$0x3] =	sbarrier.arrive $0xFFFF  }
0x229: {  	_ =	shalt  }

</sc_bundles>
